<compile_context>
chip_gen: v7x
topology: tpu7x:2x2x1
jax: 0.10.2.dev20260603
libtpu: 0.0.44.dev20260713+nightly
codegen_flags: <defaults>
</compile_context>

<pallas_src>
import dataclasses
import functools

import jax
import jax.numpy as jnp
from jax import lax
from jax.experimental import pallas as pl
from jax.experimental.pallas import tpu as pltpu
from jax.experimental.pallas import tpu_sc as plsc

H = 64
L_SEQ = 200
NC, NS = 2, 16
NW = NC * NS
LANES = 16
VPR = H // LANES
EPS = 1e-12
GCHUNKS = ((0, 104), (104, 96))


def _rsqrt_vec(a):
    ai = plsc.bitcast(a, jnp.int32)
    yi = jnp.int32(0x5F3759DF) - lax.shift_right_logical(ai, 1)
    y = plsc.bitcast(yi, jnp.float32)
    h = a * 0.5
    for _ in range(2):
        y = y * (1.5 - h * y * y)
    return y


def _sc_embed_ln(ids_flat, word_emb, pos_emb, tt_emb, ln_w, ln_b):
    n = ids_flat.shape[0]
    seqs = n // L_SEQ
    seqs_per_w = seqs // NW
    ids_per_w = seqs_per_w * L_SEQ
    mesh = plsc.VectorSubcoreMesh(core_axis_name="c", subcore_axis_name="s")
    cp = pltpu.CompilerParams()
    if "needs_layout_passes" in pltpu.CompilerParams.__dataclass_fields__:
        cp = dataclasses.replace(cp, needs_layout_passes=False)
    if "use_tc_tiling_on_sc" in pltpu.CompilerParams.__dataclass_fields__:
        cp = dataclasses.replace(cp, use_tc_tiling_on_sc=False)

    @functools.partial(
        pl.kernel,
        out_type=jax.ShapeDtypeStruct((n, H), jnp.float32),
        mesh=mesh,
        compiler_params=cp,
        scratch_types=[
            pltpu.VMEM((ids_per_w,), jnp.int32),
            pltpu.VMEM((4, L_SEQ, H), jnp.float32),
            pltpu.VMEM((2, L_SEQ, H), jnp.float32),
            pltpu.VMEM((L_SEQ, H), jnp.float32),
            pltpu.VMEM((H,), jnp.float32),
            pltpu.VMEM((H,), jnp.float32),
            pltpu.VMEM((1, H), jnp.float32),
            pltpu.SemaphoreType.DMA,
            pltpu.SemaphoreType.DMA,
            pltpu.SemaphoreType.DMA,
            pltpu.SemaphoreType.DMA,
            pltpu.SemaphoreType.DMA,
            pltpu.SemaphoreType.DMA,
        ],
    )
    def k(ids_hbm, word_hbm, pos_hbm, tt_hbm, w_hbm, b_hbm, out_hbm,
          idx_v, rows_v, outb_v, pos_v, w_v, b_v, tt_v,
          gsem0, gsem1, gsem2, gsem3, osem0, osem1, *_):
        gsems = (gsem0, gsem1, gsem2, gsem3)
        osems = (osem0, osem1)
        wid = lax.axis_index("s") * NC + lax.axis_index("c")
        base0 = wid * ids_per_w

        pltpu.sync_copy(ids_hbm.at[pl.ds(base0, ids_per_w)], idx_v)
        pltpu.sync_copy(pos_hbm.at[pl.ds(0, L_SEQ)], pos_v)
        pltpu.sync_copy(tt_hbm.at[pl.ds(0, 1)], tt_v)
        pltpu.sync_copy(w_hbm, w_v)
        pltpu.sync_copy(b_hbm, b_v)

        @pl.loop(0, L_SEQ)
        def _(i):
            for kx in range(VPR):
                sl = pl.ds(kx * LANES, LANES)
                pos_v[i, sl] = pos_v[i, sl] + tt_v[0, sl]

        def gather_descs(g, buf):
            for off, sz in GCHUNKS:
                yield (word_hbm.at[idx_v.at[pl.ds(g * L_SEQ + off, sz)]],
                       rows_v.at[buf].at[pl.ds(off, sz)],
                       gsems[buf])

        def start_gather(g, buf):
            for src, dst, sem in gather_descs(g, buf):
                pltpu.async_copy(src, dst, sem)

        def wait_gather(g, buf):
            for src, dst, sem in gather_descs(g, buf):
                pltpu.make_async_copy(src, dst, sem).wait()

        def out_desc(g, obuf):
            return (outb_v.at[obuf],
                    out_hbm.at[pl.ds(base0 + g * L_SEQ, L_SEQ)],
                    osems[obuf])

        def norm_rows(buf, obuf):
            wv = [w_v[pl.ds(kx * LANES, LANES)] for kx in range(VPR)]
            bv = [b_v[pl.ds(kx * LANES, LANES)] for kx in range(VPR)]

            @pl.loop(0, L_SEQ, step=4)
            def _(i):
                for r in range(4):
                    row = i + r
                    x = [rows_v[buf, row, pl.ds(kx * LANES, LANES)]
                         + pos_v[row, pl.ds(kx * LANES, LANES)]
                         for kx in range(VPR)]
                    s1 = (x[0] + x[1]) + (x[2] + x[3])
                    s2 = ((x[0] * x[0] + x[1] * x[1])
                          + (x[2] * x[2] + x[3] * x[3]))
                    u = jnp.sum(s1) * (1.0 / H)
                    var = jnp.sum(s2) * (1.0 / H) - u * u + EPS
                    inv = _rsqrt_vec(jnp.broadcast_to(var, (LANES,)))
                    for kx in range(VPR):
                        outb_v[obuf, row, pl.ds(kx * LANES, LANES)] = (
                            (x[kx] - u) * inv * wv[kx] + bv[kx])

        NBUF = 4
        for buf in range(NBUF):
            start_gather(buf, buf)

        @pl.loop(0, seqs_per_w // NBUF)
        def _(it):
            for buf in range(NBUF):
                g = it * NBUF + buf
                obuf = buf % 2
                wait_gather(g, buf)

                @pl.when(g > 1)
                def _():
                    src, dst, sem = out_desc(g - 2, obuf)
                    pltpu.make_async_copy(src, dst, sem).wait()

                norm_rows(buf, obuf)
                pltpu.async_copy(*out_desc(g, obuf))

                @pl.when(g + NBUF < seqs_per_w)
                def _():
                    start_gather(g + NBUF, buf)

        for obuf in range(2):
            src, dst, sem = out_desc(seqs_per_w - 2 + obuf, obuf)
            pltpu.make_async_copy(src, dst, sem).wait()

    return k(ids_flat, word_emb, pos_emb, tt_emb, ln_w, ln_b)


def kernel(input_ids, word_emb, pos_emb, tt_emb, ln_weight, ln_bias):
    b, l = input_ids.shape
    ids_flat = input_ids.reshape(-1).astype(jnp.int32)
    out = _sc_embed_ln(ids_flat, word_emb, pos_emb, tt_emb, ln_weight, ln_bias)
    return out.reshape(b, l, H)

# --- scband reference (transcript-rebuilt; emitter-appended) ---
"""Pipeline reference for scband-text-embeddings-24670292148480 (READ-ONLY COPY).

The authoritative reference and input builder live on the scoring server;
editing this copy changes nothing except your own understanding.
"""

import jax, jax.numpy as jnp
import numpy as np

VOCAB = 1000000
HSIZE = 64
POS = 512
TYPES = 2
B, L = 4096, 200
EPS = 1e-12


def setup_inputs(seed: int = 0) -> dict:
    key = jax.random.key(seed)
    k1, k2, k3, k4 = jax.random.split(key, 4)
    input_ids = jax.random.randint(k1, (B, L), 0, VOCAB, dtype=jnp.int64 if jax.config.jax_enable_x64 else jnp.int32)
    word_emb = jax.random.normal(k2, (VOCAB, HSIZE), dtype=jnp.float32) * 0.02
    pos_emb = jax.random.normal(k3, (POS, HSIZE), dtype=jnp.float32) * 0.02
    tt_emb = jax.random.normal(k4, (TYPES, HSIZE), dtype=jnp.float32) * 0.02
    ln_weight = jnp.ones((HSIZE,), dtype=jnp.float32)
    ln_bias = jnp.zeros((HSIZE,), dtype=jnp.float32)
    return {"input_ids": input_ids, "word_emb": word_emb, "pos_emb": pos_emb,
            "tt_emb": tt_emb, "ln_weight": ln_weight, "ln_bias": ln_bias}


def _layer_norm(x, weight, bias):
    u = jnp.mean(x, axis=-1, keepdims=True)
    s = jnp.mean((x - u) ** 2, axis=-1, keepdims=True)
    xn = (x - u) / jnp.sqrt(s + EPS)
    return weight * xn + bias


def reference(input_ids, word_emb, pos_emb, tt_emb, ln_weight, ln_bias):
    seq_length = input_ids.shape[1]
    position_ids = jnp.arange(seq_length, dtype=input_ids.dtype)
    position_ids = jnp.broadcast_to(position_ids[None, :], input_ids.shape)
    token_type_ids = jnp.zeros_like(input_ids)
    words_embeddings = jnp.take(word_emb, input_ids, axis=0)
    position_embeddings = jnp.take(pos_emb, position_ids, axis=0)
    token_type_embeddings = jnp.take(tt_emb, token_type_ids, axis=0)
    embeddings = words_embeddings + position_embeddings + token_type_embeddings
    embeddings = _layer_norm(embeddings, ln_weight, ln_bias)
    # dropout is identity in eval mode
    return embeddings

if __name__ == "__main__":
    import jax
    _d = setup_inputs()
    print(jax.jit(kernel)(*tuple(_d.values())))

</pallas_src>

<mosaic_0001>
#map = affine_map<(d0, d1) -> (0)>
#map1 = affine_map<(d0, d1) -> (0, 0)>
module attributes {stable_mosaic.version = 14 : i64} {
  func.func @k(%arg0: i32, %arg1: i32, %arg2: memref<819200xi32, #tpu.memory_space<hbm>>, %arg3: memref<1000000x64xf32, #tpu.memory_space<hbm>>, %arg4: memref<512x64xf32, #tpu.memory_space<hbm>>, %arg5: memref<2x64xf32, #tpu.memory_space<hbm>>, %arg6: memref<64xf32, #tpu.memory_space<hbm>>, %arg7: memref<64xf32, #tpu.memory_space<hbm>>, %arg8: memref<819200x64xf32, #tpu.memory_space<hbm>>, %arg9: memref<25600xi32, #tpu.memory_space<vmem>>, %arg10: memref<4x200x64xf32, #tpu.memory_space<vmem>>, %arg11: memref<2x200x64xf32, #tpu.memory_space<vmem>>, %arg12: memref<200x64xf32, #tpu.memory_space<vmem>>, %arg13: memref<64xf32, #tpu.memory_space<vmem>>, %arg14: memref<64xf32, #tpu.memory_space<vmem>>, %arg15: memref<1x64xf32, #tpu.memory_space<vmem>>, %arg16: memref<!tpu.dma_semaphore, #tpu.memory_space<semaphore_mem>>, %arg17: memref<!tpu.dma_semaphore, #tpu.memory_space<semaphore_mem>>, %arg18: memref<!tpu.dma_semaphore, #tpu.memory_space<semaphore_mem>>, %arg19: memref<!tpu.dma_semaphore, #tpu.memory_space<semaphore_mem>>, %arg20: memref<!tpu.dma_semaphore, #tpu.memory_space<semaphore_mem>>, %arg21: memref<!tpu.dma_semaphore, #tpu.memory_space<semaphore_mem>>) attributes {dimension_semantics = [#tpu.dimension_semantics<core_parallel>, #tpu.dimension_semantics<subcore_parallel>], iteration_bounds = array<i64: 2, 16>, scalar_prefetch = 0 : i64, scratch_operands = 13 : i64, tpu.core_type = #tpu.core_type<sc_vector_subcore>, window_params = [{transform_indices = #map}, {transform_indices = #map1}, {transform_indices = #map1}, {transform_indices = #map1}, {transform_indices = #map}, {transform_indices = #map}, {transform_indices = #map1}]} {
    %mul3A = arith.constant 2 : i32
    %mul3A_0 = arith.muli %arg1, %mul3A : i32
    %add3A = arith.addi %mul3A_0, %arg0 : i32
    %mul3A_1 = arith.constant 25600 : i32
    %mul3A_2 = arith.muli %add3A, %mul3A_1 : i32
    "tpu.region"() ({
      %run_scoped3A = tpu.sem_alloc : memref<!tpu.dma_semaphore, #tpu.memory_space<semaphore_mem>>
      %dma_start3A_144 = tpu.memref_slice %arg2[%mul3A_2] : memref<819200xi32, #tpu.memory_space<hbm>> -> memref<25600xi32, #tpu.memory_space<hbm>>
      %dma_start3A_145 = tpu.memref_slice %arg2[%mul3A_2] : memref<819200xi32, #tpu.memory_space<hbm>> -> memref<25600xi32, #tpu.memory_space<hbm>>
      tpu.enqueue_dma source(%dma_start3A_145 : memref<25600xi32, #tpu.memory_space<hbm>>) target(%arg9 : memref<25600xi32, #tpu.memory_space<vmem>>) target_semaphore(%run_scoped3A : memref<!tpu.dma_semaphore, #tpu.memory_space<semaphore_mem>>)
      %dma_wait3A_146 = tpu.memref_slice %arg2[%mul3A_2] : memref<819200xi32, #tpu.memory_space<hbm>> -> memref<25600xi32, #tpu.memory_space<hbm>>
      %dma_wait3A_147 = tpu.memref_slice %arg2[%mul3A_2] : memref<819200xi32, #tpu.memory_space<hbm>> -> memref<25600xi32, #tpu.memory_space<hbm>>
      tpu.wait_dma2 semaphore(%run_scoped3A : memref<!tpu.dma_semaphore, #tpu.memory_space<semaphore_mem>>) src(%dma_wait3A_147 : memref<25600xi32, #tpu.memory_space<hbm>>) dst(%arg9 : memref<25600xi32, #tpu.memory_space<vmem>>)
      tpu.yield
    }) : () -> ()
    "tpu.region"() ({
      %run_scoped3A = tpu.sem_alloc : memref<!tpu.dma_semaphore, #tpu.memory_space<semaphore_mem>>
      %dma_start3A_144 = arith.constant 0 : i32
      %dma_start3A_145 = arith.constant 0 : i32
      %dma_start3A_146 = tpu.memref_slice %arg4[%dma_start3A_144, %dma_start3A_145] : memref<512x64xf32, #tpu.memory_space<hbm>> -> memref<200x64xf32, #tpu.memory_space<hbm>>
      %dma_start3A_147 = arith.constant 0 : i32
      %dma_start3A_148 = arith.constant 0 : i32
      %dma_start3A_149 = tpu.memref_slice %arg4[%dma_start3A_147, %dma_start3A_148] : memref<512x64xf32, #tpu.memory_space<hbm>> -> memref<200x64xf32, #tpu.memory_space<hbm>>
      tpu.enqueue_dma source(%dma_start3A_149 : memref<200x64xf32, #tpu.memory_space<hbm>>) target(%arg12 : memref<200x64xf32, #tpu.memory_space<vmem>>) target_semaphore(%run_scoped3A : memref<!tpu.dma_semaphore, #tpu.memory_space<semaphore_mem>>)
      %dma_wait3A_150 = arith.constant 0 : i32
      %dma_wait3A_151 = arith.constant 0 : i32
      %dma_wait3A_152 = tpu.memref_slice %arg4[%dma_wait3A_150, %dma_wait3A_151] : memref<512x64xf32, #tpu.memory_space<hbm>> -> memref<200x64xf32, #tpu.memory_space<hbm>>
      %dma_wait3A_153 = arith.constant 0 : i32
      %dma_wait3A_154 = arith.constant 0 : i32
      %dma_wait3A_155 = tpu.memref_slice %arg4[%dma_wait3A_153, %dma_wait3A_154] : memref<512x64xf32, #tpu.memory_space<hbm>> -> memref<200x64xf32, #tpu.memory_space<hbm>>
      tpu.wait_dma2 semaphore(%run_scoped3A : memref<!tpu.dma_semaphore, #tpu.memory_space<semaphore_mem>>) src(%dma_wait3A_155 : memref<200x64xf32, #tpu.memory_space<hbm>>) dst(%arg12 : memref<200x64xf32, #tpu.memory_space<vmem>>)
      tpu.yield
    }) : () -> ()
    "tpu.region"() ({
      %run_scoped3A = tpu.sem_alloc : memref<!tpu.dma_semaphore, #tpu.memory_space<semaphore_mem>>
      %dma_start3A_144 = arith.constant 0 : i32
      %dma_start3A_145 = arith.constant 0 : i32
      %dma_start3A_146 = tpu.memref_slice %arg5[%dma_start3A_144, %dma_start3A_145] : memref<2x64xf32, #tpu.memory_space<hbm>> -> memref<1x64xf32, #tpu.memory_space<hbm>>
      %dma_start3A_147 = arith.constant 0 : i32
      %dma_start3A_148 = arith.constant 0 : i32
      %dma_start3A_149 = tpu.memref_slice %arg5[%dma_start3A_147, %dma_start3A_148] : memref<2x64xf32, #tpu.memory_space<hbm>> -> memref<1x64xf32, #tpu.memory_space<hbm>>
      tpu.enqueue_dma source(%dma_start3A_149 : memref<1x64xf32, #tpu.memory_space<hbm>>) target(%arg15 : memref<1x64xf32, #tpu.memory_space<vmem>>) target_semaphore(%run_scoped3A : memref<!tpu.dma_semaphore, #tpu.memory_space<semaphore_mem>>)
      %dma_wait3A_150 = arith.constant 0 : i32
      %dma_wait3A_151 = arith.constant 0 : i32
      %dma_wait3A_152 = tpu.memref_slice %arg5[%dma_wait3A_150, %dma_wait3A_151] : memref<2x64xf32, #tpu.memory_space<hbm>> -> memref<1x64xf32, #tpu.memory_space<hbm>>
      %dma_wait3A_153 = arith.constant 0 : i32
      %dma_wait3A_154 = arith.constant 0 : i32
      %dma_wait3A_155 = tpu.memref_slice %arg5[%dma_wait3A_153, %dma_wait3A_154] : memref<2x64xf32, #tpu.memory_space<hbm>> -> memref<1x64xf32, #tpu.memory_space<hbm>>
      tpu.wait_dma2 semaphore(%run_scoped3A : memref<!tpu.dma_semaphore, #tpu.memory_space<semaphore_mem>>) src(%dma_wait3A_155 : memref<1x64xf32, #tpu.memory_space<hbm>>) dst(%arg15 : memref<1x64xf32, #tpu.memory_space<vmem>>)
      tpu.yield
    }) : () -> ()
    "tpu.region"() ({
      %run_scoped3A = tpu.sem_alloc : memref<!tpu.dma_semaphore, #tpu.memory_space<semaphore_mem>>
      tpu.enqueue_dma source(%arg6 : memref<64xf32, #tpu.memory_space<hbm>>) target(%arg13 : memref<64xf32, #tpu.memory_space<vmem>>) target_semaphore(%run_scoped3A : memref<!tpu.dma_semaphore, #tpu.memory_space<semaphore_mem>>)
      tpu.wait_dma2 semaphore(%run_scoped3A : memref<!tpu.dma_semaphore, #tpu.memory_space<semaphore_mem>>) src(%arg6 : memref<64xf32, #tpu.memory_space<hbm>>) dst(%arg13 : memref<64xf32, #tpu.memory_space<vmem>>)
      tpu.yield
    }) : () -> ()
    "tpu.region"() ({
      %run_scoped3A = tpu.sem_alloc : memref<!tpu.dma_semaphore, #tpu.memory_space<semaphore_mem>>
      tpu.enqueue_dma source(%arg7 : memref<64xf32, #tpu.memory_space<hbm>>) target(%arg14 : memref<64xf32, #tpu.memory_space<vmem>>) target_semaphore(%run_scoped3A : memref<!tpu.dma_semaphore, #tpu.memory_space<semaphore_mem>>)
      tpu.wait_dma2 semaphore(%run_scoped3A : memref<!tpu.dma_semaphore, #tpu.memory_space<semaphore_mem>>) src(%arg7 : memref<64xf32, #tpu.memory_space<hbm>>) dst(%arg14 : memref<64xf32, #tpu.memory_space<vmem>>)
      tpu.yield
    }) : () -> ()
    %scan3A = arith.constant 0 : i32
    %scan3A_3 = arith.constant 200 : i32
    %scan3A_4 = arith.addi %scan3A, %scan3A_3 : i32
    %scan3A_5 = arith.constant 1 : i32
    scf.for %scan3A_144 = %scan3A to %scan3A_4 step %scan3A_5  : i32 {
      %mul3A_145 = arith.constant 1 : i32
      %mul3A_146 = arith.muli %scan3A_144, %mul3A_145 : i32
      %add3A_147 = arith.constant 0 : i32
      %add3A_148 = arith.addi %add3A_147, %mul3A_146 : i32
      %get3A = arith.index_cast %add3A_148 : i32 to index
      %get3A_149 = arith.constant 0 : index
      %get3A_150 = tpu.vector_load %arg12[%get3A, %get3A_149] {strides = array<i32>} : memref<200x64xf32, #tpu.memory_space<vmem>>, vector<16xf32>,
      %get3A_151 = arith.constant 0 : i32
      %get3A_152 = arith.index_cast %get3A_151 : i32 to index
      %get3A_153 = arith.constant 0 : index
      %get3A_154 = tpu.vector_load %arg15[%get3A_152, %get3A_153] {strides = array<i32>} : memref<1x64xf32, #tpu.memory_space<vmem>>, vector<16xf32>,
      %add3A_155 = arith.addf %get3A_150, %get3A_154 : vector<16xf32>
      %swap3A = arith.index_cast %add3A_148 : i32 to index
      %swap3A_156 = arith.constant 0 : index
      %swap3A_157 = tpu.vector_load %arg12[%swap3A, %swap3A_156] {strides = array<i32>} : memref<200x64xf32, #tpu.memory_space<vmem>>, vector<16xf32>,
      tpu.vector_store %arg12[%swap3A, %swap3A_156], %add3A_155 {strides = array<i32>} : memref<200x64xf32, #tpu.memory_space<vmem>>, vector<16xf32>,
      %get3A_158 = arith.index_cast %add3A_148 : i32 to index
      %get3A_159 = arith.constant 16 : index
      %get3A_160 = tpu.vector_load %arg12[%get3A_158, %get3A_159] {strides = array<i32>} : memref<200x64xf32, #tpu.memory_space<vmem>>, vector<16xf32>,
      %get3A_161 = arith.constant 0 : i32
      %get3A_162 = arith.index_cast %get3A_161 : i32 to index
      %get3A_163 = arith.constant 16 : index
      %get3A_164 = tpu.vector_load %arg15[%get3A_162, %get3A_163] {strides = array<i32>} : memref<1x64xf32, #tpu.memory_space<vmem>>, vector<16xf32>,
      %add3A_165 = arith.addf %get3A_160, %get3A_164 : vector<16xf32>
      %swap3A_166 = arith.index_cast %add3A_148 : i32 to index
      %swap3A_167 = arith.constant 16 : index
      %swap3A_168 = tpu.vector_load %arg12[%swap3A_166, %swap3A_167] {strides = array<i32>} : memref<200x64xf32, #tpu.memory_space<vmem>>, vector<16xf32>,
      tpu.vector_store %arg12[%swap3A_166, %swap3A_167], %add3A_165 {strides = array<i32>} : memref<200x64xf32, #tpu.memory_space<vmem>>, vector<16xf32>,
      %get3A_169 = arith.index_cast %add3A_148 : i32 to index
      %get3A_170 = arith.constant 32 : index
      %get3A_171 = tpu.vector_load %arg12[%get3A_169, %get3A_170] {strides = array<i32>} : memref<200x64xf32, #tpu.memory_space<vmem>>, vector<16xf32>,
      %get3A_172 = arith.constant 0 : i32
      %get3A_173 = arith.index_cast %get3A_172 : i32 to index
      %get3A_174 = arith.constant 32 : index
      %get3A_175 = tpu.vector_load %arg15[%get3A_173, %get3A_174] {strides = array<i32>} : memref<1x64xf32, #tpu.memory_space<vmem>>, vector<16xf32>,
      %add3A_176 = arith.addf %get3A_171, %get3A_175 : vector<16xf32>
      %swap3A_177 = arith.index_cast %add3A_148 : i32 to index
      %swap3A_178 = arith.constant 32 : index
      %swap3A_179 = tpu.vector_load %arg12[%swap3A_177, %swap3A_178] {strides = array<i32>} : memref<200x64xf32, #tpu.memory_space<vmem>>, vector<16xf32>,
      tpu.vector_store %arg12[%swap3A_177, %swap3A_178], %add3A_176 {strides = array<i32>} : memref<200x64xf32, #tpu.memory_space<vmem>>, vector<16xf32>,
      %get3A_180 = arith.index_cast %add3A_148 : i32 to index
      %get3A_181 = arith.constant 48 : index
      %get3A_182 = tpu.vector_load %arg12[%get3A_180, %get3A_181] {strides = array<i32>} : memref<200x64xf32, #tpu.memory_space<vmem>>, vector<16xf32>,
      %get3A_183 = arith.constant 0 : i32
      %get3A_184 = arith.index_cast %get3A_183 : i32 to index
      %get3A_185 = arith.constant 48 : index
      %get3A_186 = tpu.vector_load %arg15[%get3A_184, %get3A_185] {strides = array<i32>} : memref<1x64xf32, #tpu.memory_space<vmem>>, vector<16xf32>,
      %add3A_187 = arith.addf %get3A_182, %get3A_186 : vector<16xf32>
      %swap3A_188 = arith.index_cast %add3A_148 : i32 to index
      %swap3A_189 = arith.constant 48 : index
      %swap3A_190 = tpu.vector_load %arg12[%swap3A_188, %swap3A_189] {strides = array<i32>} : memref<200x64xf32, #tpu.memory_space<vmem>>, vector<16xf32>,
      tpu.vector_store %arg12[%swap3A_188, %swap3A_189], %add3A_187 {strides = array<i32>} : memref<200x64xf32, #tpu.memory_space<vmem>>, vector<16xf32>,
    }
    %scan3A_6 = arith.constant 200 : i32
    %dma_start3A = arith.constant 0 : i32
    %dma_start3A_7 = arith.constant 0 : i32
    %dma_start3A_8 = arith.constant 0 : i32
    %dma_start3A_9 = tpu.memref_slice %arg10[%dma_start3A, %dma_start3A_7, %dma_start3A_8] : memref<4x200x64xf32, #tpu.memory_space<vmem>> -> memref<1x200x64xf32, #tpu.memory_space<vmem>>
    %dma_start3A_10 = tpu.memref_squeeze %dma_start3A_9 : memref<1x200x64xf32, #tpu.memory_space<vmem>> -> memref<200x64xf32, #tpu.memory_space<vmem>>
    %dma_start3A_11 = arith.constant 0 : i32
    %dma_start3A_12 = arith.constant 0 : i32
    %dma_start3A_13 = tpu.memref_slice %dma_start3A_10[%dma_start3A_11, %dma_start3A_12] : memref<200x64xf32, #tpu.memory_space<vmem>> -> memref<104x64xf32, #tpu.memory_space<vmem>>
    %dma_start3A_14 = arith.constant 0 : i32
    %dma_start3A_15 = tpu.memref_slice %arg9[%dma_start3A_14] : memref<25600xi32, #tpu.memory_space<vmem>> -> memref<104xi32, #tpu.memory_space<vmem>>
    %dma_start3A_16 = arith.constant 0 : i32
    %dma_start3A_17 = arith.constant 0 : i32
    %dma_start3A_18 = tpu.memref_slice %arg3[%dma_start3A_16, %dma_start3A_17] : memref<1000000x64xf32, #tpu.memory_space<hbm>> -> memref<1000000x64xf32, #tpu.memory_space<hbm>>
    tpu.enqueue_indirect_dma source(%dma_start3A_18 : memref<1000000x64xf32, #tpu.memory_space<hbm>>) target(%dma_start3A_13 : memref<104x64xf32, #tpu.memory_space<vmem>>) offsets(%dma_start3A_15 : memref<104xi32, #tpu.memory_space<vmem>>) semaphore(%arg16 : memref<!tpu.dma_semaphore, #tpu.memory_space<semaphore_mem>>)
    %dma_start3A_19 = arith.constant 0 : i32
    %dma_start3A_20 = arith.constant 0 : i32
    %dma_start3A_21 = arith.constant 0 : i32
    %dma_start3A_22 = tpu.memref_slice %arg10[%dma_start3A_19, %dma_start3A_20, %dma_start3A_21] : memref<4x200x64xf32, #tpu.memory_space<vmem>> -> memref<1x200x64xf32, #tpu.memory_space<vmem>>
    %dma_start3A_23 = tpu.memref_squeeze %dma_start3A_22 : memref<1x200x64xf32, #tpu.memory_space<vmem>> -> memref<200x64xf32, #tpu.memory_space<vmem>>
    %dma_start3A_24 = arith.constant 104 : i32
    %dma_start3A_25 = arith.constant 0 : i32
    %dma_start3A_26 = tpu.memref_slice %dma_start3A_23[%dma_start3A_24, %dma_start3A_25] : memref<200x64xf32, #tpu.memory_space<vmem>> -> memref<96x64xf32, #tpu.memory_space<vmem>>
    %dma_start3A_27 = arith.constant 104 : i32
    %dma_start3A_28 = tpu.memref_slice %arg9[%dma_start3A_27] : memref<25600xi32, #tpu.memory_space<vmem>> -> memref<96xi32, #tpu.memory_space<vmem>>
    %dma_start3A_29 = arith.constant 0 : i32
    %dma_start3A_30 = arith.constant 0 : i32
    %dma_start3A_31 = tpu.memref_slice %arg3[%dma_start3A_29, %dma_start3A_30] : memref<1000000x64xf32, #tpu.memory_space<hbm>> -> memref<1000000x64xf32, #tpu.memory_space<hbm>>
    tpu.enqueue_indirect_dma source(%dma_start3A_31 : memref<1000000x64xf32, #tpu.memory_space<hbm>>) target(%dma_start3A_26 : memref<96x64xf32, #tpu.memory_space<vmem>>) offsets(%dma_start3A_28 : memref<96xi32, #tpu.memory_space<vmem>>) semaphore(%arg16 : memref<!tpu.dma_semaphore, #tpu.memory_space<semaphore_mem>>)
    %dma_start3A_32 = arith.constant 1 : i32
    %dma_start3A_33 = arith.constant 0 : i32
    %dma_start3A_34 = arith.constant 0 : i32
    %dma_start3A_35 = tpu.memref_slice %arg10[%dma_start3A_32, %dma_start3A_33, %dma_start3A_34] : memref<4x200x64xf32, #tpu.memory_space<vmem>> -> memref<1x200x64xf32, #tpu.memory_space<vmem>>
    %dma_start3A_36 = tpu.memref_squeeze %dma_start3A_35 : memref<1x200x64xf32, #tpu.memory_space<vmem>> -> memref<200x64xf32, #tpu.memory_space<vmem>>
    %dma_start3A_37 = arith.constant 0 : i32
    %dma_start3A_38 = arith.constant 0 : i32
    %dma_start3A_39 = tpu.memref_slice %dma_start3A_36[%dma_start3A_37, %dma_start3A_38] : memref<200x64xf32, #tpu.memory_space<vmem>> -> memref<104x64xf32, #tpu.memory_space<vmem>>
    %dma_start3A_40 = arith.constant 200 : i32
    %dma_start3A_41 = tpu.memref_slice %arg9[%dma_start3A_40] : memref<25600xi32, #tpu.memory_space<vmem>> -> memref<104xi32, #tpu.memory_space<vmem>>
    %dma_start3A_42 = arith.constant 0 : i32
    %dma_start3A_43 = arith.constant 0 : i32
    %dma_start3A_44 = tpu.memref_slice %arg3[%dma_start3A_42, %dma_start3A_43] : memref<1000000x64xf32, #tpu.memory_space<hbm>> -> memref<1000000x64xf32, #tpu.memory_space<hbm>>
    tpu.enqueue_indirect_dma source(%dma_start3A_44 : memref<1000000x64xf32, #tpu.memory_space<hbm>>) target(%dma_start3A_39 : memref<104x64xf32, #tpu.memory_space<vmem>>) offsets(%dma_start3A_41 : memref<104xi32, #tpu.memory_space<vmem>>) semaphore(%arg17 : memref<!tpu.dma_semaphore, #tpu.memory_space<semaphore_mem>>)
    %dma_start3A_45 = arith.constant 1 : i32
    %dma_start3A_46 = arith.constant 0 : i32
    %dma_start3A_47 = arith.constant 0 : i32
    %dma_start3A_48 = tpu.memref_slice %arg10[%dma_start3A_45, %dma_start3A_46, %dma_start3A_47] : memref<4x200x64xf32, #tpu.memory_space<vmem>> -> memref<1x200x64xf32, #tpu.memory_space<vmem>>
    %dma_start3A_49 = tpu.memref_squeeze %dma_start3A_48 : memref<1x200x64xf32, #tpu.memory_space<vmem>> -> memref<200x64xf32, #tpu.memory_space<vmem>>
    %dma_start3A_50 = arith.constant 104 : i32
    %dma_start3A_51 = arith.constant 0 : i32
    %dma_start3A_52 = tpu.memref_slice %dma_start3A_49[%dma_start3A_50, %dma_start3A_51] : memref<200x64xf32, #tpu.memory_space<vmem>> -> memref<96x64xf32, #tpu.memory_space<vmem>>
    %dma_start3A_53 = arith.constant 304 : i32
    %dma_start3A_54 = tpu.memref_slice %arg9[%dma_start3A_53] : memref<25600xi32, #tpu.memory_space<vmem>> -> memref<96xi32, #tpu.memory_space<vmem>>
    %dma_start3A_55 = arith.constant 0 : i32
    %dma_start3A_56 = arith.constant 0 : i32
    %dma_start3A_57 = tpu.memref_slice %arg3[%dma_start3A_55, %dma_start3A_56] : memref<1000000x64xf32, #tpu.memory_space<hbm>> -> memref<1000000x64xf32, #tpu.memory_space<hbm>>
    tpu.enqueue_indirect_dma source(%dma_start3A_57 : memref<1000000x64xf32, #tpu.memory_space<hbm>>) target(%dma_start3A_52 : memref<96x64xf32, #tpu.memory_space<vmem>>) offsets(%dma_start3A_54 : memref<96xi32, #tpu.memory_space<vmem>>) semaphore(%arg17 : memref<!tpu.dma_semaphore, #tpu.memory_space<semaphore_mem>>)
    %dma_start3A_58 = arith.constant 2 : i32
    %dma_start3A_59 = arith.constant 0 : i32
    %dma_start3A_60 = arith.constant 0 : i32
    %dma_start3A_61 = tpu.memref_slice %arg10[%dma_start3A_58, %dma_start3A_59, %dma_start3A_60] : memref<4x200x64xf32, #tpu.memory_space<vmem>> -> memref<1x200x64xf32, #tpu.memory_space<vmem>>
    %dma_start3A_62 = tpu.memref_squeeze %dma_start3A_61 : memref<1x200x64xf32, #tpu.memory_space<vmem>> -> memref<200x64xf32, #tpu.memory_space<vmem>>
    %dma_start3A_63 = arith.constant 0 : i32
    %dma_start3A_64 = arith.constant 0 : i32
    %dma_start3A_65 = tpu.memref_slice %dma_start3A_62[%dma_start3A_63, %dma_start3A_64] : memref<200x64xf32, #tpu.memory_space<vmem>> -> memref<104x64xf32, #tpu.memory_space<vmem>>
    %dma_start3A_66 = arith.constant 400 : i32
    %dma_start3A_67 = tpu.memref_slice %arg9[%dma_start3A_66] : memref<25600xi32, #tpu.memory_space<vmem>> -> memref<104xi32, #tpu.memory_space<vmem>>
    %dma_start3A_68 = arith.constant 0 : i32
    %dma_start3A_69 = arith.constant 0 : i32
    %dma_start3A_70 = tpu.memref_slice %arg3[%dma_start3A_68, %dma_start3A_69] : memref<1000000x64xf32, #tpu.memory_space<hbm>> -> memref<1000000x64xf32, #tpu.memory_space<hbm>>
    tpu.enqueue_indirect_dma source(%dma_start3A_70 : memref<1000000x64xf32, #tpu.memory_space<hbm>>) target(%dma_start3A_65 : memref<104x64xf32, #tpu.memory_space<vmem>>) offsets(%dma_start3A_67 : memref<104xi32, #tpu.memory_space<vmem>>) semaphore(%arg18 : memref<!tpu.dma_semaphore, #tpu.memory_space<semaphore_mem>>)
    %dma_start3A_71 = arith.constant 2 : i32
    %dma_start3A_72 = arith.constant 0 : i32
    %dma_start3A_73 = arith.constant 0 : i32
    %dma_start3A_74 = tpu.memref_slice %arg10[%dma_start3A_71, %dma_start3A_72, %dma_start3A_73] : memref<4x200x64xf32, #tpu.memory_space<vmem>> -> memref<1x200x64xf32, #tpu.memory_space<vmem>>
    %dma_start3A_75 = tpu.memref_squeeze %dma_start3A_74 : memref<1x200x64xf32, #tpu.memory_space<vmem>> -> memref<200x64xf32, #tpu.memory_space<vmem>>
    %dma_start3A_76 = arith.constant 104 : i32
    %dma_start3A_77 = arith.constant 0 : i32
    %dma_start3A_78 = tpu.memref_slice %dma_start3A_75[%dma_start3A_76, %dma_start3A_77] : memref<200x64xf32, #tpu.memory_space<vmem>> -> memref<96x64xf32, #tpu.memory_space<vmem>>
    %dma_start3A_79 = arith.constant 504 : i32
    %dma_start3A_80 = tpu.memref_slice %arg9[%dma_start3A_79] : memref<25600xi32, #tpu.memory_space<vmem>> -> memref<96xi32, #tpu.memory_space<vmem>>
    %dma_start3A_81 = arith.constant 0 : i32
    %dma_start3A_82 = arith.constant 0 : i32
    %dma_start3A_83 = tpu.memref_slice %arg3[%dma_start3A_81, %dma_start3A_82] : memref<1000000x64xf32, #tpu.memory_space<hbm>> -> memref<1000000x64xf32, #tpu.memory_space<hbm>>
    tpu.enqueue_indirect_dma source(%dma_start3A_83 : memref<1000000x64xf32, #tpu.memory_space<hbm>>) target(%dma_start3A_78 : memref<96x64xf32, #tpu.memory_space<vmem>>) offsets(%dma_start3A_80 : memref<96xi32, #tpu.memory_space<vmem>>) semaphore(%arg18 : memref<!tpu.dma_semaphore, #tpu.memory_space<semaphore_mem>>)
    %dma_start3A_84 = arith.constant 3 : i32
    %dma_start3A_85 = arith.constant 0 : i32
    %dma_start3A_86 = arith.constant 0 : i32
    %dma_start3A_87 = tpu.memref_slice %arg10[%dma_start3A_84, %dma_start3A_85, %dma_start3A_86] : memref<4x200x64xf32, #tpu.memory_space<vmem>> -> memref<1x200x64xf32, #tpu.memory_space<vmem>>
    %dma_start3A_88 = tpu.memref_squeeze %dma_start3A_87 : memref<1x200x64xf32, #tpu.memory_space<vmem>> -> memref<200x64xf32, #tpu.memory_space<vmem>>
    %dma_start3A_89 = arith.constant 0 : i32
    %dma_start3A_90 = arith.constant 0 : i32
    %dma_start3A_91 = tpu.memref_slice %dma_start3A_88[%dma_start3A_89, %dma_start3A_90] : memref<200x64xf32, #tpu.memory_space<vmem>> -> memref<104x64xf32, #tpu.memory_space<vmem>>
    %dma_start3A_92 = arith.constant 600 : i32
    %dma_start3A_93 = tpu.memref_slice %arg9[%dma_start3A_92] : memref<25600xi32, #tpu.memory_space<vmem>> -> memref<104xi32, #tpu.memory_space<vmem>>
    %dma_start3A_94 = arith.constant 0 : i32
    %dma_start3A_95 = arith.constant 0 : i32
    %dma_start3A_96 = tpu.memref_slice %arg3[%dma_start3A_94, %dma_start3A_95] : memref<1000000x64xf32, #tpu.memory_space<hbm>> -> memref<1000000x64xf32, #tpu.memory_space<hbm>>
    tpu.enqueue_indirect_dma source(%dma_start3A_96 : memref<1000000x64xf32, #tpu.memory_space<hbm>>) target(%dma_start3A_91 : memref<104x64xf32, #tpu.memory_space<vmem>>) offsets(%dma_start3A_93 : memref<104xi32, #tpu.memory_space<vmem>>) semaphore(%arg19 : memref<!tpu.dma_semaphore, #tpu.memory_space<semaphore_mem>>)
    %dma_start3A_97 = arith.constant 3 : i32
    %dma_start3A_98 = arith.constant 0 : i32
    %dma_start3A_99 = arith.constant 0 : i32
    %dma_start3A_100 = tpu.memref_slice %arg10[%dma_start3A_97, %dma_start3A_98, %dma_start3A_99] : memref<4x200x64xf32, #tpu.memory_space<vmem>> -> memref<1x200x64xf32, #tpu.memory_space<vmem>>
    %dma_start3A_101 = tpu.memref_squeeze %dma_start3A_100 : memref<1x200x64xf32, #tpu.memory_space<vmem>> -> memref<200x64xf32, #tpu.memory_space<vmem>>
    %dma_start3A_102 = arith.constant 104 : i32
    %dma_start3A_103 = arith.constant 0 : i32
    %dma_start3A_104 = tpu.memref_slice %dma_start3A_101[%dma_start3A_102, %dma_start3A_103] : memref<200x64xf32, #tpu.memory_space<vmem>> -> memref<96x64xf32, #tpu.memory_space<vmem>>
    %dma_start3A_105 = arith.constant 704 : i32
    %dma_start3A_106 = tpu.memref_slice %arg9[%dma_start3A_105] : memref<25600xi32, #tpu.memory_space<vmem>> -> memref<96xi32, #tpu.memory_space<vmem>>
    %dma_start3A_107 = arith.constant 0 : i32
    %dma_start3A_108 = arith.constant 0 : i32
    %dma_start3A_109 = tpu.memref_slice %arg3[%dma_start3A_107, %dma_start3A_108] : memref<1000000x64xf32, #tpu.memory_space<hbm>> -> memref<1000000x64xf32, #tpu.memory_space<hbm>>
    tpu.enqueue_indirect_dma source(%dma_start3A_109 : memref<1000000x64xf32, #tpu.memory_space<hbm>>) target(%dma_start3A_104 : memref<96x64xf32, #tpu.memory_space<vmem>>) offsets(%dma_start3A_106 : memref<96xi32, #tpu.memory_space<vmem>>) semaphore(%arg19 : memref<!tpu.dma_semaphore, #tpu.memory_space<semaphore_mem>>)
    %scan3A_110 = arith.constant 0 : i32
    %scan3A_111 = arith.constant 32 : i32
    %scan3A_112 = arith.addi %scan3A_110, %scan3A_111 : i32
    %scan3A_113 = arith.constant 1 : i32
    scf.for %scan3A_144 = %scan3A_110 to %scan3A_112 step %scan3A_113  : i32 {
      %mul3A_145 = arith.constant 1 : i32
      %mul3A_146 = arith.muli %scan3A_144, %mul3A_145 : i32
      %add3A_147 = arith.constant 0 : i32
      %add3A_148 = arith.addi %add3A_147, %mul3A_146 : i32
      %mul3A_149 = arith.constant 4 : i32
      %mul3A_150 = arith.muli %add3A_148, %mul3A_149 : i32
      %add3A_151 = arith.constant 0 : i32
      %add3A_152 = arith.addi %mul3A_150, %add3A_151 : i32
      %mul3A_153 = arith.constant 200 : i32
      %mul3A_154 = arith.muli %add3A_152, %mul3A_153 : i32
      %add3A_155 = arith.constant 0 : i32
      %add3A_156 = arith.addi %mul3A_154, %add3A_155 : i32
      %dma_wait3A_157 = arith.constant 0 : i32
      %dma_wait3A_158 = arith.constant 0 : i32
      %dma_wait3A_159 = arith.constant 0 : i32
      %dma_wait3A_160 = tpu.memref_slice %arg10[%dma_wait3A_157, %dma_wait3A_158, %dma_wait3A_159] : memref<4x200x64xf32, #tpu.memory_space<vmem>> -> memref<1x200x64xf32, #tpu.memory_space<vmem>>
      %dma_wait3A_161 = tpu.memref_squeeze %dma_wait3A_160 : memref<1x200x64xf32, #tpu.memory_space<vmem>> -> memref<200x64xf32, #tpu.memory_space<vmem>>
      %dma_wait3A_162 = arith.constant 0 : i32
      %dma_wait3A_163 = arith.constant 0 : i32
      %dma_wait3A_164 = tpu.memref_slice %dma_wait3A_161[%dma_wait3A_162, %dma_wait3A_163] : memref<200x64xf32, #tpu.memory_space<vmem>> -> memref<104x64xf32, #tpu.memory_space<vmem>>
      %dma_wait3A_165 = tpu.memref_slice %arg9[%add3A_156] : memref<25600xi32, #tpu.memory_space<vmem>> -> memref<104xi32, #tpu.memory_space<vmem>>
      %dma_wait3A_166 = arith.constant 0 : i32
      %dma_wait3A_167 = arith.constant 0 : i32
      %dma_wait3A_168 = tpu.memref_slice %arg3[%dma_wait3A_166, %dma_wait3A_167] : memref<1000000x64xf32, #tpu.memory_space<hbm>> -> memref<1000000x64xf32, #tpu.memory_space<hbm>>
      tpu.wait_indirect_dma semaphore(%arg16 : memref<!tpu.dma_semaphore, #tpu.memory_space<semaphore_mem>>) src(%dma_wait3A_168 : memref<1000000x64xf32, #tpu.memory_space<hbm>>) dst(%dma_wait3A_164 : memref<104x64xf32, #tpu.memory_space<vmem>>)
      %mul3A_169 = arith.constant 200 : i32
      %mul3A_170 = arith.muli %add3A_152, %mul3A_169 : i32
      %add3A_171 = arith.constant 104 : i32
      %add3A_172 = arith.addi %mul3A_170, %add3A_171 : i32
      %dma_wait3A_173 = arith.constant 0 : i32
      %dma_wait3A_174 = arith.constant 0 : i32
      %dma_wait3A_175 = arith.constant 0 : i32
      %dma_wait3A_176 = tpu.memref_slice %arg10[%dma_wait3A_173, %dma_wait3A_174, %dma_wait3A_175] : memref<4x200x64xf32, #tpu.memory_space<vmem>> -> memref<1x200x64xf32, #tpu.memory_space<vmem>>
      %dma_wait3A_177 = tpu.memref_squeeze %dma_wait3A_176 : memref<1x200x64xf32, #tpu.memory_space<vmem>> -> memref<200x64xf32, #tpu.memory_space<vmem>>
      %dma_wait3A_178 = arith.constant 104 : i32
      %dma_wait3A_179 = arith.constant 0 : i32
      %dma_wait3A_180 = tpu.memref_slice %dma_wait3A_177[%dma_wait3A_178, %dma_wait3A_179] : memref<200x64xf32, #tpu.memory_space<vmem>> -> memref<96x64xf32, #tpu.memory_space<vmem>>
      %dma_wait3A_181 = tpu.memref_slice %arg9[%add3A_172] : memref<25600xi32, #tpu.memory_space<vmem>> -> memref<96xi32, #tpu.memory_space<vmem>>
      %dma_wait3A_182 = arith.constant 0 : i32
      %dma_wait3A_183 = arith.constant 0 : i32
      %dma_wait3A_184 = tpu.memref_slice %arg3[%dma_wait3A_182, %dma_wait3A_183] : memref<1000000x64xf32, #tpu.memory_space<hbm>> -> memref<1000000x64xf32, #tpu.memory_space<hbm>>
      tpu.wait_indirect_dma semaphore(%arg16 : memref<!tpu.dma_semaphore, #tpu.memory_space<semaphore_mem>>) src(%dma_wait3A_184 : memref<1000000x64xf32, #tpu.memory_space<hbm>>) dst(%dma_wait3A_180 : memref<96x64xf32, #tpu.memory_space<vmem>>)
      %gt3A = arith.constant 1 : i32
      %gt3A_185 = arith.cmpi sgt, %add3A_152, %gt3A : i32
      %convert_element_type3A = arith.extui %gt3A_185 : i1 to i32
      %cond3A = arith.constant 0 : i32
      %cond3A_186 = arith.cmpi ne, %convert_element_type3A, %cond3A : i32
      scf.if %cond3A_186 {
        %sub3A = arith.constant 2 : i32
        %sub3A_484 = arith.subi %add3A_152, %sub3A : i32
        %mul3A_485 = arith.constant 200 : i32
        %mul3A_486 = arith.muli %sub3A_484, %mul3A_485 : i32
        %add3A_487 = arith.addi %mul3A_2, %mul3A_486 : i32
        %dma_wait3A_488 = arith.constant 0 : i32
        %dma_wait3A_489 = arith.constant 0 : i32
        %dma_wait3A_490 = arith.constant 0 : i32
        %dma_wait3A_491 = tpu.memref_slice %arg11[%dma_wait3A_488, %dma_wait3A_489, %dma_wait3A_490] : memref<2x200x64xf32, #tpu.memory_space<vmem>> -> memref<1x200x64xf32, #tpu.memory_space<vmem>>
        %dma_wait3A_492 = tpu.memref_squeeze %dma_wait3A_491 : memref<1x200x64xf32, #tpu.memory_space<vmem>> -> memref<200x64xf32, #tpu.memory_space<vmem>>
        %dma_wait3A_493 = arith.constant 0 : i32
        %dma_wait3A_494 = tpu.memref_slice %arg8[%add3A_487, %dma_wait3A_493] : memref<819200x64xf32, #tpu.memory_space<hbm>> -> memref<200x64xf32, #tpu.memory_space<hbm>>
        %dma_wait3A_495 = arith.constant 0 : i32
        %dma_wait3A_496 = tpu.memref_slice %arg8[%add3A_487, %dma_wait3A_495] : memref<819200x64xf32, #tpu.memory_space<hbm>> -> memref<200x64xf32, #tpu.memory_space<hbm>>
        %dma_wait3A_497 = arith.constant 0 : i32
        %dma_wait3A_498 = arith.constant 0 : i32
        %dma_wait3A_499 = tpu.memref_slice %arg11[%dma_wait3A_488, %dma_wait3A_497, %dma_wait3A_498] : memref<2x200x64xf32, #tpu.memory_space<vmem>> -> memref<1x200x64xf32, #tpu.memory_space<vmem>>
        %dma_wait3A_500 = tpu.memref_squeeze %dma_wait3A_499 : memref<1x200x64xf32, #tpu.memory_space<vmem>> -> memref<200x64xf32, #tpu.memory_space<vmem>>
        tpu.wait_dma2 semaphore(%arg20 : memref<!tpu.dma_semaphore, #tpu.memory_space<semaphore_mem>>) src(%dma_wait3A_500 : memref<200x64xf32, #tpu.memory_space<vmem>>) dst(%dma_wait3A_496 : memref<200x64xf32, #tpu.memory_space<hbm>>)
      } else {
      }
      %get3A = arith.constant 0 : index
      %get3A_187 = tpu.vector_load %arg13[%get3A] {strides = array<i32>} : memref<64xf32, #tpu.memory_space<vmem>>, vector<16xf32>,
      %get3A_188 = arith.constant 16 : index
      %get3A_189 = tpu.vector_load %arg13[%get3A_188] {strides = array<i32>} : memref<64xf32, #tpu.memory_space<vmem>>, vector<16xf32>,
      %get3A_190 = arith.constant 32 : index
      %get3A_191 = tpu.vector_load %arg13[%get3A_190] {strides = array<i32>} : memref<64xf32, #tpu.memory_space<vmem>>, vector<16xf32>,
      %get3A_192 = arith.constant 48 : index
      %get3A_193 = tpu.vector_load %arg13[%get3A_192] {strides = array<i32>} : memref<64xf32, #tpu.memory_space<vmem>>, vector<16xf32>,
      %get3A_194 = arith.constant 0 : index
      %get3A_195 = tpu.vector_load %arg14[%get3A_194] {strides = array<i32>} : memref<64xf32, #tpu.memory_space<vmem>>, vector<16xf32>,
      %get3A_196 = arith.constant 16 : index
      %get3A_197 = tpu.vector_load %arg14[%get3A_196] {strides = array<i32>} : memref<64xf32, #tpu.memory_space<vmem>>, vector<16xf32>,
      %get3A_198 = arith.constant 32 : index
      %get3A_199 = tpu.vector_load %arg14[%get3A_198] {strides = array<i32>} : memref<64xf32, #tpu.memory_space<vmem>>, vector<16xf32>,
      %get3A_200 = arith.constant 48 : index
      %get3A_201 = tpu.vector_load %arg14[%get3A_200] {strides = array<i32>} : memref<64xf32, #tpu.memory_space<vmem>>, vector<16xf32>,
      %scan3A_202 = arith.constant 0 : i32
      %scan3A_203 = arith.constant 50 : i32
      %scan3A_204 = arith.addi %scan3A_202, %scan3A_203 : i32
      %scan3A_205 = arith.constant 1 : i32
      scf.for %scan3A_484 = %scan3A_202 to %scan3A_204 step %scan3A_205  : i32 {
        %mul3A_485 = arith.constant 4 : i32
        %mul3A_486 = arith.muli %scan3A_484, %mul3A_485 : i32
        %add3A_487 = arith.constant 0 : i32
        %add3A_488 = arith.addi %add3A_487, %mul3A_486 : i32
        %add3A_489 = arith.constant 0 : i32
        %add3A_490 = arith.addi %add3A_488, %add3A_489 : i32
        %get3A_491 = arith.constant 0 : i32
        %get3A_492 = arith.index_cast %get3A_491 : i32 to index
        %get3A_493 = arith.index_cast %add3A_490 : i32 to index
        %get3A_494 = arith.constant 0 : index
        %get3A_495 = tpu.vector_load %arg10[%get3A_492, %get3A_493, %get3A_494] {strides = array<i32>} : memref<4x200x64xf32, #tpu.memory_space<vmem>>, vector<16xf32>,
        %get3A_496 = arith.index_cast %add3A_490 : i32 to index
        %get3A_497 = arith.constant 0 : index
        %get3A_498 = tpu.vector_load %arg12[%get3A_496, %get3A_497] {strides = array<i32>} : memref<200x64xf32, #tpu.memory_space<vmem>>, vector<16xf32>,
        %add3A_499 = arith.addf %get3A_495, %get3A_498 : vector<16xf32>
        %get3A_500 = arith.constant 0 : i32
        %get3A_501 = arith.index_cast %get3A_500 : i32 to index
        %get3A_502 = arith.index_cast %add3A_490 : i32 to index
        %get3A_503 = arith.constant 16 : index
        %get3A_504 = tpu.vector_load %arg10[%get3A_501, %get3A_502, %get3A_503] {strides = array<i32>} : memref<4x200x64xf32, #tpu.memory_space<vmem>>, vector<16xf32>,
        %get3A_505 = arith.index_cast %add3A_490 : i32 to index
        %get3A_506 = arith.constant 16 : index
        %get3A_507 = tpu.vector_load %arg12[%get3A_505, %get3A_506] {strides = array<i32>} : memref<200x64xf32, #tpu.memory_space<vmem>>, vector<16xf32>,
        %add3A_508 = arith.addf %get3A_504, %get3A_507 : vector<16xf32>
        %get3A_509 = arith.constant 0 : i32
        %get3A_510 = arith.index_cast %get3A_509 : i32 to index
        %get3A_511 = arith.index_cast %add3A_490 : i32 to index
        %get3A_512 = arith.constant 32 : index
        %get3A_513 = tpu.vector_load %arg10[%get3A_510, %get3A_511, %get3A_512] {strides = array<i32>} : memref<4x200x64xf32, #tpu.memory_space<vmem>>, vector<16xf32>,
        %get3A_514 = arith.index_cast %add3A_490 : i32 to index
        %get3A_515 = arith.constant 32 : index
        %get3A_516 = tpu.vector_load %arg12[%get3A_514, %get3A_515] {strides = array<i32>} : memref<200x64xf32, #tpu.memory_space<vmem>>, vector<16xf32>,
        %add3A_517 = arith.addf %get3A_513, %get3A_516 : vector<16xf32>
        %get3A_518 = arith.constant 0 : i32
        %get3A_519 = arith.index_cast %get3A_518 : i32 to index
        %get3A_520 = arith.index_cast %add3A_490 : i32 to index
        %get3A_521 = arith.constant 48 : index
        %get3A_522 = tpu.vector_load %arg10[%get3A_519, %get3A_520, %get3A_521] {strides = array<i32>} : memref<4x200x64xf32, #tpu.memory_space<vmem>>, vector<16xf32>,
        %get3A_523 = arith.index_cast %add3A_490 : i32 to index
        %get3A_524 = arith.constant 48 : index
        %get3A_525 = tpu.vector_load %arg12[%get3A_523, %get3A_524] {strides = array<i32>} : memref<200x64xf32, #tpu.memory_space<vmem>>, vector<16xf32>,
        %add3A_526 = arith.addf %get3A_522, %get3A_525 : vector<16xf32>
        %add3A_527 = arith.addf %add3A_499, %add3A_508 : vector<16xf32>
        %add3A_528 = arith.addf %add3A_517, %add3A_526 : vector<16xf32>
        %add3A_529 = arith.addf %add3A_527, %add3A_528 : vector<16xf32>
        %mul3A_530 = arith.mulf %add3A_499, %add3A_499 : vector<16xf32>
        %mul3A_531 = arith.mulf %add3A_508, %add3A_508 : vector<16xf32>
        %add3A_532 = arith.addf %mul3A_530, %mul3A_531 : vector<16xf32>
        %mul3A_533 = arith.mulf %add3A_517, %add3A_517 : vector<16xf32>
        %mul3A_534 = arith.mulf %add3A_526, %add3A_526 : vector<16xf32>
        %add3A_535 = arith.addf %mul3A_533, %mul3A_534 : vector<16xf32>
        %add3A_536 = arith.addf %add3A_532, %add3A_535 : vector<16xf32>
        %reduce_sum3A = arith.constant true
        %reduce_sum3A_537 = vector.broadcast %reduce_sum3A : i1 to vector<16xi1>
        %reduce_sum3A_538 = tpu.scan <sum>, %add3A_529 masked %reduce_sum3A_537 : vector<16xf32>, vector<16xi1> -> vector<16xf32>
        %reduce_sum3A_539 = vector.extract %reduce_sum3A_538[15] : f32 from vector<16xf32>
        %mul3A_540 = arith.constant 1.562500e-02 : f32
        %mul3A_541 = arith.mulf %reduce_sum3A_539, %mul3A_540 : f32
        %reduce_sum3A_542 = arith.constant true
        %reduce_sum3A_543 = vector.broadcast %reduce_sum3A_542 : i1 to vector<16xi1>
        %reduce_sum3A_544 = tpu.scan <sum>, %add3A_536 masked %reduce_sum3A_543 : vector<16xf32>, vector<16xi1> -> vector<16xf32>
        %reduce_sum3A_545 = vector.extract %reduce_sum3A_544[15] : f32 from vector<16xf32>
        %mul3A_546 = arith.constant 1.562500e-02 : f32
        %mul3A_547 = arith.mulf %reduce_sum3A_545, %mul3A_546 : f32
        %mul3A_548 = arith.mulf %mul3A_541, %mul3A_541 : f32
        %sub3A = arith.subf %mul3A_547, %mul3A_548 : f32
        %add3A_549 = arith.constant 9.99999996E-13 : f32
        %add3A_550 = arith.addf %sub3A, %add3A_549 : f32
        %broadcast_in_dim3A = vector.broadcast %add3A_550 : f32 to vector<16xf32>
        %bitcast3A = vector.bitcast %broadcast_in_dim3A : vector<16xf32> to vector<16xi32>
        %shift_right_logical3A = arith.constant 1 : i32
        %shift_right_logical3A_551 = vector.broadcast %shift_right_logical3A : i32 to vector<16xi32>
        %shift_right_logical3A_552 = arith.shrui %bitcast3A, %shift_right_logical3A_551 : vector<16xi32>
        %sub3A_553 = arith.constant 1597463007 : i32
        %sub3A_554 = vector.broadcast %sub3A_553 : i32 to vector<16xi32>
        %sub3A_555 = arith.subi %sub3A_554, %shift_right_logical3A_552 : vector<16xi32>
        %bitcast3A_556 = vector.bitcast %sub3A_555 : vector<16xi32> to vector<16xf32>
        %mul3A_557 = arith.constant 5.000000e-01 : f32
        %mul3A_558 = vector.broadcast %mul3A_557 : f32 to vector<16xf32>
        %mul3A_559 = arith.mulf %broadcast_in_dim3A, %mul3A_558 : vector<16xf32>
        %mul3A_560 = arith.mulf %mul3A_559, %bitcast3A_556 : vector<16xf32>
        %mul3A_561 = arith.mulf %mul3A_560, %bitcast3A_556 : vector<16xf32>
        %sub3A_562 = arith.constant 1.500000e+00 : f32
        %sub3A_563 = vector.broadcast %sub3A_562 : f32 to vector<16xf32>
        %sub3A_564 = arith.subf %sub3A_563, %mul3A_561 : vector<16xf32>
        %mul3A_565 = arith.mulf %bitcast3A_556, %sub3A_564 : vector<16xf32>
        %mul3A_566 = arith.mulf %mul3A_559, %mul3A_565 : vector<16xf32>
        %mul3A_567 = arith.mulf %mul3A_566, %mul3A_565 : vector<16xf32>
        %sub3A_568 = arith.constant 1.500000e+00 : f32
        %sub3A_569 = vector.broadcast %sub3A_568 : f32 to vector<16xf32>
        %sub3A_570 = arith.subf %sub3A_569, %mul3A_567 : vector<16xf32>
        %mul3A_571 = arith.mulf %mul3A_565, %sub3A_570 : vector<16xf32>
        %sub3A_572 = vector.broadcast %mul3A_541 : f32 to vector<16xf32>
        %sub3A_573 = arith.subf %add3A_499, %sub3A_572 : vector<16xf32>
        %mul3A_574 = arith.mulf %sub3A_573, %mul3A_571 : vector<16xf32>
        %mul3A_575 = arith.mulf %mul3A_574, %get3A_187 : vector<16xf32>
        %add3A_576 = arith.addf %mul3A_575, %get3A_195 : vector<16xf32>
        %swap3A = arith.constant 0 : i32
        %swap3A_577 = arith.index_cast %swap3A : i32 to index
        %swap3A_578 = arith.index_cast %add3A_490 : i32 to index
        %swap3A_579 = arith.constant 0 : index
        %swap3A_580 = tpu.vector_load %arg11[%swap3A_577, %swap3A_578, %swap3A_579] {strides = array<i32>} : memref<2x200x64xf32, #tpu.memory_space<vmem>>, vector<16xf32>,
        tpu.vector_store %arg11[%swap3A_577, %swap3A_578, %swap3A_579], %add3A_576 {strides = array<i32>} : memref<2x200x64xf32, #tpu.memory_space<vmem>>, vector<16xf32>,
        %sub3A_581 = vector.broadcast %mul3A_541 : f32 to vector<16xf32>
        %sub3A_582 = arith.subf %add3A_508, %sub3A_581 : vector<16xf32>
        %mul3A_583 = arith.mulf %sub3A_582, %mul3A_571 : vector<16xf32>
        %mul3A_584 = arith.mulf %mul3A_583, %get3A_189 : vector<16xf32>
        %add3A_585 = arith.addf %mul3A_584, %get3A_197 : vector<16xf32>
        %swap3A_586 = arith.constant 0 : i32
        %swap3A_587 = arith.index_cast %swap3A_586 : i32 to index
        %swap3A_588 = arith.index_cast %add3A_490 : i32 to index
        %swap3A_589 = arith.constant 16 : index
        %swap3A_590 = tpu.vector_load %arg11[%swap3A_587, %swap3A_588, %swap3A_589] {strides = array<i32>} : memref<2x200x64xf32, #tpu.memory_space<vmem>>, vector<16xf32>,
        tpu.vector_store %arg11[%swap3A_587, %swap3A_588, %swap3A_589], %add3A_585 {strides = array<i32>} : memref<2x200x64xf32, #tpu.memory_space<vmem>>, vector<16xf32>,
        %sub3A_591 = vector.broadcast %mul3A_541 : f32 to vector<16xf32>
        %sub3A_592 = arith.subf %add3A_517, %sub3A_591 : vector<16xf32>
        %mul3A_593 = arith.mulf %sub3A_592, %mul3A_571 : vector<16xf32>
        %mul3A_594 = arith.mulf %mul3A_593, %get3A_191 : vector<16xf32>
        %add3A_595 = arith.addf %mul3A_594, %get3A_199 : vector<16xf32>
        %swap3A_596 = arith.constant 0 : i32
        %swap3A_597 = arith.index_cast %swap3A_596 : i32 to index
        %swap3A_598 = arith.index_cast %add3A_490 : i32 to index
        %swap3A_599 = arith.constant 32 : index
        %swap3A_600 = tpu.vector_load %arg11[%swap3A_597, %swap3A_598, %swap3A_599] {strides = array<i32>} : memref<2x200x64xf32, #tpu.memory_space<vmem>>, vector<16xf32>,
        tpu.vector_store %arg11[%swap3A_597, %swap3A_598, %swap3A_599], %add3A_595 {strides = array<i32>} : memref<2x200x64xf32, #tpu.memory_space<vmem>>, vector<16xf32>,
        %sub3A_601 = vector.broadcast %mul3A_541 : f32 to vector<16xf32>
        %sub3A_602 = arith.subf %add3A_526, %sub3A_601 : vector<16xf32>
        %mul3A_603 = arith.mulf %sub3A_602, %mul3A_571 : vector<16xf32>
        %mul3A_604 = arith.mulf %mul3A_603, %get3A_193 : vector<16xf32>
        %add3A_605 = arith.addf %mul3A_604, %get3A_201 : vector<16xf32>
        %swap3A_606 = arith.constant 0 : i32
        %swap3A_607 = arith.index_cast %swap3A_606 : i32 to index
        %swap3A_608 = arith.index_cast %add3A_490 : i32 to index
        %swap3A_609 = arith.constant 48 : index
        %swap3A_610 = tpu.vector_load %arg11[%swap3A_607, %swap3A_608, %swap3A_609] {strides = array<i32>} : memref<2x200x64xf32, #tpu.memory_space<vmem>>, vector<16xf32>,
        tpu.vector_store %arg11[%swap3A_607, %swap3A_608, %swap3A_609], %add3A_605 {strides = array<i32>} : memref<2x200x64xf32, #tpu.memory_space<vmem>>, vector<16xf32>,
        %add3A_611 = arith.constant 1 : i32
        %add3A_612 = arith.addi %add3A_488, %add3A_611 : i32
        %get3A_613 = arith.constant 0 : i32
        %get3A_614 = arith.index_cast %get3A_613 : i32 to index
        %get3A_615 = arith.index_cast %add3A_612 : i32 to index
        %get3A_616 = arith.constant 0 : index
        %get3A_617 = tpu.vector_load %arg10[%get3A_614, %get3A_615, %get3A_616] {strides = array<i32>} : memref<4x200x64xf32, #tpu.memory_space<vmem>>, vector<16xf32>,
        %get3A_618 = arith.index_cast %add3A_612 : i32 to index
        %get3A_619 = arith.constant 0 : index
        %get3A_620 = tpu.vector_load %arg12[%get3A_618, %get3A_619] {strides = array<i32>} : memref<200x64xf32, #tpu.memory_space<vmem>>, vector<16xf32>,
        %add3A_621 = arith.addf %get3A_617, %get3A_620 : vector<16xf32>
        %get3A_622 = arith.constant 0 : i32
        %get3A_623 = arith.index_cast %get3A_622 : i32 to index
        %get3A_624 = arith.index_cast %add3A_612 : i32 to index
        %get3A_625 = arith.constant 16 : index
        %get3A_626 = tpu.vector_load %arg10[%get3A_623, %get3A_624, %get3A_625] {strides = array<i32>} : memref<4x200x64xf32, #tpu.memory_space<vmem>>, vector<16xf32>,
        %get3A_627 = arith.index_cast %add3A_612 : i32 to index
        %get3A_628 = arith.constant 16 : index
        %get3A_629 = tpu.vector_load %arg12[%get3A_627, %get3A_628] {strides = array<i32>} : memref<200x64xf32, #tpu.memory_space<vmem>>, vector<16xf32>,
        %add3A_630 = arith.addf %get3A_626, %get3A_629 : vector<16xf32>
        %get3A_631 = arith.constant 0 : i32
        %get3A_632 = arith.index_cast %get3A_631 : i32 to index
        %get3A_633 = arith.index_cast %add3A_612 : i32 to index
        %get3A_634 = arith.constant 32 : index
        %get3A_635 = tpu.vector_load %arg10[%get3A_632, %get3A_633, %get3A_634] {strides = array<i32>} : memref<4x200x64xf32, #tpu.memory_space<vmem>>, vector<16xf32>,
        %get3A_636 = arith.index_cast %add3A_612 : i32 to index
        %get3A_637 = arith.constant 32 : index
        %get3A_638 = tpu.vector_load %arg12[%get3A_636, %get3A_637] {strides = array<i32>} : memref<200x64xf32, #tpu.memory_space<vmem>>, vector<16xf32>,
        %add3A_639 = arith.addf %get3A_635, %get3A_638 : vector<16xf32>
        %get3A_640 = arith.constant 0 : i32
        %get3A_641 = arith.index_cast %get3A_640 : i32 to index
        %get3A_642 = arith.index_cast %add3A_612 : i32 to index
        %get3A_643 = arith.constant 48 : index
        %get3A_644 = tpu.vector_load %arg10[%get3A_641, %get3A_642, %get3A_643] {strides = array<i32>} : memref<4x200x64xf32, #tpu.memory_space<vmem>>, vector<16xf32>,
        %get3A_645 = arith.index_cast %add3A_612 : i32 to index
        %get3A_646 = arith.constant 48 : index
        %get3A_647 = tpu.vector_load %arg12[%get3A_645, %get3A_646] {strides = array<i32>} : memref<200x64xf32, #tpu.memory_space<vmem>>, vector<16xf32>,
        %add3A_648 = arith.addf %get3A_644, %get3A_647 : vector<16xf32>
        %add3A_649 = arith.addf %add3A_621, %add3A_630 : vector<16xf32>
        %add3A_650 = arith.addf %add3A_639, %add3A_648 : vector<16xf32>
        %add3A_651 = arith.addf %add3A_649, %add3A_650 : vector<16xf32>
        %mul3A_652 = arith.mulf %add3A_621, %add3A_621 : vector<16xf32>
        %mul3A_653 = arith.mulf %add3A_630, %add3A_630 : vector<16xf32>
        %add3A_654 = arith.addf %mul3A_652, %mul3A_653 : vector<16xf32>
        %mul3A_655 = arith.mulf %add3A_639, %add3A_639 : vector<16xf32>
        %mul3A_656 = arith.mulf %add3A_648, %add3A_648 : vector<16xf32>
        %add3A_657 = arith.addf %mul3A_655, %mul3A_656 : vector<16xf32>
        %add3A_658 = arith.addf %add3A_654, %add3A_657 : vector<16xf32>
        %reduce_sum3A_659 = arith.constant true
        %reduce_sum3A_660 = vector.broadcast %reduce_sum3A_659 : i1 to vector<16xi1>
        %reduce_sum3A_661 = tpu.scan <sum>, %add3A_651 masked %reduce_sum3A_660 : vector<16xf32>, vector<16xi1> -> vector<16xf32>
        %reduce_sum3A_662 = vector.extract %reduce_sum3A_661[15] : f32 from vector<16xf32>
        %mul3A_663 = arith.constant 1.562500e-02 : f32
        %mul3A_664 = arith.mulf %reduce_sum3A_662, %mul3A_663 : f32
        %reduce_sum3A_665 = arith.constant true
        %reduce_sum3A_666 = vector.broadcast %reduce_sum3A_665 : i1 to vector<16xi1>
        %reduce_sum3A_667 = tpu.scan <sum>, %add3A_658 masked %reduce_sum3A_666 : vector<16xf32>, vector<16xi1> -> vector<16xf32>
        %reduce_sum3A_668 = vector.extract %reduce_sum3A_667[15] : f32 from vector<16xf32>
        %mul3A_669 = arith.constant 1.562500e-02 : f32
        %mul3A_670 = arith.mulf %reduce_sum3A_668, %mul3A_669 : f32
        %mul3A_671 = arith.mulf %mul3A_664, %mul3A_664 : f32
        %sub3A_672 = arith.subf %mul3A_670, %mul3A_671 : f32
        %add3A_673 = arith.constant 9.99999996E-13 : f32
        %add3A_674 = arith.addf %sub3A_672, %add3A_673 : f32
        %broadcast_in_dim3A_675 = vector.broadcast %add3A_674 : f32 to vector<16xf32>
        %bitcast3A_676 = vector.bitcast %broadcast_in_dim3A_675 : vector<16xf32> to vector<16xi32>
        %shift_right_logical3A_677 = arith.constant 1 : i32
        %shift_right_logical3A_678 = vector.broadcast %shift_right_logical3A_677 : i32 to vector<16xi32>
        %shift_right_logical3A_679 = arith.shrui %bitcast3A_676, %shift_right_logical3A_678 : vector<16xi32>
        %sub3A_680 = arith.constant 1597463007 : i32
        %sub3A_681 = vector.broadcast %sub3A_680 : i32 to vector<16xi32>
        %sub3A_682 = arith.subi %sub3A_681, %shift_right_logical3A_679 : vector<16xi32>
        %bitcast3A_683 = vector.bitcast %sub3A_682 : vector<16xi32> to vector<16xf32>
        %mul3A_684 = arith.constant 5.000000e-01 : f32
        %mul3A_685 = vector.broadcast %mul3A_684 : f32 to vector<16xf32>
        %mul3A_686 = arith.mulf %broadcast_in_dim3A_675, %mul3A_685 : vector<16xf32>
        %mul3A_687 = arith.mulf %mul3A_686, %bitcast3A_683 : vector<16xf32>
        %mul3A_688 = arith.mulf %mul3A_687, %bitcast3A_683 : vector<16xf32>
        %sub3A_689 = arith.constant 1.500000e+00 : f32
        %sub3A_690 = vector.broadcast %sub3A_689 : f32 to vector<16xf32>
        %sub3A_691 = arith.subf %sub3A_690, %mul3A_688 : vector<16xf32>
        %mul3A_692 = arith.mulf %bitcast3A_683, %sub3A_691 : vector<16xf32>
        %mul3A_693 = arith.mulf %mul3A_686, %mul3A_692 : vector<16xf32>
        %mul3A_694 = arith.mulf %mul3A_693, %mul3A_692 : vector<16xf32>
        %sub3A_695 = arith.constant 1.500000e+00 : f32
        %sub3A_696 = vector.broadcast %sub3A_695 : f32 to vector<16xf32>
        %sub3A_697 = arith.subf %sub3A_696, %mul3A_694 : vector<16xf32>
        %mul3A_698 = arith.mulf %mul3A_692, %sub3A_697 : vector<16xf32>
        %sub3A_699 = vector.broadcast %mul3A_664 : f32 to vector<16xf32>
        %sub3A_700 = arith.subf %add3A_621, %sub3A_699 : vector<16xf32>
        %mul3A_701 = arith.mulf %sub3A_700, %mul3A_698 : vector<16xf32>
        %mul3A_702 = arith.mulf %mul3A_701, %get3A_187 : vector<16xf32>
        %add3A_703 = arith.addf %mul3A_702, %get3A_195 : vector<16xf32>
        %swap3A_704 = arith.constant 0 : i32
        %swap3A_705 = arith.index_cast %swap3A_704 : i32 to index
        %swap3A_706 = arith.index_cast %add3A_612 : i32 to index
        %swap3A_707 = arith.constant 0 : index
        %swap3A_708 = tpu.vector_load %arg11[%swap3A_705, %swap3A_706, %swap3A_707] {strides = array<i32>} : memref<2x200x64xf32, #tpu.memory_space<vmem>>, vector<16xf32>,
        tpu.vector_store %arg11[%swap3A_705, %swap3A_706, %swap3A_707], %add3A_703 {strides = array<i32>} : memref<2x200x64xf32, #tpu.memory_space<vmem>>, vector<16xf32>,
        %sub3A_709 = vector.broadcast %mul3A_664 : f32 to vector<16xf32>
        %sub3A_710 = arith.subf %add3A_630, %sub3A_709 : vector<16xf32>
        %mul3A_711 = arith.mulf %sub3A_710, %mul3A_698 : vector<16xf32>
        %mul3A_712 = arith.mulf %mul3A_711, %get3A_189 : vector<16xf32>
        %add3A_713 = arith.addf %mul3A_712, %get3A_197 : vector<16xf32>
        %swap3A_714 = arith.constant 0 : i32
        %swap3A_715 = arith.index_cast %swap3A_714 : i32 to index
        %swap3A_716 = arith.index_cast %add3A_612 : i32 to index
        %swap3A_717 = arith.constant 16 : index
        %swap3A_718 = tpu.vector_load %arg11[%swap3A_715, %swap3A_716, %swap3A_717] {strides = array<i32>} : memref<2x200x64xf32, #tpu.memory_space<vmem>>, vector<16xf32>,
        tpu.vector_store %arg11[%swap3A_715, %swap3A_716, %swap3A_717], %add3A_713 {strides = array<i32>} : memref<2x200x64xf32, #tpu.memory_space<vmem>>, vector<16xf32>,
        %sub3A_719 = vector.broadcast %mul3A_664 : f32 to vector<16xf32>
        %sub3A_720 = arith.subf %add3A_639, %sub3A_719 : vector<16xf32>
        %mul3A_721 = arith.mulf %sub3A_720, %mul3A_698 : vector<16xf32>
        %mul3A_722 = arith.mulf %mul3A_721, %get3A_191 : vector<16xf32>
        %add3A_723 = arith.addf %mul3A_722, %get3A_199 : vector<16xf32>
        %swap3A_724 = arith.constant 0 : i32
        %swap3A_725 = arith.index_cast %swap3A_724 : i32 to index
        %swap3A_726 = arith.index_cast %add3A_612 : i32 to index
        %swap3A_727 = arith.constant 32 : index
        %swap3A_728 = tpu.vector_load %arg11[%swap3A_725, %swap3A_726, %swap3A_727] {strides = array<i32>} : memref<2x200x64xf32, #tpu.memory_space<vmem>>, vector<16xf32>,
        tpu.vector_store %arg11[%swap3A_725, %swap3A_726, %swap3A_727], %add3A_723 {strides = array<i32>} : memref<2x200x64xf32, #tpu.memory_space<vmem>>, vector<16xf32>,
        %sub3A_729 = vector.broadcast %mul3A_664 : f32 to vector<16xf32>
        %sub3A_730 = arith.subf %add3A_648, %sub3A_729 : vector<16xf32>
        %mul3A_731 = arith.mulf %sub3A_730, %mul3A_698 : vector<16xf32>
        %mul3A_732 = arith.mulf %mul3A_731, %get3A_193 : vector<16xf32>
        %add3A_733 = arith.addf %mul3A_732, %get3A_201 : vector<16xf32>
        %swap3A_734 = arith.constant 0 : i32
        %swap3A_735 = arith.index_cast %swap3A_734 : i32 to index
        %swap3A_736 = arith.index_cast %add3A_612 : i32 to index
        %swap3A_737 = arith.constant 48 : index
        %swap3A_738 = tpu.vector_load %arg11[%swap3A_735, %swap3A_736, %swap3A_737] {strides = array<i32>} : memref<2x200x64xf32, #tpu.memory_space<vmem>>, vector<16xf32>,
        tpu.vector_store %arg11[%swap3A_735, %swap3A_736, %swap3A_737], %add3A_733 {strides = array<i32>} : memref<2x200x64xf32, #tpu.memory_space<vmem>>, vector<16xf32>,
        %add3A_739 = arith.constant 2 : i32
        %add3A_740 = arith.addi %add3A_488, %add3A_739 : i32
        %get3A_741 = arith.constant 0 : i32
        %get3A_742 = arith.index_cast %get3A_741 : i32 to index
        %get3A_743 = arith.index_cast %add3A_740 : i32 to index
        %get3A_744 = arith.constant 0 : index
        %get3A_745 = tpu.vector_load %arg10[%get3A_742, %get3A_743, %get3A_744] {strides = array<i32>} : memref<4x200x64xf32, #tpu.memory_space<vmem>>, vector<16xf32>,
        %get3A_746 = arith.index_cast %add3A_740 : i32 to index
        %get3A_747 = arith.constant 0 : index
        %get3A_748 = tpu.vector_load %arg12[%get3A_746, %get3A_747] {strides = array<i32>} : memref<200x64xf32, #tpu.memory_space<vmem>>, vector<16xf32>,
        %add3A_749 = arith.addf %get3A_745, %get3A_748 : vector<16xf32>
        %get3A_750 = arith.constant 0 : i32
        %get3A_751 = arith.index_cast %get3A_750 : i32 to index
        %get3A_752 = arith.index_cast %add3A_740 : i32 to index
        %get3A_753 = arith.constant 16 : index
        %get3A_754 = tpu.vector_load %arg10[%get3A_751, %get3A_752, %get3A_753] {strides = array<i32>} : memref<4x200x64xf32, #tpu.memory_space<vmem>>, vector<16xf32>,
        %get3A_755 = arith.index_cast %add3A_740 : i32 to index
        %get3A_756 = arith.constant 16 : index
        %get3A_757 = tpu.vector_load %arg12[%get3A_755, %get3A_756] {strides = array<i32>} : memref<200x64xf32, #tpu.memory_space<vmem>>, vector<16xf32>,
        %add3A_758 = arith.addf %get3A_754, %get3A_757 : vector<16xf32>
        %get3A_759 = arith.constant 0 : i32
        %get3A_760 = arith.index_cast %get3A_759 : i32 to index
        %get3A_761 = arith.index_cast %add3A_740 : i32 to index
        %get3A_762 = arith.constant 32 : index
        %get3A_763 = tpu.vector_load %arg10[%get3A_760, %get3A_761, %get3A_762] {strides = array<i32>} : memref<4x200x64xf32, #tpu.memory_space<vmem>>, vector<16xf32>,
        %get3A_764 = arith.index_cast %add3A_740 : i32 to index
        %get3A_765 = arith.constant 32 : index
        %get3A_766 = tpu.vector_load %arg12[%get3A_764, %get3A_765] {strides = array<i32>} : memref<200x64xf32, #tpu.memory_space<vmem>>, vector<16xf32>,
        %add3A_767 = arith.addf %get3A_763, %get3A_766 : vector<16xf32>
        %get3A_768 = arith.constant 0 : i32
        %get3A_769 = arith.index_cast %get3A_768 : i32 to index
        %get3A_770 = arith.index_cast %add3A_740 : i32 to index
        %get3A_771 = arith.constant 48 : index
        %get3A_772 = tpu.vector_load %arg10[%get3A_769, %get3A_770, %get3A_771] {strides = array<i32>} : memref<4x200x64xf32, #tpu.memory_space<vmem>>, vector<16xf32>,
        %get3A_773 = arith.index_cast %add3A_740 : i32 to index
        %get3A_774 = arith.constant 48 : index
        %get3A_775 = tpu.vector_load %arg12[%get3A_773, %get3A_774] {strides = array<i32>} : memref<200x64xf32, #tpu.memory_space<vmem>>, vector<16xf32>,
        %add3A_776 = arith.addf %get3A_772, %get3A_775 : vector<16xf32>
        %add3A_777 = arith.addf %add3A_749, %add3A_758 : vector<16xf32>
        %add3A_778 = arith.addf %add3A_767, %add3A_776 : vector<16xf32>
        %add3A_779 = arith.addf %add3A_777, %add3A_778 : vector<16xf32>
        %mul3A_780 = arith.mulf %add3A_749, %add3A_749 : vector<16xf32>
        %mul3A_781 = arith.mulf %add3A_758, %add3A_758 : vector<16xf32>
        %add3A_782 = arith.addf %mul3A_780, %mul3A_781 : vector<16xf32>
        %mul3A_783 = arith.mulf %add3A_767, %add3A_767 : vector<16xf32>
        %mul3A_784 = arith.mulf %add3A_776, %add3A_776 : vector<16xf32>
        %add3A_785 = arith.addf %mul3A_783, %mul3A_784 : vector<16xf32>
        %add3A_786 = arith.addf %add3A_782, %add3A_785 : vector<16xf32>
        %reduce_sum3A_787 = arith.constant true
        %reduce_sum3A_788 = vector.broadcast %reduce_sum3A_787 : i1 to vector<16xi1>
        %reduce_sum3A_789 = tpu.scan <sum>, %add3A_779 masked %reduce_sum3A_788 : vector<16xf32>, vector<16xi1> -> vector<16xf32>
        %reduce_sum3A_790 = vector.extract %reduce_sum3A_789[15] : f32 from vector<16xf32>
        %mul3A_791 = arith.constant 1.562500e-02 : f32
        %mul3A_792 = arith.mulf %reduce_sum3A_790, %mul3A_791 : f32
        %reduce_sum3A_793 = arith.constant true
        %reduce_sum3A_794 = vector.broadcast %reduce_sum3A_793 : i1 to vector<16xi1>
        %reduce_sum3A_795 = tpu.scan <sum>, %add3A_786 masked %reduce_sum3A_794 : vector<16xf32>, vector<16xi1> -> vector<16xf32>
        %reduce_sum3A_796 = vector.extract %reduce_sum3A_795[15] : f32 from vector<16xf32>
        %mul3A_797 = arith.constant 1.562500e-02 : f32
        %mul3A_798 = arith.mulf %reduce_sum3A_796, %mul3A_797 : f32
        %mul3A_799 = arith.mulf %mul3A_792, %mul3A_792 : f32
        %sub3A_800 = arith.subf %mul3A_798, %mul3A_799 : f32
        %add3A_801 = arith.constant 9.99999996E-13 : f32
        %add3A_802 = arith.addf %sub3A_800, %add3A_801 : f32
        %broadcast_in_dim3A_803 = vector.broadcast %add3A_802 : f32 to vector<16xf32>
        %bitcast3A_804 = vector.bitcast %broadcast_in_dim3A_803 : vector<16xf32> to vector<16xi32>
        %shift_right_logical3A_805 = arith.constant 1 : i32
        %shift_right_logical3A_806 = vector.broadcast %shift_right_logical3A_805 : i32 to vector<16xi32>
        %shift_right_logical3A_807 = arith.shrui %bitcast3A_804, %shift_right_logical3A_806 : vector<16xi32>
        %sub3A_808 = arith.constant 1597463007 : i32
        %sub3A_809 = vector.broadcast %sub3A_808 : i32 to vector<16xi32>
        %sub3A_810 = arith.subi %sub3A_809, %shift_right_logical3A_807 : vector<16xi32>
        %bitcast3A_811 = vector.bitcast %sub3A_810 : vector<16xi32> to vector<16xf32>
        %mul3A_812 = arith.constant 5.000000e-01 : f32
        %mul3A_813 = vector.broadcast %mul3A_812 : f32 to vector<16xf32>
        %mul3A_814 = arith.mulf %broadcast_in_dim3A_803, %mul3A_813 : vector<16xf32>
        %mul3A_815 = arith.mulf %mul3A_814, %bitcast3A_811 : vector<16xf32>
        %mul3A_816 = arith.mulf %mul3A_815, %bitcast3A_811 : vector<16xf32>
        %sub3A_817 = arith.constant 1.500000e+00 : f32
        %sub3A_818 = vector.broadcast %sub3A_817 : f32 to vector<16xf32>
        %sub3A_819 = arith.subf %sub3A_818, %mul3A_816 : vector<16xf32>
        %mul3A_820 = arith.mulf %bitcast3A_811, %sub3A_819 : vector<16xf32>
        %mul3A_821 = arith.mulf %mul3A_814, %mul3A_820 : vector<16xf32>
        %mul3A_822 = arith.mulf %mul3A_821, %mul3A_820 : vector<16xf32>
        %sub3A_823 = arith.constant 1.500000e+00 : f32
        %sub3A_824 = vector.broadcast %sub3A_823 : f32 to vector<16xf32>
        %sub3A_825 = arith.subf %sub3A_824, %mul3A_822 : vector<16xf32>
        %mul3A_826 = arith.mulf %mul3A_820, %sub3A_825 : vector<16xf32>
        %sub3A_827 = vector.broadcast %mul3A_792 : f32 to vector<16xf32>
        %sub3A_828 = arith.subf %add3A_749, %sub3A_827 : vector<16xf32>
        %mul3A_829 = arith.mulf %sub3A_828, %mul3A_826 : vector<16xf32>
        %mul3A_830 = arith.mulf %mul3A_829, %get3A_187 : vector<16xf32>
        %add3A_831 = arith.addf %mul3A_830, %get3A_195 : vector<16xf32>
        %swap3A_832 = arith.constant 0 : i32
        %swap3A_833 = arith.index_cast %swap3A_832 : i32 to index
        %swap3A_834 = arith.index_cast %add3A_740 : i32 to index
        %swap3A_835 = arith.constant 0 : index
        %swap3A_836 = tpu.vector_load %arg11[%swap3A_833, %swap3A_834, %swap3A_835] {strides = array<i32>} : memref<2x200x64xf32, #tpu.memory_space<vmem>>, vector<16xf32>,
        tpu.vector_store %arg11[%swap3A_833, %swap3A_834, %swap3A_835], %add3A_831 {strides = array<i32>} : memref<2x200x64xf32, #tpu.memory_space<vmem>>, vector<16xf32>,
        %sub3A_837 = vector.broadcast %mul3A_792 : f32 to vector<16xf32>
        %sub3A_838 = arith.subf %add3A_758, %sub3A_837 : vector<16xf32>
        %mul3A_839 = arith.mulf %sub3A_838, %mul3A_826 : vector<16xf32>
        %mul3A_840 = arith.mulf %mul3A_839, %get3A_189 : vector<16xf32>
        %add3A_841 = arith.addf %mul3A_840, %get3A_197 : vector<16xf32>
        %swap3A_842 = arith.constant 0 : i32
        %swap3A_843 = arith.index_cast %swap3A_842 : i32 to index
        %swap3A_844 = arith.index_cast %add3A_740 : i32 to index
        %swap3A_845 = arith.constant 16 : index
        %swap3A_846 = tpu.vector_load %arg11[%swap3A_843, %swap3A_844, %swap3A_845] {strides = array<i32>} : memref<2x200x64xf32, #tpu.memory_space<vmem>>, vector<16xf32>,
        tpu.vector_store %arg11[%swap3A_843, %swap3A_844, %swap3A_845], %add3A_841 {strides = array<i32>} : memref<2x200x64xf32, #tpu.memory_space<vmem>>, vector<16xf32>,
        %sub3A_847 = vector.broadcast %mul3A_792 : f32 to vector<16xf32>
        %sub3A_848 = arith.subf %add3A_767, %sub3A_847 : vector<16xf32>
        %mul3A_849 = arith.mulf %sub3A_848, %mul3A_826 : vector<16xf32>
        %mul3A_850 = arith.mulf %mul3A_849, %get3A_191 : vector<16xf32>
        %add3A_851 = arith.addf %mul3A_850, %get3A_199 : vector<16xf32>
        %swap3A_852 = arith.constant 0 : i32
        %swap3A_853 = arith.index_cast %swap3A_852 : i32 to index
        %swap3A_854 = arith.index_cast %add3A_740 : i32 to index
        %swap3A_855 = arith.constant 32 : index
        %swap3A_856 = tpu.vector_load %arg11[%swap3A_853, %swap3A_854, %swap3A_855] {strides = array<i32>} : memref<2x200x64xf32, #tpu.memory_space<vmem>>, vector<16xf32>,
        tpu.vector_store %arg11[%swap3A_853, %swap3A_854, %swap3A_855], %add3A_851 {strides = array<i32>} : memref<2x200x64xf32, #tpu.memory_space<vmem>>, vector<16xf32>,
        %sub3A_857 = vector.broadcast %mul3A_792 : f32 to vector<16xf32>
        %sub3A_858 = arith.subf %add3A_776, %sub3A_857 : vector<16xf32>
        %mul3A_859 = arith.mulf %sub3A_858, %mul3A_826 : vector<16xf32>
        %mul3A_860 = arith.mulf %mul3A_859, %get3A_193 : vector<16xf32>
        %add3A_861 = arith.addf %mul3A_860, %get3A_201 : vector<16xf32>
        %swap3A_862 = arith.constant 0 : i32
        %swap3A_863 = arith.index_cast %swap3A_862 : i32 to index
        %swap3A_864 = arith.index_cast %add3A_740 : i32 to index
        %swap3A_865 = arith.constant 48 : index
        %swap3A_866 = tpu.vector_load %arg11[%swap3A_863, %swap3A_864, %swap3A_865] {strides = array<i32>} : memref<2x200x64xf32, #tpu.memory_space<vmem>>, vector<16xf32>,
        tpu.vector_store %arg11[%swap3A_863, %swap3A_864, %swap3A_865], %add3A_861 {strides = array<i32>} : memref<2x200x64xf32, #tpu.memory_space<vmem>>, vector<16xf32>,
        %add3A_867 = arith.constant 3 : i32
        %add3A_868 = arith.addi %add3A_488, %add3A_867 : i32
        %get3A_869 = arith.constant 0 : i32
        %get3A_870 = arith.index_cast %get3A_869 : i32 to index
        %get3A_871 = arith.index_cast %add3A_868 : i32 to index
        %get3A_872 = arith.constant 0 : index
        %get3A_873 = tpu.vector_load %arg10[%get3A_870, %get3A_871, %get3A_872] {strides = array<i32>} : memref<4x200x64xf32, #tpu.memory_space<vmem>>, vector<16xf32>,
        %get3A_874 = arith.index_cast %add3A_868 : i32 to index
        %get3A_875 = arith.constant 0 : index
        %get3A_876 = tpu.vector_load %arg12[%get3A_874, %get3A_875] {strides = array<i32>} : memref<200x64xf32, #tpu.memory_space<vmem>>, vector<16xf32>,
        %add3A_877 = arith.addf %get3A_873, %get3A_876 : vector<16xf32>
        %get3A_878 = arith.constant 0 : i32
        %get3A_879 = arith.index_cast %get3A_878 : i32 to index
        %get3A_880 = arith.index_cast %add3A_868 : i32 to index
        %get3A_881 = arith.constant 16 : index
        %get3A_882 = tpu.vector_load %arg10[%get3A_879, %get3A_880, %get3A_881] {strides = array<i32>} : memref<4x200x64xf32, #tpu.memory_space<vmem>>, vector<16xf32>,
        %get3A_883 = arith.index_cast %add3A_868 : i32 to index
        %get3A_884 = arith.constant 16 : index
        %get3A_885 = tpu.vector_load %arg12[%get3A_883, %get3A_884] {strides = array<i32>} : memref<200x64xf32, #tpu.memory_space<vmem>>, vector<16xf32>,
        %add3A_886 = arith.addf %get3A_882, %get3A_885 : vector<16xf32>
        %get3A_887 = arith.constant 0 : i32
        %get3A_888 = arith.index_cast %get3A_887 : i32 to index
        %get3A_889 = arith.index_cast %add3A_868 : i32 to index
        %get3A_890 = arith.constant 32 : index
        %get3A_891 = tpu.vector_load %arg10[%get3A_888, %get3A_889, %get3A_890] {strides = array<i32>} : memref<4x200x64xf32, #tpu.memory_space<vmem>>, vector<16xf32>,
        %get3A_892 = arith.index_cast %add3A_868 : i32 to index
        %get3A_893 = arith.constant 32 : index
        %get3A_894 = tpu.vector_load %arg12[%get3A_892, %get3A_893] {strides = array<i32>} : memref<200x64xf32, #tpu.memory_space<vmem>>, vector<16xf32>,
        %add3A_895 = arith.addf %get3A_891, %get3A_894 : vector<16xf32>
        %get3A_896 = arith.constant 0 : i32
        %get3A_897 = arith.index_cast %get3A_896 : i32 to index
        %get3A_898 = arith.index_cast %add3A_868 : i32 to index
        %get3A_899 = arith.constant 48 : index
        %get3A_900 = tpu.vector_load %arg10[%get3A_897, %get3A_898, %get3A_899] {strides = array<i32>} : memref<4x200x64xf32, #tpu.memory_space<vmem>>, vector<16xf32>,
        %get3A_901 = arith.index_cast %add3A_868 : i32 to index
        %get3A_902 = arith.constant 48 : index
        %get3A_903 = tpu.vector_load %arg12[%get3A_901, %get3A_902] {strides = array<i32>} : memref<200x64xf32, #tpu.memory_space<vmem>>, vector<16xf32>,
        %add3A_904 = arith.addf %get3A_900, %get3A_903 : vector<16xf32>
        %add3A_905 = arith.addf %add3A_877, %add3A_886 : vector<16xf32>
        %add3A_906 = arith.addf %add3A_895, %add3A_904 : vector<16xf32>
        %add3A_907 = arith.addf %add3A_905, %add3A_906 : vector<16xf32>
        %mul3A_908 = arith.mulf %add3A_877, %add3A_877 : vector<16xf32>
        %mul3A_909 = arith.mulf %add3A_886, %add3A_886 : vector<16xf32>
        %add3A_910 = arith.addf %mul3A_908, %mul3A_909 : vector<16xf32>
        %mul3A_911 = arith.mulf %add3A_895, %add3A_895 : vector<16xf32>
        %mul3A_912 = arith.mulf %add3A_904, %add3A_904 : vector<16xf32>
        %add3A_913 = arith.addf %mul3A_911, %mul3A_912 : vector<16xf32>
        %add3A_914 = arith.addf %add3A_910, %add3A_913 : vector<16xf32>
        %reduce_sum3A_915 = arith.constant true
        %reduce_sum3A_916 = vector.broadcast %reduce_sum3A_915 : i1 to vector<16xi1>
        %reduce_sum3A_917 = tpu.scan <sum>, %add3A_907 masked %reduce_sum3A_916 : vector<16xf32>, vector<16xi1> -> vector<16xf32>
        %reduce_sum3A_918 = vector.extract %reduce_sum3A_917[15] : f32 from vector<16xf32>
        %mul3A_919 = arith.constant 1.562500e-02 : f32
        %mul3A_920 = arith.mulf %reduce_sum3A_918, %mul3A_919 : f32
        %reduce_sum3A_921 = arith.constant true
        %reduce_sum3A_922 = vector.broadcast %reduce_sum3A_921 : i1 to vector<16xi1>
        %reduce_sum3A_923 = tpu.scan <sum>, %add3A_914 masked %reduce_sum3A_922 : vector<16xf32>, vector<16xi1> -> vector<16xf32>
        %reduce_sum3A_924 = vector.extract %reduce_sum3A_923[15] : f32 from vector<16xf32>
        %mul3A_925 = arith.constant 1.562500e-02 : f32
        %mul3A_926 = arith.mulf %reduce_sum3A_924, %mul3A_925 : f32
        %mul3A_927 = arith.mulf %mul3A_920, %mul3A_920 : f32
        %sub3A_928 = arith.subf %mul3A_926, %mul3A_927 : f32
        %add3A_929 = arith.constant 9.99999996E-13 : f32
        %add3A_930 = arith.addf %sub3A_928, %add3A_929 : f32
        %broadcast_in_dim3A_931 = vector.broadcast %add3A_930 : f32 to vector<16xf32>
        %bitcast3A_932 = vector.bitcast %broadcast_in_dim3A_931 : vector<16xf32> to vector<16xi32>
        %shift_right_logical3A_933 = arith.constant 1 : i32
        %shift_right_logical3A_934 = vector.broadcast %shift_right_logical3A_933 : i32 to vector<16xi32>
        %shift_right_logical3A_935 = arith.shrui %bitcast3A_932, %shift_right_logical3A_934 : vector<16xi32>
        %sub3A_936 = arith.constant 1597463007 : i32
        %sub3A_937 = vector.broadcast %sub3A_936 : i32 to vector<16xi32>
        %sub3A_938 = arith.subi %sub3A_937, %shift_right_logical3A_935 : vector<16xi32>
        %bitcast3A_939 = vector.bitcast %sub3A_938 : vector<16xi32> to vector<16xf32>
        %mul3A_940 = arith.constant 5.000000e-01 : f32
        %mul3A_941 = vector.broadcast %mul3A_940 : f32 to vector<16xf32>
        %mul3A_942 = arith.mulf %broadcast_in_dim3A_931, %mul3A_941 : vector<16xf32>
        %mul3A_943 = arith.mulf %mul3A_942, %bitcast3A_939 : vector<16xf32>
        %mul3A_944 = arith.mulf %mul3A_943, %bitcast3A_939 : vector<16xf32>
        %sub3A_945 = arith.constant 1.500000e+00 : f32
        %sub3A_946 = vector.broadcast %sub3A_945 : f32 to vector<16xf32>
        %sub3A_947 = arith.subf %sub3A_946, %mul3A_944 : vector<16xf32>
        %mul3A_948 = arith.mulf %bitcast3A_939, %sub3A_947 : vector<16xf32>
        %mul3A_949 = arith.mulf %mul3A_942, %mul3A_948 : vector<16xf32>
        %mul3A_950 = arith.mulf %mul3A_949, %mul3A_948 : vector<16xf32>
        %sub3A_951 = arith.constant 1.500000e+00 : f32
        %sub3A_952 = vector.broadcast %sub3A_951 : f32 to vector<16xf32>
        %sub3A_953 = arith.subf %sub3A_952, %mul3A_950 : vector<16xf32>
        %mul3A_954 = arith.mulf %mul3A_948, %sub3A_953 : vector<16xf32>
        %sub3A_955 = vector.broadcast %mul3A_920 : f32 to vector<16xf32>
        %sub3A_956 = arith.subf %add3A_877, %sub3A_955 : vector<16xf32>
        %mul3A_957 = arith.mulf %sub3A_956, %mul3A_954 : vector<16xf32>
        %mul3A_958 = arith.mulf %mul3A_957, %get3A_187 : vector<16xf32>
        %add3A_959 = arith.addf %mul3A_958, %get3A_195 : vector<16xf32>
        %swap3A_960 = arith.constant 0 : i32
        %swap3A_961 = arith.index_cast %swap3A_960 : i32 to index
        %swap3A_962 = arith.index_cast %add3A_868 : i32 to index
        %swap3A_963 = arith.constant 0 : index
        %swap3A_964 = tpu.vector_load %arg11[%swap3A_961, %swap3A_962, %swap3A_963] {strides = array<i32>} : memref<2x200x64xf32, #tpu.memory_space<vmem>>, vector<16xf32>,
        tpu.vector_store %arg11[%swap3A_961, %swap3A_962, %swap3A_963], %add3A_959 {strides = array<i32>} : memref<2x200x64xf32, #tpu.memory_space<vmem>>, vector<16xf32>,
        %sub3A_965 = vector.broadcast %mul3A_920 : f32 to vector<16xf32>
        %sub3A_966 = arith.subf %add3A_886, %sub3A_965 : vector<16xf32>
        %mul3A_967 = arith.mulf %sub3A_966, %mul3A_954 : vector<16xf32>
        %mul3A_968 = arith.mulf %mul3A_967, %get3A_189 : vector<16xf32>
        %add3A_969 = arith.addf %mul3A_968, %get3A_197 : vector<16xf32>
        %swap3A_970 = arith.constant 0 : i32
        %swap3A_971 = arith.index_cast %swap3A_970 : i32 to index
        %swap3A_972 = arith.index_cast %add3A_868 : i32 to index
        %swap3A_973 = arith.constant 16 : index
        %swap3A_974 = tpu.vector_load %arg11[%swap3A_971, %swap3A_972, %swap3A_973] {strides = array<i32>} : memref<2x200x64xf32, #tpu.memory_space<vmem>>, vector<16xf32>,
        tpu.vector_store %arg11[%swap3A_971, %swap3A_972, %swap3A_973], %add3A_969 {strides = array<i32>} : memref<2x200x64xf32, #tpu.memory_space<vmem>>, vector<16xf32>,
        %sub3A_975 = vector.broadcast %mul3A_920 : f32 to vector<16xf32>
        %sub3A_976 = arith.subf %add3A_895, %sub3A_975 : vector<16xf32>
        %mul3A_977 = arith.mulf %sub3A_976, %mul3A_954 : vector<16xf32>
        %mul3A_978 = arith.mulf %mul3A_977, %get3A_191 : vector<16xf32>
        %add3A_979 = arith.addf %mul3A_978, %get3A_199 : vector<16xf32>
        %swap3A_980 = arith.constant 0 : i32
        %swap3A_981 = arith.index_cast %swap3A_980 : i32 to index
        %swap3A_982 = arith.index_cast %add3A_868 : i32 to index
        %swap3A_983 = arith.constant 32 : index
        %swap3A_984 = tpu.vector_load %arg11[%swap3A_981, %swap3A_982, %swap3A_983] {strides = array<i32>} : memref<2x200x64xf32, #tpu.memory_space<vmem>>, vector<16xf32>,
        tpu.vector_store %arg11[%swap3A_981, %swap3A_982, %swap3A_983], %add3A_979 {strides = array<i32>} : memref<2x200x64xf32, #tpu.memory_space<vmem>>, vector<16xf32>,
        %sub3A_985 = vector.broadcast %mul3A_920 : f32 to vector<16xf32>
        %sub3A_986 = arith.subf %add3A_904, %sub3A_985 : vector<16xf32>
        %mul3A_987 = arith.mulf %sub3A_986, %mul3A_954 : vector<16xf32>
        %mul3A_988 = arith.mulf %mul3A_987, %get3A_193 : vector<16xf32>
        %add3A_989 = arith.addf %mul3A_988, %get3A_201 : vector<16xf32>
        %swap3A_990 = arith.constant 0 : i32
        %swap3A_991 = arith.index_cast %swap3A_990 : i32 to index
        %swap3A_992 = arith.index_cast %add3A_868 : i32 to index
        %swap3A_993 = arith.constant 48 : index
        %swap3A_994 = tpu.vector_load %arg11[%swap3A_991, %swap3A_992, %swap3A_993] {strides = array<i32>} : memref<2x200x64xf32, #tpu.memory_space<vmem>>, vector<16xf32>,
        tpu.vector_store %arg11[%swap3A_991, %swap3A_992, %swap3A_993], %add3A_989 {strides = array<i32>} : memref<2x200x64xf32, #tpu.memory_space<vmem>>, vector<16xf32>,
      }
      %scan3A_206 = arith.constant 50 : i32
      %mul3A_207 = arith.constant 200 : i32
      %mul3A_208 = arith.muli %add3A_152, %mul3A_207 : i32
      %add3A_209 = arith.addi %mul3A_2, %mul3A_208 : i32
      %dma_start3A_210 = arith.constant 0 : i32
      %dma_start3A_211 = arith.constant 0 : i32
      %dma_start3A_212 = arith.constant 0 : i32
      %dma_start3A_213 = tpu.memref_slice %arg11[%dma_start3A_210, %dma_start3A_211, %dma_start3A_212] : memref<2x200x64xf32, #tpu.memory_space<vmem>> -> memref<1x200x64xf32, #tpu.memory_space<vmem>>
      %dma_start3A_214 = tpu.memref_squeeze %dma_start3A_213 : memref<1x200x64xf32, #tpu.memory_space<vmem>> -> memref<200x64xf32, #tpu.memory_space<vmem>>
      %dma_start3A_215 = arith.constant 0 : i32
      %dma_start3A_216 = tpu.memref_slice %arg8[%add3A_209, %dma_start3A_215] : memref<819200x64xf32, #tpu.memory_space<hbm>> -> memref<200x64xf32, #tpu.memory_space<hbm>>
      %dma_start3A_217 = arith.constant 0 : i32
      %dma_start3A_218 = tpu.memref_slice %arg8[%add3A_209, %dma_start3A_217] : memref<819200x64xf32, #tpu.memory_space<hbm>> -> memref<200x64xf32, #tpu.memory_space<hbm>>
      %dma_start3A_219 = arith.constant 0 : i32
      %dma_start3A_220 = arith.constant 0 : i32
      %dma_start3A_221 = tpu.memref_slice %arg11[%dma_start3A_210, %dma_start3A_219, %dma_start3A_220] : memref<2x200x64xf32, #tpu.memory_space<vmem>> -> memref<1x200x64xf32, #tpu.memory_space<vmem>>
      %dma_start3A_222 = tpu.memref_squeeze %dma_start3A_221 : memref<1x200x64xf32, #tpu.memory_space<vmem>> -> memref<200x64xf32, #tpu.memory_space<vmem>>
      tpu.enqueue_dma source(%dma_start3A_222 : memref<200x64xf32, #tpu.memory_space<vmem>>) target(%dma_start3A_218 : memref<200x64xf32, #tpu.memory_space<hbm>>) target_semaphore(%arg20 : memref<!tpu.dma_semaphore, #tpu.memory_space<semaphore_mem>>)
      %add3A_223 = arith.constant 4 : i32
      %add3A_224 = arith.addi %add3A_152, %add3A_223 : i32
      %lt3A = arith.constant 128 : i32
      %lt3A_225 = arith.cmpi slt, %add3A_224, %lt3A : i32
      %convert_element_type3A_226 = arith.extui %lt3A_225 : i1 to i32
      %cond3A_227 = arith.constant 0 : i32
      %cond3A_228 = arith.cmpi ne, %convert_element_type3A_226, %cond3A_227 : i32
      scf.if %cond3A_228 {
        %add3A_484 = arith.constant 4 : i32
        %add3A_485 = arith.addi %add3A_152, %add3A_484 : i32
        %mul3A_486 = arith.constant 200 : i32
        %mul3A_487 = arith.muli %add3A_485, %mul3A_486 : i32
        %add3A_488 = arith.constant 0 : i32
        %add3A_489 = arith.addi %mul3A_487, %add3A_488 : i32
        %dma_start3A_490 = arith.constant 0 : i32
        %dma_start3A_491 = arith.constant 0 : i32
        %dma_start3A_492 = arith.constant 0 : i32
        %dma_start3A_493 = tpu.memref_slice %arg10[%dma_start3A_490, %dma_start3A_491, %dma_start3A_492] : memref<4x200x64xf32, #tpu.memory_space<vmem>> -> memref<1x200x64xf32, #tpu.memory_space<vmem>>
        %dma_start3A_494 = tpu.memref_squeeze %dma_start3A_493 : memref<1x200x64xf32, #tpu.memory_space<vmem>> -> memref<200x64xf32, #tpu.memory_space<vmem>>
        %dma_start3A_495 = arith.constant 0 : i32
        %dma_start3A_496 = arith.constant 0 : i32
        %dma_start3A_497 = tpu.memref_slice %dma_start3A_494[%dma_start3A_495, %dma_start3A_496] : memref<200x64xf32, #tpu.memory_space<vmem>> -> memref<104x64xf32, #tpu.memory_space<vmem>>
        %dma_start3A_498 = tpu.memref_slice %arg9[%add3A_489] : memref<25600xi32, #tpu.memory_space<vmem>> -> memref<104xi32, #tpu.memory_space<vmem>>
        %dma_start3A_499 = arith.constant 0 : i32
        %dma_start3A_500 = arith.constant 0 : i32
        %dma_start3A_501 = tpu.memref_slice %arg3[%dma_start3A_499, %dma_start3A_500] : memref<1000000x64xf32, #tpu.memory_space<hbm>> -> memref<1000000x64xf32, #tpu.memory_space<hbm>>
        tpu.enqueue_indirect_dma source(%dma_start3A_501 : memref<1000000x64xf32, #tpu.memory_space<hbm>>) target(%dma_start3A_497 : memref<104x64xf32, #tpu.memory_space<vmem>>) offsets(%dma_start3A_498 : memref<104xi32, #tpu.memory_space<vmem>>) semaphore(%arg16 : memref<!tpu.dma_semaphore, #tpu.memory_space<semaphore_mem>>)
        %mul3A_502 = arith.constant 200 : i32
        %mul3A_503 = arith.muli %add3A_485, %mul3A_502 : i32
        %add3A_504 = arith.constant 104 : i32
        %add3A_505 = arith.addi %mul3A_503, %add3A_504 : i32
        %dma_start3A_506 = arith.constant 0 : i32
        %dma_start3A_507 = arith.constant 0 : i32
        %dma_start3A_508 = arith.constant 0 : i32
        %dma_start3A_509 = tpu.memref_slice %arg10[%dma_start3A_506, %dma_start3A_507, %dma_start3A_508] : memref<4x200x64xf32, #tpu.memory_space<vmem>> -> memref<1x200x64xf32, #tpu.memory_space<vmem>>
        %dma_start3A_510 = tpu.memref_squeeze %dma_start3A_509 : memref<1x200x64xf32, #tpu.memory_space<vmem>> -> memref<200x64xf32, #tpu.memory_space<vmem>>
        %dma_start3A_511 = arith.constant 104 : i32
        %dma_start3A_512 = arith.constant 0 : i32
        %dma_start3A_513 = tpu.memref_slice %dma_start3A_510[%dma_start3A_511, %dma_start3A_512] : memref<200x64xf32, #tpu.memory_space<vmem>> -> memref<96x64xf32, #tpu.memory_space<vmem>>
        %dma_start3A_514 = tpu.memref_slice %arg9[%add3A_505] : memref<25600xi32, #tpu.memory_space<vmem>> -> memref<96xi32, #tpu.memory_space<vmem>>
        %dma_start3A_515 = arith.constant 0 : i32
        %dma_start3A_516 = arith.constant 0 : i32
        %dma_start3A_517 = tpu.memref_slice %arg3[%dma_start3A_515, %dma_start3A_516] : memref<1000000x64xf32, #tpu.memory_space<hbm>> -> memref<1000000x64xf32, #tpu.memory_space<hbm>>
        tpu.enqueue_indirect_dma source(%dma_start3A_517 : memref<1000000x64xf32, #tpu.memory_space<hbm>>) target(%dma_start3A_513 : memref<96x64xf32, #tpu.memory_space<vmem>>) offsets(%dma_start3A_514 : memref<96xi32, #tpu.memory_space<vmem>>) semaphore(%arg16 : memref<!tpu.dma_semaphore, #tpu.memory_space<semaphore_mem>>)
      } else {
      }
      %mul3A_229 = arith.constant 4 : i32
      %mul3A_230 = arith.muli %add3A_148, %mul3A_229 : i32
      %add3A_231 = arith.constant 1 : i32
      %add3A_232 = arith.addi %mul3A_230, %add3A_231 : i32
      %mul3A_233 = arith.constant 200 : i32
      %mul3A_234 = arith.muli %add3A_232, %mul3A_233 : i32
      %add3A_235 = arith.constant 0 : i32
      %add3A_236 = arith.addi %mul3A_234, %add3A_235 : i32
      %dma_wait3A_237 = arith.constant 1 : i32
      %dma_wait3A_238 = arith.constant 0 : i32
      %dma_wait3A_239 = arith.constant 0 : i32
      %dma_wait3A_240 = tpu.memref_slice %arg10[%dma_wait3A_237, %dma_wait3A_238, %dma_wait3A_239] : memref<4x200x64xf32, #tpu.memory_space<vmem>> -> memref<1x200x64xf32, #tpu.memory_space<vmem>>
      %dma_wait3A_241 = tpu.memref_squeeze %dma_wait3A_240 : memref<1x200x64xf32, #tpu.memory_space<vmem>> -> memref<200x64xf32, #tpu.memory_space<vmem>>
      %dma_wait3A_242 = arith.constant 0 : i32
      %dma_wait3A_243 = arith.constant 0 : i32
      %dma_wait3A_244 = tpu.memref_slice %dma_wait3A_241[%dma_wait3A_242, %dma_wait3A_243] : memref<200x64xf32, #tpu.memory_space<vmem>> -> memref<104x64xf32, #tpu.memory_space<vmem>>
      %dma_wait3A_245 = tpu.memref_slice %arg9[%add3A_236] : memref<25600xi32, #tpu.memory_space<vmem>> -> memref<104xi32, #tpu.memory_space<vmem>>
      %dma_wait3A_246 = arith.constant 0 : i32
      %dma_wait3A_247 = arith.constant 0 : i32
      %dma_wait3A_248 = tpu.memref_slice %arg3[%dma_wait3A_246, %dma_wait3A_247] : memref<1000000x64xf32, #tpu.memory_space<hbm>> -> memref<1000000x64xf32, #tpu.memory_space<hbm>>
      tpu.wait_indirect_dma semaphore(%arg17 : memref<!tpu.dma_semaphore, #tpu.memory_space<semaphore_mem>>) src(%dma_wait3A_248 : memref<1000000x64xf32, #tpu.memory_space<hbm>>) dst(%dma_wait3A_244 : memref<104x64xf32, #tpu.memory_space<vmem>>)
      %mul3A_249 = arith.constant 200 : i32
      %mul3A_250 = arith.muli %add3A_232, %mul3A_249 : i32
      %add3A_251 = arith.constant 104 : i32
      %add3A_252 = arith.addi %mul3A_250, %add3A_251 : i32
      %dma_wait3A_253 = arith.constant 1 : i32
      %dma_wait3A_254 = arith.constant 0 : i32
      %dma_wait3A_255 = arith.constant 0 : i32
      %dma_wait3A_256 = tpu.memref_slice %arg10[%dma_wait3A_253, %dma_wait3A_254, %dma_wait3A_255] : memref<4x200x64xf32, #tpu.memory_space<vmem>> -> memref<1x200x64xf32, #tpu.memory_space<vmem>>
      %dma_wait3A_257 = tpu.memref_squeeze %dma_wait3A_256 : memref<1x200x64xf32, #tpu.memory_space<vmem>> -> memref<200x64xf32, #tpu.memory_space<vmem>>
      %dma_wait3A_258 = arith.constant 104 : i32
      %dma_wait3A_259 = arith.constant 0 : i32
      %dma_wait3A_260 = tpu.memref_slice %dma_wait3A_257[%dma_wait3A_258, %dma_wait3A_259] : memref<200x64xf32, #tpu.memory_space<vmem>> -> memref<96x64xf32, #tpu.memory_space<vmem>>
      %dma_wait3A_261 = tpu.memref_slice %arg9[%add3A_252] : memref<25600xi32, #tpu.memory_space<vmem>> -> memref<96xi32, #tpu.memory_space<vmem>>
      %dma_wait3A_262 = arith.constant 0 : i32
      %dma_wait3A_263 = arith.constant 0 : i32
      %dma_wait3A_264 = tpu.memref_slice %arg3[%dma_wait3A_262, %dma_wait3A_263] : memref<1000000x64xf32, #tpu.memory_space<hbm>> -> memref<1000000x64xf32, #tpu.memory_space<hbm>>
      tpu.wait_indirect_dma semaphore(%arg17 : memref<!tpu.dma_semaphore, #tpu.memory_space<semaphore_mem>>) src(%dma_wait3A_264 : memref<1000000x64xf32, #tpu.memory_space<hbm>>) dst(%dma_wait3A_260 : memref<96x64xf32, #tpu.memory_space<vmem>>)
      %gt3A_265 = arith.constant 1 : i32
      %gt3A_266 = arith.cmpi sgt, %add3A_232, %gt3A_265 : i32
      %convert_element_type3A_267 = arith.extui %gt3A_266 : i1 to i32
      %cond3A_268 = arith.constant 0 : i32
      %cond3A_269 = arith.cmpi ne, %convert_element_type3A_267, %cond3A_268 : i32
      scf.if %cond3A_269 {
        %sub3A = arith.constant 2 : i32
        %sub3A_484 = arith.subi %add3A_232, %sub3A : i32
        %mul3A_485 = arith.constant 200 : i32
        %mul3A_486 = arith.muli %sub3A_484, %mul3A_485 : i32
        %add3A_487 = arith.addi %mul3A_2, %mul3A_486 : i32
        %dma_wait3A_488 = arith.constant 1 : i32
        %dma_wait3A_489 = arith.constant 0 : i32
        %dma_wait3A_490 = arith.constant 0 : i32
        %dma_wait3A_491 = tpu.memref_slice %arg11[%dma_wait3A_488, %dma_wait3A_489, %dma_wait3A_490] : memref<2x200x64xf32, #tpu.memory_space<vmem>> -> memref<1x200x64xf32, #tpu.memory_space<vmem>>
        %dma_wait3A_492 = tpu.memref_squeeze %dma_wait3A_491 : memref<1x200x64xf32, #tpu.memory_space<vmem>> -> memref<200x64xf32, #tpu.memory_space<vmem>>
        %dma_wait3A_493 = arith.constant 0 : i32
        %dma_wait3A_494 = tpu.memref_slice %arg8[%add3A_487, %dma_wait3A_493] : memref<819200x64xf32, #tpu.memory_space<hbm>> -> memref<200x64xf32, #tpu.memory_space<hbm>>
        %dma_wait3A_495 = arith.constant 0 : i32
        %dma_wait3A_496 = tpu.memref_slice %arg8[%add3A_487, %dma_wait3A_495] : memref<819200x64xf32, #tpu.memory_space<hbm>> -> memref<200x64xf32, #tpu.memory_space<hbm>>
        %dma_wait3A_497 = arith.constant 0 : i32
        %dma_wait3A_498 = arith.constant 0 : i32
        %dma_wait3A_499 = tpu.memref_slice %arg11[%dma_wait3A_488, %dma_wait3A_497, %dma_wait3A_498] : memref<2x200x64xf32, #tpu.memory_space<vmem>> -> memref<1x200x64xf32, #tpu.memory_space<vmem>>
        %dma_wait3A_500 = tpu.memref_squeeze %dma_wait3A_499 : memref<1x200x64xf32, #tpu.memory_space<vmem>> -> memref<200x64xf32, #tpu.memory_space<vmem>>
        tpu.wait_dma2 semaphore(%arg21 : memref<!tpu.dma_semaphore, #tpu.memory_space<semaphore_mem>>) src(%dma_wait3A_500 : memref<200x64xf32, #tpu.memory_space<vmem>>) dst(%dma_wait3A_496 : memref<200x64xf32, #tpu.memory_space<hbm>>)
      } else {
      }
      %get3A_270 = arith.constant 0 : index
      %get3A_271 = tpu.vector_load %arg13[%get3A_270] {strides = array<i32>} : memref<64xf32, #tpu.memory_space<vmem>>, vector<16xf32>,
      %get3A_272 = arith.constant 16 : index
      %get3A_273 = tpu.vector_load %arg13[%get3A_272] {strides = array<i32>} : memref<64xf32, #tpu.memory_space<vmem>>, vector<16xf32>,
      %get3A_274 = arith.constant 32 : index
      %get3A_275 = tpu.vector_load %arg13[%get3A_274] {strides = array<i32>} : memref<64xf32, #tpu.memory_space<vmem>>, vector<16xf32>,
      %get3A_276 = arith.constant 48 : index
      %get3A_277 = tpu.vector_load %arg13[%get3A_276] {strides = array<i32>} : memref<64xf32, #tpu.memory_space<vmem>>, vector<16xf32>,
      %get3A_278 = arith.constant 0 : index
      %get3A_279 = tpu.vector_load %arg14[%get3A_278] {strides = array<i32>} : memref<64xf32, #tpu.memory_space<vmem>>, vector<16xf32>,
      %get3A_280 = arith.constant 16 : index
      %get3A_281 = tpu.vector_load %arg14[%get3A_280] {strides = array<i32>} : memref<64xf32, #tpu.memory_space<vmem>>, vector<16xf32>,
      %get3A_282 = arith.constant 32 : index
      %get3A_283 = tpu.vector_load %arg14[%get3A_282] {strides = array<i32>} : memref<64xf32, #tpu.memory_space<vmem>>, vector<16xf32>,
      %get3A_284 = arith.constant 48 : index
      %get3A_285 = tpu.vector_load %arg14[%get3A_284] {strides = array<i32>} : memref<64xf32, #tpu.memory_space<vmem>>, vector<16xf32>,
      %scan3A_286 = arith.constant 0 : i32
      %scan3A_287 = arith.constant 50 : i32
      %scan3A_288 = arith.addi %scan3A_286, %scan3A_287 : i32
      %scan3A_289 = arith.constant 1 : i32
      scf.for %scan3A_484 = %scan3A_286 to %scan3A_288 step %scan3A_289  : i32 {
        %mul3A_485 = arith.constant 4 : i32
        %mul3A_486 = arith.muli %scan3A_484, %mul3A_485 : i32
        %add3A_487 = arith.constant 0 : i32
        %add3A_488 = arith.addi %add3A_487, %mul3A_486 : i32
        %add3A_489 = arith.constant 0 : i32
        %add3A_490 = arith.addi %add3A_488, %add3A_489 : i32
        %get3A_491 = arith.constant 1 : i32
        %get3A_492 = arith.index_cast %get3A_491 : i32 to index
        %get3A_493 = arith.index_cast %add3A_490 : i32 to index
        %get3A_494 = arith.constant 0 : index
        %get3A_495 = tpu.vector_load %arg10[%get3A_492, %get3A_493, %get3A_494] {strides = array<i32>} : memref<4x200x64xf32, #tpu.memory_space<vmem>>, vector<16xf32>,
        %get3A_496 = arith.index_cast %add3A_490 : i32 to index
        %get3A_497 = arith.constant 0 : index
        %get3A_498 = tpu.vector_load %arg12[%get3A_496, %get3A_497] {strides = array<i32>} : memref<200x64xf32, #tpu.memory_space<vmem>>, vector<16xf32>,
        %add3A_499 = arith.addf %get3A_495, %get3A_498 : vector<16xf32>
        %get3A_500 = arith.constant 1 : i32
        %get3A_501 = arith.index_cast %get3A_500 : i32 to index
        %get3A_502 = arith.index_cast %add3A_490 : i32 to index
        %get3A_503 = arith.constant 16 : index
        %get3A_504 = tpu.vector_load %arg10[%get3A_501, %get3A_502, %get3A_503] {strides = array<i32>} : memref<4x200x64xf32, #tpu.memory_space<vmem>>, vector<16xf32>,
        %get3A_505 = arith.index_cast %add3A_490 : i32 to index
        %get3A_506 = arith.constant 16 : index
        %get3A_507 = tpu.vector_load %arg12[%get3A_505, %get3A_506] {strides = array<i32>} : memref<200x64xf32, #tpu.memory_space<vmem>>, vector<16xf32>,
        %add3A_508 = arith.addf %get3A_504, %get3A_507 : vector<16xf32>
        %get3A_509 = arith.constant 1 : i32
        %get3A_510 = arith.index_cast %get3A_509 : i32 to index
        %get3A_511 = arith.index_cast %add3A_490 : i32 to index
        %get3A_512 = arith.constant 32 : index
        %get3A_513 = tpu.vector_load %arg10[%get3A_510, %get3A_511, %get3A_512] {strides = array<i32>} : memref<4x200x64xf32, #tpu.memory_space<vmem>>, vector<16xf32>,
        %get3A_514 = arith.index_cast %add3A_490 : i32 to index
        %get3A_515 = arith.constant 32 : index
        %get3A_516 = tpu.vector_load %arg12[%get3A_514, %get3A_515] {strides = array<i32>} : memref<200x64xf32, #tpu.memory_space<vmem>>, vector<16xf32>,
        %add3A_517 = arith.addf %get3A_513, %get3A_516 : vector<16xf32>
        %get3A_518 = arith.constant 1 : i32
        %get3A_519 = arith.index_cast %get3A_518 : i32 to index
        %get3A_520 = arith.index_cast %add3A_490 : i32 to index
        %get3A_521 = arith.constant 48 : index
        %get3A_522 = tpu.vector_load %arg10[%get3A_519, %get3A_520, %get3A_521] {strides = array<i32>} : memref<4x200x64xf32, #tpu.memory_space<vmem>>, vector<16xf32>,
        %get3A_523 = arith.index_cast %add3A_490 : i32 to index
        %get3A_524 = arith.constant 48 : index
        %get3A_525 = tpu.vector_load %arg12[%get3A_523, %get3A_524] {strides = array<i32>} : memref<200x64xf32, #tpu.memory_space<vmem>>, vector<16xf32>,
        %add3A_526 = arith.addf %get3A_522, %get3A_525 : vector<16xf32>
        %add3A_527 = arith.addf %add3A_499, %add3A_508 : vector<16xf32>
        %add3A_528 = arith.addf %add3A_517, %add3A_526 : vector<16xf32>
        %add3A_529 = arith.addf %add3A_527, %add3A_528 : vector<16xf32>
        %mul3A_530 = arith.mulf %add3A_499, %add3A_499 : vector<16xf32>
        %mul3A_531 = arith.mulf %add3A_508, %add3A_508 : vector<16xf32>
        %add3A_532 = arith.addf %mul3A_530, %mul3A_531 : vector<16xf32>
        %mul3A_533 = arith.mulf %add3A_517, %add3A_517 : vector<16xf32>
        %mul3A_534 = arith.mulf %add3A_526, %add3A_526 : vector<16xf32>
        %add3A_535 = arith.addf %mul3A_533, %mul3A_534 : vector<16xf32>
        %add3A_536 = arith.addf %add3A_532, %add3A_535 : vector<16xf32>
        %reduce_sum3A = arith.constant true
        %reduce_sum3A_537 = vector.broadcast %reduce_sum3A : i1 to vector<16xi1>
        %reduce_sum3A_538 = tpu.scan <sum>, %add3A_529 masked %reduce_sum3A_537 : vector<16xf32>, vector<16xi1> -> vector<16xf32>
        %reduce_sum3A_539 = vector.extract %reduce_sum3A_538[15] : f32 from vector<16xf32>
        %mul3A_540 = arith.constant 1.562500e-02 : f32
        %mul3A_541 = arith.mulf %reduce_sum3A_539, %mul3A_540 : f32
        %reduce_sum3A_542 = arith.constant true
        %reduce_sum3A_543 = vector.broadcast %reduce_sum3A_542 : i1 to vector<16xi1>
        %reduce_sum3A_544 = tpu.scan <sum>, %add3A_536 masked %reduce_sum3A_543 : vector<16xf32>, vector<16xi1> -> vector<16xf32>
        %reduce_sum3A_545 = vector.extract %reduce_sum3A_544[15] : f32 from vector<16xf32>
        %mul3A_546 = arith.constant 1.562500e-02 : f32
        %mul3A_547 = arith.mulf %reduce_sum3A_545, %mul3A_546 : f32
        %mul3A_548 = arith.mulf %mul3A_541, %mul3A_541 : f32
        %sub3A = arith.subf %mul3A_547, %mul3A_548 : f32
        %add3A_549 = arith.constant 9.99999996E-13 : f32
        %add3A_550 = arith.addf %sub3A, %add3A_549 : f32
        %broadcast_in_dim3A = vector.broadcast %add3A_550 : f32 to vector<16xf32>
        %bitcast3A = vector.bitcast %broadcast_in_dim3A : vector<16xf32> to vector<16xi32>
        %shift_right_logical3A = arith.constant 1 : i32
        %shift_right_logical3A_551 = vector.broadcast %shift_right_logical3A : i32 to vector<16xi32>
        %shift_right_logical3A_552 = arith.shrui %bitcast3A, %shift_right_logical3A_551 : vector<16xi32>
        %sub3A_553 = arith.constant 1597463007 : i32
        %sub3A_554 = vector.broadcast %sub3A_553 : i32 to vector<16xi32>
        %sub3A_555 = arith.subi %sub3A_554, %shift_right_logical3A_552 : vector<16xi32>
        %bitcast3A_556 = vector.bitcast %sub3A_555 : vector<16xi32> to vector<16xf32>
        %mul3A_557 = arith.constant 5.000000e-01 : f32
        %mul3A_558 = vector.broadcast %mul3A_557 : f32 to vector<16xf32>
        %mul3A_559 = arith.mulf %broadcast_in_dim3A, %mul3A_558 : vector<16xf32>
        %mul3A_560 = arith.mulf %mul3A_559, %bitcast3A_556 : vector<16xf32>
        %mul3A_561 = arith.mulf %mul3A_560, %bitcast3A_556 : vector<16xf32>
        %sub3A_562 = arith.constant 1.500000e+00 : f32
        %sub3A_563 = vector.broadcast %sub3A_562 : f32 to vector<16xf32>
        %sub3A_564 = arith.subf %sub3A_563, %mul3A_561 : vector<16xf32>
        %mul3A_565 = arith.mulf %bitcast3A_556, %sub3A_564 : vector<16xf32>
        %mul3A_566 = arith.mulf %mul3A_559, %mul3A_565 : vector<16xf32>
        %mul3A_567 = arith.mulf %mul3A_566, %mul3A_565 : vector<16xf32>
        %sub3A_568 = arith.constant 1.500000e+00 : f32
        %sub3A_569 = vector.broadcast %sub3A_568 : f32 to vector<16xf32>
        %sub3A_570 = arith.subf %sub3A_569, %mul3A_567 : vector<16xf32>
        %mul3A_571 = arith.mulf %mul3A_565, %sub3A_570 : vector<16xf32>
        %sub3A_572 = vector.broadcast %mul3A_541 : f32 to vector<16xf32>
        %sub3A_573 = arith.subf %add3A_499, %sub3A_572 : vector<16xf32>
        %mul3A_574 = arith.mulf %sub3A_573, %mul3A_571 : vector<16xf32>
        %mul3A_575 = arith.mulf %mul3A_574, %get3A_271 : vector<16xf32>
        %add3A_576 = arith.addf %mul3A_575, %get3A_279 : vector<16xf32>
        %swap3A = arith.constant 1 : i32
        %swap3A_577 = arith.index_cast %swap3A : i32 to index
        %swap3A_578 = arith.index_cast %add3A_490 : i32 to index
        %swap3A_579 = arith.constant 0 : index
        %swap3A_580 = tpu.vector_load %arg11[%swap3A_577, %swap3A_578, %swap3A_579] {strides = array<i32>} : memref<2x200x64xf32, #tpu.memory_space<vmem>>, vector<16xf32>,
        tpu.vector_store %arg11[%swap3A_577, %swap3A_578, %swap3A_579], %add3A_576 {strides = array<i32>} : memref<2x200x64xf32, #tpu.memory_space<vmem>>, vector<16xf32>,
        %sub3A_581 = vector.broadcast %mul3A_541 : f32 to vector<16xf32>
        %sub3A_582 = arith.subf %add3A_508, %sub3A_581 : vector<16xf32>
        %mul3A_583 = arith.mulf %sub3A_582, %mul3A_571 : vector<16xf32>
        %mul3A_584 = arith.mulf %mul3A_583, %get3A_273 : vector<16xf32>
        %add3A_585 = arith.addf %mul3A_584, %get3A_281 : vector<16xf32>
        %swap3A_586 = arith.constant 1 : i32
        %swap3A_587 = arith.index_cast %swap3A_586 : i32 to index
        %swap3A_588 = arith.index_cast %add3A_490 : i32 to index
        %swap3A_589 = arith.constant 16 : index
        %swap3A_590 = tpu.vector_load %arg11[%swap3A_587, %swap3A_588, %swap3A_589] {strides = array<i32>} : memref<2x200x64xf32, #tpu.memory_space<vmem>>, vector<16xf32>,
        tpu.vector_store %arg11[%swap3A_587, %swap3A_588, %swap3A_589], %add3A_585 {strides = array<i32>} : memref<2x200x64xf32, #tpu.memory_space<vmem>>, vector<16xf32>,
        %sub3A_591 = vector.broadcast %mul3A_541 : f32 to vector<16xf32>
        %sub3A_592 = arith.subf %add3A_517, %sub3A_591 : vector<16xf32>
        %mul3A_593 = arith.mulf %sub3A_592, %mul3A_571 : vector<16xf32>
        %mul3A_594 = arith.mulf %mul3A_593, %get3A_275 : vector<16xf32>
        %add3A_595 = arith.addf %mul3A_594, %get3A_283 : vector<16xf32>
        %swap3A_596 = arith.constant 1 : i32
        %swap3A_597 = arith.index_cast %swap3A_596 : i32 to index
        %swap3A_598 = arith.index_cast %add3A_490 : i32 to index
        %swap3A_599 = arith.constant 32 : index
        %swap3A_600 = tpu.vector_load %arg11[%swap3A_597, %swap3A_598, %swap3A_599] {strides = array<i32>} : memref<2x200x64xf32, #tpu.memory_space<vmem>>, vector<16xf32>,
        tpu.vector_store %arg11[%swap3A_597, %swap3A_598, %swap3A_599], %add3A_595 {strides = array<i32>} : memref<2x200x64xf32, #tpu.memory_space<vmem>>, vector<16xf32>,
        %sub3A_601 = vector.broadcast %mul3A_541 : f32 to vector<16xf32>
        %sub3A_602 = arith.subf %add3A_526, %sub3A_601 : vector<16xf32>
        %mul3A_603 = arith.mulf %sub3A_602, %mul3A_571 : vector<16xf32>
        %mul3A_604 = arith.mulf %mul3A_603, %get3A_277 : vector<16xf32>
        %add3A_605 = arith.addf %mul3A_604, %get3A_285 : vector<16xf32>
        %swap3A_606 = arith.constant 1 : i32
        %swap3A_607 = arith.index_cast %swap3A_606 : i32 to index
        %swap3A_608 = arith.index_cast %add3A_490 : i32 to index
        %swap3A_609 = arith.constant 48 : index
        %swap3A_610 = tpu.vector_load %arg11[%swap3A_607, %swap3A_608, %swap3A_609] {strides = array<i32>} : memref<2x200x64xf32, #tpu.memory_space<vmem>>, vector<16xf32>,
        tpu.vector_store %arg11[%swap3A_607, %swap3A_608, %swap3A_609], %add3A_605 {strides = array<i32>} : memref<2x200x64xf32, #tpu.memory_space<vmem>>, vector<16xf32>,
        %add3A_611 = arith.constant 1 : i32
        %add3A_612 = arith.addi %add3A_488, %add3A_611 : i32
        %get3A_613 = arith.constant 1 : i32
        %get3A_614 = arith.index_cast %get3A_613 : i32 to index
        %get3A_615 = arith.index_cast %add3A_612 : i32 to index
        %get3A_616 = arith.constant 0 : index
        %get3A_617 = tpu.vector_load %arg10[%get3A_614, %get3A_615, %get3A_616] {strides = array<i32>} : memref<4x200x64xf32, #tpu.memory_space<vmem>>, vector<16xf32>,
        %get3A_618 = arith.index_cast %add3A_612 : i32 to index
        %get3A_619 = arith.constant 0 : index
        %get3A_620 = tpu.vector_load %arg12[%get3A_618, %get3A_619] {strides = array<i32>} : memref<200x64xf32, #tpu.memory_space<vmem>>, vector<16xf32>,
        %add3A_621 = arith.addf %get3A_617, %get3A_620 : vector<16xf32>
        %get3A_622 = arith.constant 1 : i32
        %get3A_623 = arith.index_cast %get3A_622 : i32 to index
        %get3A_624 = arith.index_cast %add3A_612 : i32 to index
        %get3A_625 = arith.constant 16 : index
        %get3A_626 = tpu.vector_load %arg10[%get3A_623, %get3A_624, %get3A_625] {strides = array<i32>} : memref<4x200x64xf32, #tpu.memory_space<vmem>>, vector<16xf32>,
        %get3A_627 = arith.index_cast %add3A_612 : i32 to index
        %get3A_628 = arith.constant 16 : index
        %get3A_629 = tpu.vector_load %arg12[%get3A_627, %get3A_628] {strides = array<i32>} : memref<200x64xf32, #tpu.memory_space<vmem>>, vector<16xf32>,
        %add3A_630 = arith.addf %get3A_626, %get3A_629 : vector<16xf32>
        %get3A_631 = arith.constant 1 : i32
        %get3A_632 = arith.index_cast %get3A_631 : i32 to index
        %get3A_633 = arith.index_cast %add3A_612 : i32 to index
        %get3A_634 = arith.constant 32 : index
        %get3A_635 = tpu.vector_load %arg10[%get3A_632, %get3A_633, %get3A_634] {strides = array<i32>} : memref<4x200x64xf32, #tpu.memory_space<vmem>>, vector<16xf32>,
        %get3A_636 = arith.index_cast %add3A_612 : i32 to index
        %get3A_637 = arith.constant 32 : index
        %get3A_638 = tpu.vector_load %arg12[%get3A_636, %get3A_637] {strides = array<i32>} : memref<200x64xf32, #tpu.memory_space<vmem>>, vector<16xf32>,
        %add3A_639 = arith.addf %get3A_635, %get3A_638 : vector<16xf32>
        %get3A_640 = arith.constant 1 : i32
        %get3A_641 = arith.index_cast %get3A_640 : i32 to index
        %get3A_642 = arith.index_cast %add3A_612 : i32 to index
        %get3A_643 = arith.constant 48 : index
        %get3A_644 = tpu.vector_load %arg10[%get3A_641, %get3A_642, %get3A_643] {strides = array<i32>} : memref<4x200x64xf32, #tpu.memory_space<vmem>>, vector<16xf32>,
        %get3A_645 = arith.index_cast %add3A_612 : i32 to index
        %get3A_646 = arith.constant 48 : index
        %get3A_647 = tpu.vector_load %arg12[%get3A_645, %get3A_646] {strides = array<i32>} : memref<200x64xf32, #tpu.memory_space<vmem>>, vector<16xf32>,
        %add3A_648 = arith.addf %get3A_644, %get3A_647 : vector<16xf32>
        %add3A_649 = arith.addf %add3A_621, %add3A_630 : vector<16xf32>
        %add3A_650 = arith.addf %add3A_639, %add3A_648 : vector<16xf32>
        %add3A_651 = arith.addf %add3A_649, %add3A_650 : vector<16xf32>
        %mul3A_652 = arith.mulf %add3A_621, %add3A_621 : vector<16xf32>
        %mul3A_653 = arith.mulf %add3A_630, %add3A_630 : vector<16xf32>
        %add3A_654 = arith.addf %mul3A_652, %mul3A_653 : vector<16xf32>
        %mul3A_655 = arith.mulf %add3A_639, %add3A_639 : vector<16xf32>
        %mul3A_656 = arith.mulf %add3A_648, %add3A_648 : vector<16xf32>
        %add3A_657 = arith.addf %mul3A_655, %mul3A_656 : vector<16xf32>
        %add3A_658 = arith.addf %add3A_654, %add3A_657 : vector<16xf32>
        %reduce_sum3A_659 = arith.constant true
        %reduce_sum3A_660 = vector.broadcast %reduce_sum3A_659 : i1 to vector<16xi1>
        %reduce_sum3A_661 = tpu.scan <sum>, %add3A_651 masked %reduce_sum3A_660 : vector<16xf32>, vector<16xi1> -> vector<16xf32>
        %reduce_sum3A_662 = vector.extract %reduce_sum3A_661[15] : f32 from vector<16xf32>
        %mul3A_663 = arith.constant 1.562500e-02 : f32
        %mul3A_664 = arith.mulf %reduce_sum3A_662, %mul3A_663 : f32
        %reduce_sum3A_665 = arith.constant true
        %reduce_sum3A_666 = vector.broadcast %reduce_sum3A_665 : i1 to vector<16xi1>
        %reduce_sum3A_667 = tpu.scan <sum>, %add3A_658 masked %reduce_sum3A_666 : vector<16xf32>, vector<16xi1> -> vector<16xf32>
        %reduce_sum3A_668 = vector.extract %reduce_sum3A_667[15] : f32 from vector<16xf32>
        %mul3A_669 = arith.constant 1.562500e-02 : f32
        %mul3A_670 = arith.mulf %reduce_sum3A_668, %mul3A_669 : f32
        %mul3A_671 = arith.mulf %mul3A_664, %mul3A_664 : f32
        %sub3A_672 = arith.subf %mul3A_670, %mul3A_671 : f32
        %add3A_673 = arith.constant 9.99999996E-13 : f32
        %add3A_674 = arith.addf %sub3A_672, %add3A_673 : f32
        %broadcast_in_dim3A_675 = vector.broadcast %add3A_674 : f32 to vector<16xf32>
        %bitcast3A_676 = vector.bitcast %broadcast_in_dim3A_675 : vector<16xf32> to vector<16xi32>
        %shift_right_logical3A_677 = arith.constant 1 : i32
        %shift_right_logical3A_678 = vector.broadcast %shift_right_logical3A_677 : i32 to vector<16xi32>
        %shift_right_logical3A_679 = arith.shrui %bitcast3A_676, %shift_right_logical3A_678 : vector<16xi32>
        %sub3A_680 = arith.constant 1597463007 : i32
        %sub3A_681 = vector.broadcast %sub3A_680 : i32 to vector<16xi32>
        %sub3A_682 = arith.subi %sub3A_681, %shift_right_logical3A_679 : vector<16xi32>
        %bitcast3A_683 = vector.bitcast %sub3A_682 : vector<16xi32> to vector<16xf32>
        %mul3A_684 = arith.constant 5.000000e-01 : f32
        %mul3A_685 = vector.broadcast %mul3A_684 : f32 to vector<16xf32>
        %mul3A_686 = arith.mulf %broadcast_in_dim3A_675, %mul3A_685 : vector<16xf32>
        %mul3A_687 = arith.mulf %mul3A_686, %bitcast3A_683 : vector<16xf32>
        %mul3A_688 = arith.mulf %mul3A_687, %bitcast3A_683 : vector<16xf32>
        %sub3A_689 = arith.constant 1.500000e+00 : f32
        %sub3A_690 = vector.broadcast %sub3A_689 : f32 to vector<16xf32>
        %sub3A_691 = arith.subf %sub3A_690, %mul3A_688 : vector<16xf32>
        %mul3A_692 = arith.mulf %bitcast3A_683, %sub3A_691 : vector<16xf32>
        %mul3A_693 = arith.mulf %mul3A_686, %mul3A_692 : vector<16xf32>
        %mul3A_694 = arith.mulf %mul3A_693, %mul3A_692 : vector<16xf32>
        %sub3A_695 = arith.constant 1.500000e+00 : f32
        %sub3A_696 = vector.broadcast %sub3A_695 : f32 to vector<16xf32>
        %sub3A_697 = arith.subf %sub3A_696, %mul3A_694 : vector<16xf32>
        %mul3A_698 = arith.mulf %mul3A_692, %sub3A_697 : vector<16xf32>
        %sub3A_699 = vector.broadcast %mul3A_664 : f32 to vector<16xf32>
        %sub3A_700 = arith.subf %add3A_621, %sub3A_699 : vector<16xf32>
        %mul3A_701 = arith.mulf %sub3A_700, %mul3A_698 : vector<16xf32>
        %mul3A_702 = arith.mulf %mul3A_701, %get3A_271 : vector<16xf32>
        %add3A_703 = arith.addf %mul3A_702, %get3A_279 : vector<16xf32>
        %swap3A_704 = arith.constant 1 : i32
        %swap3A_705 = arith.index_cast %swap3A_704 : i32 to index
        %swap3A_706 = arith.index_cast %add3A_612 : i32 to index
        %swap3A_707 = arith.constant 0 : index
        %swap3A_708 = tpu.vector_load %arg11[%swap3A_705, %swap3A_706, %swap3A_707] {strides = array<i32>} : memref<2x200x64xf32, #tpu.memory_space<vmem>>, vector<16xf32>,
        tpu.vector_store %arg11[%swap3A_705, %swap3A_706, %swap3A_707], %add3A_703 {strides = array<i32>} : memref<2x200x64xf32, #tpu.memory_space<vmem>>, vector<16xf32>,
        %sub3A_709 = vector.broadcast %mul3A_664 : f32 to vector<16xf32>
        %sub3A_710 = arith.subf %add3A_630, %sub3A_709 : vector<16xf32>
        %mul3A_711 = arith.mulf %sub3A_710, %mul3A_698 : vector<16xf32>
        %mul3A_712 = arith.mulf %mul3A_711, %get3A_273 : vector<16xf32>
        %add3A_713 = arith.addf %mul3A_712, %get3A_281 : vector<16xf32>
        %swap3A_714 = arith.constant 1 : i32
        %swap3A_715 = arith.index_cast %swap3A_714 : i32 to index
        %swap3A_716 = arith.index_cast %add3A_612 : i32 to index
        %swap3A_717 = arith.constant 16 : index
        %swap3A_718 = tpu.vector_load %arg11[%swap3A_715, %swap3A_716, %swap3A_717] {strides = array<i32>} : memref<2x200x64xf32, #tpu.memory_space<vmem>>, vector<16xf32>,
        tpu.vector_store %arg11[%swap3A_715, %swap3A_716, %swap3A_717], %add3A_713 {strides = array<i32>} : memref<2x200x64xf32, #tpu.memory_space<vmem>>, vector<16xf32>,
        %sub3A_719 = vector.broadcast %mul3A_664 : f32 to vector<16xf32>
        %sub3A_720 = arith.subf %add3A_639, %sub3A_719 : vector<16xf32>
        %mul3A_721 = arith.mulf %sub3A_720, %mul3A_698 : vector<16xf32>
        %mul3A_722 = arith.mulf %mul3A_721, %get3A_275 : vector<16xf32>
        %add3A_723 = arith.addf %mul3A_722, %get3A_283 : vector<16xf32>
        %swap3A_724 = arith.constant 1 : i32
        %swap3A_725 = arith.index_cast %swap3A_724 : i32 to index
        %swap3A_726 = arith.index_cast %add3A_612 : i32 to index
        %swap3A_727 = arith.constant 32 : index
        %swap3A_728 = tpu.vector_load %arg11[%swap3A_725, %swap3A_726, %swap3A_727] {strides = array<i32>} : memref<2x200x64xf32, #tpu.memory_space<vmem>>, vector<16xf32>,
        tpu.vector_store %arg11[%swap3A_725, %swap3A_726, %swap3A_727], %add3A_723 {strides = array<i32>} : memref<2x200x64xf32, #tpu.memory_space<vmem>>, vector<16xf32>,
        %sub3A_729 = vector.broadcast %mul3A_664 : f32 to vector<16xf32>
        %sub3A_730 = arith.subf %add3A_648, %sub3A_729 : vector<16xf32>
        %mul3A_731 = arith.mulf %sub3A_730, %mul3A_698 : vector<16xf32>
        %mul3A_732 = arith.mulf %mul3A_731, %get3A_277 : vector<16xf32>
        %add3A_733 = arith.addf %mul3A_732, %get3A_285 : vector<16xf32>
        %swap3A_734 = arith.constant 1 : i32
        %swap3A_735 = arith.index_cast %swap3A_734 : i32 to index
        %swap3A_736 = arith.index_cast %add3A_612 : i32 to index
        %swap3A_737 = arith.constant 48 : index
        %swap3A_738 = tpu.vector_load %arg11[%swap3A_735, %swap3A_736, %swap3A_737] {strides = array<i32>} : memref<2x200x64xf32, #tpu.memory_space<vmem>>, vector<16xf32>,
        tpu.vector_store %arg11[%swap3A_735, %swap3A_736, %swap3A_737], %add3A_733 {strides = array<i32>} : memref<2x200x64xf32, #tpu.memory_space<vmem>>, vector<16xf32>,
        %add3A_739 = arith.constant 2 : i32
        %add3A_740 = arith.addi %add3A_488, %add3A_739 : i32
        %get3A_741 = arith.constant 1 : i32
        %get3A_742 = arith.index_cast %get3A_741 : i32 to index
        %get3A_743 = arith.index_cast %add3A_740 : i32 to index
        %get3A_744 = arith.constant 0 : index
        %get3A_745 = tpu.vector_load %arg10[%get3A_742, %get3A_743, %get3A_744] {strides = array<i32>} : memref<4x200x64xf32, #tpu.memory_space<vmem>>, vector<16xf32>,
        %get3A_746 = arith.index_cast %add3A_740 : i32 to index
        %get3A_747 = arith.constant 0 : index
        %get3A_748 = tpu.vector_load %arg12[%get3A_746, %get3A_747] {strides = array<i32>} : memref<200x64xf32, #tpu.memory_space<vmem>>, vector<16xf32>,
        %add3A_749 = arith.addf %get3A_745, %get3A_748 : vector<16xf32>
        %get3A_750 = arith.constant 1 : i32
        %get3A_751 = arith.index_cast %get3A_750 : i32 to index
        %get3A_752 = arith.index_cast %add3A_740 : i32 to index
        %get3A_753 = arith.constant 16 : index
        %get3A_754 = tpu.vector_load %arg10[%get3A_751, %get3A_752, %get3A_753] {strides = array<i32>} : memref<4x200x64xf32, #tpu.memory_space<vmem>>, vector<16xf32>,
        %get3A_755 = arith.index_cast %add3A_740 : i32 to index
        %get3A_756 = arith.constant 16 : index
        %get3A_757 = tpu.vector_load %arg12[%get3A_755, %get3A_756] {strides = array<i32>} : memref<200x64xf32, #tpu.memory_space<vmem>>, vector<16xf32>,
        %add3A_758 = arith.addf %get3A_754, %get3A_757 : vector<16xf32>
        %get3A_759 = arith.constant 1 : i32
        %get3A_760 = arith.index_cast %get3A_759 : i32 to index
        %get3A_761 = arith.index_cast %add3A_740 : i32 to index
        %get3A_762 = arith.constant 32 : index
        %get3A_763 = tpu.vector_load %arg10[%get3A_760, %get3A_761, %get3A_762] {strides = array<i32>} : memref<4x200x64xf32, #tpu.memory_space<vmem>>, vector<16xf32>,
        %get3A_764 = arith.index_cast %add3A_740 : i32 to index
        %get3A_765 = arith.constant 32 : index
        %get3A_766 = tpu.vector_load %arg12[%get3A_764, %get3A_765] {strides = array<i32>} : memref<200x64xf32, #tpu.memory_space<vmem>>, vector<16xf32>,
        %add3A_767 = arith.addf %get3A_763, %get3A_766 : vector<16xf32>
        %get3A_768 = arith.constant 1 : i32
        %get3A_769 = arith.index_cast %get3A_768 : i32 to index
        %get3A_770 = arith.index_cast %add3A_740 : i32 to index
        %get3A_771 = arith.constant 48 : index
        %get3A_772 = tpu.vector_load %arg10[%get3A_769, %get3A_770, %get3A_771] {strides = array<i32>} : memref<4x200x64xf32, #tpu.memory_space<vmem>>, vector<16xf32>,
        %get3A_773 = arith.index_cast %add3A_740 : i32 to index
        %get3A_774 = arith.constant 48 : index
        %get3A_775 = tpu.vector_load %arg12[%get3A_773, %get3A_774] {strides = array<i32>} : memref<200x64xf32, #tpu.memory_space<vmem>>, vector<16xf32>,
        %add3A_776 = arith.addf %get3A_772, %get3A_775 : vector<16xf32>
        %add3A_777 = arith.addf %add3A_749, %add3A_758 : vector<16xf32>
        %add3A_778 = arith.addf %add3A_767, %add3A_776 : vector<16xf32>
        %add3A_779 = arith.addf %add3A_777, %add3A_778 : vector<16xf32>
        %mul3A_780 = arith.mulf %add3A_749, %add3A_749 : vector<16xf32>
        %mul3A_781 = arith.mulf %add3A_758, %add3A_758 : vector<16xf32>
        %add3A_782 = arith.addf %mul3A_780, %mul3A_781 : vector<16xf32>
        %mul3A_783 = arith.mulf %add3A_767, %add3A_767 : vector<16xf32>
        %mul3A_784 = arith.mulf %add3A_776, %add3A_776 : vector<16xf32>
        %add3A_785 = arith.addf %mul3A_783, %mul3A_784 : vector<16xf32>
        %add3A_786 = arith.addf %add3A_782, %add3A_785 : vector<16xf32>
        %reduce_sum3A_787 = arith.constant true
        %reduce_sum3A_788 = vector.broadcast %reduce_sum3A_787 : i1 to vector<16xi1>
        %reduce_sum3A_789 = tpu.scan <sum>, %add3A_779 masked %reduce_sum3A_788 : vector<16xf32>, vector<16xi1> -> vector<16xf32>
        %reduce_sum3A_790 = vector.extract %reduce_sum3A_789[15] : f32 from vector<16xf32>
        %mul3A_791 = arith.constant 1.562500e-02 : f32
        %mul3A_792 = arith.mulf %reduce_sum3A_790, %mul3A_791 : f32
        %reduce_sum3A_793 = arith.constant true
        %reduce_sum3A_794 = vector.broadcast %reduce_sum3A_793 : i1 to vector<16xi1>
        %reduce_sum3A_795 = tpu.scan <sum>, %add3A_786 masked %reduce_sum3A_794 : vector<16xf32>, vector<16xi1> -> vector<16xf32>
        %reduce_sum3A_796 = vector.extract %reduce_sum3A_795[15] : f32 from vector<16xf32>
        %mul3A_797 = arith.constant 1.562500e-02 : f32
        %mul3A_798 = arith.mulf %reduce_sum3A_796, %mul3A_797 : f32
        %mul3A_799 = arith.mulf %mul3A_792, %mul3A_792 : f32
        %sub3A_800 = arith.subf %mul3A_798, %mul3A_799 : f32
        %add3A_801 = arith.constant 9.99999996E-13 : f32
        %add3A_802 = arith.addf %sub3A_800, %add3A_801 : f32
        %broadcast_in_dim3A_803 = vector.broadcast %add3A_802 : f32 to vector<16xf32>
        %bitcast3A_804 = vector.bitcast %broadcast_in_dim3A_803 : vector<16xf32> to vector<16xi32>
        %shift_right_logical3A_805 = arith.constant 1 : i32
        %shift_right_logical3A_806 = vector.broadcast %shift_right_logical3A_805 : i32 to vector<16xi32>
        %shift_right_logical3A_807 = arith.shrui %bitcast3A_804, %shift_right_logical3A_806 : vector<16xi32>
        %sub3A_808 = arith.constant 1597463007 : i32
        %sub3A_809 = vector.broadcast %sub3A_808 : i32 to vector<16xi32>
        %sub3A_810 = arith.subi %sub3A_809, %shift_right_logical3A_807 : vector<16xi32>
        %bitcast3A_811 = vector.bitcast %sub3A_810 : vector<16xi32> to vector<16xf32>
        %mul3A_812 = arith.constant 5.000000e-01 : f32
        %mul3A_813 = vector.broadcast %mul3A_812 : f32 to vector<16xf32>
        %mul3A_814 = arith.mulf %broadcast_in_dim3A_803, %mul3A_813 : vector<16xf32>
        %mul3A_815 = arith.mulf %mul3A_814, %bitcast3A_811 : vector<16xf32>
        %mul3A_816 = arith.mulf %mul3A_815, %bitcast3A_811 : vector<16xf32>
        %sub3A_817 = arith.constant 1.500000e+00 : f32
        %sub3A_818 = vector.broadcast %sub3A_817 : f32 to vector<16xf32>
        %sub3A_819 = arith.subf %sub3A_818, %mul3A_816 : vector<16xf32>
        %mul3A_820 = arith.mulf %bitcast3A_811, %sub3A_819 : vector<16xf32>
        %mul3A_821 = arith.mulf %mul3A_814, %mul3A_820 : vector<16xf32>
        %mul3A_822 = arith.mulf %mul3A_821, %mul3A_820 : vector<16xf32>
        %sub3A_823 = arith.constant 1.500000e+00 : f32
        %sub3A_824 = vector.broadcast %sub3A_823 : f32 to vector<16xf32>
        %sub3A_825 = arith.subf %sub3A_824, %mul3A_822 : vector<16xf32>
        %mul3A_826 = arith.mulf %mul3A_820, %sub3A_825 : vector<16xf32>
        %sub3A_827 = vector.broadcast %mul3A_792 : f32 to vector<16xf32>
        %sub3A_828 = arith.subf %add3A_749, %sub3A_827 : vector<16xf32>
        %mul3A_829 = arith.mulf %sub3A_828, %mul3A_826 : vector<16xf32>
        %mul3A_830 = arith.mulf %mul3A_829, %get3A_271 : vector<16xf32>
        %add3A_831 = arith.addf %mul3A_830, %get3A_279 : vector<16xf32>
        %swap3A_832 = arith.constant 1 : i32
        %swap3A_833 = arith.index_cast %swap3A_832 : i32 to index
        %swap3A_834 = arith.index_cast %add3A_740 : i32 to index
        %swap3A_835 = arith.constant 0 : index
        %swap3A_836 = tpu.vector_load %arg11[%swap3A_833, %swap3A_834, %swap3A_835] {strides = array<i32>} : memref<2x200x64xf32, #tpu.memory_space<vmem>>, vector<16xf32>,
        tpu.vector_store %arg11[%swap3A_833, %swap3A_834, %swap3A_835], %add3A_831 {strides = array<i32>} : memref<2x200x64xf32, #tpu.memory_space<vmem>>, vector<16xf32>,
        %sub3A_837 = vector.broadcast %mul3A_792 : f32 to vector<16xf32>
        %sub3A_838 = arith.subf %add3A_758, %sub3A_837 : vector<16xf32>
        %mul3A_839 = arith.mulf %sub3A_838, %mul3A_826 : vector<16xf32>
        %mul3A_840 = arith.mulf %mul3A_839, %get3A_273 : vector<16xf32>
        %add3A_841 = arith.addf %mul3A_840, %get3A_281 : vector<16xf32>
        %swap3A_842 = arith.constant 1 : i32
        %swap3A_843 = arith.index_cast %swap3A_842 : i32 to index
        %swap3A_844 = arith.index_cast %add3A_740 : i32 to index
        %swap3A_845 = arith.constant 16 : index
        %swap3A_846 = tpu.vector_load %arg11[%swap3A_843, %swap3A_844, %swap3A_845] {strides = array<i32>} : memref<2x200x64xf32, #tpu.memory_space<vmem>>, vector<16xf32>,
        tpu.vector_store %arg11[%swap3A_843, %swap3A_844, %swap3A_845], %add3A_841 {strides = array<i32>} : memref<2x200x64xf32, #tpu.memory_space<vmem>>, vector<16xf32>,
        %sub3A_847 = vector.broadcast %mul3A_792 : f32 to vector<16xf32>
        %sub3A_848 = arith.subf %add3A_767, %sub3A_847 : vector<16xf32>
        %mul3A_849 = arith.mulf %sub3A_848, %mul3A_826 : vector<16xf32>
        %mul3A_850 = arith.mulf %mul3A_849, %get3A_275 : vector<16xf32>
        %add3A_851 = arith.addf %mul3A_850, %get3A_283 : vector<16xf32>
        %swap3A_852 = arith.constant 1 : i32
        %swap3A_853 = arith.index_cast %swap3A_852 : i32 to index
        %swap3A_854 = arith.index_cast %add3A_740 : i32 to index
        %swap3A_855 = arith.constant 32 : index
        %swap3A_856 = tpu.vector_load %arg11[%swap3A_853, %swap3A_854, %swap3A_855] {strides = array<i32>} : memref<2x200x64xf32, #tpu.memory_space<vmem>>, vector<16xf32>,
        tpu.vector_store %arg11[%swap3A_853, %swap3A_854, %swap3A_855], %add3A_851 {strides = array<i32>} : memref<2x200x64xf32, #tpu.memory_space<vmem>>, vector<16xf32>,
        %sub3A_857 = vector.broadcast %mul3A_792 : f32 to vector<16xf32>
        %sub3A_858 = arith.subf %add3A_776, %sub3A_857 : vector<16xf32>
        %mul3A_859 = arith.mulf %sub3A_858, %mul3A_826 : vector<16xf32>
        %mul3A_860 = arith.mulf %mul3A_859, %get3A_277 : vector<16xf32>
        %add3A_861 = arith.addf %mul3A_860, %get3A_285 : vector<16xf32>
        %swap3A_862 = arith.constant 1 : i32
        %swap3A_863 = arith.index_cast %swap3A_862 : i32 to index
        %swap3A_864 = arith.index_cast %add3A_740 : i32 to index
        %swap3A_865 = arith.constant 48 : index
        %swap3A_866 = tpu.vector_load %arg11[%swap3A_863, %swap3A_864, %swap3A_865] {strides = array<i32>} : memref<2x200x64xf32, #tpu.memory_space<vmem>>, vector<16xf32>,
        tpu.vector_store %arg11[%swap3A_863, %swap3A_864, %swap3A_865], %add3A_861 {strides = array<i32>} : memref<2x200x64xf32, #tpu.memory_space<vmem>>, vector<16xf32>,
        %add3A_867 = arith.constant 3 : i32
        %add3A_868 = arith.addi %add3A_488, %add3A_867 : i32
        %get3A_869 = arith.constant 1 : i32
        %get3A_870 = arith.index_cast %get3A_869 : i32 to index
        %get3A_871 = arith.index_cast %add3A_868 : i32 to index
        %get3A_872 = arith.constant 0 : index
        %get3A_873 = tpu.vector_load %arg10[%get3A_870, %get3A_871, %get3A_872] {strides = array<i32>} : memref<4x200x64xf32, #tpu.memory_space<vmem>>, vector<16xf32>,
        %get3A_874 = arith.index_cast %add3A_868 : i32 to index
        %get3A_875 = arith.constant 0 : index
        %get3A_876 = tpu.vector_load %arg12[%get3A_874, %get3A_875] {strides = array<i32>} : memref<200x64xf32, #tpu.memory_space<vmem>>, vector<16xf32>,
        %add3A_877 = arith.addf %get3A_873, %get3A_876 : vector<16xf32>
        %get3A_878 = arith.constant 1 : i32
        %get3A_879 = arith.index_cast %get3A_878 : i32 to index
        %get3A_880 = arith.index_cast %add3A_868 : i32 to index
        %get3A_881 = arith.constant 16 : index
        %get3A_882 = tpu.vector_load %arg10[%get3A_879, %get3A_880, %get3A_881] {strides = array<i32>} : memref<4x200x64xf32, #tpu.memory_space<vmem>>, vector<16xf32>,
        %get3A_883 = arith.index_cast %add3A_868 : i32 to index
        %get3A_884 = arith.constant 16 : index
        %get3A_885 = tpu.vector_load %arg12[%get3A_883, %get3A_884] {strides = array<i32>} : memref<200x64xf32, #tpu.memory_space<vmem>>, vector<16xf32>,
        %add3A_886 = arith.addf %get3A_882, %get3A_885 : vector<16xf32>
        %get3A_887 = arith.constant 1 : i32
        %get3A_888 = arith.index_cast %get3A_887 : i32 to index
        %get3A_889 = arith.index_cast %add3A_868 : i32 to index
        %get3A_890 = arith.constant 32 : index
        %get3A_891 = tpu.vector_load %arg10[%get3A_888, %get3A_889, %get3A_890] {strides = array<i32>} : memref<4x200x64xf32, #tpu.memory_space<vmem>>, vector<16xf32>,
        %get3A_892 = arith.index_cast %add3A_868 : i32 to index
        %get3A_893 = arith.constant 32 : index
        %get3A_894 = tpu.vector_load %arg12[%get3A_892, %get3A_893] {strides = array<i32>} : memref<200x64xf32, #tpu.memory_space<vmem>>, vector<16xf32>,
        %add3A_895 = arith.addf %get3A_891, %get3A_894 : vector<16xf32>
        %get3A_896 = arith.constant 1 : i32
        %get3A_897 = arith.index_cast %get3A_896 : i32 to index
        %get3A_898 = arith.index_cast %add3A_868 : i32 to index
        %get3A_899 = arith.constant 48 : index
        %get3A_900 = tpu.vector_load %arg10[%get3A_897, %get3A_898, %get3A_899] {strides = array<i32>} : memref<4x200x64xf32, #tpu.memory_space<vmem>>, vector<16xf32>,
        %get3A_901 = arith.index_cast %add3A_868 : i32 to index
        %get3A_902 = arith.constant 48 : index
        %get3A_903 = tpu.vector_load %arg12[%get3A_901, %get3A_902] {strides = array<i32>} : memref<200x64xf32, #tpu.memory_space<vmem>>, vector<16xf32>,
        %add3A_904 = arith.addf %get3A_900, %get3A_903 : vector<16xf32>
        %add3A_905 = arith.addf %add3A_877, %add3A_886 : vector<16xf32>
        %add3A_906 = arith.addf %add3A_895, %add3A_904 : vector<16xf32>
        %add3A_907 = arith.addf %add3A_905, %add3A_906 : vector<16xf32>
        %mul3A_908 = arith.mulf %add3A_877, %add3A_877 : vector<16xf32>
        %mul3A_909 = arith.mulf %add3A_886, %add3A_886 : vector<16xf32>
        %add3A_910 = arith.addf %mul3A_908, %mul3A_909 : vector<16xf32>
        %mul3A_911 = arith.mulf %add3A_895, %add3A_895 : vector<16xf32>
        %mul3A_912 = arith.mulf %add3A_904, %add3A_904 : vector<16xf32>
        %add3A_913 = arith.addf %mul3A_911, %mul3A_912 : vector<16xf32>
        %add3A_914 = arith.addf %add3A_910, %add3A_913 : vector<16xf32>
        %reduce_sum3A_915 = arith.constant true
        %reduce_sum3A_916 = vector.broadcast %reduce_sum3A_915 : i1 to vector<16xi1>
        %reduce_sum3A_917 = tpu.scan <sum>, %add3A_907 masked %reduce_sum3A_916 : vector<16xf32>, vector<16xi1> -> vector<16xf32>
        %reduce_sum3A_918 = vector.extract %reduce_sum3A_917[15] : f32 from vector<16xf32>
        %mul3A_919 = arith.constant 1.562500e-02 : f32
        %mul3A_920 = arith.mulf %reduce_sum3A_918, %mul3A_919 : f32
        %reduce_sum3A_921 = arith.constant true
        %reduce_sum3A_922 = vector.broadcast %reduce_sum3A_921 : i1 to vector<16xi1>
        %reduce_sum3A_923 = tpu.scan <sum>, %add3A_914 masked %reduce_sum3A_922 : vector<16xf32>, vector<16xi1> -> vector<16xf32>
        %reduce_sum3A_924 = vector.extract %reduce_sum3A_923[15] : f32 from vector<16xf32>
        %mul3A_925 = arith.constant 1.562500e-02 : f32
        %mul3A_926 = arith.mulf %reduce_sum3A_924, %mul3A_925 : f32
        %mul3A_927 = arith.mulf %mul3A_920, %mul3A_920 : f32
        %sub3A_928 = arith.subf %mul3A_926, %mul3A_927 : f32
        %add3A_929 = arith.constant 9.99999996E-13 : f32
        %add3A_930 = arith.addf %sub3A_928, %add3A_929 : f32
        %broadcast_in_dim3A_931 = vector.broadcast %add3A_930 : f32 to vector<16xf32>
        %bitcast3A_932 = vector.bitcast %broadcast_in_dim3A_931 : vector<16xf32> to vector<16xi32>
        %shift_right_logical3A_933 = arith.constant 1 : i32
        %shift_right_logical3A_934 = vector.broadcast %shift_right_logical3A_933 : i32 to vector<16xi32>
        %shift_right_logical3A_935 = arith.shrui %bitcast3A_932, %shift_right_logical3A_934 : vector<16xi32>
        %sub3A_936 = arith.constant 1597463007 : i32
        %sub3A_937 = vector.broadcast %sub3A_936 : i32 to vector<16xi32>
        %sub3A_938 = arith.subi %sub3A_937, %shift_right_logical3A_935 : vector<16xi32>
        %bitcast3A_939 = vector.bitcast %sub3A_938 : vector<16xi32> to vector<16xf32>
        %mul3A_940 = arith.constant 5.000000e-01 : f32
        %mul3A_941 = vector.broadcast %mul3A_940 : f32 to vector<16xf32>
        %mul3A_942 = arith.mulf %broadcast_in_dim3A_931, %mul3A_941 : vector<16xf32>
        %mul3A_943 = arith.mulf %mul3A_942, %bitcast3A_939 : vector<16xf32>
        %mul3A_944 = arith.mulf %mul3A_943, %bitcast3A_939 : vector<16xf32>
        %sub3A_945 = arith.constant 1.500000e+00 : f32
        %sub3A_946 = vector.broadcast %sub3A_945 : f32 to vector<16xf32>
        %sub3A_947 = arith.subf %sub3A_946, %mul3A_944 : vector<16xf32>
        %mul3A_948 = arith.mulf %bitcast3A_939, %sub3A_947 : vector<16xf32>
        %mul3A_949 = arith.mulf %mul3A_942, %mul3A_948 : vector<16xf32>
        %mul3A_950 = arith.mulf %mul3A_949, %mul3A_948 : vector<16xf32>
        %sub3A_951 = arith.constant 1.500000e+00 : f32
        %sub3A_952 = vector.broadcast %sub3A_951 : f32 to vector<16xf32>
        %sub3A_953 = arith.subf %sub3A_952, %mul3A_950 : vector<16xf32>
        %mul3A_954 = arith.mulf %mul3A_948, %sub3A_953 : vector<16xf32>
        %sub3A_955 = vector.broadcast %mul3A_920 : f32 to vector<16xf32>
        %sub3A_956 = arith.subf %add3A_877, %sub3A_955 : vector<16xf32>
        %mul3A_957 = arith.mulf %sub3A_956, %mul3A_954 : vector<16xf32>
        %mul3A_958 = arith.mulf %mul3A_957, %get3A_271 : vector<16xf32>
        %add3A_959 = arith.addf %mul3A_958, %get3A_279 : vector<16xf32>
        %swap3A_960 = arith.constant 1 : i32
        %swap3A_961 = arith.index_cast %swap3A_960 : i32 to index
        %swap3A_962 = arith.index_cast %add3A_868 : i32 to index
        %swap3A_963 = arith.constant 0 : index
        %swap3A_964 = tpu.vector_load %arg11[%swap3A_961, %swap3A_962, %swap3A_963] {strides = array<i32>} : memref<2x200x64xf32, #tpu.memory_space<vmem>>, vector<16xf32>,
        tpu.vector_store %arg11[%swap3A_961, %swap3A_962, %swap3A_963], %add3A_959 {strides = array<i32>} : memref<2x200x64xf32, #tpu.memory_space<vmem>>, vector<16xf32>,
        %sub3A_965 = vector.broadcast %mul3A_920 : f32 to vector<16xf32>
        %sub3A_966 = arith.subf %add3A_886, %sub3A_965 : vector<16xf32>
        %mul3A_967 = arith.mulf %sub3A_966, %mul3A_954 : vector<16xf32>
        %mul3A_968 = arith.mulf %mul3A_967, %get3A_273 : vector<16xf32>
        %add3A_969 = arith.addf %mul3A_968, %get3A_281 : vector<16xf32>
        %swap3A_970 = arith.constant 1 : i32
        %swap3A_971 = arith.index_cast %swap3A_970 : i32 to index
        %swap3A_972 = arith.index_cast %add3A_868 : i32 to index
        %swap3A_973 = arith.constant 16 : index
        %swap3A_974 = tpu.vector_load %arg11[%swap3A_971, %swap3A_972, %swap3A_973] {strides = array<i32>} : memref<2x200x64xf32, #tpu.memory_space<vmem>>, vector<16xf32>,
        tpu.vector_store %arg11[%swap3A_971, %swap3A_972, %swap3A_973], %add3A_969 {strides = array<i32>} : memref<2x200x64xf32, #tpu.memory_space<vmem>>, vector<16xf32>,
        %sub3A_975 = vector.broadcast %mul3A_920 : f32 to vector<16xf32>
        %sub3A_976 = arith.subf %add3A_895, %sub3A_975 : vector<16xf32>
        %mul3A_977 = arith.mulf %sub3A_976, %mul3A_954 : vector<16xf32>
        %mul3A_978 = arith.mulf %mul3A_977, %get3A_275 : vector<16xf32>
        %add3A_979 = arith.addf %mul3A_978, %get3A_283 : vector<16xf32>
        %swap3A_980 = arith.constant 1 : i32
        %swap3A_981 = arith.index_cast %swap3A_980 : i32 to index
        %swap3A_982 = arith.index_cast %add3A_868 : i32 to index
        %swap3A_983 = arith.constant 32 : index
        %swap3A_984 = tpu.vector_load %arg11[%swap3A_981, %swap3A_982, %swap3A_983] {strides = array<i32>} : memref<2x200x64xf32, #tpu.memory_space<vmem>>, vector<16xf32>,
        tpu.vector_store %arg11[%swap3A_981, %swap3A_982, %swap3A_983], %add3A_979 {strides = array<i32>} : memref<2x200x64xf32, #tpu.memory_space<vmem>>, vector<16xf32>,
        %sub3A_985 = vector.broadcast %mul3A_920 : f32 to vector<16xf32>
        %sub3A_986 = arith.subf %add3A_904, %sub3A_985 : vector<16xf32>
        %mul3A_987 = arith.mulf %sub3A_986, %mul3A_954 : vector<16xf32>
        %mul3A_988 = arith.mulf %mul3A_987, %get3A_277 : vector<16xf32>
        %add3A_989 = arith.addf %mul3A_988, %get3A_285 : vector<16xf32>
        %swap3A_990 = arith.constant 1 : i32
        %swap3A_991 = arith.index_cast %swap3A_990 : i32 to index
        %swap3A_992 = arith.index_cast %add3A_868 : i32 to index
        %swap3A_993 = arith.constant 48 : index
        %swap3A_994 = tpu.vector_load %arg11[%swap3A_991, %swap3A_992, %swap3A_993] {strides = array<i32>} : memref<2x200x64xf32, #tpu.memory_space<vmem>>, vector<16xf32>,
        tpu.vector_store %arg11[%swap3A_991, %swap3A_992, %swap3A_993], %add3A_989 {strides = array<i32>} : memref<2x200x64xf32, #tpu.memory_space<vmem>>, vector<16xf32>,
      }
      %scan3A_290 = arith.constant 50 : i32
      %mul3A_291 = arith.constant 200 : i32
      %mul3A_292 = arith.muli %add3A_232, %mul3A_291 : i32
      %add3A_293 = arith.addi %mul3A_2, %mul3A_292 : i32
      %dma_start3A_294 = arith.constant 1 : i32
      %dma_start3A_295 = arith.constant 0 : i32
      %dma_start3A_296 = arith.constant 0 : i32
      %dma_start3A_297 = tpu.memref_slice %arg11[%dma_start3A_294, %dma_start3A_295, %dma_start3A_296] : memref<2x200x64xf32, #tpu.memory_space<vmem>> -> memref<1x200x64xf32, #tpu.memory_space<vmem>>
      %dma_start3A_298 = tpu.memref_squeeze %dma_start3A_297 : memref<1x200x64xf32, #tpu.memory_space<vmem>> -> memref<200x64xf32, #tpu.memory_space<vmem>>
      %dma_start3A_299 = arith.constant 0 : i32
      %dma_start3A_300 = tpu.memref_slice %arg8[%add3A_293, %dma_start3A_299] : memref<819200x64xf32, #tpu.memory_space<hbm>> -> memref<200x64xf32, #tpu.memory_space<hbm>>
      %dma_start3A_301 = arith.constant 0 : i32
      %dma_start3A_302 = tpu.memref_slice %arg8[%add3A_293, %dma_start3A_301] : memref<819200x64xf32, #tpu.memory_space<hbm>> -> memref<200x64xf32, #tpu.memory_space<hbm>>
      %dma_start3A_303 = arith.constant 0 : i32
      %dma_start3A_304 = arith.constant 0 : i32
      %dma_start3A_305 = tpu.memref_slice %arg11[%dma_start3A_294, %dma_start3A_303, %dma_start3A_304] : memref<2x200x64xf32, #tpu.memory_space<vmem>> -> memref<1x200x64xf32, #tpu.memory_space<vmem>>
      %dma_start3A_306 = tpu.memref_squeeze %dma_start3A_305 : memref<1x200x64xf32, #tpu.memory_space<vmem>> -> memref<200x64xf32, #tpu.memory_space<vmem>>
      tpu.enqueue_dma source(%dma_start3A_306 : memref<200x64xf32, #tpu.memory_space<vmem>>) target(%dma_start3A_302 : memref<200x64xf32, #tpu.memory_space<hbm>>) target_semaphore(%arg21 : memref<!tpu.dma_semaphore, #tpu.memory_space<semaphore_mem>>)
      %add3A_307 = arith.constant 4 : i32
      %add3A_308 = arith.addi %add3A_232, %add3A_307 : i32
      %lt3A_309 = arith.constant 128 : i32
      %lt3A_310 = arith.cmpi slt, %add3A_308, %lt3A_309 : i32
      %convert_element_type3A_311 = arith.extui %lt3A_310 : i1 to i32
      %cond3A_312 = arith.constant 0 : i32
      %cond3A_313 = arith.cmpi ne, %convert_element_type3A_311, %cond3A_312 : i32
      scf.if %cond3A_313 {
        %add3A_484 = arith.constant 4 : i32
        %add3A_485 = arith.addi %add3A_232, %add3A_484 : i32
        %mul3A_486 = arith.constant 200 : i32
        %mul3A_487 = arith.muli %add3A_485, %mul3A_486 : i32
        %add3A_488 = arith.constant 0 : i32
        %add3A_489 = arith.addi %mul3A_487, %add3A_488 : i32
        %dma_start3A_490 = arith.constant 1 : i32
        %dma_start3A_491 = arith.constant 0 : i32
        %dma_start3A_492 = arith.constant 0 : i32
        %dma_start3A_493 = tpu.memref_slice %arg10[%dma_start3A_490, %dma_start3A_491, %dma_start3A_492] : memref<4x200x64xf32, #tpu.memory_space<vmem>> -> memref<1x200x64xf32, #tpu.memory_space<vmem>>
        %dma_start3A_494 = tpu.memref_squeeze %dma_start3A_493 : memref<1x200x64xf32, #tpu.memory_space<vmem>> -> memref<200x64xf32, #tpu.memory_space<vmem>>
        %dma_start3A_495 = arith.constant 0 : i32
        %dma_start3A_496 = arith.constant 0 : i32
        %dma_start3A_497 = tpu.memref_slice %dma_start3A_494[%dma_start3A_495, %dma_start3A_496] : memref<200x64xf32, #tpu.memory_space<vmem>> -> memref<104x64xf32, #tpu.memory_space<vmem>>
        %dma_start3A_498 = tpu.memref_slice %arg9[%add3A_489] : memref<25600xi32, #tpu.memory_space<vmem>> -> memref<104xi32, #tpu.memory_space<vmem>>
        %dma_start3A_499 = arith.constant 0 : i32
        %dma_start3A_500 = arith.constant 0 : i32
        %dma_start3A_501 = tpu.memref_slice %arg3[%dma_start3A_499, %dma_start3A_500] : memref<1000000x64xf32, #tpu.memory_space<hbm>> -> memref<1000000x64xf32, #tpu.memory_space<hbm>>
        tpu.enqueue_indirect_dma source(%dma_start3A_501 : memref<1000000x64xf32, #tpu.memory_space<hbm>>) target(%dma_start3A_497 : memref<104x64xf32, #tpu.memory_space<vmem>>) offsets(%dma_start3A_498 : memref<104xi32, #tpu.memory_space<vmem>>) semaphore(%arg17 : memref<!tpu.dma_semaphore, #tpu.memory_space<semaphore_mem>>)
        %mul3A_502 = arith.constant 200 : i32
        %mul3A_503 = arith.muli %add3A_485, %mul3A_502 : i32
        %add3A_504 = arith.constant 104 : i32
        %add3A_505 = arith.addi %mul3A_503, %add3A_504 : i32
        %dma_start3A_506 = arith.constant 1 : i32
        %dma_start3A_507 = arith.constant 0 : i32
        %dma_start3A_508 = arith.constant 0 : i32
        %dma_start3A_509 = tpu.memref_slice %arg10[%dma_start3A_506, %dma_start3A_507, %dma_start3A_508] : memref<4x200x64xf32, #tpu.memory_space<vmem>> -> memref<1x200x64xf32, #tpu.memory_space<vmem>>
        %dma_start3A_510 = tpu.memref_squeeze %dma_start3A_509 : memref<1x200x64xf32, #tpu.memory_space<vmem>> -> memref<200x64xf32, #tpu.memory_space<vmem>>
        %dma_start3A_511 = arith.constant 104 : i32
        %dma_start3A_512 = arith.constant 0 : i32
        %dma_start3A_513 = tpu.memref_slice %dma_start3A_510[%dma_start3A_511, %dma_start3A_512] : memref<200x64xf32, #tpu.memory_space<vmem>> -> memref<96x64xf32, #tpu.memory_space<vmem>>
        %dma_start3A_514 = tpu.memref_slice %arg9[%add3A_505] : memref<25600xi32, #tpu.memory_space<vmem>> -> memref<96xi32, #tpu.memory_space<vmem>>
        %dma_start3A_515 = arith.constant 0 : i32
        %dma_start3A_516 = arith.constant 0 : i32
        %dma_start3A_517 = tpu.memref_slice %arg3[%dma_start3A_515, %dma_start3A_516] : memref<1000000x64xf32, #tpu.memory_space<hbm>> -> memref<1000000x64xf32, #tpu.memory_space<hbm>>
        tpu.enqueue_indirect_dma source(%dma_start3A_517 : memref<1000000x64xf32, #tpu.memory_space<hbm>>) target(%dma_start3A_513 : memref<96x64xf32, #tpu.memory_space<vmem>>) offsets(%dma_start3A_514 : memref<96xi32, #tpu.memory_space<vmem>>) semaphore(%arg17 : memref<!tpu.dma_semaphore, #tpu.memory_space<semaphore_mem>>)
      } else {
      }
      %mul3A_314 = arith.constant 4 : i32
      %mul3A_315 = arith.muli %add3A_148, %mul3A_314 : i32
      %add3A_316 = arith.constant 2 : i32
      %add3A_317 = arith.addi %mul3A_315, %add3A_316 : i32
      %mul3A_318 = arith.constant 200 : i32
      %mul3A_319 = arith.muli %add3A_317, %mul3A_318 : i32
      %add3A_320 = arith.constant 0 : i32
      %add3A_321 = arith.addi %mul3A_319, %add3A_320 : i32
      %dma_wait3A_322 = arith.constant 2 : i32
      %dma_wait3A_323 = arith.constant 0 : i32
      %dma_wait3A_324 = arith.constant 0 : i32
      %dma_wait3A_325 = tpu.memref_slice %arg10[%dma_wait3A_322, %dma_wait3A_323, %dma_wait3A_324] : memref<4x200x64xf32, #tpu.memory_space<vmem>> -> memref<1x200x64xf32, #tpu.memory_space<vmem>>
      %dma_wait3A_326 = tpu.memref_squeeze %dma_wait3A_325 : memref<1x200x64xf32, #tpu.memory_space<vmem>> -> memref<200x64xf32, #tpu.memory_space<vmem>>
      %dma_wait3A_327 = arith.constant 0 : i32
      %dma_wait3A_328 = arith.constant 0 : i32
      %dma_wait3A_329 = tpu.memref_slice %dma_wait3A_326[%dma_wait3A_327, %dma_wait3A_328] : memref<200x64xf32, #tpu.memory_space<vmem>> -> memref<104x64xf32, #tpu.memory_space<vmem>>
      %dma_wait3A_330 = tpu.memref_slice %arg9[%add3A_321] : memref<25600xi32, #tpu.memory_space<vmem>> -> memref<104xi32, #tpu.memory_space<vmem>>
      %dma_wait3A_331 = arith.constant 0 : i32
      %dma_wait3A_332 = arith.constant 0 : i32
      %dma_wait3A_333 = tpu.memref_slice %arg3[%dma_wait3A_331, %dma_wait3A_332] : memref<1000000x64xf32, #tpu.memory_space<hbm>> -> memref<1000000x64xf32, #tpu.memory_space<hbm>>
      tpu.wait_indirect_dma semaphore(%arg18 : memref<!tpu.dma_semaphore, #tpu.memory_space<semaphore_mem>>) src(%dma_wait3A_333 : memref<1000000x64xf32, #tpu.memory_space<hbm>>) dst(%dma_wait3A_329 : memref<104x64xf32, #tpu.memory_space<vmem>>)
      %mul3A_334 = arith.constant 200 : i32
      %mul3A_335 = arith.muli %add3A_317, %mul3A_334 : i32
      %add3A_336 = arith.constant 104 : i32
      %add3A_337 = arith.addi %mul3A_335, %add3A_336 : i32
      %dma_wait3A_338 = arith.constant 2 : i32
      %dma_wait3A_339 = arith.constant 0 : i32
      %dma_wait3A_340 = arith.constant 0 : i32
      %dma_wait3A_341 = tpu.memref_slice %arg10[%dma_wait3A_338, %dma_wait3A_339, %dma_wait3A_340] : memref<4x200x64xf32, #tpu.memory_space<vmem>> -> memref<1x200x64xf32, #tpu.memory_space<vmem>>
      %dma_wait3A_342 = tpu.memref_squeeze %dma_wait3A_341 : memref<1x200x64xf32, #tpu.memory_space<vmem>> -> memref<200x64xf32, #tpu.memory_space<vmem>>
      %dma_wait3A_343 = arith.constant 104 : i32
      %dma_wait3A_344 = arith.constant 0 : i32
      %dma_wait3A_345 = tpu.memref_slice %dma_wait3A_342[%dma_wait3A_343, %dma_wait3A_344] : memref<200x64xf32, #tpu.memory_space<vmem>> -> memref<96x64xf32, #tpu.memory_space<vmem>>
      %dma_wait3A_346 = tpu.memref_slice %arg9[%add3A_337] : memref<25600xi32, #tpu.memory_space<vmem>> -> memref<96xi32, #tpu.memory_space<vmem>>
      %dma_wait3A_347 = arith.constant 0 : i32
      %dma_wait3A_348 = arith.constant 0 : i32
      %dma_wait3A_349 = tpu.memref_slice %arg3[%dma_wait3A_347, %dma_wait3A_348] : memref<1000000x64xf32, #tpu.memory_space<hbm>> -> memref<1000000x64xf32, #tpu.memory_space<hbm>>
      tpu.wait_indirect_dma semaphore(%arg18 : memref<!tpu.dma_semaphore, #tpu.memory_space<semaphore_mem>>) src(%dma_wait3A_349 : memref<1000000x64xf32, #tpu.memory_space<hbm>>) dst(%dma_wait3A_345 : memref<96x64xf32, #tpu.memory_space<vmem>>)
      %gt3A_350 = arith.constant 1 : i32
      %gt3A_351 = arith.cmpi sgt, %add3A_317, %gt3A_350 : i32
      %convert_element_type3A_352 = arith.extui %gt3A_351 : i1 to i32
      %cond3A_353 = arith.constant 0 : i32
      %cond3A_354 = arith.cmpi ne, %convert_element_type3A_352, %cond3A_353 : i32
      scf.if %cond3A_354 {
        %sub3A = arith.constant 2 : i32
        %sub3A_484 = arith.subi %add3A_317, %sub3A : i32
        %mul3A_485 = arith.constant 200 : i32
        %mul3A_486 = arith.muli %sub3A_484, %mul3A_485 : i32
        %add3A_487 = arith.addi %mul3A_2, %mul3A_486 : i32
        %dma_wait3A_488 = arith.constant 0 : i32
        %dma_wait3A_489 = arith.constant 0 : i32
        %dma_wait3A_490 = arith.constant 0 : i32
        %dma_wait3A_491 = tpu.memref_slice %arg11[%dma_wait3A_488, %dma_wait3A_489, %dma_wait3A_490] : memref<2x200x64xf32, #tpu.memory_space<vmem>> -> memref<1x200x64xf32, #tpu.memory_space<vmem>>
        %dma_wait3A_492 = tpu.memref_squeeze %dma_wait3A_491 : memref<1x200x64xf32, #tpu.memory_space<vmem>> -> memref<200x64xf32, #tpu.memory_space<vmem>>
        %dma_wait3A_493 = arith.constant 0 : i32
        %dma_wait3A_494 = tpu.memref_slice %arg8[%add3A_487, %dma_wait3A_493] : memref<819200x64xf32, #tpu.memory_space<hbm>> -> memref<200x64xf32, #tpu.memory_space<hbm>>
        %dma_wait3A_495 = arith.constant 0 : i32
        %dma_wait3A_496 = tpu.memref_slice %arg8[%add3A_487, %dma_wait3A_495] : memref<819200x64xf32, #tpu.memory_space<hbm>> -> memref<200x64xf32, #tpu.memory_space<hbm>>
        %dma_wait3A_497 = arith.constant 0 : i32
        %dma_wait3A_498 = arith.constant 0 : i32
        %dma_wait3A_499 = tpu.memref_slice %arg11[%dma_wait3A_488, %dma_wait3A_497, %dma_wait3A_498] : memref<2x200x64xf32, #tpu.memory_space<vmem>> -> memref<1x200x64xf32, #tpu.memory_space<vmem>>
        %dma_wait3A_500 = tpu.memref_squeeze %dma_wait3A_499 : memref<1x200x64xf32, #tpu.memory_space<vmem>> -> memref<200x64xf32, #tpu.memory_space<vmem>>
        tpu.wait_dma2 semaphore(%arg20 : memref<!tpu.dma_semaphore, #tpu.memory_space<semaphore_mem>>) src(%dma_wait3A_500 : memref<200x64xf32, #tpu.memory_space<vmem>>) dst(%dma_wait3A_496 : memref<200x64xf32, #tpu.memory_space<hbm>>)
      } else {
      }
      %get3A_355 = arith.constant 0 : index
      %get3A_356 = tpu.vector_load %arg13[%get3A_355] {strides = array<i32>} : memref<64xf32, #tpu.memory_space<vmem>>, vector<16xf32>,
      %get3A_357 = arith.constant 16 : index
      %get3A_358 = tpu.vector_load %arg13[%get3A_357] {strides = array<i32>} : memref<64xf32, #tpu.memory_space<vmem>>, vector<16xf32>,
      %get3A_359 = arith.constant 32 : index
      %get3A_360 = tpu.vector_load %arg13[%get3A_359] {strides = array<i32>} : memref<64xf32, #tpu.memory_space<vmem>>, vector<16xf32>,
      %get3A_361 = arith.constant 48 : index
      %get3A_362 = tpu.vector_load %arg13[%get3A_361] {strides = array<i32>} : memref<64xf32, #tpu.memory_space<vmem>>, vector<16xf32>,
      %get3A_363 = arith.constant 0 : index
      %get3A_364 = tpu.vector_load %arg14[%get3A_363] {strides = array<i32>} : memref<64xf32, #tpu.memory_space<vmem>>, vector<16xf32>,
      %get3A_365 = arith.constant 16 : index
      %get3A_366 = tpu.vector_load %arg14[%get3A_365] {strides = array<i32>} : memref<64xf32, #tpu.memory_space<vmem>>, vector<16xf32>,
      %get3A_367 = arith.constant 32 : index
      %get3A_368 = tpu.vector_load %arg14[%get3A_367] {strides = array<i32>} : memref<64xf32, #tpu.memory_space<vmem>>, vector<16xf32>,
      %get3A_369 = arith.constant 48 : index
      %get3A_370 = tpu.vector_load %arg14[%get3A_369] {strides = array<i32>} : memref<64xf32, #tpu.memory_space<vmem>>, vector<16xf32>,
      %scan3A_371 = arith.constant 0 : i32
      %scan3A_372 = arith.constant 50 : i32
      %scan3A_373 = arith.addi %scan3A_371, %scan3A_372 : i32
      %scan3A_374 = arith.constant 1 : i32
      scf.for %scan3A_484 = %scan3A_371 to %scan3A_373 step %scan3A_374  : i32 {
        %mul3A_485 = arith.constant 4 : i32
        %mul3A_486 = arith.muli %scan3A_484, %mul3A_485 : i32
        %add3A_487 = arith.constant 0 : i32
        %add3A_488 = arith.addi %add3A_487, %mul3A_486 : i32
        %add3A_489 = arith.constant 0 : i32
        %add3A_490 = arith.addi %add3A_488, %add3A_489 : i32
        %get3A_491 = arith.constant 2 : i32
        %get3A_492 = arith.index_cast %get3A_491 : i32 to index
        %get3A_493 = arith.index_cast %add3A_490 : i32 to index
        %get3A_494 = arith.constant 0 : index
        %get3A_495 = tpu.vector_load %arg10[%get3A_492, %get3A_493, %get3A_494] {strides = array<i32>} : memref<4x200x64xf32, #tpu.memory_space<vmem>>, vector<16xf32>,
        %get3A_496 = arith.index_cast %add3A_490 : i32 to index
        %get3A_497 = arith.constant 0 : index
        %get3A_498 = tpu.vector_load %arg12[%get3A_496, %get3A_497] {strides = array<i32>} : memref<200x64xf32, #tpu.memory_space<vmem>>, vector<16xf32>,
        %add3A_499 = arith.addf %get3A_495, %get3A_498 : vector<16xf32>
        %get3A_500 = arith.constant 2 : i32
        %get3A_501 = arith.index_cast %get3A_500 : i32 to index
        %get3A_502 = arith.index_cast %add3A_490 : i32 to index
        %get3A_503 = arith.constant 16 : index
        %get3A_504 = tpu.vector_load %arg10[%get3A_501, %get3A_502, %get3A_503] {strides = array<i32>} : memref<4x200x64xf32, #tpu.memory_space<vmem>>, vector<16xf32>,
        %get3A_505 = arith.index_cast %add3A_490 : i32 to index
        %get3A_506 = arith.constant 16 : index
        %get3A_507 = tpu.vector_load %arg12[%get3A_505, %get3A_506] {strides = array<i32>} : memref<200x64xf32, #tpu.memory_space<vmem>>, vector<16xf32>,
        %add3A_508 = arith.addf %get3A_504, %get3A_507 : vector<16xf32>
        %get3A_509 = arith.constant 2 : i32
        %get3A_510 = arith.index_cast %get3A_509 : i32 to index
        %get3A_511 = arith.index_cast %add3A_490 : i32 to index
        %get3A_512 = arith.constant 32 : index
        %get3A_513 = tpu.vector_load %arg10[%get3A_510, %get3A_511, %get3A_512] {strides = array<i32>} : memref<4x200x64xf32, #tpu.memory_space<vmem>>, vector<16xf32>,
        %get3A_514 = arith.index_cast %add3A_490 : i32 to index
        %get3A_515 = arith.constant 32 : index
        %get3A_516 = tpu.vector_load %arg12[%get3A_514, %get3A_515] {strides = array<i32>} : memref<200x64xf32, #tpu.memory_space<vmem>>, vector<16xf32>,
        %add3A_517 = arith.addf %get3A_513, %get3A_516 : vector<16xf32>
        %get3A_518 = arith.constant 2 : i32
        %get3A_519 = arith.index_cast %get3A_518 : i32 to index
        %get3A_520 = arith.index_cast %add3A_490 : i32 to index
        %get3A_521 = arith.constant 48 : index
        %get3A_522 = tpu.vector_load %arg10[%get3A_519, %get3A_520, %get3A_521] {strides = array<i32>} : memref<4x200x64xf32, #tpu.memory_space<vmem>>, vector<16xf32>,
        %get3A_523 = arith.index_cast %add3A_490 : i32 to index
        %get3A_524 = arith.constant 48 : index
        %get3A_525 = tpu.vector_load %arg12[%get3A_523, %get3A_524] {strides = array<i32>} : memref<200x64xf32, #tpu.memory_space<vmem>>, vector<16xf32>,
        %add3A_526 = arith.addf %get3A_522, %get3A_525 : vector<16xf32>
        %add3A_527 = arith.addf %add3A_499, %add3A_508 : vector<16xf32>
        %add3A_528 = arith.addf %add3A_517, %add3A_526 : vector<16xf32>
        %add3A_529 = arith.addf %add3A_527, %add3A_528 : vector<16xf32>
        %mul3A_530 = arith.mulf %add3A_499, %add3A_499 : vector<16xf32>
        %mul3A_531 = arith.mulf %add3A_508, %add3A_508 : vector<16xf32>
        %add3A_532 = arith.addf %mul3A_530, %mul3A_531 : vector<16xf32>
        %mul3A_533 = arith.mulf %add3A_517, %add3A_517 : vector<16xf32>
        %mul3A_534 = arith.mulf %add3A_526, %add3A_526 : vector<16xf32>
        %add3A_535 = arith.addf %mul3A_533, %mul3A_534 : vector<16xf32>
        %add3A_536 = arith.addf %add3A_532, %add3A_535 : vector<16xf32>
        %reduce_sum3A = arith.constant true
        %reduce_sum3A_537 = vector.broadcast %reduce_sum3A : i1 to vector<16xi1>
        %reduce_sum3A_538 = tpu.scan <sum>, %add3A_529 masked %reduce_sum3A_537 : vector<16xf32>, vector<16xi1> -> vector<16xf32>
        %reduce_sum3A_539 = vector.extract %reduce_sum3A_538[15] : f32 from vector<16xf32>
        %mul3A_540 = arith.constant 1.562500e-02 : f32
        %mul3A_541 = arith.mulf %reduce_sum3A_539, %mul3A_540 : f32
        %reduce_sum3A_542 = arith.constant true
        %reduce_sum3A_543 = vector.broadcast %reduce_sum3A_542 : i1 to vector<16xi1>
        %reduce_sum3A_544 = tpu.scan <sum>, %add3A_536 masked %reduce_sum3A_543 : vector<16xf32>, vector<16xi1> -> vector<16xf32>
        %reduce_sum3A_545 = vector.extract %reduce_sum3A_544[15] : f32 from vector<16xf32>
        %mul3A_546 = arith.constant 1.562500e-02 : f32
        %mul3A_547 = arith.mulf %reduce_sum3A_545, %mul3A_546 : f32
        %mul3A_548 = arith.mulf %mul3A_541, %mul3A_541 : f32
        %sub3A = arith.subf %mul3A_547, %mul3A_548 : f32
        %add3A_549 = arith.constant 9.99999996E-13 : f32
        %add3A_550 = arith.addf %sub3A, %add3A_549 : f32
        %broadcast_in_dim3A = vector.broadcast %add3A_550 : f32 to vector<16xf32>
        %bitcast3A = vector.bitcast %broadcast_in_dim3A : vector<16xf32> to vector<16xi32>
        %shift_right_logical3A = arith.constant 1 : i32
        %shift_right_logical3A_551 = vector.broadcast %shift_right_logical3A : i32 to vector<16xi32>
        %shift_right_logical3A_552 = arith.shrui %bitcast3A, %shift_right_logical3A_551 : vector<16xi32>
        %sub3A_553 = arith.constant 1597463007 : i32
        %sub3A_554 = vector.broadcast %sub3A_553 : i32 to vector<16xi32>
        %sub3A_555 = arith.subi %sub3A_554, %shift_right_logical3A_552 : vector<16xi32>
        %bitcast3A_556 = vector.bitcast %sub3A_555 : vector<16xi32> to vector<16xf32>
        %mul3A_557 = arith.constant 5.000000e-01 : f32
        %mul3A_558 = vector.broadcast %mul3A_557 : f32 to vector<16xf32>
        %mul3A_559 = arith.mulf %broadcast_in_dim3A, %mul3A_558 : vector<16xf32>
        %mul3A_560 = arith.mulf %mul3A_559, %bitcast3A_556 : vector<16xf32>
        %mul3A_561 = arith.mulf %mul3A_560, %bitcast3A_556 : vector<16xf32>
        %sub3A_562 = arith.constant 1.500000e+00 : f32
        %sub3A_563 = vector.broadcast %sub3A_562 : f32 to vector<16xf32>
        %sub3A_564 = arith.subf %sub3A_563, %mul3A_561 : vector<16xf32>
        %mul3A_565 = arith.mulf %bitcast3A_556, %sub3A_564 : vector<16xf32>
        %mul3A_566 = arith.mulf %mul3A_559, %mul3A_565 : vector<16xf32>
        %mul3A_567 = arith.mulf %mul3A_566, %mul3A_565 : vector<16xf32>
        %sub3A_568 = arith.constant 1.500000e+00 : f32
        %sub3A_569 = vector.broadcast %sub3A_568 : f32 to vector<16xf32>
        %sub3A_570 = arith.subf %sub3A_569, %mul3A_567 : vector<16xf32>
        %mul3A_571 = arith.mulf %mul3A_565, %sub3A_570 : vector<16xf32>
        %sub3A_572 = vector.broadcast %mul3A_541 : f32 to vector<16xf32>
        %sub3A_573 = arith.subf %add3A_499, %sub3A_572 : vector<16xf32>
        %mul3A_574 = arith.mulf %sub3A_573, %mul3A_571 : vector<16xf32>
        %mul3A_575 = arith.mulf %mul3A_574, %get3A_356 : vector<16xf32>
        %add3A_576 = arith.addf %mul3A_575, %get3A_364 : vector<16xf32>
        %swap3A = arith.constant 0 : i32
        %swap3A_577 = arith.index_cast %swap3A : i32 to index
        %swap3A_578 = arith.index_cast %add3A_490 : i32 to index
        %swap3A_579 = arith.constant 0 : index
        %swap3A_580 = tpu.vector_load %arg11[%swap3A_577, %swap3A_578, %swap3A_579] {strides = array<i32>} : memref<2x200x64xf32, #tpu.memory_space<vmem>>, vector<16xf32>,
        tpu.vector_store %arg11[%swap3A_577, %swap3A_578, %swap3A_579], %add3A_576 {strides = array<i32>} : memref<2x200x64xf32, #tpu.memory_space<vmem>>, vector<16xf32>,
        %sub3A_581 = vector.broadcast %mul3A_541 : f32 to vector<16xf32>
        %sub3A_582 = arith.subf %add3A_508, %sub3A_581 : vector<16xf32>
        %mul3A_583 = arith.mulf %sub3A_582, %mul3A_571 : vector<16xf32>
        %mul3A_584 = arith.mulf %mul3A_583, %get3A_358 : vector<16xf32>
        %add3A_585 = arith.addf %mul3A_584, %get3A_366 : vector<16xf32>
        %swap3A_586 = arith.constant 0 : i32
        %swap3A_587 = arith.index_cast %swap3A_586 : i32 to index
        %swap3A_588 = arith.index_cast %add3A_490 : i32 to index
        %swap3A_589 = arith.constant 16 : index
        %swap3A_590 = tpu.vector_load %arg11[%swap3A_587, %swap3A_588, %swap3A_589] {strides = array<i32>} : memref<2x200x64xf32, #tpu.memory_space<vmem>>, vector<16xf32>,
        tpu.vector_store %arg11[%swap3A_587, %swap3A_588, %swap3A_589], %add3A_585 {strides = array<i32>} : memref<2x200x64xf32, #tpu.memory_space<vmem>>, vector<16xf32>,
        %sub3A_591 = vector.broadcast %mul3A_541 : f32 to vector<16xf32>
        %sub3A_592 = arith.subf %add3A_517, %sub3A_591 : vector<16xf32>
        %mul3A_593 = arith.mulf %sub3A_592, %mul3A_571 : vector<16xf32>
        %mul3A_594 = arith.mulf %mul3A_593, %get3A_360 : vector<16xf32>
        %add3A_595 = arith.addf %mul3A_594, %get3A_368 : vector<16xf32>
        %swap3A_596 = arith.constant 0 : i32
        %swap3A_597 = arith.index_cast %swap3A_596 : i32 to index
        %swap3A_598 = arith.index_cast %add3A_490 : i32 to index
        %swap3A_599 = arith.constant 32 : index
        %swap3A_600 = tpu.vector_load %arg11[%swap3A_597, %swap3A_598, %swap3A_599] {strides = array<i32>} : memref<2x200x64xf32, #tpu.memory_space<vmem>>, vector<16xf32>,
        tpu.vector_store %arg11[%swap3A_597, %swap3A_598, %swap3A_599], %add3A_595 {strides = array<i32>} : memref<2x200x64xf32, #tpu.memory_space<vmem>>, vector<16xf32>,
        %sub3A_601 = vector.broadcast %mul3A_541 : f32 to vector<16xf32>
        %sub3A_602 = arith.subf %add3A_526, %sub3A_601 : vector<16xf32>
        %mul3A_603 = arith.mulf %sub3A_602, %mul3A_571 : vector<16xf32>
        %mul3A_604 = arith.mulf %mul3A_603, %get3A_362 : vector<16xf32>
        %add3A_605 = arith.addf %mul3A_604, %get3A_370 : vector<16xf32>
        %swap3A_606 = arith.constant 0 : i32
        %swap3A_607 = arith.index_cast %swap3A_606 : i32 to index
        %swap3A_608 = arith.index_cast %add3A_490 : i32 to index
        %swap3A_609 = arith.constant 48 : index
        %swap3A_610 = tpu.vector_load %arg11[%swap3A_607, %swap3A_608, %swap3A_609] {strides = array<i32>} : memref<2x200x64xf32, #tpu.memory_space<vmem>>, vector<16xf32>,
        tpu.vector_store %arg11[%swap3A_607, %swap3A_608, %swap3A_609], %add3A_605 {strides = array<i32>} : memref<2x200x64xf32, #tpu.memory_space<vmem>>, vector<16xf32>,
        %add3A_611 = arith.constant 1 : i32
        %add3A_612 = arith.addi %add3A_488, %add3A_611 : i32
        %get3A_613 = arith.constant 2 : i32
        %get3A_614 = arith.index_cast %get3A_613 : i32 to index
        %get3A_615 = arith.index_cast %add3A_612 : i32 to index
        %get3A_616 = arith.constant 0 : index
        %get3A_617 = tpu.vector_load %arg10[%get3A_614, %get3A_615, %get3A_616] {strides = array<i32>} : memref<4x200x64xf32, #tpu.memory_space<vmem>>, vector<16xf32>,
        %get3A_618 = arith.index_cast %add3A_612 : i32 to index
        %get3A_619 = arith.constant 0 : index
        %get3A_620 = tpu.vector_load %arg12[%get3A_618, %get3A_619] {strides = array<i32>} : memref<200x64xf32, #tpu.memory_space<vmem>>, vector<16xf32>,
        %add3A_621 = arith.addf %get3A_617, %get3A_620 : vector<16xf32>
        %get3A_622 = arith.constant 2 : i32
        %get3A_623 = arith.index_cast %get3A_622 : i32 to index
        %get3A_624 = arith.index_cast %add3A_612 : i32 to index
        %get3A_625 = arith.constant 16 : index
        %get3A_626 = tpu.vector_load %arg10[%get3A_623, %get3A_624, %get3A_625] {strides = array<i32>} : memref<4x200x64xf32, #tpu.memory_space<vmem>>, vector<16xf32>,
        %get3A_627 = arith.index_cast %add3A_612 : i32 to index
        %get3A_628 = arith.constant 16 : index
        %get3A_629 = tpu.vector_load %arg12[%get3A_627, %get3A_628] {strides = array<i32>} : memref<200x64xf32, #tpu.memory_space<vmem>>, vector<16xf32>,
        %add3A_630 = arith.addf %get3A_626, %get3A_629 : vector<16xf32>
        %get3A_631 = arith.constant 2 : i32
        %get3A_632 = arith.index_cast %get3A_631 : i32 to index
        %get3A_633 = arith.index_cast %add3A_612 : i32 to index
        %get3A_634 = arith.constant 32 : index
        %get3A_635 = tpu.vector_load %arg10[%get3A_632, %get3A_633, %get3A_634] {strides = array<i32>} : memref<4x200x64xf32, #tpu.memory_space<vmem>>, vector<16xf32>,
        %get3A_636 = arith.index_cast %add3A_612 : i32 to index
        %get3A_637 = arith.constant 32 : index
        %get3A_638 = tpu.vector_load %arg12[%get3A_636, %get3A_637] {strides = array<i32>} : memref<200x64xf32, #tpu.memory_space<vmem>>, vector<16xf32>,
        %add3A_639 = arith.addf %get3A_635, %get3A_638 : vector<16xf32>
        %get3A_640 = arith.constant 2 : i32
        %get3A_641 = arith.index_cast %get3A_640 : i32 to index
        %get3A_642 = arith.index_cast %add3A_612 : i32 to index
        %get3A_643 = arith.constant 48 : index
        %get3A_644 = tpu.vector_load %arg10[%get3A_641, %get3A_642, %get3A_643] {strides = array<i32>} : memref<4x200x64xf32, #tpu.memory_space<vmem>>, vector<16xf32>,
        %get3A_645 = arith.index_cast %add3A_612 : i32 to index
        %get3A_646 = arith.constant 48 : index
        %get3A_647 = tpu.vector_load %arg12[%get3A_645, %get3A_646] {strides = array<i32>} : memref<200x64xf32, #tpu.memory_space<vmem>>, vector<16xf32>,
        %add3A_648 = arith.addf %get3A_644, %get3A_647 : vector<16xf32>
        %add3A_649 = arith.addf %add3A_621, %add3A_630 : vector<16xf32>
        %add3A_650 = arith.addf %add3A_639, %add3A_648 : vector<16xf32>
        %add3A_651 = arith.addf %add3A_649, %add3A_650 : vector<16xf32>
        %mul3A_652 = arith.mulf %add3A_621, %add3A_621 : vector<16xf32>
        %mul3A_653 = arith.mulf %add3A_630, %add3A_630 : vector<16xf32>
        %add3A_654 = arith.addf %mul3A_652, %mul3A_653 : vector<16xf32>
        %mul3A_655 = arith.mulf %add3A_639, %add3A_639 : vector<16xf32>
        %mul3A_656 = arith.mulf %add3A_648, %add3A_648 : vector<16xf32>
        %add3A_657 = arith.addf %mul3A_655, %mul3A_656 : vector<16xf32>
        %add3A_658 = arith.addf %add3A_654, %add3A_657 : vector<16xf32>
        %reduce_sum3A_659 = arith.constant true
        %reduce_sum3A_660 = vector.broadcast %reduce_sum3A_659 : i1 to vector<16xi1>
        %reduce_sum3A_661 = tpu.scan <sum>, %add3A_651 masked %reduce_sum3A_660 : vector<16xf32>, vector<16xi1> -> vector<16xf32>
        %reduce_sum3A_662 = vector.extract %reduce_sum3A_661[15] : f32 from vector<16xf32>
        %mul3A_663 = arith.constant 1.562500e-02 : f32
        %mul3A_664 = arith.mulf %reduce_sum3A_662, %mul3A_663 : f32
        %reduce_sum3A_665 = arith.constant true
        %reduce_sum3A_666 = vector.broadcast %reduce_sum3A_665 : i1 to vector<16xi1>
        %reduce_sum3A_667 = tpu.scan <sum>, %add3A_658 masked %reduce_sum3A_666 : vector<16xf32>, vector<16xi1> -> vector<16xf32>
        %reduce_sum3A_668 = vector.extract %reduce_sum3A_667[15] : f32 from vector<16xf32>
        %mul3A_669 = arith.constant 1.562500e-02 : f32
        %mul3A_670 = arith.mulf %reduce_sum3A_668, %mul3A_669 : f32
        %mul3A_671 = arith.mulf %mul3A_664, %mul3A_664 : f32
        %sub3A_672 = arith.subf %mul3A_670, %mul3A_671 : f32
        %add3A_673 = arith.constant 9.99999996E-13 : f32
        %add3A_674 = arith.addf %sub3A_672, %add3A_673 : f32
        %broadcast_in_dim3A_675 = vector.broadcast %add3A_674 : f32 to vector<16xf32>
        %bitcast3A_676 = vector.bitcast %broadcast_in_dim3A_675 : vector<16xf32> to vector<16xi32>
        %shift_right_logical3A_677 = arith.constant 1 : i32
        %shift_right_logical3A_678 = vector.broadcast %shift_right_logical3A_677 : i32 to vector<16xi32>
        %shift_right_logical3A_679 = arith.shrui %bitcast3A_676, %shift_right_logical3A_678 : vector<16xi32>
        %sub3A_680 = arith.constant 1597463007 : i32
        %sub3A_681 = vector.broadcast %sub3A_680 : i32 to vector<16xi32>
        %sub3A_682 = arith.subi %sub3A_681, %shift_right_logical3A_679 : vector<16xi32>
        %bitcast3A_683 = vector.bitcast %sub3A_682 : vector<16xi32> to vector<16xf32>
        %mul3A_684 = arith.constant 5.000000e-01 : f32
        %mul3A_685 = vector.broadcast %mul3A_684 : f32 to vector<16xf32>
        %mul3A_686 = arith.mulf %broadcast_in_dim3A_675, %mul3A_685 : vector<16xf32>
        %mul3A_687 = arith.mulf %mul3A_686, %bitcast3A_683 : vector<16xf32>
        %mul3A_688 = arith.mulf %mul3A_687, %bitcast3A_683 : vector<16xf32>
        %sub3A_689 = arith.constant 1.500000e+00 : f32
        %sub3A_690 = vector.broadcast %sub3A_689 : f32 to vector<16xf32>
        %sub3A_691 = arith.subf %sub3A_690, %mul3A_688 : vector<16xf32>
        %mul3A_692 = arith.mulf %bitcast3A_683, %sub3A_691 : vector<16xf32>
        %mul3A_693 = arith.mulf %mul3A_686, %mul3A_692 : vector<16xf32>
        %mul3A_694 = arith.mulf %mul3A_693, %mul3A_692 : vector<16xf32>
        %sub3A_695 = arith.constant 1.500000e+00 : f32
        %sub3A_696 = vector.broadcast %sub3A_695 : f32 to vector<16xf32>
        %sub3A_697 = arith.subf %sub3A_696, %mul3A_694 : vector<16xf32>
        %mul3A_698 = arith.mulf %mul3A_692, %sub3A_697 : vector<16xf32>
        %sub3A_699 = vector.broadcast %mul3A_664 : f32 to vector<16xf32>
        %sub3A_700 = arith.subf %add3A_621, %sub3A_699 : vector<16xf32>
        %mul3A_701 = arith.mulf %sub3A_700, %mul3A_698 : vector<16xf32>
        %mul3A_702 = arith.mulf %mul3A_701, %get3A_356 : vector<16xf32>
        %add3A_703 = arith.addf %mul3A_702, %get3A_364 : vector<16xf32>
        %swap3A_704 = arith.constant 0 : i32
        %swap3A_705 = arith.index_cast %swap3A_704 : i32 to index
        %swap3A_706 = arith.index_cast %add3A_612 : i32 to index
        %swap3A_707 = arith.constant 0 : index
        %swap3A_708 = tpu.vector_load %arg11[%swap3A_705, %swap3A_706, %swap3A_707] {strides = array<i32>} : memref<2x200x64xf32, #tpu.memory_space<vmem>>, vector<16xf32>,
        tpu.vector_store %arg11[%swap3A_705, %swap3A_706, %swap3A_707], %add3A_703 {strides = array<i32>} : memref<2x200x64xf32, #tpu.memory_space<vmem>>, vector<16xf32>,
        %sub3A_709 = vector.broadcast %mul3A_664 : f32 to vector<16xf32>
        %sub3A_710 = arith.subf %add3A_630, %sub3A_709 : vector<16xf32>
        %mul3A_711 = arith.mulf %sub3A_710, %mul3A_698 : vector<16xf32>
        %mul3A_712 = arith.mulf %mul3A_711, %get3A_358 : vector<16xf32>
        %add3A_713 = arith.addf %mul3A_712, %get3A_366 : vector<16xf32>
        %swap3A_714 = arith.constant 0 : i32
        %swap3A_715 = arith.index_cast %swap3A_714 : i32 to index
        %swap3A_716 = arith.index_cast %add3A_612 : i32 to index
        %swap3A_717 = arith.constant 16 : index
        %swap3A_718 = tpu.vector_load %arg11[%swap3A_715, %swap3A_716, %swap3A_717] {strides = array<i32>} : memref<2x200x64xf32, #tpu.memory_space<vmem>>, vector<16xf32>,
        tpu.vector_store %arg11[%swap3A_715, %swap3A_716, %swap3A_717], %add3A_713 {strides = array<i32>} : memref<2x200x64xf32, #tpu.memory_space<vmem>>, vector<16xf32>,
        %sub3A_719 = vector.broadcast %mul3A_664 : f32 to vector<16xf32>
        %sub3A_720 = arith.subf %add3A_639, %sub3A_719 : vector<16xf32>
        %mul3A_721 = arith.mulf %sub3A_720, %mul3A_698 : vector<16xf32>
        %mul3A_722 = arith.mulf %mul3A_721, %get3A_360 : vector<16xf32>
        %add3A_723 = arith.addf %mul3A_722, %get3A_368 : vector<16xf32>
        %swap3A_724 = arith.constant 0 : i32
        %swap3A_725 = arith.index_cast %swap3A_724 : i32 to index
        %swap3A_726 = arith.index_cast %add3A_612 : i32 to index
        %swap3A_727 = arith.constant 32 : index
        %swap3A_728 = tpu.vector_load %arg11[%swap3A_725, %swap3A_726, %swap3A_727] {strides = array<i32>} : memref<2x200x64xf32, #tpu.memory_space<vmem>>, vector<16xf32>,
        tpu.vector_store %arg11[%swap3A_725, %swap3A_726, %swap3A_727], %add3A_723 {strides = array<i32>} : memref<2x200x64xf32, #tpu.memory_space<vmem>>, vector<16xf32>,
        %sub3A_729 = vector.broadcast %mul3A_664 : f32 to vector<16xf32>
        %sub3A_730 = arith.subf %add3A_648, %sub3A_729 : vector<16xf32>
        %mul3A_731 = arith.mulf %sub3A_730, %mul3A_698 : vector<16xf32>
        %mul3A_732 = arith.mulf %mul3A_731, %get3A_362 : vector<16xf32>
        %add3A_733 = arith.addf %mul3A_732, %get3A_370 : vector<16xf32>
        %swap3A_734 = arith.constant 0 : i32
        %swap3A_735 = arith.index_cast %swap3A_734 : i32 to index
        %swap3A_736 = arith.index_cast %add3A_612 : i32 to index
        %swap3A_737 = arith.constant 48 : index
        %swap3A_738 = tpu.vector_load %arg11[%swap3A_735, %swap3A_736, %swap3A_737] {strides = array<i32>} : memref<2x200x64xf32, #tpu.memory_space<vmem>>, vector<16xf32>,
        tpu.vector_store %arg11[%swap3A_735, %swap3A_736, %swap3A_737], %add3A_733 {strides = array<i32>} : memref<2x200x64xf32, #tpu.memory_space<vmem>>, vector<16xf32>,
        %add3A_739 = arith.constant 2 : i32
        %add3A_740 = arith.addi %add3A_488, %add3A_739 : i32
        %get3A_741 = arith.constant 2 : i32
        %get3A_742 = arith.index_cast %get3A_741 : i32 to index
        %get3A_743 = arith.index_cast %add3A_740 : i32 to index
        %get3A_744 = arith.constant 0 : index
        %get3A_745 = tpu.vector_load %arg10[%get3A_742, %get3A_743, %get3A_744] {strides = array<i32>} : memref<4x200x64xf32, #tpu.memory_space<vmem>>, vector<16xf32>,
        %get3A_746 = arith.index_cast %add3A_740 : i32 to index
        %get3A_747 = arith.constant 0 : index
        %get3A_748 = tpu.vector_load %arg12[%get3A_746, %get3A_747] {strides = array<i32>} : memref<200x64xf32, #tpu.memory_space<vmem>>, vector<16xf32>,
        %add3A_749 = arith.addf %get3A_745, %get3A_748 : vector<16xf32>
        %get3A_750 = arith.constant 2 : i32
        %get3A_751 = arith.index_cast %get3A_750 : i32 to index
        %get3A_752 = arith.index_cast %add3A_740 : i32 to index
        %get3A_753 = arith.constant 16 : index
        %get3A_754 = tpu.vector_load %arg10[%get3A_751, %get3A_752, %get3A_753] {strides = array<i32>} : memref<4x200x64xf32, #tpu.memory_space<vmem>>, vector<16xf32>,
        %get3A_755 = arith.index_cast %add3A_740 : i32 to index
        %get3A_756 = arith.constant 16 : index
        %get3A_757 = tpu.vector_load %arg12[%get3A_755, %get3A_756] {strides = array<i32>} : memref<200x64xf32, #tpu.memory_space<vmem>>, vector<16xf32>,
        %add3A_758 = arith.addf %get3A_754, %get3A_757 : vector<16xf32>
        %get3A_759 = arith.constant 2 : i32
        %get3A_760 = arith.index_cast %get3A_759 : i32 to index
        %get3A_761 = arith.index_cast %add3A_740 : i32 to index
        %get3A_762 = arith.constant 32 : index
        %get3A_763 = tpu.vector_load %arg10[%get3A_760, %get3A_761, %get3A_762] {strides = array<i32>} : memref<4x200x64xf32, #tpu.memory_space<vmem>>, vector<16xf32>,
        %get3A_764 = arith.index_cast %add3A_740 : i32 to index
        %get3A_765 = arith.constant 32 : index
        %get3A_766 = tpu.vector_load %arg12[%get3A_764, %get3A_765] {strides = array<i32>} : memref<200x64xf32, #tpu.memory_space<vmem>>, vector<16xf32>,
        %add3A_767 = arith.addf %get3A_763, %get3A_766 : vector<16xf32>
        %get3A_768 = arith.constant 2 : i32
        %get3A_769 = arith.index_cast %get3A_768 : i32 to index
        %get3A_770 = arith.index_cast %add3A_740 : i32 to index
        %get3A_771 = arith.constant 48 : index
        %get3A_772 = tpu.vector_load %arg10[%get3A_769, %get3A_770, %get3A_771] {strides = array<i32>} : memref<4x200x64xf32, #tpu.memory_space<vmem>>, vector<16xf32>,
        %get3A_773 = arith.index_cast %add3A_740 : i32 to index
        %get3A_774 = arith.constant 48 : index
        %get3A_775 = tpu.vector_load %arg12[%get3A_773, %get3A_774] {strides = array<i32>} : memref<200x64xf32, #tpu.memory_space<vmem>>, vector<16xf32>,
        %add3A_776 = arith.addf %get3A_772, %get3A_775 : vector<16xf32>
        %add3A_777 = arith.addf %add3A_749, %add3A_758 : vector<16xf32>
        %add3A_778 = arith.addf %add3A_767, %add3A_776 : vector<16xf32>
        %add3A_779 = arith.addf %add3A_777, %add3A_778 : vector<16xf32>
        %mul3A_780 = arith.mulf %add3A_749, %add3A_749 : vector<16xf32>
        %mul3A_781 = arith.mulf %add3A_758, %add3A_758 : vector<16xf32>
        %add3A_782 = arith.addf %mul3A_780, %mul3A_781 : vector<16xf32>
        %mul3A_783 = arith.mulf %add3A_767, %add3A_767 : vector<16xf32>
        %mul3A_784 = arith.mulf %add3A_776, %add3A_776 : vector<16xf32>
        %add3A_785 = arith.addf %mul3A_783, %mul3A_784 : vector<16xf32>
        %add3A_786 = arith.addf %add3A_782, %add3A_785 : vector<16xf32>
        %reduce_sum3A_787 = arith.constant true
        %reduce_sum3A_788 = vector.broadcast %reduce_sum3A_787 : i1 to vector<16xi1>
        %reduce_sum3A_789 = tpu.scan <sum>, %add3A_779 masked %reduce_sum3A_788 : vector<16xf32>, vector<16xi1> -> vector<16xf32>
        %reduce_sum3A_790 = vector.extract %reduce_sum3A_789[15] : f32 from vector<16xf32>
        %mul3A_791 = arith.constant 1.562500e-02 : f32
        %mul3A_792 = arith.mulf %reduce_sum3A_790, %mul3A_791 : f32
        %reduce_sum3A_793 = arith.constant true
        %reduce_sum3A_794 = vector.broadcast %reduce_sum3A_793 : i1 to vector<16xi1>
        %reduce_sum3A_795 = tpu.scan <sum>, %add3A_786 masked %reduce_sum3A_794 : vector<16xf32>, vector<16xi1> -> vector<16xf32>
        %reduce_sum3A_796 = vector.extract %reduce_sum3A_795[15] : f32 from vector<16xf32>
        %mul3A_797 = arith.constant 1.562500e-02 : f32
        %mul3A_798 = arith.mulf %reduce_sum3A_796, %mul3A_797 : f32
        %mul3A_799 = arith.mulf %mul3A_792, %mul3A_792 : f32
        %sub3A_800 = arith.subf %mul3A_798, %mul3A_799 : f32
        %add3A_801 = arith.constant 9.99999996E-13 : f32
        %add3A_802 = arith.addf %sub3A_800, %add3A_801 : f32
        %broadcast_in_dim3A_803 = vector.broadcast %add3A_802 : f32 to vector<16xf32>
        %bitcast3A_804 = vector.bitcast %broadcast_in_dim3A_803 : vector<16xf32> to vector<16xi32>
        %shift_right_logical3A_805 = arith.constant 1 : i32
        %shift_right_logical3A_806 = vector.broadcast %shift_right_logical3A_805 : i32 to vector<16xi32>
        %shift_right_logical3A_807 = arith.shrui %bitcast3A_804, %shift_right_logical3A_806 : vector<16xi32>
        %sub3A_808 = arith.constant 1597463007 : i32
        %sub3A_809 = vector.broadcast %sub3A_808 : i32 to vector<16xi32>
        %sub3A_810 = arith.subi %sub3A_809, %shift_right_logical3A_807 : vector<16xi32>
        %bitcast3A_811 = vector.bitcast %sub3A_810 : vector<16xi32> to vector<16xf32>
        %mul3A_812 = arith.constant 5.000000e-01 : f32
        %mul3A_813 = vector.broadcast %mul3A_812 : f32 to vector<16xf32>
        %mul3A_814 = arith.mulf %broadcast_in_dim3A_803, %mul3A_813 : vector<16xf32>
        %mul3A_815 = arith.mulf %mul3A_814, %bitcast3A_811 : vector<16xf32>
        %mul3A_816 = arith.mulf %mul3A_815, %bitcast3A_811 : vector<16xf32>
        %sub3A_817 = arith.constant 1.500000e+00 : f32
        %sub3A_818 = vector.broadcast %sub3A_817 : f32 to vector<16xf32>
        %sub3A_819 = arith.subf %sub3A_818, %mul3A_816 : vector<16xf32>
        %mul3A_820 = arith.mulf %bitcast3A_811, %sub3A_819 : vector<16xf32>
        %mul3A_821 = arith.mulf %mul3A_814, %mul3A_820 : vector<16xf32>
        %mul3A_822 = arith.mulf %mul3A_821, %mul3A_820 : vector<16xf32>
        %sub3A_823 = arith.constant 1.500000e+00 : f32
        %sub3A_824 = vector.broadcast %sub3A_823 : f32 to vector<16xf32>
        %sub3A_825 = arith.subf %sub3A_824, %mul3A_822 : vector<16xf32>
        %mul3A_826 = arith.mulf %mul3A_820, %sub3A_825 : vector<16xf32>
        %sub3A_827 = vector.broadcast %mul3A_792 : f32 to vector<16xf32>
        %sub3A_828 = arith.subf %add3A_749, %sub3A_827 : vector<16xf32>
        %mul3A_829 = arith.mulf %sub3A_828, %mul3A_826 : vector<16xf32>
        %mul3A_830 = arith.mulf %mul3A_829, %get3A_356 : vector<16xf32>
        %add3A_831 = arith.addf %mul3A_830, %get3A_364 : vector<16xf32>
        %swap3A_832 = arith.constant 0 : i32
        %swap3A_833 = arith.index_cast %swap3A_832 : i32 to index
        %swap3A_834 = arith.index_cast %add3A_740 : i32 to index
        %swap3A_835 = arith.constant 0 : index
        %swap3A_836 = tpu.vector_load %arg11[%swap3A_833, %swap3A_834, %swap3A_835] {strides = array<i32>} : memref<2x200x64xf32, #tpu.memory_space<vmem>>, vector<16xf32>,
        tpu.vector_store %arg11[%swap3A_833, %swap3A_834, %swap3A_835], %add3A_831 {strides = array<i32>} : memref<2x200x64xf32, #tpu.memory_space<vmem>>, vector<16xf32>,
        %sub3A_837 = vector.broadcast %mul3A_792 : f32 to vector<16xf32>
        %sub3A_838 = arith.subf %add3A_758, %sub3A_837 : vector<16xf32>
        %mul3A_839 = arith.mulf %sub3A_838, %mul3A_826 : vector<16xf32>
        %mul3A_840 = arith.mulf %mul3A_839, %get3A_358 : vector<16xf32>
        %add3A_841 = arith.addf %mul3A_840, %get3A_366 : vector<16xf32>
        %swap3A_842 = arith.constant 0 : i32
        %swap3A_843 = arith.index_cast %swap3A_842 : i32 to index
        %swap3A_844 = arith.index_cast %add3A_740 : i32 to index
        %swap3A_845 = arith.constant 16 : index
        %swap3A_846 = tpu.vector_load %arg11[%swap3A_843, %swap3A_844, %swap3A_845] {strides = array<i32>} : memref<2x200x64xf32, #tpu.memory_space<vmem>>, vector<16xf32>,
        tpu.vector_store %arg11[%swap3A_843, %swap3A_844, %swap3A_845], %add3A_841 {strides = array<i32>} : memref<2x200x64xf32, #tpu.memory_space<vmem>>, vector<16xf32>,
        %sub3A_847 = vector.broadcast %mul3A_792 : f32 to vector<16xf32>
        %sub3A_848 = arith.subf %add3A_767, %sub3A_847 : vector<16xf32>
        %mul3A_849 = arith.mulf %sub3A_848, %mul3A_826 : vector<16xf32>
        %mul3A_850 = arith.mulf %mul3A_849, %get3A_360 : vector<16xf32>
        %add3A_851 = arith.addf %mul3A_850, %get3A_368 : vector<16xf32>
        %swap3A_852 = arith.constant 0 : i32
        %swap3A_853 = arith.index_cast %swap3A_852 : i32 to index
        %swap3A_854 = arith.index_cast %add3A_740 : i32 to index
        %swap3A_855 = arith.constant 32 : index
        %swap3A_856 = tpu.vector_load %arg11[%swap3A_853, %swap3A_854, %swap3A_855] {strides = array<i32>} : memref<2x200x64xf32, #tpu.memory_space<vmem>>, vector<16xf32>,
        tpu.vector_store %arg11[%swap3A_853, %swap3A_854, %swap3A_855], %add3A_851 {strides = array<i32>} : memref<2x200x64xf32, #tpu.memory_space<vmem>>, vector<16xf32>,
        %sub3A_857 = vector.broadcast %mul3A_792 : f32 to vector<16xf32>
        %sub3A_858 = arith.subf %add3A_776, %sub3A_857 : vector<16xf32>
        %mul3A_859 = arith.mulf %sub3A_858, %mul3A_826 : vector<16xf32>
        %mul3A_860 = arith.mulf %mul3A_859, %get3A_362 : vector<16xf32>
        %add3A_861 = arith.addf %mul3A_860, %get3A_370 : vector<16xf32>
        %swap3A_862 = arith.constant 0 : i32
        %swap3A_863 = arith.index_cast %swap3A_862 : i32 to index
        %swap3A_864 = arith.index_cast %add3A_740 : i32 to index
        %swap3A_865 = arith.constant 48 : index
        %swap3A_866 = tpu.vector_load %arg11[%swap3A_863, %swap3A_864, %swap3A_865] {strides = array<i32>} : memref<2x200x64xf32, #tpu.memory_space<vmem>>, vector<16xf32>,
        tpu.vector_store %arg11[%swap3A_863, %swap3A_864, %swap3A_865], %add3A_861 {strides = array<i32>} : memref<2x200x64xf32, #tpu.memory_space<vmem>>, vector<16xf32>,
        %add3A_867 = arith.constant 3 : i32
        %add3A_868 = arith.addi %add3A_488, %add3A_867 : i32
        %get3A_869 = arith.constant 2 : i32
        %get3A_870 = arith.index_cast %get3A_869 : i32 to index
        %get3A_871 = arith.index_cast %add3A_868 : i32 to index
        %get3A_872 = arith.constant 0 : index
        %get3A_873 = tpu.vector_load %arg10[%get3A_870, %get3A_871, %get3A_872] {strides = array<i32>} : memref<4x200x64xf32, #tpu.memory_space<vmem>>, vector<16xf32>,
        %get3A_874 = arith.index_cast %add3A_868 : i32 to index
        %get3A_875 = arith.constant 0 : index
        %get3A_876 = tpu.vector_load %arg12[%get3A_874, %get3A_875] {strides = array<i32>} : memref<200x64xf32, #tpu.memory_space<vmem>>, vector<16xf32>,
        %add3A_877 = arith.addf %get3A_873, %get3A_876 : vector<16xf32>
        %get3A_878 = arith.constant 2 : i32
        %get3A_879 = arith.index_cast %get3A_878 : i32 to index
        %get3A_880 = arith.index_cast %add3A_868 : i32 to index
        %get3A_881 = arith.constant 16 : index
        %get3A_882 = tpu.vector_load %arg10[%get3A_879, %get3A_880, %get3A_881] {strides = array<i32>} : memref<4x200x64xf32, #tpu.memory_space<vmem>>, vector<16xf32>,
        %get3A_883 = arith.index_cast %add3A_868 : i32 to index
        %get3A_884 = arith.constant 16 : index
        %get3A_885 = tpu.vector_load %arg12[%get3A_883, %get3A_884] {strides = array<i32>} : memref<200x64xf32, #tpu.memory_space<vmem>>, vector<16xf32>,
        %add3A_886 = arith.addf %get3A_882, %get3A_885 : vector<16xf32>
        %get3A_887 = arith.constant 2 : i32
        %get3A_888 = arith.index_cast %get3A_887 : i32 to index
        %get3A_889 = arith.index_cast %add3A_868 : i32 to index
        %get3A_890 = arith.constant 32 : index
        %get3A_891 = tpu.vector_load %arg10[%get3A_888, %get3A_889, %get3A_890] {strides = array<i32>} : memref<4x200x64xf32, #tpu.memory_space<vmem>>, vector<16xf32>,
        %get3A_892 = arith.index_cast %add3A_868 : i32 to index
        %get3A_893 = arith.constant 32 : index
        %get3A_894 = tpu.vector_load %arg12[%get3A_892, %get3A_893] {strides = array<i32>} : memref<200x64xf32, #tpu.memory_space<vmem>>, vector<16xf32>,
        %add3A_895 = arith.addf %get3A_891, %get3A_894 : vector<16xf32>
        %get3A_896 = arith.constant 2 : i32
        %get3A_897 = arith.index_cast %get3A_896 : i32 to index
        %get3A_898 = arith.index_cast %add3A_868 : i32 to index
        %get3A_899 = arith.constant 48 : index
        %get3A_900 = tpu.vector_load %arg10[%get3A_897, %get3A_898, %get3A_899] {strides = array<i32>} : memref<4x200x64xf32, #tpu.memory_space<vmem>>, vector<16xf32>,
        %get3A_901 = arith.index_cast %add3A_868 : i32 to index
        %get3A_902 = arith.constant 48 : index
        %get3A_903 = tpu.vector_load %arg12[%get3A_901, %get3A_902] {strides = array<i32>} : memref<200x64xf32, #tpu.memory_space<vmem>>, vector<16xf32>,
        %add3A_904 = arith.addf %get3A_900, %get3A_903 : vector<16xf32>
        %add3A_905 = arith.addf %add3A_877, %add3A_886 : vector<16xf32>
        %add3A_906 = arith.addf %add3A_895, %add3A_904 : vector<16xf32>
        %add3A_907 = arith.addf %add3A_905, %add3A_906 : vector<16xf32>
        %mul3A_908 = arith.mulf %add3A_877, %add3A_877 : vector<16xf32>
        %mul3A_909 = arith.mulf %add3A_886, %add3A_886 : vector<16xf32>
        %add3A_910 = arith.addf %mul3A_908, %mul3A_909 : vector<16xf32>
        %mul3A_911 = arith.mulf %add3A_895, %add3A_895 : vector<16xf32>
        %mul3A_912 = arith.mulf %add3A_904, %add3A_904 : vector<16xf32>
        %add3A_913 = arith.addf %mul3A_911, %mul3A_912 : vector<16xf32>
        %add3A_914 = arith.addf %add3A_910, %add3A_913 : vector<16xf32>
        %reduce_sum3A_915 = arith.constant true
        %reduce_sum3A_916 = vector.broadcast %reduce_sum3A_915 : i1 to vector<16xi1>
        %reduce_sum3A_917 = tpu.scan <sum>, %add3A_907 masked %reduce_sum3A_916 : vector<16xf32>, vector<16xi1> -> vector<16xf32>
        %reduce_sum3A_918 = vector.extract %reduce_sum3A_917[15] : f32 from vector<16xf32>
        %mul3A_919 = arith.constant 1.562500e-02 : f32
        %mul3A_920 = arith.mulf %reduce_sum3A_918, %mul3A_919 : f32
        %reduce_sum3A_921 = arith.constant true
        %reduce_sum3A_922 = vector.broadcast %reduce_sum3A_921 : i1 to vector<16xi1>
        %reduce_sum3A_923 = tpu.scan <sum>, %add3A_914 masked %reduce_sum3A_922 : vector<16xf32>, vector<16xi1> -> vector<16xf32>
        %reduce_sum3A_924 = vector.extract %reduce_sum3A_923[15] : f32 from vector<16xf32>
        %mul3A_925 = arith.constant 1.562500e-02 : f32
        %mul3A_926 = arith.mulf %reduce_sum3A_924, %mul3A_925 : f32
        %mul3A_927 = arith.mulf %mul3A_920, %mul3A_920 : f32
        %sub3A_928 = arith.subf %mul3A_926, %mul3A_927 : f32
        %add3A_929 = arith.constant 9.99999996E-13 : f32
        %add3A_930 = arith.addf %sub3A_928, %add3A_929 : f32
        %broadcast_in_dim3A_931 = vector.broadcast %add3A_930 : f32 to vector<16xf32>
        %bitcast3A_932 = vector.bitcast %broadcast_in_dim3A_931 : vector<16xf32> to vector<16xi32>
        %shift_right_logical3A_933 = arith.constant 1 : i32
        %shift_right_logical3A_934 = vector.broadcast %shift_right_logical3A_933 : i32 to vector<16xi32>
        %shift_right_logical3A_935 = arith.shrui %bitcast3A_932, %shift_right_logical3A_934 : vector<16xi32>
        %sub3A_936 = arith.constant 1597463007 : i32
        %sub3A_937 = vector.broadcast %sub3A_936 : i32 to vector<16xi32>
        %sub3A_938 = arith.subi %sub3A_937, %shift_right_logical3A_935 : vector<16xi32>
        %bitcast3A_939 = vector.bitcast %sub3A_938 : vector<16xi32> to vector<16xf32>
        %mul3A_940 = arith.constant 5.000000e-01 : f32
        %mul3A_941 = vector.broadcast %mul3A_940 : f32 to vector<16xf32>
        %mul3A_942 = arith.mulf %broadcast_in_dim3A_931, %mul3A_941 : vector<16xf32>
        %mul3A_943 = arith.mulf %mul3A_942, %bitcast3A_939 : vector<16xf32>
        %mul3A_944 = arith.mulf %mul3A_943, %bitcast3A_939 : vector<16xf32>
        %sub3A_945 = arith.constant 1.500000e+00 : f32
        %sub3A_946 = vector.broadcast %sub3A_945 : f32 to vector<16xf32>
        %sub3A_947 = arith.subf %sub3A_946, %mul3A_944 : vector<16xf32>
        %mul3A_948 = arith.mulf %bitcast3A_939, %sub3A_947 : vector<16xf32>
        %mul3A_949 = arith.mulf %mul3A_942, %mul3A_948 : vector<16xf32>
        %mul3A_950 = arith.mulf %mul3A_949, %mul3A_948 : vector<16xf32>
        %sub3A_951 = arith.constant 1.500000e+00 : f32
        %sub3A_952 = vector.broadcast %sub3A_951 : f32 to vector<16xf32>
        %sub3A_953 = arith.subf %sub3A_952, %mul3A_950 : vector<16xf32>
        %mul3A_954 = arith.mulf %mul3A_948, %sub3A_953 : vector<16xf32>
        %sub3A_955 = vector.broadcast %mul3A_920 : f32 to vector<16xf32>
        %sub3A_956 = arith.subf %add3A_877, %sub3A_955 : vector<16xf32>
        %mul3A_957 = arith.mulf %sub3A_956, %mul3A_954 : vector<16xf32>
        %mul3A_958 = arith.mulf %mul3A_957, %get3A_356 : vector<16xf32>
        %add3A_959 = arith.addf %mul3A_958, %get3A_364 : vector<16xf32>
        %swap3A_960 = arith.constant 0 : i32
        %swap3A_961 = arith.index_cast %swap3A_960 : i32 to index
        %swap3A_962 = arith.index_cast %add3A_868 : i32 to index
        %swap3A_963 = arith.constant 0 : index
        %swap3A_964 = tpu.vector_load %arg11[%swap3A_961, %swap3A_962, %swap3A_963] {strides = array<i32>} : memref<2x200x64xf32, #tpu.memory_space<vmem>>, vector<16xf32>,
        tpu.vector_store %arg11[%swap3A_961, %swap3A_962, %swap3A_963], %add3A_959 {strides = array<i32>} : memref<2x200x64xf32, #tpu.memory_space<vmem>>, vector<16xf32>,
        %sub3A_965 = vector.broadcast %mul3A_920 : f32 to vector<16xf32>
        %sub3A_966 = arith.subf %add3A_886, %sub3A_965 : vector<16xf32>
        %mul3A_967 = arith.mulf %sub3A_966, %mul3A_954 : vector<16xf32>
        %mul3A_968 = arith.mulf %mul3A_967, %get3A_358 : vector<16xf32>
        %add3A_969 = arith.addf %mul3A_968, %get3A_366 : vector<16xf32>
        %swap3A_970 = arith.constant 0 : i32
        %swap3A_971 = arith.index_cast %swap3A_970 : i32 to index
        %swap3A_972 = arith.index_cast %add3A_868 : i32 to index
        %swap3A_973 = arith.constant 16 : index
        %swap3A_974 = tpu.vector_load %arg11[%swap3A_971, %swap3A_972, %swap3A_973] {strides = array<i32>} : memref<2x200x64xf32, #tpu.memory_space<vmem>>, vector<16xf32>,
        tpu.vector_store %arg11[%swap3A_971, %swap3A_972, %swap3A_973], %add3A_969 {strides = array<i32>} : memref<2x200x64xf32, #tpu.memory_space<vmem>>, vector<16xf32>,
        %sub3A_975 = vector.broadcast %mul3A_920 : f32 to vector<16xf32>
        %sub3A_976 = arith.subf %add3A_895, %sub3A_975 : vector<16xf32>
        %mul3A_977 = arith.mulf %sub3A_976, %mul3A_954 : vector<16xf32>
        %mul3A_978 = arith.mulf %mul3A_977, %get3A_360 : vector<16xf32>
        %add3A_979 = arith.addf %mul3A_978, %get3A_368 : vector<16xf32>
        %swap3A_980 = arith.constant 0 : i32
        %swap3A_981 = arith.index_cast %swap3A_980 : i32 to index
        %swap3A_982 = arith.index_cast %add3A_868 : i32 to index
        %swap3A_983 = arith.constant 32 : index
        %swap3A_984 = tpu.vector_load %arg11[%swap3A_981, %swap3A_982, %swap3A_983] {strides = array<i32>} : memref<2x200x64xf32, #tpu.memory_space<vmem>>, vector<16xf32>,
        tpu.vector_store %arg11[%swap3A_981, %swap3A_982, %swap3A_983], %add3A_979 {strides = array<i32>} : memref<2x200x64xf32, #tpu.memory_space<vmem>>, vector<16xf32>,
        %sub3A_985 = vector.broadcast %mul3A_920 : f32 to vector<16xf32>
        %sub3A_986 = arith.subf %add3A_904, %sub3A_985 : vector<16xf32>
        %mul3A_987 = arith.mulf %sub3A_986, %mul3A_954 : vector<16xf32>
        %mul3A_988 = arith.mulf %mul3A_987, %get3A_362 : vector<16xf32>
        %add3A_989 = arith.addf %mul3A_988, %get3A_370 : vector<16xf32>
        %swap3A_990 = arith.constant 0 : i32
        %swap3A_991 = arith.index_cast %swap3A_990 : i32 to index
        %swap3A_992 = arith.index_cast %add3A_868 : i32 to index
        %swap3A_993 = arith.constant 48 : index
        %swap3A_994 = tpu.vector_load %arg11[%swap3A_991, %swap3A_992, %swap3A_993] {strides = array<i32>} : memref<2x200x64xf32, #tpu.memory_space<vmem>>, vector<16xf32>,
        tpu.vector_store %arg11[%swap3A_991, %swap3A_992, %swap3A_993], %add3A_989 {strides = array<i32>} : memref<2x200x64xf32, #tpu.memory_space<vmem>>, vector<16xf32>,
      }
      %scan3A_375 = arith.constant 50 : i32
      %mul3A_376 = arith.constant 200 : i32
      %mul3A_377 = arith.muli %add3A_317, %mul3A_376 : i32
      %add3A_378 = arith.addi %mul3A_2, %mul3A_377 : i32
      %dma_start3A_379 = arith.constant 0 : i32
      %dma_start3A_380 = arith.constant 0 : i32
      %dma_start3A_381 = arith.constant 0 : i32
      %dma_start3A_382 = tpu.memref_slice %arg11[%dma_start3A_379, %dma_start3A_380, %dma_start3A_381] : memref<2x200x64xf32, #tpu.memory_space<vmem>> -> memref<1x200x64xf32, #tpu.memory_space<vmem>>
      %dma_start3A_383 = tpu.memref_squeeze %dma_start3A_382 : memref<1x200x64xf32, #tpu.memory_space<vmem>> -> memref<200x64xf32, #tpu.memory_space<vmem>>
      %dma_start3A_384 = arith.constant 0 : i32
      %dma_start3A_385 = tpu.memref_slice %arg8[%add3A_378, %dma_start3A_384] : memref<819200x64xf32, #tpu.memory_space<hbm>> -> memref<200x64xf32, #tpu.memory_space<hbm>>
      %dma_start3A_386 = arith.constant 0 : i32
      %dma_start3A_387 = tpu.memref_slice %arg8[%add3A_378, %dma_start3A_386] : memref<819200x64xf32, #tpu.memory_space<hbm>> -> memref<200x64xf32, #tpu.memory_space<hbm>>
      %dma_start3A_388 = arith.constant 0 : i32
      %dma_start3A_389 = arith.constant 0 : i32
      %dma_start3A_390 = tpu.memref_slice %arg11[%dma_start3A_379, %dma_start3A_388, %dma_start3A_389] : memref<2x200x64xf32, #tpu.memory_space<vmem>> -> memref<1x200x64xf32, #tpu.memory_space<vmem>>
      %dma_start3A_391 = tpu.memref_squeeze %dma_start3A_390 : memref<1x200x64xf32, #tpu.memory_space<vmem>> -> memref<200x64xf32, #tpu.memory_space<vmem>>
      tpu.enqueue_dma source(%dma_start3A_391 : memref<200x64xf32, #tpu.memory_space<vmem>>) target(%dma_start3A_387 : memref<200x64xf32, #tpu.memory_space<hbm>>) target_semaphore(%arg20 : memref<!tpu.dma_semaphore, #tpu.memory_space<semaphore_mem>>)
      %add3A_392 = arith.constant 4 : i32
      %add3A_393 = arith.addi %add3A_317, %add3A_392 : i32
      %lt3A_394 = arith.constant 128 : i32
      %lt3A_395 = arith.cmpi slt, %add3A_393, %lt3A_394 : i32
      %convert_element_type3A_396 = arith.extui %lt3A_395 : i1 to i32
      %cond3A_397 = arith.constant 0 : i32
      %cond3A_398 = arith.cmpi ne, %convert_element_type3A_396, %cond3A_397 : i32
      scf.if %cond3A_398 {
        %add3A_484 = arith.constant 4 : i32
        %add3A_485 = arith.addi %add3A_317, %add3A_484 : i32
        %mul3A_486 = arith.constant 200 : i32
        %mul3A_487 = arith.muli %add3A_485, %mul3A_486 : i32
        %add3A_488 = arith.constant 0 : i32
        %add3A_489 = arith.addi %mul3A_487, %add3A_488 : i32
        %dma_start3A_490 = arith.constant 2 : i32
        %dma_start3A_491 = arith.constant 0 : i32
        %dma_start3A_492 = arith.constant 0 : i32
        %dma_start3A_493 = tpu.memref_slice %arg10[%dma_start3A_490, %dma_start3A_491, %dma_start3A_492] : memref<4x200x64xf32, #tpu.memory_space<vmem>> -> memref<1x200x64xf32, #tpu.memory_space<vmem>>
        %dma_start3A_494 = tpu.memref_squeeze %dma_start3A_493 : memref<1x200x64xf32, #tpu.memory_space<vmem>> -> memref<200x64xf32, #tpu.memory_space<vmem>>
        %dma_start3A_495 = arith.constant 0 : i32
        %dma_start3A_496 = arith.constant 0 : i32
        %dma_start3A_497 = tpu.memref_slice %dma_start3A_494[%dma_start3A_495, %dma_start3A_496] : memref<200x64xf32, #tpu.memory_space<vmem>> -> memref<104x64xf32, #tpu.memory_space<vmem>>
        %dma_start3A_498 = tpu.memref_slice %arg9[%add3A_489] : memref<25600xi32, #tpu.memory_space<vmem>> -> memref<104xi32, #tpu.memory_space<vmem>>
        %dma_start3A_499 = arith.constant 0 : i32
        %dma_start3A_500 = arith.constant 0 : i32
        %dma_start3A_501 = tpu.memref_slice %arg3[%dma_start3A_499, %dma_start3A_500] : memref<1000000x64xf32, #tpu.memory_space<hbm>> -> memref<1000000x64xf32, #tpu.memory_space<hbm>>
        tpu.enqueue_indirect_dma source(%dma_start3A_501 : memref<1000000x64xf32, #tpu.memory_space<hbm>>) target(%dma_start3A_497 : memref<104x64xf32, #tpu.memory_space<vmem>>) offsets(%dma_start3A_498 : memref<104xi32, #tpu.memory_space<vmem>>) semaphore(%arg18 : memref<!tpu.dma_semaphore, #tpu.memory_space<semaphore_mem>>)
        %mul3A_502 = arith.constant 200 : i32
        %mul3A_503 = arith.muli %add3A_485, %mul3A_502 : i32
        %add3A_504 = arith.constant 104 : i32
        %add3A_505 = arith.addi %mul3A_503, %add3A_504 : i32
        %dma_start3A_506 = arith.constant 2 : i32
        %dma_start3A_507 = arith.constant 0 : i32
        %dma_start3A_508 = arith.constant 0 : i32
        %dma_start3A_509 = tpu.memref_slice %arg10[%dma_start3A_506, %dma_start3A_507, %dma_start3A_508] : memref<4x200x64xf32, #tpu.memory_space<vmem>> -> memref<1x200x64xf32, #tpu.memory_space<vmem>>
        %dma_start3A_510 = tpu.memref_squeeze %dma_start3A_509 : memref<1x200x64xf32, #tpu.memory_space<vmem>> -> memref<200x64xf32, #tpu.memory_space<vmem>>
        %dma_start3A_511 = arith.constant 104 : i32
        %dma_start3A_512 = arith.constant 0 : i32
        %dma_start3A_513 = tpu.memref_slice %dma_start3A_510[%dma_start3A_511, %dma_start3A_512] : memref<200x64xf32, #tpu.memory_space<vmem>> -> memref<96x64xf32, #tpu.memory_space<vmem>>
        %dma_start3A_514 = tpu.memref_slice %arg9[%add3A_505] : memref<25600xi32, #tpu.memory_space<vmem>> -> memref<96xi32, #tpu.memory_space<vmem>>
        %dma_start3A_515 = arith.constant 0 : i32
        %dma_start3A_516 = arith.constant 0 : i32
        %dma_start3A_517 = tpu.memref_slice %arg3[%dma_start3A_515, %dma_start3A_516] : memref<1000000x64xf32, #tpu.memory_space<hbm>> -> memref<1000000x64xf32, #tpu.memory_space<hbm>>
        tpu.enqueue_indirect_dma source(%dma_start3A_517 : memref<1000000x64xf32, #tpu.memory_space<hbm>>) target(%dma_start3A_513 : memref<96x64xf32, #tpu.memory_space<vmem>>) offsets(%dma_start3A_514 : memref<96xi32, #tpu.memory_space<vmem>>) semaphore(%arg18 : memref<!tpu.dma_semaphore, #tpu.memory_space<semaphore_mem>>)
      } else {
      }
      %mul3A_399 = arith.constant 4 : i32
      %mul3A_400 = arith.muli %add3A_148, %mul3A_399 : i32
      %add3A_401 = arith.constant 3 : i32
      %add3A_402 = arith.addi %mul3A_400, %add3A_401 : i32
      %mul3A_403 = arith.constant 200 : i32
      %mul3A_404 = arith.muli %add3A_402, %mul3A_403 : i32
      %add3A_405 = arith.constant 0 : i32
      %add3A_406 = arith.addi %mul3A_404, %add3A_405 : i32
      %dma_wait3A_407 = arith.constant 3 : i32
      %dma_wait3A_408 = arith.constant 0 : i32
      %dma_wait3A_409 = arith.constant 0 : i32
      %dma_wait3A_410 = tpu.memref_slice %arg10[%dma_wait3A_407, %dma_wait3A_408, %dma_wait3A_409] : memref<4x200x64xf32, #tpu.memory_space<vmem>> -> memref<1x200x64xf32, #tpu.memory_space<vmem>>
      %dma_wait3A_411 = tpu.memref_squeeze %dma_wait3A_410 : memref<1x200x64xf32, #tpu.memory_space<vmem>> -> memref<200x64xf32, #tpu.memory_space<vmem>>
      %dma_wait3A_412 = arith.constant 0 : i32
      %dma_wait3A_413 = arith.constant 0 : i32
      %dma_wait3A_414 = tpu.memref_slice %dma_wait3A_411[%dma_wait3A_412, %dma_wait3A_413] : memref<200x64xf32, #tpu.memory_space<vmem>> -> memref<104x64xf32, #tpu.memory_space<vmem>>
      %dma_wait3A_415 = tpu.memref_slice %arg9[%add3A_406] : memref<25600xi32, #tpu.memory_space<vmem>> -> memref<104xi32, #tpu.memory_space<vmem>>
      %dma_wait3A_416 = arith.constant 0 : i32
      %dma_wait3A_417 = arith.constant 0 : i32
      %dma_wait3A_418 = tpu.memref_slice %arg3[%dma_wait3A_416, %dma_wait3A_417] : memref<1000000x64xf32, #tpu.memory_space<hbm>> -> memref<1000000x64xf32, #tpu.memory_space<hbm>>
      tpu.wait_indirect_dma semaphore(%arg19 : memref<!tpu.dma_semaphore, #tpu.memory_space<semaphore_mem>>) src(%dma_wait3A_418 : memref<1000000x64xf32, #tpu.memory_space<hbm>>) dst(%dma_wait3A_414 : memref<104x64xf32, #tpu.memory_space<vmem>>)
      %mul3A_419 = arith.constant 200 : i32
      %mul3A_420 = arith.muli %add3A_402, %mul3A_419 : i32
      %add3A_421 = arith.constant 104 : i32
      %add3A_422 = arith.addi %mul3A_420, %add3A_421 : i32
      %dma_wait3A_423 = arith.constant 3 : i32
      %dma_wait3A_424 = arith.constant 0 : i32
      %dma_wait3A_425 = arith.constant 0 : i32
      %dma_wait3A_426 = tpu.memref_slice %arg10[%dma_wait3A_423, %dma_wait3A_424, %dma_wait3A_425] : memref<4x200x64xf32, #tpu.memory_space<vmem>> -> memref<1x200x64xf32, #tpu.memory_space<vmem>>
      %dma_wait3A_427 = tpu.memref_squeeze %dma_wait3A_426 : memref<1x200x64xf32, #tpu.memory_space<vmem>> -> memref<200x64xf32, #tpu.memory_space<vmem>>
      %dma_wait3A_428 = arith.constant 104 : i32
      %dma_wait3A_429 = arith.constant 0 : i32
      %dma_wait3A_430 = tpu.memref_slice %dma_wait3A_427[%dma_wait3A_428, %dma_wait3A_429] : memref<200x64xf32, #tpu.memory_space<vmem>> -> memref<96x64xf32, #tpu.memory_space<vmem>>
      %dma_wait3A_431 = tpu.memref_slice %arg9[%add3A_422] : memref<25600xi32, #tpu.memory_space<vmem>> -> memref<96xi32, #tpu.memory_space<vmem>>
      %dma_wait3A_432 = arith.constant 0 : i32
      %dma_wait3A_433 = arith.constant 0 : i32
      %dma_wait3A_434 = tpu.memref_slice %arg3[%dma_wait3A_432, %dma_wait3A_433] : memref<1000000x64xf32, #tpu.memory_space<hbm>> -> memref<1000000x64xf32, #tpu.memory_space<hbm>>
      tpu.wait_indirect_dma semaphore(%arg19 : memref<!tpu.dma_semaphore, #tpu.memory_space<semaphore_mem>>) src(%dma_wait3A_434 : memref<1000000x64xf32, #tpu.memory_space<hbm>>) dst(%dma_wait3A_430 : memref<96x64xf32, #tpu.memory_space<vmem>>)
      %gt3A_435 = arith.constant 1 : i32
      %gt3A_436 = arith.cmpi sgt, %add3A_402, %gt3A_435 : i32
      %convert_element_type3A_437 = arith.extui %gt3A_436 : i1 to i32
      %cond3A_438 = arith.constant 0 : i32
      %cond3A_439 = arith.cmpi ne, %convert_element_type3A_437, %cond3A_438 : i32
      scf.if %cond3A_439 {
        %sub3A = arith.constant 2 : i32
        %sub3A_484 = arith.subi %add3A_402, %sub3A : i32
        %mul3A_485 = arith.constant 200 : i32
        %mul3A_486 = arith.muli %sub3A_484, %mul3A_485 : i32
        %add3A_487 = arith.addi %mul3A_2, %mul3A_486 : i32
        %dma_wait3A_488 = arith.constant 1 : i32
        %dma_wait3A_489 = arith.constant 0 : i32
        %dma_wait3A_490 = arith.constant 0 : i32
        %dma_wait3A_491 = tpu.memref_slice %arg11[%dma_wait3A_488, %dma_wait3A_489, %dma_wait3A_490] : memref<2x200x64xf32, #tpu.memory_space<vmem>> -> memref<1x200x64xf32, #tpu.memory_space<vmem>>
        %dma_wait3A_492 = tpu.memref_squeeze %dma_wait3A_491 : memref<1x200x64xf32, #tpu.memory_space<vmem>> -> memref<200x64xf32, #tpu.memory_space<vmem>>
        %dma_wait3A_493 = arith.constant 0 : i32
        %dma_wait3A_494 = tpu.memref_slice %arg8[%add3A_487, %dma_wait3A_493] : memref<819200x64xf32, #tpu.memory_space<hbm>> -> memref<200x64xf32, #tpu.memory_space<hbm>>
        %dma_wait3A_495 = arith.constant 0 : i32
        %dma_wait3A_496 = tpu.memref_slice %arg8[%add3A_487, %dma_wait3A_495] : memref<819200x64xf32, #tpu.memory_space<hbm>> -> memref<200x64xf32, #tpu.memory_space<hbm>>
        %dma_wait3A_497 = arith.constant 0 : i32
        %dma_wait3A_498 = arith.constant 0 : i32
        %dma_wait3A_499 = tpu.memref_slice %arg11[%dma_wait3A_488, %dma_wait3A_497, %dma_wait3A_498] : memref<2x200x64xf32, #tpu.memory_space<vmem>> -> memref<1x200x64xf32, #tpu.memory_space<vmem>>
        %dma_wait3A_500 = tpu.memref_squeeze %dma_wait3A_499 : memref<1x200x64xf32, #tpu.memory_space<vmem>> -> memref<200x64xf32, #tpu.memory_space<vmem>>
        tpu.wait_dma2 semaphore(%arg21 : memref<!tpu.dma_semaphore, #tpu.memory_space<semaphore_mem>>) src(%dma_wait3A_500 : memref<200x64xf32, #tpu.memory_space<vmem>>) dst(%dma_wait3A_496 : memref<200x64xf32, #tpu.memory_space<hbm>>)
      } else {
      }
      %get3A_440 = arith.constant 0 : index
      %get3A_441 = tpu.vector_load %arg13[%get3A_440] {strides = array<i32>} : memref<64xf32, #tpu.memory_space<vmem>>, vector<16xf32>,
      %get3A_442 = arith.constant 16 : index
      %get3A_443 = tpu.vector_load %arg13[%get3A_442] {strides = array<i32>} : memref<64xf32, #tpu.memory_space<vmem>>, vector<16xf32>,
      %get3A_444 = arith.constant 32 : index
      %get3A_445 = tpu.vector_load %arg13[%get3A_444] {strides = array<i32>} : memref<64xf32, #tpu.memory_space<vmem>>, vector<16xf32>,
      %get3A_446 = arith.constant 48 : index
      %get3A_447 = tpu.vector_load %arg13[%get3A_446] {strides = array<i32>} : memref<64xf32, #tpu.memory_space<vmem>>, vector<16xf32>,
      %get3A_448 = arith.constant 0 : index
      %get3A_449 = tpu.vector_load %arg14[%get3A_448] {strides = array<i32>} : memref<64xf32, #tpu.memory_space<vmem>>, vector<16xf32>,
      %get3A_450 = arith.constant 16 : index
      %get3A_451 = tpu.vector_load %arg14[%get3A_450] {strides = array<i32>} : memref<64xf32, #tpu.memory_space<vmem>>, vector<16xf32>,
      %get3A_452 = arith.constant 32 : index
      %get3A_453 = tpu.vector_load %arg14[%get3A_452] {strides = array<i32>} : memref<64xf32, #tpu.memory_space<vmem>>, vector<16xf32>,
      %get3A_454 = arith.constant 48 : index
      %get3A_455 = tpu.vector_load %arg14[%get3A_454] {strides = array<i32>} : memref<64xf32, #tpu.memory_space<vmem>>, vector<16xf32>,
      %scan3A_456 = arith.constant 0 : i32
      %scan3A_457 = arith.constant 50 : i32
      %scan3A_458 = arith.addi %scan3A_456, %scan3A_457 : i32
      %scan3A_459 = arith.constant 1 : i32
      scf.for %scan3A_484 = %scan3A_456 to %scan3A_458 step %scan3A_459  : i32 {
        %mul3A_485 = arith.constant 4 : i32
        %mul3A_486 = arith.muli %scan3A_484, %mul3A_485 : i32
        %add3A_487 = arith.constant 0 : i32
        %add3A_488 = arith.addi %add3A_487, %mul3A_486 : i32
        %add3A_489 = arith.constant 0 : i32
        %add3A_490 = arith.addi %add3A_488, %add3A_489 : i32
        %get3A_491 = arith.constant 3 : i32
        %get3A_492 = arith.index_cast %get3A_491 : i32 to index
        %get3A_493 = arith.index_cast %add3A_490 : i32 to index
        %get3A_494 = arith.constant 0 : index
        %get3A_495 = tpu.vector_load %arg10[%get3A_492, %get3A_493, %get3A_494] {strides = array<i32>} : memref<4x200x64xf32, #tpu.memory_space<vmem>>, vector<16xf32>,
        %get3A_496 = arith.index_cast %add3A_490 : i32 to index
        %get3A_497 = arith.constant 0 : index
        %get3A_498 = tpu.vector_load %arg12[%get3A_496, %get3A_497] {strides = array<i32>} : memref<200x64xf32, #tpu.memory_space<vmem>>, vector<16xf32>,
        %add3A_499 = arith.addf %get3A_495, %get3A_498 : vector<16xf32>
        %get3A_500 = arith.constant 3 : i32
        %get3A_501 = arith.index_cast %get3A_500 : i32 to index
        %get3A_502 = arith.index_cast %add3A_490 : i32 to index
        %get3A_503 = arith.constant 16 : index
        %get3A_504 = tpu.vector_load %arg10[%get3A_501, %get3A_502, %get3A_503] {strides = array<i32>} : memref<4x200x64xf32, #tpu.memory_space<vmem>>, vector<16xf32>,
        %get3A_505 = arith.index_cast %add3A_490 : i32 to index
        %get3A_506 = arith.constant 16 : index
        %get3A_507 = tpu.vector_load %arg12[%get3A_505, %get3A_506] {strides = array<i32>} : memref<200x64xf32, #tpu.memory_space<vmem>>, vector<16xf32>,
        %add3A_508 = arith.addf %get3A_504, %get3A_507 : vector<16xf32>
        %get3A_509 = arith.constant 3 : i32
        %get3A_510 = arith.index_cast %get3A_509 : i32 to index
        %get3A_511 = arith.index_cast %add3A_490 : i32 to index
        %get3A_512 = arith.constant 32 : index
        %get3A_513 = tpu.vector_load %arg10[%get3A_510, %get3A_511, %get3A_512] {strides = array<i32>} : memref<4x200x64xf32, #tpu.memory_space<vmem>>, vector<16xf32>,
        %get3A_514 = arith.index_cast %add3A_490 : i32 to index
        %get3A_515 = arith.constant 32 : index
        %get3A_516 = tpu.vector_load %arg12[%get3A_514, %get3A_515] {strides = array<i32>} : memref<200x64xf32, #tpu.memory_space<vmem>>, vector<16xf32>,
        %add3A_517 = arith.addf %get3A_513, %get3A_516 : vector<16xf32>
        %get3A_518 = arith.constant 3 : i32
        %get3A_519 = arith.index_cast %get3A_518 : i32 to index
        %get3A_520 = arith.index_cast %add3A_490 : i32 to index
        %get3A_521 = arith.constant 48 : index
        %get3A_522 = tpu.vector_load %arg10[%get3A_519, %get3A_520, %get3A_521] {strides = array<i32>} : memref<4x200x64xf32, #tpu.memory_space<vmem>>, vector<16xf32>,
        %get3A_523 = arith.index_cast %add3A_490 : i32 to index
        %get3A_524 = arith.constant 48 : index
        %get3A_525 = tpu.vector_load %arg12[%get3A_523, %get3A_524] {strides = array<i32>} : memref<200x64xf32, #tpu.memory_space<vmem>>, vector<16xf32>,
        %add3A_526 = arith.addf %get3A_522, %get3A_525 : vector<16xf32>
        %add3A_527 = arith.addf %add3A_499, %add3A_508 : vector<16xf32>
        %add3A_528 = arith.addf %add3A_517, %add3A_526 : vector<16xf32>
        %add3A_529 = arith.addf %add3A_527, %add3A_528 : vector<16xf32>
        %mul3A_530 = arith.mulf %add3A_499, %add3A_499 : vector<16xf32>
        %mul3A_531 = arith.mulf %add3A_508, %add3A_508 : vector<16xf32>
        %add3A_532 = arith.addf %mul3A_530, %mul3A_531 : vector<16xf32>
        %mul3A_533 = arith.mulf %add3A_517, %add3A_517 : vector<16xf32>
        %mul3A_534 = arith.mulf %add3A_526, %add3A_526 : vector<16xf32>
        %add3A_535 = arith.addf %mul3A_533, %mul3A_534 : vector<16xf32>
        %add3A_536 = arith.addf %add3A_532, %add3A_535 : vector<16xf32>
        %reduce_sum3A = arith.constant true
        %reduce_sum3A_537 = vector.broadcast %reduce_sum3A : i1 to vector<16xi1>
        %reduce_sum3A_538 = tpu.scan <sum>, %add3A_529 masked %reduce_sum3A_537 : vector<16xf32>, vector<16xi1> -> vector<16xf32>
        %reduce_sum3A_539 = vector.extract %reduce_sum3A_538[15] : f32 from vector<16xf32>
        %mul3A_540 = arith.constant 1.562500e-02 : f32
        %mul3A_541 = arith.mulf %reduce_sum3A_539, %mul3A_540 : f32
        %reduce_sum3A_542 = arith.constant true
        %reduce_sum3A_543 = vector.broadcast %reduce_sum3A_542 : i1 to vector<16xi1>
        %reduce_sum3A_544 = tpu.scan <sum>, %add3A_536 masked %reduce_sum3A_543 : vector<16xf32>, vector<16xi1> -> vector<16xf32>
        %reduce_sum3A_545 = vector.extract %reduce_sum3A_544[15] : f32 from vector<16xf32>
        %mul3A_546 = arith.constant 1.562500e-02 : f32
        %mul3A_547 = arith.mulf %reduce_sum3A_545, %mul3A_546 : f32
        %mul3A_548 = arith.mulf %mul3A_541, %mul3A_541 : f32
        %sub3A = arith.subf %mul3A_547, %mul3A_548 : f32
        %add3A_549 = arith.constant 9.99999996E-13 : f32
        %add3A_550 = arith.addf %sub3A, %add3A_549 : f32
        %broadcast_in_dim3A = vector.broadcast %add3A_550 : f32 to vector<16xf32>
        %bitcast3A = vector.bitcast %broadcast_in_dim3A : vector<16xf32> to vector<16xi32>
        %shift_right_logical3A = arith.constant 1 : i32
        %shift_right_logical3A_551 = vector.broadcast %shift_right_logical3A : i32 to vector<16xi32>
        %shift_right_logical3A_552 = arith.shrui %bitcast3A, %shift_right_logical3A_551 : vector<16xi32>
        %sub3A_553 = arith.constant 1597463007 : i32
        %sub3A_554 = vector.broadcast %sub3A_553 : i32 to vector<16xi32>
        %sub3A_555 = arith.subi %sub3A_554, %shift_right_logical3A_552 : vector<16xi32>
        %bitcast3A_556 = vector.bitcast %sub3A_555 : vector<16xi32> to vector<16xf32>
        %mul3A_557 = arith.constant 5.000000e-01 : f32
        %mul3A_558 = vector.broadcast %mul3A_557 : f32 to vector<16xf32>
        %mul3A_559 = arith.mulf %broadcast_in_dim3A, %mul3A_558 : vector<16xf32>
        %mul3A_560 = arith.mulf %mul3A_559, %bitcast3A_556 : vector<16xf32>
        %mul3A_561 = arith.mulf %mul3A_560, %bitcast3A_556 : vector<16xf32>
        %sub3A_562 = arith.constant 1.500000e+00 : f32
        %sub3A_563 = vector.broadcast %sub3A_562 : f32 to vector<16xf32>
        %sub3A_564 = arith.subf %sub3A_563, %mul3A_561 : vector<16xf32>
        %mul3A_565 = arith.mulf %bitcast3A_556, %sub3A_564 : vector<16xf32>
        %mul3A_566 = arith.mulf %mul3A_559, %mul3A_565 : vector<16xf32>
        %mul3A_567 = arith.mulf %mul3A_566, %mul3A_565 : vector<16xf32>
        %sub3A_568 = arith.constant 1.500000e+00 : f32
        %sub3A_569 = vector.broadcast %sub3A_568 : f32 to vector<16xf32>
        %sub3A_570 = arith.subf %sub3A_569, %mul3A_567 : vector<16xf32>
        %mul3A_571 = arith.mulf %mul3A_565, %sub3A_570 : vector<16xf32>
        %sub3A_572 = vector.broadcast %mul3A_541 : f32 to vector<16xf32>
        %sub3A_573 = arith.subf %add3A_499, %sub3A_572 : vector<16xf32>
        %mul3A_574 = arith.mulf %sub3A_573, %mul3A_571 : vector<16xf32>
        %mul3A_575 = arith.mulf %mul3A_574, %get3A_441 : vector<16xf32>
        %add3A_576 = arith.addf %mul3A_575, %get3A_449 : vector<16xf32>
        %swap3A = arith.constant 1 : i32
        %swap3A_577 = arith.index_cast %swap3A : i32 to index
        %swap3A_578 = arith.index_cast %add3A_490 : i32 to index
        %swap3A_579 = arith.constant 0 : index
        %swap3A_580 = tpu.vector_load %arg11[%swap3A_577, %swap3A_578, %swap3A_579] {strides = array<i32>} : memref<2x200x64xf32, #tpu.memory_space<vmem>>, vector<16xf32>,
        tpu.vector_store %arg11[%swap3A_577, %swap3A_578, %swap3A_579], %add3A_576 {strides = array<i32>} : memref<2x200x64xf32, #tpu.memory_space<vmem>>, vector<16xf32>,
        %sub3A_581 = vector.broadcast %mul3A_541 : f32 to vector<16xf32>
        %sub3A_582 = arith.subf %add3A_508, %sub3A_581 : vector<16xf32>
        %mul3A_583 = arith.mulf %sub3A_582, %mul3A_571 : vector<16xf32>
        %mul3A_584 = arith.mulf %mul3A_583, %get3A_443 : vector<16xf32>
        %add3A_585 = arith.addf %mul3A_584, %get3A_451 : vector<16xf32>
        %swap3A_586 = arith.constant 1 : i32
        %swap3A_587 = arith.index_cast %swap3A_586 : i32 to index
        %swap3A_588 = arith.index_cast %add3A_490 : i32 to index
        %swap3A_589 = arith.constant 16 : index
        %swap3A_590 = tpu.vector_load %arg11[%swap3A_587, %swap3A_588, %swap3A_589] {strides = array<i32>} : memref<2x200x64xf32, #tpu.memory_space<vmem>>, vector<16xf32>,
        tpu.vector_store %arg11[%swap3A_587, %swap3A_588, %swap3A_589], %add3A_585 {strides = array<i32>} : memref<2x200x64xf32, #tpu.memory_space<vmem>>, vector<16xf32>,
        %sub3A_591 = vector.broadcast %mul3A_541 : f32 to vector<16xf32>
        %sub3A_592 = arith.subf %add3A_517, %sub3A_591 : vector<16xf32>
        %mul3A_593 = arith.mulf %sub3A_592, %mul3A_571 : vector<16xf32>
        %mul3A_594 = arith.mulf %mul3A_593, %get3A_445 : vector<16xf32>
        %add3A_595 = arith.addf %mul3A_594, %get3A_453 : vector<16xf32>
        %swap3A_596 = arith.constant 1 : i32
        %swap3A_597 = arith.index_cast %swap3A_596 : i32 to index
        %swap3A_598 = arith.index_cast %add3A_490 : i32 to index
        %swap3A_599 = arith.constant 32 : index
        %swap3A_600 = tpu.vector_load %arg11[%swap3A_597, %swap3A_598, %swap3A_599] {strides = array<i32>} : memref<2x200x64xf32, #tpu.memory_space<vmem>>, vector<16xf32>,
        tpu.vector_store %arg11[%swap3A_597, %swap3A_598, %swap3A_599], %add3A_595 {strides = array<i32>} : memref<2x200x64xf32, #tpu.memory_space<vmem>>, vector<16xf32>,
        %sub3A_601 = vector.broadcast %mul3A_541 : f32 to vector<16xf32>
        %sub3A_602 = arith.subf %add3A_526, %sub3A_601 : vector<16xf32>
        %mul3A_603 = arith.mulf %sub3A_602, %mul3A_571 : vector<16xf32>
        %mul3A_604 = arith.mulf %mul3A_603, %get3A_447 : vector<16xf32>
        %add3A_605 = arith.addf %mul3A_604, %get3A_455 : vector<16xf32>
        %swap3A_606 = arith.constant 1 : i32
        %swap3A_607 = arith.index_cast %swap3A_606 : i32 to index
        %swap3A_608 = arith.index_cast %add3A_490 : i32 to index
        %swap3A_609 = arith.constant 48 : index
        %swap3A_610 = tpu.vector_load %arg11[%swap3A_607, %swap3A_608, %swap3A_609] {strides = array<i32>} : memref<2x200x64xf32, #tpu.memory_space<vmem>>, vector<16xf32>,
        tpu.vector_store %arg11[%swap3A_607, %swap3A_608, %swap3A_609], %add3A_605 {strides = array<i32>} : memref<2x200x64xf32, #tpu.memory_space<vmem>>, vector<16xf32>,
        %add3A_611 = arith.constant 1 : i32
        %add3A_612 = arith.addi %add3A_488, %add3A_611 : i32
        %get3A_613 = arith.constant 3 : i32
        %get3A_614 = arith.index_cast %get3A_613 : i32 to index
        %get3A_615 = arith.index_cast %add3A_612 : i32 to index
        %get3A_616 = arith.constant 0 : index
        %get3A_617 = tpu.vector_load %arg10[%get3A_614, %get3A_615, %get3A_616] {strides = array<i32>} : memref<4x200x64xf32, #tpu.memory_space<vmem>>, vector<16xf32>,
        %get3A_618 = arith.index_cast %add3A_612 : i32 to index
        %get3A_619 = arith.constant 0 : index
        %get3A_620 = tpu.vector_load %arg12[%get3A_618, %get3A_619] {strides = array<i32>} : memref<200x64xf32, #tpu.memory_space<vmem>>, vector<16xf32>,
        %add3A_621 = arith.addf %get3A_617, %get3A_620 : vector<16xf32>
        %get3A_622 = arith.constant 3 : i32
        %get3A_623 = arith.index_cast %get3A_622 : i32 to index
        %get3A_624 = arith.index_cast %add3A_612 : i32 to index
        %get3A_625 = arith.constant 16 : index
        %get3A_626 = tpu.vector_load %arg10[%get3A_623, %get3A_624, %get3A_625] {strides = array<i32>} : memref<4x200x64xf32, #tpu.memory_space<vmem>>, vector<16xf32>,
        %get3A_627 = arith.index_cast %add3A_612 : i32 to index
        %get3A_628 = arith.constant 16 : index
        %get3A_629 = tpu.vector_load %arg12[%get3A_627, %get3A_628] {strides = array<i32>} : memref<200x64xf32, #tpu.memory_space<vmem>>, vector<16xf32>,
        %add3A_630 = arith.addf %get3A_626, %get3A_629 : vector<16xf32>
        %get3A_631 = arith.constant 3 : i32
        %get3A_632 = arith.index_cast %get3A_631 : i32 to index
        %get3A_633 = arith.index_cast %add3A_612 : i32 to index
        %get3A_634 = arith.constant 32 : index
        %get3A_635 = tpu.vector_load %arg10[%get3A_632, %get3A_633, %get3A_634] {strides = array<i32>} : memref<4x200x64xf32, #tpu.memory_space<vmem>>, vector<16xf32>,
        %get3A_636 = arith.index_cast %add3A_612 : i32 to index
        %get3A_637 = arith.constant 32 : index
        %get3A_638 = tpu.vector_load %arg12[%get3A_636, %get3A_637] {strides = array<i32>} : memref<200x64xf32, #tpu.memory_space<vmem>>, vector<16xf32>,
        %add3A_639 = arith.addf %get3A_635, %get3A_638 : vector<16xf32>
        %get3A_640 = arith.constant 3 : i32
        %get3A_641 = arith.index_cast %get3A_640 : i32 to index
        %get3A_642 = arith.index_cast %add3A_612 : i32 to index
        %get3A_643 = arith.constant 48 : index
        %get3A_644 = tpu.vector_load %arg10[%get3A_641, %get3A_642, %get3A_643] {strides = array<i32>} : memref<4x200x64xf32, #tpu.memory_space<vmem>>, vector<16xf32>,
        %get3A_645 = arith.index_cast %add3A_612 : i32 to index
        %get3A_646 = arith.constant 48 : index
        %get3A_647 = tpu.vector_load %arg12[%get3A_645, %get3A_646] {strides = array<i32>} : memref<200x64xf32, #tpu.memory_space<vmem>>, vector<16xf32>,
        %add3A_648 = arith.addf %get3A_644, %get3A_647 : vector<16xf32>
        %add3A_649 = arith.addf %add3A_621, %add3A_630 : vector<16xf32>
        %add3A_650 = arith.addf %add3A_639, %add3A_648 : vector<16xf32>
        %add3A_651 = arith.addf %add3A_649, %add3A_650 : vector<16xf32>
        %mul3A_652 = arith.mulf %add3A_621, %add3A_621 : vector<16xf32>
        %mul3A_653 = arith.mulf %add3A_630, %add3A_630 : vector<16xf32>
        %add3A_654 = arith.addf %mul3A_652, %mul3A_653 : vector<16xf32>
        %mul3A_655 = arith.mulf %add3A_639, %add3A_639 : vector<16xf32>
        %mul3A_656 = arith.mulf %add3A_648, %add3A_648 : vector<16xf32>
        %add3A_657 = arith.addf %mul3A_655, %mul3A_656 : vector<16xf32>
        %add3A_658 = arith.addf %add3A_654, %add3A_657 : vector<16xf32>
        %reduce_sum3A_659 = arith.constant true
        %reduce_sum3A_660 = vector.broadcast %reduce_sum3A_659 : i1 to vector<16xi1>
        %reduce_sum3A_661 = tpu.scan <sum>, %add3A_651 masked %reduce_sum3A_660 : vector<16xf32>, vector<16xi1> -> vector<16xf32>
        %reduce_sum3A_662 = vector.extract %reduce_sum3A_661[15] : f32 from vector<16xf32>
        %mul3A_663 = arith.constant 1.562500e-02 : f32
        %mul3A_664 = arith.mulf %reduce_sum3A_662, %mul3A_663 : f32
        %reduce_sum3A_665 = arith.constant true
        %reduce_sum3A_666 = vector.broadcast %reduce_sum3A_665 : i1 to vector<16xi1>
        %reduce_sum3A_667 = tpu.scan <sum>, %add3A_658 masked %reduce_sum3A_666 : vector<16xf32>, vector<16xi1> -> vector<16xf32>
        %reduce_sum3A_668 = vector.extract %reduce_sum3A_667[15] : f32 from vector<16xf32>
        %mul3A_669 = arith.constant 1.562500e-02 : f32
        %mul3A_670 = arith.mulf %reduce_sum3A_668, %mul3A_669 : f32
        %mul3A_671 = arith.mulf %mul3A_664, %mul3A_664 : f32
        %sub3A_672 = arith.subf %mul3A_670, %mul3A_671 : f32
        %add3A_673 = arith.constant 9.99999996E-13 : f32
        %add3A_674 = arith.addf %sub3A_672, %add3A_673 : f32
        %broadcast_in_dim3A_675 = vector.broadcast %add3A_674 : f32 to vector<16xf32>
        %bitcast3A_676 = vector.bitcast %broadcast_in_dim3A_675 : vector<16xf32> to vector<16xi32>
        %shift_right_logical3A_677 = arith.constant 1 : i32
        %shift_right_logical3A_678 = vector.broadcast %shift_right_logical3A_677 : i32 to vector<16xi32>
        %shift_right_logical3A_679 = arith.shrui %bitcast3A_676, %shift_right_logical3A_678 : vector<16xi32>
        %sub3A_680 = arith.constant 1597463007 : i32
        %sub3A_681 = vector.broadcast %sub3A_680 : i32 to vector<16xi32>
        %sub3A_682 = arith.subi %sub3A_681, %shift_right_logical3A_679 : vector<16xi32>
        %bitcast3A_683 = vector.bitcast %sub3A_682 : vector<16xi32> to vector<16xf32>
        %mul3A_684 = arith.constant 5.000000e-01 : f32
        %mul3A_685 = vector.broadcast %mul3A_684 : f32 to vector<16xf32>
        %mul3A_686 = arith.mulf %broadcast_in_dim3A_675, %mul3A_685 : vector<16xf32>
        %mul3A_687 = arith.mulf %mul3A_686, %bitcast3A_683 : vector<16xf32>
        %mul3A_688 = arith.mulf %mul3A_687, %bitcast3A_683 : vector<16xf32>
        %sub3A_689 = arith.constant 1.500000e+00 : f32
        %sub3A_690 = vector.broadcast %sub3A_689 : f32 to vector<16xf32>
        %sub3A_691 = arith.subf %sub3A_690, %mul3A_688 : vector<16xf32>
        %mul3A_692 = arith.mulf %bitcast3A_683, %sub3A_691 : vector<16xf32>
        %mul3A_693 = arith.mulf %mul3A_686, %mul3A_692 : vector<16xf32>
        %mul3A_694 = arith.mulf %mul3A_693, %mul3A_692 : vector<16xf32>
        %sub3A_695 = arith.constant 1.500000e+00 : f32
        %sub3A_696 = vector.broadcast %sub3A_695 : f32 to vector<16xf32>
        %sub3A_697 = arith.subf %sub3A_696, %mul3A_694 : vector<16xf32>
        %mul3A_698 = arith.mulf %mul3A_692, %sub3A_697 : vector<16xf32>
        %sub3A_699 = vector.broadcast %mul3A_664 : f32 to vector<16xf32>
        %sub3A_700 = arith.subf %add3A_621, %sub3A_699 : vector<16xf32>
        %mul3A_701 = arith.mulf %sub3A_700, %mul3A_698 : vector<16xf32>
        %mul3A_702 = arith.mulf %mul3A_701, %get3A_441 : vector<16xf32>
        %add3A_703 = arith.addf %mul3A_702, %get3A_449 : vector<16xf32>
        %swap3A_704 = arith.constant 1 : i32
        %swap3A_705 = arith.index_cast %swap3A_704 : i32 to index
        %swap3A_706 = arith.index_cast %add3A_612 : i32 to index
        %swap3A_707 = arith.constant 0 : index
        %swap3A_708 = tpu.vector_load %arg11[%swap3A_705, %swap3A_706, %swap3A_707] {strides = array<i32>} : memref<2x200x64xf32, #tpu.memory_space<vmem>>, vector<16xf32>,
        tpu.vector_store %arg11[%swap3A_705, %swap3A_706, %swap3A_707], %add3A_703 {strides = array<i32>} : memref<2x200x64xf32, #tpu.memory_space<vmem>>, vector<16xf32>,
        %sub3A_709 = vector.broadcast %mul3A_664 : f32 to vector<16xf32>
        %sub3A_710 = arith.subf %add3A_630, %sub3A_709 : vector<16xf32>
        %mul3A_711 = arith.mulf %sub3A_710, %mul3A_698 : vector<16xf32>
        %mul3A_712 = arith.mulf %mul3A_711, %get3A_443 : vector<16xf32>
        %add3A_713 = arith.addf %mul3A_712, %get3A_451 : vector<16xf32>
        %swap3A_714 = arith.constant 1 : i32
        %swap3A_715 = arith.index_cast %swap3A_714 : i32 to index
        %swap3A_716 = arith.index_cast %add3A_612 : i32 to index
        %swap3A_717 = arith.constant 16 : index
        %swap3A_718 = tpu.vector_load %arg11[%swap3A_715, %swap3A_716, %swap3A_717] {strides = array<i32>} : memref<2x200x64xf32, #tpu.memory_space<vmem>>, vector<16xf32>,
        tpu.vector_store %arg11[%swap3A_715, %swap3A_716, %swap3A_717], %add3A_713 {strides = array<i32>} : memref<2x200x64xf32, #tpu.memory_space<vmem>>, vector<16xf32>,
        %sub3A_719 = vector.broadcast %mul3A_664 : f32 to vector<16xf32>
        %sub3A_720 = arith.subf %add3A_639, %sub3A_719 : vector<16xf32>
        %mul3A_721 = arith.mulf %sub3A_720, %mul3A_698 : vector<16xf32>
        %mul3A_722 = arith.mulf %mul3A_721, %get3A_445 : vector<16xf32>
        %add3A_723 = arith.addf %mul3A_722, %get3A_453 : vector<16xf32>
        %swap3A_724 = arith.constant 1 : i32
        %swap3A_725 = arith.index_cast %swap3A_724 : i32 to index
        %swap3A_726 = arith.index_cast %add3A_612 : i32 to index
        %swap3A_727 = arith.constant 32 : index
        %swap3A_728 = tpu.vector_load %arg11[%swap3A_725, %swap3A_726, %swap3A_727] {strides = array<i32>} : memref<2x200x64xf32, #tpu.memory_space<vmem>>, vector<16xf32>,
        tpu.vector_store %arg11[%swap3A_725, %swap3A_726, %swap3A_727], %add3A_723 {strides = array<i32>} : memref<2x200x64xf32, #tpu.memory_space<vmem>>, vector<16xf32>,
        %sub3A_729 = vector.broadcast %mul3A_664 : f32 to vector<16xf32>
        %sub3A_730 = arith.subf %add3A_648, %sub3A_729 : vector<16xf32>
        %mul3A_731 = arith.mulf %sub3A_730, %mul3A_698 : vector<16xf32>
        %mul3A_732 = arith.mulf %mul3A_731, %get3A_447 : vector<16xf32>
        %add3A_733 = arith.addf %mul3A_732, %get3A_455 : vector<16xf32>
        %swap3A_734 = arith.constant 1 : i32
        %swap3A_735 = arith.index_cast %swap3A_734 : i32 to index
        %swap3A_736 = arith.index_cast %add3A_612 : i32 to index
        %swap3A_737 = arith.constant 48 : index
        %swap3A_738 = tpu.vector_load %arg11[%swap3A_735, %swap3A_736, %swap3A_737] {strides = array<i32>} : memref<2x200x64xf32, #tpu.memory_space<vmem>>, vector<16xf32>,
        tpu.vector_store %arg11[%swap3A_735, %swap3A_736, %swap3A_737], %add3A_733 {strides = array<i32>} : memref<2x200x64xf32, #tpu.memory_space<vmem>>, vector<16xf32>,
        %add3A_739 = arith.constant 2 : i32
        %add3A_740 = arith.addi %add3A_488, %add3A_739 : i32
        %get3A_741 = arith.constant 3 : i32
        %get3A_742 = arith.index_cast %get3A_741 : i32 to index
        %get3A_743 = arith.index_cast %add3A_740 : i32 to index
        %get3A_744 = arith.constant 0 : index
        %get3A_745 = tpu.vector_load %arg10[%get3A_742, %get3A_743, %get3A_744] {strides = array<i32>} : memref<4x200x64xf32, #tpu.memory_space<vmem>>, vector<16xf32>,
        %get3A_746 = arith.index_cast %add3A_740 : i32 to index
        %get3A_747 = arith.constant 0 : index
        %get3A_748 = tpu.vector_load %arg12[%get3A_746, %get3A_747] {strides = array<i32>} : memref<200x64xf32, #tpu.memory_space<vmem>>, vector<16xf32>,
        %add3A_749 = arith.addf %get3A_745, %get3A_748 : vector<16xf32>
        %get3A_750 = arith.constant 3 : i32
        %get3A_751 = arith.index_cast %get3A_750 : i32 to index
        %get3A_752 = arith.index_cast %add3A_740 : i32 to index
        %get3A_753 = arith.constant 16 : index
        %get3A_754 = tpu.vector_load %arg10[%get3A_751, %get3A_752, %get3A_753] {strides = array<i32>} : memref<4x200x64xf32, #tpu.memory_space<vmem>>, vector<16xf32>,
        %get3A_755 = arith.index_cast %add3A_740 : i32 to index
        %get3A_756 = arith.constant 16 : index
        %get3A_757 = tpu.vector_load %arg12[%get3A_755, %get3A_756] {strides = array<i32>} : memref<200x64xf32, #tpu.memory_space<vmem>>, vector<16xf32>,
        %add3A_758 = arith.addf %get3A_754, %get3A_757 : vector<16xf32>
        %get3A_759 = arith.constant 3 : i32
        %get3A_760 = arith.index_cast %get3A_759 : i32 to index
        %get3A_761 = arith.index_cast %add3A_740 : i32 to index
        %get3A_762 = arith.constant 32 : index
        %get3A_763 = tpu.vector_load %arg10[%get3A_760, %get3A_761, %get3A_762] {strides = array<i32>} : memref<4x200x64xf32, #tpu.memory_space<vmem>>, vector<16xf32>,
        %get3A_764 = arith.index_cast %add3A_740 : i32 to index
        %get3A_765 = arith.constant 32 : index
        %get3A_766 = tpu.vector_load %arg12[%get3A_764, %get3A_765] {strides = array<i32>} : memref<200x64xf32, #tpu.memory_space<vmem>>, vector<16xf32>,
        %add3A_767 = arith.addf %get3A_763, %get3A_766 : vector<16xf32>
        %get3A_768 = arith.constant 3 : i32
        %get3A_769 = arith.index_cast %get3A_768 : i32 to index
        %get3A_770 = arith.index_cast %add3A_740 : i32 to index
        %get3A_771 = arith.constant 48 : index
        %get3A_772 = tpu.vector_load %arg10[%get3A_769, %get3A_770, %get3A_771] {strides = array<i32>} : memref<4x200x64xf32, #tpu.memory_space<vmem>>, vector<16xf32>,
        %get3A_773 = arith.index_cast %add3A_740 : i32 to index
        %get3A_774 = arith.constant 48 : index
        %get3A_775 = tpu.vector_load %arg12[%get3A_773, %get3A_774] {strides = array<i32>} : memref<200x64xf32, #tpu.memory_space<vmem>>, vector<16xf32>,
        %add3A_776 = arith.addf %get3A_772, %get3A_775 : vector<16xf32>
        %add3A_777 = arith.addf %add3A_749, %add3A_758 : vector<16xf32>
        %add3A_778 = arith.addf %add3A_767, %add3A_776 : vector<16xf32>
        %add3A_779 = arith.addf %add3A_777, %add3A_778 : vector<16xf32>
        %mul3A_780 = arith.mulf %add3A_749, %add3A_749 : vector<16xf32>
        %mul3A_781 = arith.mulf %add3A_758, %add3A_758 : vector<16xf32>
        %add3A_782 = arith.addf %mul3A_780, %mul3A_781 : vector<16xf32>
        %mul3A_783 = arith.mulf %add3A_767, %add3A_767 : vector<16xf32>
        %mul3A_784 = arith.mulf %add3A_776, %add3A_776 : vector<16xf32>
        %add3A_785 = arith.addf %mul3A_783, %mul3A_784 : vector<16xf32>
        %add3A_786 = arith.addf %add3A_782, %add3A_785 : vector<16xf32>
        %reduce_sum3A_787 = arith.constant true
        %reduce_sum3A_788 = vector.broadcast %reduce_sum3A_787 : i1 to vector<16xi1>
        %reduce_sum3A_789 = tpu.scan <sum>, %add3A_779 masked %reduce_sum3A_788 : vector<16xf32>, vector<16xi1> -> vector<16xf32>
        %reduce_sum3A_790 = vector.extract %reduce_sum3A_789[15] : f32 from vector<16xf32>
        %mul3A_791 = arith.constant 1.562500e-02 : f32
        %mul3A_792 = arith.mulf %reduce_sum3A_790, %mul3A_791 : f32
        %reduce_sum3A_793 = arith.constant true
        %reduce_sum3A_794 = vector.broadcast %reduce_sum3A_793 : i1 to vector<16xi1>
        %reduce_sum3A_795 = tpu.scan <sum>, %add3A_786 masked %reduce_sum3A_794 : vector<16xf32>, vector<16xi1> -> vector<16xf32>
        %reduce_sum3A_796 = vector.extract %reduce_sum3A_795[15] : f32 from vector<16xf32>
        %mul3A_797 = arith.constant 1.562500e-02 : f32
        %mul3A_798 = arith.mulf %reduce_sum3A_796, %mul3A_797 : f32
        %mul3A_799 = arith.mulf %mul3A_792, %mul3A_792 : f32
        %sub3A_800 = arith.subf %mul3A_798, %mul3A_799 : f32
        %add3A_801 = arith.constant 9.99999996E-13 : f32
        %add3A_802 = arith.addf %sub3A_800, %add3A_801 : f32
        %broadcast_in_dim3A_803 = vector.broadcast %add3A_802 : f32 to vector<16xf32>
        %bitcast3A_804 = vector.bitcast %broadcast_in_dim3A_803 : vector<16xf32> to vector<16xi32>
        %shift_right_logical3A_805 = arith.constant 1 : i32
        %shift_right_logical3A_806 = vector.broadcast %shift_right_logical3A_805 : i32 to vector<16xi32>
        %shift_right_logical3A_807 = arith.shrui %bitcast3A_804, %shift_right_logical3A_806 : vector<16xi32>
        %sub3A_808 = arith.constant 1597463007 : i32
        %sub3A_809 = vector.broadcast %sub3A_808 : i32 to vector<16xi32>
        %sub3A_810 = arith.subi %sub3A_809, %shift_right_logical3A_807 : vector<16xi32>
        %bitcast3A_811 = vector.bitcast %sub3A_810 : vector<16xi32> to vector<16xf32>
        %mul3A_812 = arith.constant 5.000000e-01 : f32
        %mul3A_813 = vector.broadcast %mul3A_812 : f32 to vector<16xf32>
        %mul3A_814 = arith.mulf %broadcast_in_dim3A_803, %mul3A_813 : vector<16xf32>
        %mul3A_815 = arith.mulf %mul3A_814, %bitcast3A_811 : vector<16xf32>
        %mul3A_816 = arith.mulf %mul3A_815, %bitcast3A_811 : vector<16xf32>
        %sub3A_817 = arith.constant 1.500000e+00 : f32
        %sub3A_818 = vector.broadcast %sub3A_817 : f32 to vector<16xf32>
        %sub3A_819 = arith.subf %sub3A_818, %mul3A_816 : vector<16xf32>
        %mul3A_820 = arith.mulf %bitcast3A_811, %sub3A_819 : vector<16xf32>
        %mul3A_821 = arith.mulf %mul3A_814, %mul3A_820 : vector<16xf32>
        %mul3A_822 = arith.mulf %mul3A_821, %mul3A_820 : vector<16xf32>
        %sub3A_823 = arith.constant 1.500000e+00 : f32
        %sub3A_824 = vector.broadcast %sub3A_823 : f32 to vector<16xf32>
        %sub3A_825 = arith.subf %sub3A_824, %mul3A_822 : vector<16xf32>
        %mul3A_826 = arith.mulf %mul3A_820, %sub3A_825 : vector<16xf32>
        %sub3A_827 = vector.broadcast %mul3A_792 : f32 to vector<16xf32>
        %sub3A_828 = arith.subf %add3A_749, %sub3A_827 : vector<16xf32>
        %mul3A_829 = arith.mulf %sub3A_828, %mul3A_826 : vector<16xf32>
        %mul3A_830 = arith.mulf %mul3A_829, %get3A_441 : vector<16xf32>
        %add3A_831 = arith.addf %mul3A_830, %get3A_449 : vector<16xf32>
        %swap3A_832 = arith.constant 1 : i32
        %swap3A_833 = arith.index_cast %swap3A_832 : i32 to index
        %swap3A_834 = arith.index_cast %add3A_740 : i32 to index
        %swap3A_835 = arith.constant 0 : index
        %swap3A_836 = tpu.vector_load %arg11[%swap3A_833, %swap3A_834, %swap3A_835] {strides = array<i32>} : memref<2x200x64xf32, #tpu.memory_space<vmem>>, vector<16xf32>,
        tpu.vector_store %arg11[%swap3A_833, %swap3A_834, %swap3A_835], %add3A_831 {strides = array<i32>} : memref<2x200x64xf32, #tpu.memory_space<vmem>>, vector<16xf32>,
        %sub3A_837 = vector.broadcast %mul3A_792 : f32 to vector<16xf32>
        %sub3A_838 = arith.subf %add3A_758, %sub3A_837 : vector<16xf32>
        %mul3A_839 = arith.mulf %sub3A_838, %mul3A_826 : vector<16xf32>
        %mul3A_840 = arith.mulf %mul3A_839, %get3A_443 : vector<16xf32>
        %add3A_841 = arith.addf %mul3A_840, %get3A_451 : vector<16xf32>
        %swap3A_842 = arith.constant 1 : i32
        %swap3A_843 = arith.index_cast %swap3A_842 : i32 to index
        %swap3A_844 = arith.index_cast %add3A_740 : i32 to index
        %swap3A_845 = arith.constant 16 : index
        %swap3A_846 = tpu.vector_load %arg11[%swap3A_843, %swap3A_844, %swap3A_845] {strides = array<i32>} : memref<2x200x64xf32, #tpu.memory_space<vmem>>, vector<16xf32>,
        tpu.vector_store %arg11[%swap3A_843, %swap3A_844, %swap3A_845], %add3A_841 {strides = array<i32>} : memref<2x200x64xf32, #tpu.memory_space<vmem>>, vector<16xf32>,
        %sub3A_847 = vector.broadcast %mul3A_792 : f32 to vector<16xf32>
        %sub3A_848 = arith.subf %add3A_767, %sub3A_847 : vector<16xf32>
        %mul3A_849 = arith.mulf %sub3A_848, %mul3A_826 : vector<16xf32>
        %mul3A_850 = arith.mulf %mul3A_849, %get3A_445 : vector<16xf32>
        %add3A_851 = arith.addf %mul3A_850, %get3A_453 : vector<16xf32>
        %swap3A_852 = arith.constant 1 : i32
        %swap3A_853 = arith.index_cast %swap3A_852 : i32 to index
        %swap3A_854 = arith.index_cast %add3A_740 : i32 to index
        %swap3A_855 = arith.constant 32 : index
        %swap3A_856 = tpu.vector_load %arg11[%swap3A_853, %swap3A_854, %swap3A_855] {strides = array<i32>} : memref<2x200x64xf32, #tpu.memory_space<vmem>>, vector<16xf32>,
        tpu.vector_store %arg11[%swap3A_853, %swap3A_854, %swap3A_855], %add3A_851 {strides = array<i32>} : memref<2x200x64xf32, #tpu.memory_space<vmem>>, vector<16xf32>,
        %sub3A_857 = vector.broadcast %mul3A_792 : f32 to vector<16xf32>
        %sub3A_858 = arith.subf %add3A_776, %sub3A_857 : vector<16xf32>
        %mul3A_859 = arith.mulf %sub3A_858, %mul3A_826 : vector<16xf32>
        %mul3A_860 = arith.mulf %mul3A_859, %get3A_447 : vector<16xf32>
        %add3A_861 = arith.addf %mul3A_860, %get3A_455 : vector<16xf32>
        %swap3A_862 = arith.constant 1 : i32
        %swap3A_863 = arith.index_cast %swap3A_862 : i32 to index
        %swap3A_864 = arith.index_cast %add3A_740 : i32 to index
        %swap3A_865 = arith.constant 48 : index
        %swap3A_866 = tpu.vector_load %arg11[%swap3A_863, %swap3A_864, %swap3A_865] {strides = array<i32>} : memref<2x200x64xf32, #tpu.memory_space<vmem>>, vector<16xf32>,
        tpu.vector_store %arg11[%swap3A_863, %swap3A_864, %swap3A_865], %add3A_861 {strides = array<i32>} : memref<2x200x64xf32, #tpu.memory_space<vmem>>, vector<16xf32>,
        %add3A_867 = arith.constant 3 : i32
        %add3A_868 = arith.addi %add3A_488, %add3A_867 : i32
        %get3A_869 = arith.constant 3 : i32
        %get3A_870 = arith.index_cast %get3A_869 : i32 to index
        %get3A_871 = arith.index_cast %add3A_868 : i32 to index
        %get3A_872 = arith.constant 0 : index
        %get3A_873 = tpu.vector_load %arg10[%get3A_870, %get3A_871, %get3A_872] {strides = array<i32>} : memref<4x200x64xf32, #tpu.memory_space<vmem>>, vector<16xf32>,
        %get3A_874 = arith.index_cast %add3A_868 : i32 to index
        %get3A_875 = arith.constant 0 : index
        %get3A_876 = tpu.vector_load %arg12[%get3A_874, %get3A_875] {strides = array<i32>} : memref<200x64xf32, #tpu.memory_space<vmem>>, vector<16xf32>,
        %add3A_877 = arith.addf %get3A_873, %get3A_876 : vector<16xf32>
        %get3A_878 = arith.constant 3 : i32
        %get3A_879 = arith.index_cast %get3A_878 : i32 to index
        %get3A_880 = arith.index_cast %add3A_868 : i32 to index
        %get3A_881 = arith.constant 16 : index
        %get3A_882 = tpu.vector_load %arg10[%get3A_879, %get3A_880, %get3A_881] {strides = array<i32>} : memref<4x200x64xf32, #tpu.memory_space<vmem>>, vector<16xf32>,
        %get3A_883 = arith.index_cast %add3A_868 : i32 to index
        %get3A_884 = arith.constant 16 : index
        %get3A_885 = tpu.vector_load %arg12[%get3A_883, %get3A_884] {strides = array<i32>} : memref<200x64xf32, #tpu.memory_space<vmem>>, vector<16xf32>,
        %add3A_886 = arith.addf %get3A_882, %get3A_885 : vector<16xf32>
        %get3A_887 = arith.constant 3 : i32
        %get3A_888 = arith.index_cast %get3A_887 : i32 to index
        %get3A_889 = arith.index_cast %add3A_868 : i32 to index
        %get3A_890 = arith.constant 32 : index
        %get3A_891 = tpu.vector_load %arg10[%get3A_888, %get3A_889, %get3A_890] {strides = array<i32>} : memref<4x200x64xf32, #tpu.memory_space<vmem>>, vector<16xf32>,
        %get3A_892 = arith.index_cast %add3A_868 : i32 to index
        %get3A_893 = arith.constant 32 : index
        %get3A_894 = tpu.vector_load %arg12[%get3A_892, %get3A_893] {strides = array<i32>} : memref<200x64xf32, #tpu.memory_space<vmem>>, vector<16xf32>,
        %add3A_895 = arith.addf %get3A_891, %get3A_894 : vector<16xf32>
        %get3A_896 = arith.constant 3 : i32
        %get3A_897 = arith.index_cast %get3A_896 : i32 to index
        %get3A_898 = arith.index_cast %add3A_868 : i32 to index
        %get3A_899 = arith.constant 48 : index
        %get3A_900 = tpu.vector_load %arg10[%get3A_897, %get3A_898, %get3A_899] {strides = array<i32>} : memref<4x200x64xf32, #tpu.memory_space<vmem>>, vector<16xf32>,
        %get3A_901 = arith.index_cast %add3A_868 : i32 to index
        %get3A_902 = arith.constant 48 : index
        %get3A_903 = tpu.vector_load %arg12[%get3A_901, %get3A_902] {strides = array<i32>} : memref<200x64xf32, #tpu.memory_space<vmem>>, vector<16xf32>,
        %add3A_904 = arith.addf %get3A_900, %get3A_903 : vector<16xf32>
        %add3A_905 = arith.addf %add3A_877, %add3A_886 : vector<16xf32>
        %add3A_906 = arith.addf %add3A_895, %add3A_904 : vector<16xf32>
        %add3A_907 = arith.addf %add3A_905, %add3A_906 : vector<16xf32>
        %mul3A_908 = arith.mulf %add3A_877, %add3A_877 : vector<16xf32>
        %mul3A_909 = arith.mulf %add3A_886, %add3A_886 : vector<16xf32>
        %add3A_910 = arith.addf %mul3A_908, %mul3A_909 : vector<16xf32>
        %mul3A_911 = arith.mulf %add3A_895, %add3A_895 : vector<16xf32>
        %mul3A_912 = arith.mulf %add3A_904, %add3A_904 : vector<16xf32>
        %add3A_913 = arith.addf %mul3A_911, %mul3A_912 : vector<16xf32>
        %add3A_914 = arith.addf %add3A_910, %add3A_913 : vector<16xf32>
        %reduce_sum3A_915 = arith.constant true
        %reduce_sum3A_916 = vector.broadcast %reduce_sum3A_915 : i1 to vector<16xi1>
        %reduce_sum3A_917 = tpu.scan <sum>, %add3A_907 masked %reduce_sum3A_916 : vector<16xf32>, vector<16xi1> -> vector<16xf32>
        %reduce_sum3A_918 = vector.extract %reduce_sum3A_917[15] : f32 from vector<16xf32>
        %mul3A_919 = arith.constant 1.562500e-02 : f32
        %mul3A_920 = arith.mulf %reduce_sum3A_918, %mul3A_919 : f32
        %reduce_sum3A_921 = arith.constant true
        %reduce_sum3A_922 = vector.broadcast %reduce_sum3A_921 : i1 to vector<16xi1>
        %reduce_sum3A_923 = tpu.scan <sum>, %add3A_914 masked %reduce_sum3A_922 : vector<16xf32>, vector<16xi1> -> vector<16xf32>
        %reduce_sum3A_924 = vector.extract %reduce_sum3A_923[15] : f32 from vector<16xf32>
        %mul3A_925 = arith.constant 1.562500e-02 : f32
        %mul3A_926 = arith.mulf %reduce_sum3A_924, %mul3A_925 : f32
        %mul3A_927 = arith.mulf %mul3A_920, %mul3A_920 : f32
        %sub3A_928 = arith.subf %mul3A_926, %mul3A_927 : f32
        %add3A_929 = arith.constant 9.99999996E-13 : f32
        %add3A_930 = arith.addf %sub3A_928, %add3A_929 : f32
        %broadcast_in_dim3A_931 = vector.broadcast %add3A_930 : f32 to vector<16xf32>
        %bitcast3A_932 = vector.bitcast %broadcast_in_dim3A_931 : vector<16xf32> to vector<16xi32>
        %shift_right_logical3A_933 = arith.constant 1 : i32
        %shift_right_logical3A_934 = vector.broadcast %shift_right_logical3A_933 : i32 to vector<16xi32>
        %shift_right_logical3A_935 = arith.shrui %bitcast3A_932, %shift_right_logical3A_934 : vector<16xi32>
        %sub3A_936 = arith.constant 1597463007 : i32
        %sub3A_937 = vector.broadcast %sub3A_936 : i32 to vector<16xi32>
        %sub3A_938 = arith.subi %sub3A_937, %shift_right_logical3A_935 : vector<16xi32>
        %bitcast3A_939 = vector.bitcast %sub3A_938 : vector<16xi32> to vector<16xf32>
        %mul3A_940 = arith.constant 5.000000e-01 : f32
        %mul3A_941 = vector.broadcast %mul3A_940 : f32 to vector<16xf32>
        %mul3A_942 = arith.mulf %broadcast_in_dim3A_931, %mul3A_941 : vector<16xf32>
        %mul3A_943 = arith.mulf %mul3A_942, %bitcast3A_939 : vector<16xf32>
        %mul3A_944 = arith.mulf %mul3A_943, %bitcast3A_939 : vector<16xf32>
        %sub3A_945 = arith.constant 1.500000e+00 : f32
        %sub3A_946 = vector.broadcast %sub3A_945 : f32 to vector<16xf32>
        %sub3A_947 = arith.subf %sub3A_946, %mul3A_944 : vector<16xf32>
        %mul3A_948 = arith.mulf %bitcast3A_939, %sub3A_947 : vector<16xf32>
        %mul3A_949 = arith.mulf %mul3A_942, %mul3A_948 : vector<16xf32>
        %mul3A_950 = arith.mulf %mul3A_949, %mul3A_948 : vector<16xf32>
        %sub3A_951 = arith.constant 1.500000e+00 : f32
        %sub3A_952 = vector.broadcast %sub3A_951 : f32 to vector<16xf32>
        %sub3A_953 = arith.subf %sub3A_952, %mul3A_950 : vector<16xf32>
        %mul3A_954 = arith.mulf %mul3A_948, %sub3A_953 : vector<16xf32>
        %sub3A_955 = vector.broadcast %mul3A_920 : f32 to vector<16xf32>
        %sub3A_956 = arith.subf %add3A_877, %sub3A_955 : vector<16xf32>
        %mul3A_957 = arith.mulf %sub3A_956, %mul3A_954 : vector<16xf32>
        %mul3A_958 = arith.mulf %mul3A_957, %get3A_441 : vector<16xf32>
        %add3A_959 = arith.addf %mul3A_958, %get3A_449 : vector<16xf32>
        %swap3A_960 = arith.constant 1 : i32
        %swap3A_961 = arith.index_cast %swap3A_960 : i32 to index
        %swap3A_962 = arith.index_cast %add3A_868 : i32 to index
        %swap3A_963 = arith.constant 0 : index
        %swap3A_964 = tpu.vector_load %arg11[%swap3A_961, %swap3A_962, %swap3A_963] {strides = array<i32>} : memref<2x200x64xf32, #tpu.memory_space<vmem>>, vector<16xf32>,
        tpu.vector_store %arg11[%swap3A_961, %swap3A_962, %swap3A_963], %add3A_959 {strides = array<i32>} : memref<2x200x64xf32, #tpu.memory_space<vmem>>, vector<16xf32>,
        %sub3A_965 = vector.broadcast %mul3A_920 : f32 to vector<16xf32>
        %sub3A_966 = arith.subf %add3A_886, %sub3A_965 : vector<16xf32>
        %mul3A_967 = arith.mulf %sub3A_966, %mul3A_954 : vector<16xf32>
        %mul3A_968 = arith.mulf %mul3A_967, %get3A_443 : vector<16xf32>
        %add3A_969 = arith.addf %mul3A_968, %get3A_451 : vector<16xf32>
        %swap3A_970 = arith.constant 1 : i32
        %swap3A_971 = arith.index_cast %swap3A_970 : i32 to index
        %swap3A_972 = arith.index_cast %add3A_868 : i32 to index
        %swap3A_973 = arith.constant 16 : index
        %swap3A_974 = tpu.vector_load %arg11[%swap3A_971, %swap3A_972, %swap3A_973] {strides = array<i32>} : memref<2x200x64xf32, #tpu.memory_space<vmem>>, vector<16xf32>,
        tpu.vector_store %arg11[%swap3A_971, %swap3A_972, %swap3A_973], %add3A_969 {strides = array<i32>} : memref<2x200x64xf32, #tpu.memory_space<vmem>>, vector<16xf32>,
        %sub3A_975 = vector.broadcast %mul3A_920 : f32 to vector<16xf32>
        %sub3A_976 = arith.subf %add3A_895, %sub3A_975 : vector<16xf32>
        %mul3A_977 = arith.mulf %sub3A_976, %mul3A_954 : vector<16xf32>
        %mul3A_978 = arith.mulf %mul3A_977, %get3A_445 : vector<16xf32>
        %add3A_979 = arith.addf %mul3A_978, %get3A_453 : vector<16xf32>
        %swap3A_980 = arith.constant 1 : i32
        %swap3A_981 = arith.index_cast %swap3A_980 : i32 to index
        %swap3A_982 = arith.index_cast %add3A_868 : i32 to index
        %swap3A_983 = arith.constant 32 : index
        %swap3A_984 = tpu.vector_load %arg11[%swap3A_981, %swap3A_982, %swap3A_983] {strides = array<i32>} : memref<2x200x64xf32, #tpu.memory_space<vmem>>, vector<16xf32>,
        tpu.vector_store %arg11[%swap3A_981, %swap3A_982, %swap3A_983], %add3A_979 {strides = array<i32>} : memref<2x200x64xf32, #tpu.memory_space<vmem>>, vector<16xf32>,
        %sub3A_985 = vector.broadcast %mul3A_920 : f32 to vector<16xf32>
        %sub3A_986 = arith.subf %add3A_904, %sub3A_985 : vector<16xf32>
        %mul3A_987 = arith.mulf %sub3A_986, %mul3A_954 : vector<16xf32>
        %mul3A_988 = arith.mulf %mul3A_987, %get3A_447 : vector<16xf32>
        %add3A_989 = arith.addf %mul3A_988, %get3A_455 : vector<16xf32>
        %swap3A_990 = arith.constant 1 : i32
        %swap3A_991 = arith.index_cast %swap3A_990 : i32 to index
        %swap3A_992 = arith.index_cast %add3A_868 : i32 to index
        %swap3A_993 = arith.constant 48 : index
        %swap3A_994 = tpu.vector_load %arg11[%swap3A_991, %swap3A_992, %swap3A_993] {strides = array<i32>} : memref<2x200x64xf32, #tpu.memory_space<vmem>>, vector<16xf32>,
        tpu.vector_store %arg11[%swap3A_991, %swap3A_992, %swap3A_993], %add3A_989 {strides = array<i32>} : memref<2x200x64xf32, #tpu.memory_space<vmem>>, vector<16xf32>,
      }
      %scan3A_460 = arith.constant 50 : i32
      %mul3A_461 = arith.constant 200 : i32
      %mul3A_462 = arith.muli %add3A_402, %mul3A_461 : i32
      %add3A_463 = arith.addi %mul3A_2, %mul3A_462 : i32
      %dma_start3A_464 = arith.constant 1 : i32
      %dma_start3A_465 = arith.constant 0 : i32
      %dma_start3A_466 = arith.constant 0 : i32
      %dma_start3A_467 = tpu.memref_slice %arg11[%dma_start3A_464, %dma_start3A_465, %dma_start3A_466] : memref<2x200x64xf32, #tpu.memory_space<vmem>> -> memref<1x200x64xf32, #tpu.memory_space<vmem>>
      %dma_start3A_468 = tpu.memref_squeeze %dma_start3A_467 : memref<1x200x64xf32, #tpu.memory_space<vmem>> -> memref<200x64xf32, #tpu.memory_space<vmem>>
      %dma_start3A_469 = arith.constant 0 : i32
      %dma_start3A_470 = tpu.memref_slice %arg8[%add3A_463, %dma_start3A_469] : memref<819200x64xf32, #tpu.memory_space<hbm>> -> memref<200x64xf32, #tpu.memory_space<hbm>>
      %dma_start3A_471 = arith.constant 0 : i32
      %dma_start3A_472 = tpu.memref_slice %arg8[%add3A_463, %dma_start3A_471] : memref<819200x64xf32, #tpu.memory_space<hbm>> -> memref<200x64xf32, #tpu.memory_space<hbm>>
      %dma_start3A_473 = arith.constant 0 : i32
      %dma_start3A_474 = arith.constant 0 : i32
      %dma_start3A_475 = tpu.memref_slice %arg11[%dma_start3A_464, %dma_start3A_473, %dma_start3A_474] : memref<2x200x64xf32, #tpu.memory_space<vmem>> -> memref<1x200x64xf32, #tpu.memory_space<vmem>>
      %dma_start3A_476 = tpu.memref_squeeze %dma_start3A_475 : memref<1x200x64xf32, #tpu.memory_space<vmem>> -> memref<200x64xf32, #tpu.memory_space<vmem>>
      tpu.enqueue_dma source(%dma_start3A_476 : memref<200x64xf32, #tpu.memory_space<vmem>>) target(%dma_start3A_472 : memref<200x64xf32, #tpu.memory_space<hbm>>) target_semaphore(%arg21 : memref<!tpu.dma_semaphore, #tpu.memory_space<semaphore_mem>>)
      %add3A_477 = arith.constant 4 : i32
      %add3A_478 = arith.addi %add3A_402, %add3A_477 : i32
      %lt3A_479 = arith.constant 128 : i32
      %lt3A_480 = arith.cmpi slt, %add3A_478, %lt3A_479 : i32
      %convert_element_type3A_481 = arith.extui %lt3A_480 : i1 to i32
      %cond3A_482 = arith.constant 0 : i32
      %cond3A_483 = arith.cmpi ne, %convert_element_type3A_481, %cond3A_482 : i32
      scf.if %cond3A_483 {
        %add3A_484 = arith.constant 4 : i32
        %add3A_485 = arith.addi %add3A_402, %add3A_484 : i32
        %mul3A_486 = arith.constant 200 : i32
        %mul3A_487 = arith.muli %add3A_485, %mul3A_486 : i32
        %add3A_488 = arith.constant 0 : i32
        %add3A_489 = arith.addi %mul3A_487, %add3A_488 : i32
        %dma_start3A_490 = arith.constant 3 : i32
        %dma_start3A_491 = arith.constant 0 : i32
        %dma_start3A_492 = arith.constant 0 : i32
        %dma_start3A_493 = tpu.memref_slice %arg10[%dma_start3A_490, %dma_start3A_491, %dma_start3A_492] : memref<4x200x64xf32, #tpu.memory_space<vmem>> -> memref<1x200x64xf32, #tpu.memory_space<vmem>>
        %dma_start3A_494 = tpu.memref_squeeze %dma_start3A_493 : memref<1x200x64xf32, #tpu.memory_space<vmem>> -> memref<200x64xf32, #tpu.memory_space<vmem>>
        %dma_start3A_495 = arith.constant 0 : i32
        %dma_start3A_496 = arith.constant 0 : i32
        %dma_start3A_497 = tpu.memref_slice %dma_start3A_494[%dma_start3A_495, %dma_start3A_496] : memref<200x64xf32, #tpu.memory_space<vmem>> -> memref<104x64xf32, #tpu.memory_space<vmem>>
        %dma_start3A_498 = tpu.memref_slice %arg9[%add3A_489] : memref<25600xi32, #tpu.memory_space<vmem>> -> memref<104xi32, #tpu.memory_space<vmem>>
        %dma_start3A_499 = arith.constant 0 : i32
        %dma_start3A_500 = arith.constant 0 : i32
        %dma_start3A_501 = tpu.memref_slice %arg3[%dma_start3A_499, %dma_start3A_500] : memref<1000000x64xf32, #tpu.memory_space<hbm>> -> memref<1000000x64xf32, #tpu.memory_space<hbm>>
        tpu.enqueue_indirect_dma source(%dma_start3A_501 : memref<1000000x64xf32, #tpu.memory_space<hbm>>) target(%dma_start3A_497 : memref<104x64xf32, #tpu.memory_space<vmem>>) offsets(%dma_start3A_498 : memref<104xi32, #tpu.memory_space<vmem>>) semaphore(%arg19 : memref<!tpu.dma_semaphore, #tpu.memory_space<semaphore_mem>>)
        %mul3A_502 = arith.constant 200 : i32
        %mul3A_503 = arith.muli %add3A_485, %mul3A_502 : i32
        %add3A_504 = arith.constant 104 : i32
        %add3A_505 = arith.addi %mul3A_503, %add3A_504 : i32
        %dma_start3A_506 = arith.constant 3 : i32
        %dma_start3A_507 = arith.constant 0 : i32
        %dma_start3A_508 = arith.constant 0 : i32
        %dma_start3A_509 = tpu.memref_slice %arg10[%dma_start3A_506, %dma_start3A_507, %dma_start3A_508] : memref<4x200x64xf32, #tpu.memory_space<vmem>> -> memref<1x200x64xf32, #tpu.memory_space<vmem>>
        %dma_start3A_510 = tpu.memref_squeeze %dma_start3A_509 : memref<1x200x64xf32, #tpu.memory_space<vmem>> -> memref<200x64xf32, #tpu.memory_space<vmem>>
        %dma_start3A_511 = arith.constant 104 : i32
        %dma_start3A_512 = arith.constant 0 : i32
        %dma_start3A_513 = tpu.memref_slice %dma_start3A_510[%dma_start3A_511, %dma_start3A_512] : memref<200x64xf32, #tpu.memory_space<vmem>> -> memref<96x64xf32, #tpu.memory_space<vmem>>
        %dma_start3A_514 = tpu.memref_slice %arg9[%add3A_505] : memref<25600xi32, #tpu.memory_space<vmem>> -> memref<96xi32, #tpu.memory_space<vmem>>
        %dma_start3A_515 = arith.constant 0 : i32
        %dma_start3A_516 = arith.constant 0 : i32
        %dma_start3A_517 = tpu.memref_slice %arg3[%dma_start3A_515, %dma_start3A_516] : memref<1000000x64xf32, #tpu.memory_space<hbm>> -> memref<1000000x64xf32, #tpu.memory_space<hbm>>
        tpu.enqueue_indirect_dma source(%dma_start3A_517 : memref<1000000x64xf32, #tpu.memory_space<hbm>>) target(%dma_start3A_513 : memref<96x64xf32, #tpu.memory_space<vmem>>) offsets(%dma_start3A_514 : memref<96xi32, #tpu.memory_space<vmem>>) semaphore(%arg19 : memref<!tpu.dma_semaphore, #tpu.memory_space<semaphore_mem>>)
      } else {
      }
    }
    %scan3A_114 = arith.constant 32 : i32
    %add3A_115 = arith.constant 25200 : i32
    %add3A_116 = arith.addi %mul3A_2, %add3A_115 : i32
    %dma_wait3A = arith.constant 0 : i32
    %dma_wait3A_117 = arith.constant 0 : i32
    %dma_wait3A_118 = arith.constant 0 : i32
    %dma_wait3A_119 = tpu.memref_slice %arg11[%dma_wait3A, %dma_wait3A_117, %dma_wait3A_118] : memref<2x200x64xf32, #tpu.memory_space<vmem>> -> memref<1x200x64xf32, #tpu.memory_space<vmem>>
    %dma_wait3A_120 = tpu.memref_squeeze %dma_wait3A_119 : memref<1x200x64xf32, #tpu.memory_space<vmem>> -> memref<200x64xf32, #tpu.memory_space<vmem>>
    %dma_wait3A_121 = arith.constant 0 : i32
    %dma_wait3A_122 = tpu.memref_slice %arg8[%add3A_116, %dma_wait3A_121] : memref<819200x64xf32, #tpu.memory_space<hbm>> -> memref<200x64xf32, #tpu.memory_space<hbm>>
    %dma_wait3A_123 = arith.constant 0 : i32
    %dma_wait3A_124 = tpu.memref_slice %arg8[%add3A_116, %dma_wait3A_123] : memref<819200x64xf32, #tpu.memory_space<hbm>> -> memref<200x64xf32, #tpu.memory_space<hbm>>
    %dma_wait3A_125 = arith.constant 0 : i32
    %dma_wait3A_126 = arith.constant 0 : i32
    %dma_wait3A_127 = tpu.memref_slice %arg11[%dma_wait3A, %dma_wait3A_125, %dma_wait3A_126] : memref<2x200x64xf32, #tpu.memory_space<vmem>> -> memref<1x200x64xf32, #tpu.memory_space<vmem>>
    %dma_wait3A_128 = tpu.memref_squeeze %dma_wait3A_127 : memref<1x200x64xf32, #tpu.memory_space<vmem>> -> memref<200x64xf32, #tpu.memory_space<vmem>>
    tpu.wait_dma2 semaphore(%arg20 : memref<!tpu.dma_semaphore, #tpu.memory_space<semaphore_mem>>) src(%dma_wait3A_128 : memref<200x64xf32, #tpu.memory_space<vmem>>) dst(%dma_wait3A_124 : memref<200x64xf32, #tpu.memory_space<hbm>>)
    %add3A_129 = arith.constant 25400 : i32
    %add3A_130 = arith.addi %mul3A_2, %add3A_129 : i32
    %dma_wait3A_131 = arith.constant 1 : i32
    %dma_wait3A_132 = arith.constant 0 : i32
    %dma_wait3A_133 = arith.constant 0 : i32
    %dma_wait3A_134 = tpu.memref_slice %arg11[%dma_wait3A_131, %dma_wait3A_132, %dma_wait3A_133] : memref<2x200x64xf32, #tpu.memory_space<vmem>> -> memref<1x200x64xf32, #tpu.memory_space<vmem>>
    %dma_wait3A_135 = tpu.memref_squeeze %dma_wait3A_134 : memref<1x200x64xf32, #tpu.memory_space<vmem>> -> memref<200x64xf32, #tpu.memory_space<vmem>>
    %dma_wait3A_136 = arith.constant 0 : i32
    %dma_wait3A_137 = tpu.memref_slice %arg8[%add3A_130, %dma_wait3A_136] : memref<819200x64xf32, #tpu.memory_space<hbm>> -> memref<200x64xf32, #tpu.memory_space<hbm>>
    %dma_wait3A_138 = arith.constant 0 : i32
    %dma_wait3A_139 = tpu.memref_slice %arg8[%add3A_130, %dma_wait3A_138] : memref<819200x64xf32, #tpu.memory_space<hbm>> -> memref<200x64xf32, #tpu.memory_space<hbm>>
    %dma_wait3A_140 = arith.constant 0 : i32
    %dma_wait3A_141 = arith.constant 0 : i32
    %dma_wait3A_142 = tpu.memref_slice %arg11[%dma_wait3A_131, %dma_wait3A_140, %dma_wait3A_141] : memref<2x200x64xf32, #tpu.memory_space<vmem>> -> memref<1x200x64xf32, #tpu.memory_space<vmem>>
    %dma_wait3A_143 = tpu.memref_squeeze %dma_wait3A_142 : memref<1x200x64xf32, #tpu.memory_space<vmem>> -> memref<200x64xf32, #tpu.memory_space<vmem>>
    tpu.wait_dma2 semaphore(%arg21 : memref<!tpu.dma_semaphore, #tpu.memory_space<semaphore_mem>>) src(%dma_wait3A_143 : memref<200x64xf32, #tpu.memory_space<vmem>>) dst(%dma_wait3A_139 : memref<200x64xf32, #tpu.memory_space<hbm>>)
    return
  }
}

</mosaic_0001>

<sc_bundles>
// kernel: kernel.3.cloned.1.call-start
scs
__scs_entry_jumppad:
0x0: {  	(pc) =	sbr.rel $0x88, $3  }
0x1: {  	(tag) =	ssettag $0x0;
	lr =	simm.s32 $0x1  }
0x2: {  	[smem:$0x3F9B] =	sst lr;
	_ =	strace $0xD0000000  }
0x3: {  	_ = 	snop  }
0x4: {  	_ = 	snop  }
0x5: {  	_ = 	snop  }
0x6: {  	_ = 	snop  }
0x7: {  	_ = 	snop  }
__scs_overlays_trampoline_lowered:
0x8: {  	[smem:$0x3FAA] =	sst s0  }
0x9: {  	[smem:$0x3FAB] =	sst s1  }
0xa: {  	[smem:$0x3FAC] =	sst s2  }
0xb: {  	[smem:$0x3FAD] =	sst s3  }
0xc: {  	[smem:$0x3FAE] =	sst s4  }
0xd: {  	[smem:$0x3FAF] =	sst s5  }
0xe: {  	[smem:$0x3FB0] =	sst s6  }
0xf: {  	[smem:$0x3FB1] =	sst s7  }
0x10: {  	[smem:$0x3FB2] =	sst s8  }
0x11: {  	[smem:$0x3FB3] =	sst s9;
	s0 =	simm.s32 @!p0 $0x0  }
0x12: {  	s1 =	sld [smem:$0x3F99];
	s0 =	simm.s32 @p0 $0x1  }
0x13: {  	[smem:$0x3FB4] =	sst s0;
	s0 =	simm.s32 @!p1 $0x0  }
0x14: {  	s2 =	sld [smem:$0x3F98];
	s0 =	simm.s32 @p1 $0x1  }
0x15: {  	[smem:$0x3FB5] =	sst s0;
	s0 =	simm.s32 @!p2 $0x0  }
0x16: {  	s3 =	sld [smem:$0x3FDB];
	s0 =	simm.s32 @p2 $0x1  }
0x17: {  	s4 =	simm.s32 $0x1BF5;
	[smem:$0x3FB7] =	sst s0  }
0x18: {  	s0 =	sld [smem:$0x3F9A];
	_ =	swait.ge [sflag:s4], $0x0  }
0x19: {  	s7 =	sld [smem:$0x3F9B]  }
0x1a: {  	s8 =	sadd.s32 $0xFFFFE003, lr  }
0x1b: {  	s9 =	sadd.s32 $0xFFFFFEF7, lr;
	s5 =	simm.s32 $0xFFFFFFFF;
	p2 =	slt.u32 s8, $0xFFFFF086  }
0x1c: {  	p1 =	slt.u32 s9, $0xF7A;
	s5 =	simm.s32 @!p2 $0x0  }
0x1d: {  	s5 =	simm.s32 @p1 $0x1;
	p0 =	seq.s32 s7, s2  }
0x1e: {  	s7 =	smul.u32 @!p0 $0xF7A, s2;
	p2 =	seq.s32 @!p0 s5, $0x0  }
0x1f: {  	s9 =	smul.u32 $0xF7A, s1;
	s8 =	simm.s32 @!p0 $0x1BF5;
	p2 =	por !p2, p0  }
0x20: {  	[sflag:s8] =	ssyncset.s32 @!p0 $0xFFFFF086;
	s6 =	sadd.s32 @!p0 s3, s7;
	s7 =	simm.s32 @!p0 $0x108  }
0x21: {  	s3 =	sadd.s32 s3, s9;
	s6 =	sadd.s32 @!p0 $0x88, s6;
	s7 =	simm.s32 @p2 $0x1082  }
0x22: {  	[simem:s7], [sflag:s8] =	dma.local @!p0 [hbm:s6], $0xF7A  }
0x23: {  	s9 =	sor.u32 $0xD0000000, s2;
	s6 =	simm.s32 $0x108;
	_ =	swait.ge @!p0 [sflag:s8], $0x0  }
0x24: {  	s3 =	sadd.s32 $0x88, s3;
	s6 =	simm.s32 @!p1 $0x1082;
	[sflag:s4] =	ssyncset.s32 $0xFFFFF086  }
0x25: {  	[simem:s6], [sflag:s4] =	dma.local [hbm:s3], $0xF7A  }
0x26: {  	[smem:$0x3F9B] =	sst s1;
	(tag) =	ssettag s2;
	_ =	strace s9  }
0x27: {  	s1 =	sld [smem:$0x3FAB]  }
0x28: {  	s2 =	sld [smem:$0x3FAC]  }
0x29: {  	s4 =	sld [smem:$0x3FAE]  }
0x2a: {  	p0 =	seq.s32 s5, $0x0;
	s5 =	sld [smem:$0x3FAF]  }
0x2b: {  	s6 =	sld [smem:$0x3FB0]  }
0x2c: {  	s7 =	sld [smem:$0x3FB1]  }
0x2d: {  	s3 =	simm.s32 $0x108;
	s8 =	sld [smem:$0x3FB2]  }
0x2e: {  	s3 =	simm.s32 @!p0 $0x1082;
	s9 =	sld [smem:$0x3FB3]  }
0x2f: {  	lr =	sadd.s32 s0, s3;
	s0 =	sld [smem:$0x3FAA]  }
0x30: {  	s3 =	sld [smem:$0x3FAD]  }
0x31: {  	[smem:$0x3FB6] =	sst s10  }
0x32: {  	s10 =	sld [smem:$0x3FB4];
	_ =	sdelay $0x3  }
0x33: {  	p0 =	seq.s32 s10, $0x1;
	s10 =	sld [smem:$0x3FB6];
	_ =	sdelay $0x3  }
0x34: {  	[smem:$0x3FB6] =	sst s10  }
0x35: {  	s10 =	sld [smem:$0x3FB5];
	_ =	sdelay $0x3  }
0x36: {  	p1 =	seq.s32 s10, $0x1;
	s10 =	sld [smem:$0x3FB6];
	_ =	sdelay $0x3  }
0x37: {  	[smem:$0x3FB6] =	sst s10  }
0x38: {  	s10 =	sld [smem:$0x3FB7]  }
0x39: {  	_ = 	snop;
	(pc) =	sbr.ind lr, $3  }
0x3a: {  	_ = 	snop  }
0x3b: {  	_ = 	snop  }
0x3c: {  	p2 =	seq.s32 s10, $0x1;
	s10 =	sld [smem:$0x3FB6]  }
0x3d: {  	_ =	shalt  }
0x3e: {  	_ =	shalt  }
0x3f: {  	_ =	shalt  }
0x40: {  	_ =	shalt  }
0x41: {  	_ =	shalt  }
0x42: {  	_ =	shalt  }
0x43: {  	_ =	shalt  }
0x44: {  	_ =	shalt  }
0x45: {  	_ =	shalt  }
0x46: {  	_ =	shalt  }
0x47: {  	_ =	shalt  }
0x48: {  	_ =	shalt  }
0x49: {  	_ =	shalt  }
0x4a: {  	_ =	shalt  }
0x4b: {  	_ =	shalt  }
0x4c: {  	_ =	shalt  }
0x4d: {  	_ =	shalt  }
0x4e: {  	_ =	shalt  }
0x4f: {  	_ =	shalt  }
0x50: {  	_ =	shalt  }
0x51: {  	_ =	shalt  }
0x52: {  	_ =	shalt  }
0x53: {  	_ =	shalt  }
0x54: {  	_ =	shalt  }
0x55: {  	_ =	shalt  }
0x56: {  	_ =	shalt  }
0x57: {  	_ =	shalt  }
0x58: {  	_ =	shalt  }
0x59: {  	_ =	shalt  }
0x5a: {  	_ =	shalt  }
0x5b: {  	_ =	shalt  }
0x5c: {  	_ =	shalt  }
0x5d: {  	_ =	shalt  }
0x5e: {  	_ =	shalt  }
0x5f: {  	_ =	shalt  }
0x60: {  	_ =	shalt  }
0x61: {  	_ =	shalt  }
0x62: {  	_ =	shalt  }
0x63: {  	_ =	shalt  }
0x64: {  	_ =	shalt  }
0x65: {  	_ =	shalt  }
0x66: {  	_ =	shalt  }
0x67: {  	_ =	shalt  }
0x68: {  	_ =	shalt  }
0x69: {  	_ =	shalt  }
0x6a: {  	_ =	shalt  }
0x6b: {  	_ =	shalt  }
0x6c: {  	_ =	shalt  }
0x6d: {  	_ =	shalt  }
0x6e: {  	_ =	shalt  }
0x6f: {  	_ =	shalt  }
0x70: {  	_ =	shalt  }
0x71: {  	_ =	shalt  }
0x72: {  	_ =	shalt  }
0x73: {  	_ =	shalt  }
0x74: {  	_ =	shalt  }
0x75: {  	_ =	shalt  }
0x76: {  	_ =	shalt  }
0x77: {  	_ =	shalt  }
0x78: {  	_ =	shalt  }
0x79: {  	_ =	shalt  }
0x7a: {  	_ =	shalt  }
0x7b: {  	_ =	shalt  }
0x7c: {  	_ =	shalt  }
0x7d: {  	_ =	shalt  }
0x7e: {  	_ =	shalt  }
0x7f: {  	_ =	shalt  }
0x80: {  	_ =	shalt  }
0x81: {  	_ =	shalt  }
0x82: {  	_ =	shalt  }
0x83: {  	_ =	shalt  }
0x84: {  	_ =	shalt  }
0x85: {  	_ =	shalt  }
0x86: {  	_ =	shalt  }
0x87: {  	_ =	shalt  }
.Lfunc_end0:
.L_simem_size_0:
called_computation.1_lowered:
.L_overlay_start_0:
0x88: {  	s2 =	sld [smem:$0x3FD9]  }
0x89: {  	s3 =	sld [smem:$0x3FFE];
	_ =	sdelay $0x1  }
0x8a: {  	s1 =	srdreg.scid  }
0x8b: {  	s0 =	sand.u32 $0x1, s1  }
0x8c: {  	s17 =	sshll.u32 s0, $0xA;
	s2 =	sadd.s32 s3, s2  }
0x8d: {  	s2 =	sadd.s32 s2, s17  }
0x8e: {  	[smem:$0x3FC2] =	sst s2  }
0x8f: {  	_ = 	snop  }
0x90: {  	s2 =	sld [smem:$0x3FC5]  }
0x91: {  	s18 =	sld [smem:$0x3FC4]  }
0x92: {  	s4 =	sld [smem:$0x3FD0];
	(tm) =	ssettm $0x1  }
0x93: {  	s5 =	sld [smem:$0x3FFB];
	_ =	sdelay $0x3  }
0x94: {  	_ =	strace s5  }
0x95: {  	s5 =	sld [smem:$0x3FFC];
	_ =	sdelay $0x3  }
0x96: {  	_ =	strace s5  }
0x97: {  	s5 =	sld [smem:$0x3FFD];
	_ =	sdelay $0x3  }
0x98: {  	_ =	strace s5  }
0x99: {  	_ =	strace $0x8FFFFFFF  }
0x9a: {  	s19 =	sld [smem:$0x3FDB];
	_ =	sdelay $0x1  }
0x9b: {  	s6 =	simm.s32 $_scs_section_size  }
0x9c: {  	s7 =	simm.s32 $_size__tile_overlayer_lowered;
	s8 =	simm.s32 $_tile_overlayer_lowered  }
0x9d: {  	s22 =	simm.s32 $0x1BFF;
	s21 =	sshll.u32 s8, $0x1;
	s5 =	sadd.s32 s6, s19  }
0x9e: {  	s9 =	simm.s32 $0x0;
	s20 =	sshll.u32 s7, $0x1;
	s7 =	sadd.s32 s21, s5  }
0x9f: {  	[timem:s9], [sflag:s22] =	dma.local [hbm:s7], s20  }
0xa0: {  	_ =	swait.ge [sflag:s22], s20  }
0xa1: {  	s6 =	ssub.s32 $0x0, s20;
	[sflag:s22] =	ssyncset.done $0x0  }
0xa2: {  	[sflag:s22] =	ssyncadd.s32 s6;
	_ =	sdelay $0x1  }
0xa3: {  	s23 =	simm.s32 $0x1B8B  }
0xa4: {  	_ =	swait.ge [sflag:s23], $0x1  }
0xa5: {  	[sflag:s23] =	ssyncset.done $0x0  }
0xa6: {  	s25 =	simm.s32 $0x1B8E;
	s24 =	sld [smem:$0x3FFE];
	[sflag:s23] =	ssyncadd.s32 $0xFFFFFFFF  }
0xa7: {  	s26 =	simm.s32 $execute0_lowered;
	[smem:$0x3FD2] =	sst s25  }
0xa8: {  	s7 =	sshll.u32 s26, $0x1;
	_ =	strace $0x80000046;
	[dreg:$0x1] =	wrdreg $0xFFFFFFFF  }
0xa9: {  	s28 =	simm.s32 $_size_execute0_lowered;
	s5 =	sadd.s32 s5, s7;
	[dreg:$0x0] =	wrdreg $0x0  }
0xaa: {  	s7 =	sshll.u32 s28, $0x1;
	[dreg:$0x2] =	wrdreg s5  }
0xab: {  	[dreg:$0x3] =	wrdreg s7  }
0xac: {  	[dreg:$0x4] =	wrdreg $0xC0  }
0xad: {  	_ =	task [dreg:s9], $0x5FFFF  }
0xae: {  	[dreg:$0x1] =	wrdreg $0xFFFFFFFF  }
0xaf: {  	[dreg:$0x0] =	wrdreg $0x60  }
0xb0: {  	[dreg:$0x2] =	wrdreg s24  }
0xb1: {  	[dreg:$0x3] =	wrdreg s2  }
0xb2: {  	[dreg:$0x4] =	wrdreg s18  }
0xb3: {  	[dreg:$0x5] =	wrdreg s4  }
0xb4: {  	[dreg:$0x6] =	wrdreg $0x9  }
0xb5: {  	_ =	task.clear_ibuf [dreg:s9], $0x7FFFF;
	_ =	strace $0x90000046  }
0xb6: {  	s29 =	simm.s32 $0x9;
	_ =	strace $0x80000048  }
0xb7: {  	_ =	swait.ge [sflag:s29], $0x1  }
0xb8: {  	[sflag:s29] =	ssyncadd.s32 $0xFFFFFFFF  }
0xb9: {  	_ =	strace $0x90000048  }
0xba: {  	_ =	sfence  }
0xbb: {  	s30 =	sld [smem:$0x0];
	_ =	sdelay $0x2  }
0xbc: {  	s31 =	sshll.u32 s1, $0xD;
	s1 =	sshrl.u32 s1, $0x2  }
0xbd: {  	s3 =	sand.u32 $0x4000, s31;
	s1 =	sadd.s32 s1, s30  }
0xbe: {  	s0 =	sor.u32 s3, s0;
	s1 =	sshll.u32 s1, $0x11  }
0xbf: {  	s0 =	sor.u32 s1, s0  }
0xc0: {  	s0 =	sadd.s32 $0x8F2B, s0  }
0xc1: {  	[sflag:s0] =	ssyncadd.remote.s32 $0x1  }
0xc2: {  	_ =	sfence.sel $0xFFFF  }
0xc3: {  	[dreg:$0x0] =	wrdreg $0xFFFFFFFF;
	(pc) =	sbr.abs _section_cstart, $3  }
0xc4: {  	[dreg:$0x1] =	wrdreg $0xFFFFFFFF  }
0xc5: {  	_ =	task.clear_ibuf [dreg:s9], $0x2FFFF;
	_ =	strace $0x9FFFFFFF  }
0xc6: {  	(tm) =	ssettm $0x7FFFFFFF  }
0xc7: {  	_ =	shalt  }
tec
execute0_lowered:
.L_overlay_start_1:
0x0: {  	(tag) =	ssettag $0x1  }
0x1: {  	s0 =	rddreg [dreg:$0x0]  }
0x2: {  	s1 =	srdreg.scid;
	s2 =	stileid.u32  }
0x3: {  	s4 =	rddreg [dreg:$0x3];
	s5 =	simm.s32 $0x0;
	s20 =	simm.s32 $0x68  }
0x4: {  	s22 =	simm.s32 $0x60;
	s16 =	simm.s32 $0x11400;
	s17 =	simm.s32 $0x1  }
0x5: {  	s18 =	simm.s32 $0x12C00;
	s19 =	simm.s32 $0x2;
	s21 =	simm.s32 $0x15E00  }
0x6: {  	s23 =	simm.s32 $0x3;
	s24 =	simm.s32 $0x5;
	s25 =	simm.s32 $0x4  }
0x7: {  	s26 =	simm.s32 $0x6;
	s1 =	sand.u32 $0x1, s1;
	s2 =	sshll.u32 s2, $0x1  }
0x8: {  	[smem:$0x7FF] =	sst s5;
	s7 =	sadd.s32 $0xF43200, s0;
	s2 =	sor.u32 s1, s2  }
0x9: {  	s3 =	sadd.s32 $0x19E00, s0;
	s1 =	ssub.s32 $0x2, s1;
	s6 =	smul.u32 $0x6400, s2  }
0xa: {  	_ =	strace $0x80000047;
	[dreg:$0x5] =	wrdreg s3;
	s30 =	sshrl.u32 s1, $0x1  }
.Ltmp0:
0xb: {  	s2 =	sshrl.u32 s6, $0x3;
	s11 =	sor.u32 $0xC8, s6;
	(pc) =	sbr.rel .LBB2_1-.Ltmp0, $4  }
0xc: {  	s12 =	sor.u32 $0x190, s6;
	s2 =	sadd.s32 s2, s0;
	s0 =	sadd.s32 $0x1AE00, s0  }
0xd: {  	[dreg:$0x6] =	wrdreg s0;
	s0 =	ssub.s32 s1, s30;
	s31 =	sadd.s32 $0xE00, s2  }
0xe: {  	s13 =	sor.u32 $0x258, s6;
	[dreg:$0x7] =	wrdreg s31;
	s0 =	smax.u32 s0, $0x1  }
0xf: {  	s1 =	simm.s32 $0xFA00;
	s2 =	simm.s32 $0x0;
	[dreg:$0x8] =	wrdreg s0  }
.LBB2_14:
0x10: {  	_ =	swait.ge [sflag:s24], $0x3200  }
0x11: {  	[sflag:s24] =	ssyncset.done $0x0  }
0x12: {  	[sflag:s24] =	ssyncadd.s32 $0xFFFFCE00  }
0x13: {  	_ =	swait.ge [sflag:s26], $0x3200  }
0x14: {  	s2 =	rddreg [dreg:$0x9]  }
0x15: {  	s0 =	rddreg [dreg:$0x8];
	s2 =	sadd.s32 $0x1, s2  }
0x16: {  	p0 =	sne.s32 s2, s0  }
.Ltmp1:
0x17: {  	_ = 	snop;
	(pc) =	sbr.rel @!p0 .LBB2_15-.Ltmp1, $3  }
0x18: {  	_ =	sdelay $0x1  }
0x19: {  	[sflag:s26] =	ssyncset.done $0x0  }
0x1a: {  	[sflag:s26] =	ssyncadd.s32 $0xFFFFCE00  }
.LBB2_1:
0x1b: {  	[dreg:$0x9] =	wrdreg s2  }
0x1c: {  	s0 =	rddreg [dreg:$0x7];
	s9 =	simm.s32 $0x7  }
0x1d: {  	[tilespmem:s5], [sflag:$0x7] =	stream.linear.gather [hbm4b:s0+s5], $0x6400, $0x38;
	[tilespmem:$0x1C2C0] =	vst v63  }
0x1e: {  	_ =	swait.ge [sflag:s9], $0x6400  }
0x1f: {  	[sflag:s9] =	ssyncset.done $0x0  }
0x20: {  	s3 =	simm.s32 $0x19000;
	s10 =	rddreg [dreg:$0x5];
	[sflag:s9] =	ssyncadd.s32 $0xFFFF9C00  }
0x21: {  	[tilespmem:s3], [sflag:$0x7] =	stream.linear.gather [hbm4b:s10+s5], $0x3200, $0x38;
	[tilespmem:$0x1C2C0] =	vst v63  }
0x22: {  	_ =	swait.ge [sflag:s9], $0x3200  }
0x23: {  	[sflag:s9] =	ssyncset.done $0x0  }
0x24: {  	s15 =	simm.s32 $0x1C280;
	s14 =	rddreg [dreg:$0x6];
	[sflag:s9] =	ssyncadd.s32 $0xFFFFCE00  }
0x25: {  	[tilespmem:s15], [sflag:$0x7] =	stream.linear.gather [hbm4b:s14+s5], $0x40, $0x38;
	[tilespmem:$0x1C2C0] =	vst v63  }
0x26: {  	_ =	swait.ge [sflag:s9], $0x40  }
0x27: {  	[sflag:s9] =	ssyncset.done $0x0  }
0x28: {  	[sflag:s9] =	ssyncadd.s32 $0xFFFFFFC0  }
0x29: {  	s29 =	simm.s32 $0x1C200;
	s28 =	rddreg [dreg:$0x1]  }
0x2a: {  	[tilespmem:s29], [sflag:$0x7] =	stream.linear.gather [hbm4b:s28+s5], $0x40, $0x38;
	[tilespmem:$0x1C2C0] =	vst v63  }
0x2b: {  	_ =	swait.ge [sflag:s9], $0x40  }
0x2c: {  	[sflag:s9] =	ssyncset.done $0x0  }
0x2d: {  	[sflag:s9] =	ssyncadd.s32 $0xFFFFFFC0  }
0x2e: {  	s31 =	simm.s32 $0x1C240;
	s30 =	rddreg [dreg:$0x2]  }
0x2f: {  	[tilespmem:s31], [sflag:$0x7] =	stream.linear.gather [hbm4b:s30+s5], $0x40, $0x38;
	[tilespmem:$0x1C2C0] =	vst v63  }
0x30: {  	_ =	swait.ge [sflag:s9], $0x40  }
0x31: {  	[sflag:s9] =	ssyncset.done $0x0  }
0x32: {  	s0 =	simm.s32 $0x0;
	[sflag:s9] =	ssyncadd.s32 $0xFFFFFFC0  }
0x33: {  	s2 =	simm.s32 $0x100;
	v0 =	vld [tilespmem:s0+$0x19000]  }
.LBB2_2:
0x34: {  	p0 =	sne.s32 s2, $0xC700;
	v1 =	vld [tilespmem:$0x1C280];
	_ =	sdelay $0x4  }
0x35: {  	v0 =	vadd.f32 v1, v0;
	_ =	sdelay $0x1  }
0x36: {  	[tilespmem:s0+$0x19000] =	vst v0;
	v0 =	vld [tilespmem:s0+$0x19010]  }
0x37: {  	v1 =	vld [tilespmem:$0x1C290];
	_ =	sdelay $0x4  }
0x38: {  	v0 =	vadd.f32 v1, v0;
	_ =	sdelay $0x1  }
0x39: {  	[tilespmem:s0+$0x19010] =	vst v0;
	v0 =	vld [tilespmem:s0+$0x19020]  }
0x3a: {  	v1 =	vld [tilespmem:$0x1C2A0];
	_ =	sdelay $0x4  }
0x3b: {  	v0 =	vadd.f32 v1, v0;
	_ =	sdelay $0x1  }
0x3c: {  	[tilespmem:s0+$0x19020] =	vst v0;
	v0 =	vld [tilespmem:s0+$0x19030]  }
0x3d: {  	v1 =	vld [tilespmem:$0x1C2B0];
	_ =	sdelay $0x2  }
.Ltmp2:
0x3e: {  	(pc) =	sbr.rel @p0 .LBB2_2-.Ltmp2, $4  }
0x3f: {  	_ = 	snop  }
0x40: {  	v1 =	vadd.f32 v1, v0  }
0x41: {  	s3 =	sshra.s32 s2, $0x2  }
0x42: {  	s2 =	sadd.s32 $0x100, s2;
	v0 =	vld [tilespmem:s3+$0x19000];
	[tilespmem:s0+$0x19030] =	vst v1;
	s0 =	smov.u32 s3  }
0x43: {  	v1 =	vld [tilespmem:$0x1C280];
	_ =	sdelay $0x4  }
0x44: {  	v0 =	vadd.f32 v1, v0;
	_ =	sdelay $0x1  }
0x45: {  	v58 =	vld [tilespmem:s0+$0x19010];
	[tilespmem:s0+$0x19000] =	vst v0  }
0x46: {  	v59 =	vld [tilespmem:$0x1C290];
	_ =	sdelay $0x4  }
0x47: {  	v0 =	vadd.f32 v59, v58;
	_ =	sdelay $0x1  }
0x48: {  	v60 =	vld [tilespmem:s0+$0x19020];
	[tilespmem:s0+$0x19010] =	vst v0  }
0x49: {  	v61 =	vld [tilespmem:$0x1C2A0];
	_ =	sdelay $0x4  }
0x4a: {  	v0 =	vadd.f32 v61, v60;
	_ =	sdelay $0x1  }
0x4b: {  	v62 =	vld [tilespmem:s0+$0x19030];
	[tilespmem:s0+$0x19020] =	vst v0  }
0x4c: {  	v63 =	vld [tilespmem:$0x1C2B0];
	_ =	sdelay $0x4  }
0x4d: {  	v0 =	vadd.f32 v63, v62;
	_ =	sdelay $0x1  }
0x4e: {  	s29 =	simm.s32 $0x0;
	s31 =	simm.s32 $0x6400;
	[tilespmem:s0+$0x19030] =	vst v0  }
0x4f: {  	[tilespmem:s31], [sflag:$0x1] =	stream.indirect.gather [hbm4b:s7+s20], $0x40, s29, s20, $0xb8;
	[tilespmem:$0x1C2C0] =	vst v63  }
0x50: {  	s2 =	simm.s32 $0x7E00  }
0x51: {  	[tilespmem:s2], [sflag:$0x1] =	stream.indirect.gather [hbm4b:s7+s22], $0x40, s20, s22, $0xb8;
	[tilespmem:$0x1C2C0] =	vst v63  }
0x52: {  	s3 =	simm.s32 $0xC8;
	s2 =	simm.s32 $0x9600  }
0x53: {  	[tilespmem:s2], [sflag:$0x2] =	stream.indirect.gather [hbm4b:s7+s20], $0x40, s3, s20, $0xb8;
	[tilespmem:$0x1C2C0] =	vst v63  }
0x54: {  	s8 =	simm.s32 $0x130;
	s9 =	simm.s32 $0xB000  }
0x55: {  	[tilespmem:s9], [sflag:$0x2] =	stream.indirect.gather [hbm4b:s7+s22], $0x40, s8, s22, $0xb8;
	[tilespmem:$0x1C2C0] =	vst v63  }
0x56: {  	s10 =	simm.s32 $0x190;
	s14 =	simm.s32 $0xC800  }
0x57: {  	[tilespmem:s14], [sflag:$0x3] =	stream.indirect.gather [hbm4b:s7+s20], $0x40, s10, s20, $0xb8;
	[tilespmem:$0x1C2C0] =	vst v63  }
0x58: {  	s15 =	simm.s32 $0x1F8;
	s28 =	simm.s32 $0xE200  }
0x59: {  	[tilespmem:s28], [sflag:$0x3] =	stream.indirect.gather [hbm4b:s7+s22], $0x40, s15, s22, $0xb8;
	[tilespmem:$0x1C2C0] =	vst v63  }
0x5a: {  	s30 =	simm.s32 $0x258  }
0x5b: {  	[tilespmem:s1], [sflag:$0x4] =	stream.indirect.gather [hbm4b:s7+s20], $0x40, s30, s20, $0xb8;
	[tilespmem:$0x1C2C0] =	vst v63  }
0x5c: {  	s31 =	simm.s32 $0x2C0  }
0x5d: {  	[tilespmem:s16], [sflag:$0x4] =	stream.indirect.gather [hbm4b:s7+s22], $0x40, s31, s22, $0xb8;
	[tilespmem:$0x1C2C0] =	vst v63  }
.LBB2_4:
0x5e: {  	_ =	swait.ge [sflag:s17], $0x1A00  }
0x5f: {  	[sflag:s17] =	ssyncset.done $0x0  }
0x60: {  	[sflag:s17] =	ssyncadd.s32 $0xFFFFE600  }
0x61: {  	_ =	swait.ge [sflag:s17], $0x1800  }
0x62: {  	p1 =	seq.s32 s29, $0x0;
	[sflag:s17] =	ssyncset.done $0x0  }
0x63: {  	s0 =	simm.s32 @!p1 $0x5;
	[sflag:s17] =	ssyncadd.s32 $0xFFFFE800  }
0x64: {  	_ =	swait.ge @!p1 [sflag:s0], $0x3200  }
0x65: {  	[sflag:s0] =	ssyncset.done @!p1 $0x0  }
0x66: {  	s30 =	simm.s32 $0x0;
	[sflag:s0] =	ssyncadd.s32 @!p1 $0xFFFFCE00  }
0x67: {  	v0 =	vld [tilespmem:s30+$0x64C0]  }
0x68: {  	v1 =	vld [tilespmem:s30+$0x190C0]  }
0x69: {  	v2 =	vld [tilespmem:s30+$0x64D0]  }
0x6a: {  	v3 =	vld [tilespmem:s30+$0x190D0]  }
0x6b: {  	v4 =	vld [tilespmem:s30+$0x64E0]  }
0x6c: {  	v5 =	vld [tilespmem:s30+$0x190E0]  }
0x6d: {  	v6 =	vld [tilespmem:s30+$0x64F0]  }
0x6e: {  	v7 =	vld [tilespmem:s30+$0x190F0]  }
0x6f: {  	v8 =	vld [tilespmem:s30+$0x6400]  }
0x70: {  	v10 =	vld [tilespmem:s30+$0x19000]  }
0x71: {  	v11 =	vld [tilespmem:s30+$0x6410]  }
0x72: {  	v12 =	vld [tilespmem:s30+$0x6430]  }
0x73: {  	v14 =	vld [tilespmem:s30+$0x19030];
	v18 =	vadd.f32 v1, v0;
	v17 =	vadd.f32 v3, v2  }
0x74: {  	v19 =	vld [tilespmem:s30+$0x19070];
	v16 =	vadd.f32 v5, v4;
	v9 =	vadd.f32 v7, v6  }
0x75: {  	v0 =	vld [tilespmem:s30+$0x19010];
	v2 =	vmul.f32 v18, v18;
	v3 =	vmul.f32 v17, v17  }
0x76: {  	v1 =	vld [tilespmem:s30+$0x6420];
	v5 =	vmul.f32 v16, v16;
	v6 =	vmul.f32 v9, v9  }
0x77: {  	v4 =	vld [tilespmem:s30+$0x19020];
	v7 =	vadd.f32 v17, v18;
	v13 =	vadd.f32 v9, v16  }
0x78: {  	v22 =	vld [tilespmem:s30+$0x6480];
	v2 =	vadd.f32 v3, v2;
	v3 =	vadd.f32 v6, v5  }
0x79: {  	v5 =	vld [tilespmem:s30+$0x6440];
	v6 =	vadd.f32 v13, v7  }
0x7a: {  	v7 =	vld [tilespmem:s30+$0x19040];
	v2 =	vadd.f32 v3, v2  }
0x7b: {  	v8 =	vadd.f32 v10, v8;
	v10 =	vadd.f32 v0, v11;
	v0 =	vld [tilespmem:s30+$0x6460];
	(xrf2) =	vadd.scan.msk.f32 $0xffff, v6  }
0x7c: {  	v12 =	vadd.f32 v14, v12;
	v11 =	vadd.f32 v4, v1;
	v1 =	vld [tilespmem:s30+$0x19060];
	(xrf2) =	vadd.scan.msk.f32 $0xffff, v2  }
0x7d: {  	v4 =	vld [tilespmem:s30+$0x6470]  }
0x7e: {  	v3 =	vld [tilespmem:s30+$0x6450];
	v13 =	vadd.f32 v10, v8;
	v15 =	vadd.f32 v12, v11  }
0x7f: {  	v21 =	vmul.f32 v12, v12;
	v6 =	vld [tilespmem:s30+$0x19050];
	v14 =	vmul.f32 v10, v10  }
0x80: {  	v20 =	vmul.f32 v11, v11;
	v2 =	vmul.f32 v8, v8;
	v13 =	vadd.f32 v15, v13;
	v15 =	vld [tilespmem:s30+$0x19080]  }
0x81: {  	v23 =	vadd.f32 v7, v5;
	v5 =	vld [tilespmem:s30+$0x190A0]  }
0x82: {  	v2 =	vadd.f32 v14, v2;
	v14 =	vadd.f32 v21, v20;
	v20 =	vld [tilespmem:s30+$0x6490];
	(xrf2) =	vadd.scan.msk.f32 $0xffff, v13  }
0x83: {  	v26 =	vadd.f32 v1, v0;
	v27 =	vadd.f32 v19, v4;
	v0 =	vld [tilespmem:s30+$0x190B0]  }
0x84: {  	v13 =	vld [tilespmem:s30+$0x19090];
	v25 =	vadd.f32 v6, v3;
	v2 =	vadd.f32 v14, v2  }
0x85: {  	v14 =	vld [tilespmem:s30+$0x64A0];
	v6 =	vadd.f32 v27, v26;
	v21, _, _ =	vpop (xrf2)  }
0x86: {  	v4 =	vadd.f32 v25, v23;
	(xrf2) =	vadd.scan.msk.f32 $0xffff, v2;
	v2 =	vld [tilespmem:s30+$0x64B0];
	(v2sf) =	vpush v21, $0xF;
	v7, _, _ =	vpop (xrf2)  }
0x87: {  	v1 =	vmul.f32 v23, v23;
	v3 =	vmul.f32 v25, v25;
	(v2sf) =	vpush v7, $0xF  }
0x88: {  	v4 =	vadd.f32 v6, v4  }
0x89: {  	v22 =	vadd.f32 v15, v22;
	v1 =	vadd.f32 v3, v1  }
0x8a: {  	v3 =	vmul.f32 v26, v26;
	v19 =	vadd.f32 v13, v20;
	v7 =	vmul.f32 v27, v27  }
0x8b: {  	v20 =	vadd.f32 v5, v14;
	v21 =	vadd.f32 v0, v2  }
0x8c: {  	(xrf2) =	vadd.scan.msk.f32 $0xffff, v4;
	v5 =	vmul.f32 v19, v19;
	v0 =	vmul.f32 v22, v22;
	v2 =	vadd.f32 v7, v3;
	v4, _, _ =	vpop (xrf2)  }
0x8d: {  	v3 =	vadd.f32 v19, v22;
	v6 =	vmul.f32 v21, v21;
	(v2sf) =	vpush v4, $0xF  }
0x8e: {  	v4 =	vadd.f32 v21, v20;
	v1 =	vadd.f32 v2, v1;
	v2 =	vmul.f32 v20, v20  }
0x8f: {  	v0 =	vadd.f32 v5, v0  }
0x90: {  	v5, _, _ =	vpop (xrf2);
	v3 =	vadd.f32 v4, v3;
	(xrf2) =	vadd.scan.msk.f32 $0xffff, v1;
	v1 =	vadd.f32 v6, v2  }
0x91: {  	(v2sf) =	vpush v5, $0xF  }
0x92: {  	(xrf2) =	vadd.scan.msk.f32 $0xffff, v3;
	v0 =	vadd.f32 v1, v0;
	_ =	sdelay $0x2  }
0x93: {  	s8 =	spop (v2sf)  }
0x94: {  	(xrf2) =	vadd.scan.msk.f32 $0xffff, v0;
	v0, _, _ =	vpop (xrf2);
	s2 =	smul.f32 $1.562500000e-02, s8;
	s9 =	spop (v2sf)  }
0x95: {  	(v2sf) =	vpush v0, $0xF;
	s0 =	smul.f32 $1.562500000e-02, s9  }
0x96: {  	s3 =	smul.f32 s2, s2;
	_ =	sdelay $0x1  }
0x97: {  	s0 =	ssub.f32 s0, s3  }
0x98: {  	s31 =	simm.s32 $0x100;
	v3, _, _ =	vpop (xrf2)  }
0x99: {  	v28 =	vld [tilespmem:s31+$0x64C0];
	(v2sf) =	vpush v3, $0xF;
	v3, _, _ =	vpop (xrf2);
	s0 =	sadd.f32 $9.999999960e-13, s0  }
0x9a: {  	v30 =	vld [tilespmem:s31+$0x190C0];
	s10 =	spop (v2sf);
	(v2sf) =	vpush v3, $0xF  }
0x9b: {  	v31 =	vld [tilespmem:s31+$0x64D0];
	s14 =	smul.f32 $1.562500000e-02, s10;
	v4 =	vmov s0  }
0x9c: {  	v32 =	vld [tilespmem:s31+$0x190D0];
	v5 =	vshrl.u32 v4, $0x1;
	v13 =	vmul.f32 $5.000000000e-01, v4  }
0x9d: {  	v41 =	vld [tilespmem:s31+$0x190E0];
	v7, _, _ =	vpop (xrf2);
	s3 =	smul.f32 s14, s14;
	s8 =	spop (v2sf);
	v14 =	vsub.s32 $0x5F3759DF, v5  }
0x9e: {  	v43 =	vld [tilespmem:s31+$0x6400];
	(v2sf) =	vpush v7, $0xF;
	s8 =	smul.f32 $1.562500000e-02, s8;
	v15 =	vmul.f32 v14, v13  }
0x9f: {  	v54 =	vld [tilespmem:s31+$0x6410]  }
0xa0: {  	v44 =	vld [tilespmem:s31+$0x19030];
	s3 =	ssub.f32 s8, s3;
	v15 =	vmul.f32 v14, v15  }
0xa1: {  	v47 =	vld [tilespmem:s31+$0x6440]  }
0xa2: {  	v48 =	vld [tilespmem:s31+$0x19040];
	v33 =	vmov s14;
	s3 =	sadd.f32 $9.999999960e-13, s3;
	v15 =	vsub.f32 $1.500000000e+00, v15  }
0xa3: {  	v50 =	vld [tilespmem:s31+$0x6450];
	v29 =	vsub.f32 v8, v33;
	v24 =	vsub.f32 v10, v33;
	s15 =	spop (v2sf)  }
0xa4: {  	v57 =	vld [tilespmem:s31+$0x19050];
	v35 =	vsub.f32 v11, v33;
	v8 =	vmov s3;
	s0 =	smul.f32 $1.562500000e-02, s15;
	v14 =	vmul.f32 v14, v15  }
0xa5: {  	v34 =	vsub.f32 v12, v33;
	v12 =	vld [tilespmem:s31+$0x190F0];
	v10 =	vshrl.u32 v8, $0x1;
	v42 =	vmul.f32 $5.000000000e-01, v8  }
0xa6: {  	v11 =	vsub.s32 $0x5F3759DF, v10;
	v15 =	vld [tilespmem:s31+$0x64E0];
	v10 =	vmov s0;
	v8 =	vmul.f32 v14, v13  }
0xa7: {  	v40 =	vsub.f32 v23, v10;
	v23 =	vld [tilespmem:s31+$0x19000]  }
0xa8: {  	s28 =	smul.f32 s0, s0;
	s8 =	spop (v2sf);
	v13 =	vld [tilespmem:s31+$0x64F0];
	v8 =	vmul.f32 v8, v14  }
0xa9: {  	v2 =	vld [tilespmem:$0x1C200];
	v53 =	vmul.f32 v11, v42;
	v37 =	vsub.f32 v25, v10;
	v38 =	vsub.f32 v26, v10;
	s9 =	smul.f32 $1.562500000e-02, s8;
	s10 =	spop (v2sf)  }
0xaa: {  	v6 =	vld [tilespmem:$0x1C230];
	v36 =	vmov s2;
	v39 =	vsub.f32 v27, v10;
	s0 =	smul.f32 $1.562500000e-02, s10;
	v26 =	vsub.f32 $1.500000000e+00, v8  }
0xab: {  	v7 =	vld [tilespmem:$0x1C270];
	v10 =	vadd.f32 v32, v31;
	v25 =	vmul.f32 v11, v53;
	s14 =	ssub.f32 s9, s28;
	v8 =	vadd.f32 v30, v28  }
0xac: {  	v27 =	vld [tilespmem:s31+$0x19010];
	s15 =	smul.f32 s0, s0;
	v23 =	vadd.f32 v23, v43;
	v32 =	vmul.f32 v26, v14;
	v14 =	vsub.f32 v9, v36  }
0xad: {  	v55 =	vmul.f32 v10, v10;
	s28 =	spop (v2sf);
	s2 =	sadd.f32 $9.999999960e-13, s14;
	v28 =	vld [tilespmem:s31+$0x6430];
	v9 =	vadd.f32 v41, v15;
	v15 =	vadd.f32 v12, v13  }
0xae: {  	s8 =	smul.f32 $1.562500000e-02, s28;
	v26 =	vld [tilespmem:s31+$0x6420];
	v13 =	vsub.f32 $1.500000000e+00, v25;
	v25 =	vadd.f32 v10, v8;
	v14 =	vmul.f32 v32, v14  }
0xaf: {  	v12 =	vld [tilespmem:s31+$0x19020];
	v30 =	vmul.f32 v8, v8;
	v45 =	vmov s2;
	v51 =	vmul.f32 v23, v23  }
0xb0: {  	v1 =	vld [tilespmem:$0x1C220];
	s9 =	ssub.f32 s8, s15;
	v31 =	vadd.f32 v15, v9;
	v46 =	vmul.f32 v9, v9;
	v14 =	vmul.f32 v14, v6  }
0xb1: {  	v0 =	vld [tilespmem:$0x1C210];
	v56 =	vmul.f32 v15, v15;
	v41 =	vadd.f32 v55, v30;
	v30 =	vadd.f32 v27, v54  }
0xb2: {  	v3 =	vld [tilespmem:$0x1C240];
	v49 =	vshrl.u32 v45, $0x1;
	s2 =	sadd.f32 $9.999999960e-13, s9;
	v25 =	vadd.f32 v31, v25;
	v14 =	vadd.f32 v14, v7  }
0xb3: {  	v4 =	vld [tilespmem:$0x1C250];
	v45 =	vmul.f32 $5.000000000e-01, v45;
	v27 =	vadd.f32 v44, v28;
	v43 =	vadd.f32 v56, v46  }
0xb4: {  	v5 =	vld [tilespmem:$0x1C260];
	v31 =	vadd.f32 v12, v26;
	v12 =	vmov s2;
	(xrf2) =	vadd.scan.msk.f32 $0xffff, v25;
	[tilespmem:s30+$0x12CF0] =	vst v14  }
0xb5: {  	v26 =	vshrl.u32 v12, $0x1;
	v14 =	vadd.f32 v43, v41;
	v41 =	vmul.f32 $5.000000000e-01, v12;
	v12 =	vld [tilespmem:s31+$0x6460]  }
0xb6: {  	v28 =	vadd.f32 v30, v23;
	v33 =	vmul.f32 v30, v30;
	v56 =	vmul.f32 v11, v13;
	v58 =	vld [tilespmem:s31+$0x19060]  }
0xb7: {  	v53 =	vmul.f32 v27, v27;
	v25 =	vadd.f32 v48, v47;
	v59 =	vmul.f32 v31, v31;
	v52 =	vld [tilespmem:s31+$0x6470];
	(xrf2) =	vadd.scan.msk.f32 $0xffff, v14  }
0xb8: {  	v47 =	vld [tilespmem:s31+$0x19070];
	v14 =	vsub.s32 $0x5F3759DF, v49;
	v49 =	vsub.s32 $0x5F3759DF, v26;
	v26 =	vadd.f32 v27, v31  }
0xb9: {  	v33 =	vadd.f32 v33, v51;
	v54 =	vld [tilespmem:s31+$0x6480];
	v44 =	vadd.f32 v53, v59;
	v60 =	vmul.f32 v14, v45  }
0xba: {  	v62 =	vmul.f32 v25, v25;
	v63 =	vld [tilespmem:s31+$0x19080];
	v55 =	vadd.f32 v26, v28;
	v26 =	vadd.f32 v57, v50  }
0xbb: {  	v53 =	vld [tilespmem:s31+$0x6490];
	v61 =	vmul.f32 v49, v41;
	v48 =	vmul.f32 v14, v60  }
0xbc: {  	v13 =	vld [tilespmem:s31+$0x64A0];
	v44 =	vadd.f32 v44, v33;
	v28 =	vadd.f32 v58, v12;
	v12 =	vmul.f32 v26, v26;
	(xrf2) =	vadd.scan.msk.f32 $0xffff, v55  }
0xbd: {  	v51 =	vmul.f32 v49, v61;
	v61 =	vld [tilespmem:s31+$0x190A0];
	v33 =	vadd.f32 v47, v52;
	v11 =	vsub.f32 $1.500000000e+00, v48  }
0xbe: {  	v42 =	vmul.f32 v56, v42;
	v43 =	vadd.f32 v26, v25;
	v55 =	vld [tilespmem:s31+$0x19090];
	v46 =	vadd.f32 v12, v62;
	v62, _, _ =	vpop (xrf2)  }
0xbf: {  	(xrf2) =	vadd.scan.msk.f32 $0xffff, v44;
	v52 =	vadd.f32 v33, v28;
	v44 =	vmul.f32 v14, v11;
	v14 =	vld [tilespmem:s31+$0x64B0];
	(v2sf) =	vpush v62, $0xF  }
0xc0: {  	v42 =	vmul.f32 v42, v56;
	v11 =	vadd.f32 v63, v54;
	v63 =	vld [tilespmem:s31+$0x190B0]  }
0xc1: {  	v60 =	vmul.f32 v28, v28;
	v57 =	vmul.f32 v33, v33;
	v43 =	vadd.f32 v52, v43;
	v54, _, _ =	vpop (xrf2)  }
0xc2: {  	v12 =	vsub.f32 $1.500000000e+00, v51;
	(v2sf) =	vpush v54, $0xF  }
0xc3: {  	v42 =	vsub.f32 $1.500000000e+00, v42;
	v47 =	vadd.f32 v57, v60;
	(xrf2) =	vadd.scan.msk.f32 $0xffff, v43  }
0xc4: {  	v49 =	vmul.f32 v49, v12;
	v13 =	vadd.f32 v61, v13;
	v12 =	vadd.f32 v55, v53  }
0xc5: {  	v58 =	vmul.f32 v11, v11;
	v61 =	vadd.f32 v47, v46;
	v14 =	vadd.f32 v63, v14  }
0xc6: {  	v59 =	vadd.f32 v12, v11;
	v60 =	vmul.f32 v12, v12;
	v63 =	vmul.f32 v13, v13;
	v54, _, _ =	vpop (xrf2)  }
0xc7: {  	(xrf2) =	vadd.scan.msk.f32 $0xffff, v61;
	v55 =	vadd.f32 v14, v13;
	v57 =	vmul.f32 v14, v14;
	(v2sf) =	vpush v54, $0xF  }
0xc8: {  	v18 =	vsub.f32 v18, v36;
	v42 =	vmul.f32 v42, v56;
	v62 =	vadd.f32 v60, v58  }
0xc9: {  	v45 =	vmul.f32 v44, v45;
	v58, _, _ =	vpop (xrf2);
	v48 =	vadd.f32 v55, v59;
	v43 =	vadd.f32 v57, v63  }
0xca: {  	v18 =	vmul.f32 v32, v18;
	v41 =	vmul.f32 v49, v41;
	(v2sf) =	vpush v58, $0xF  }
0xcb: {  	v29 =	vmul.f32 v42, v29;
	v45 =	vmul.f32 v45, v44;
	(xrf2) =	vadd.scan.msk.f32 $0xffff, v48;
	v43 =	vadd.f32 v43, v62  }
0xcc: {  	v16 =	vsub.f32 v16, v36;
	v24 =	vmul.f32 v42, v24;
	v41 =	vmul.f32 v41, v49  }
0xcd: {  	v35 =	vmul.f32 v42, v35;
	v34 =	vmul.f32 v42, v34;
	v45 =	vsub.f32 $1.500000000e+00, v45;
	v60, _, _ =	vpop (xrf2);
	(xrf2) =	vadd.scan.msk.f32 $0xffff, v43  }
0xce: {  	v42 =	vmul.f32 v32, v16;
	v29 =	vmul.f32 v29, v2;
	v41 =	vsub.f32 $1.500000000e+00, v41;
	s10 =	spop (v2sf)  }
0xcf: {  	v44 =	vmul.f32 v45, v44;
	v59 =	vmov s0;
	(v2sf) =	vpush v60, $0xF;
	s8 =	smul.f32 $1.562500000e-02, s10  }
0xd0: {  	v41 =	vmul.f32 v41, v49;
	v22 =	vsub.f32 v22, v59;
	v19 =	vsub.f32 v19, v59  }
0xd1: {  	v20 =	vsub.f32 v20, v59;
	v21 =	vsub.f32 v21, v59;
	v40 =	vmul.f32 v44, v40;
	v61, _, _ =	vpop (xrf2);
	s15 =	smul.f32 s8, s8;
	s14 =	spop (v2sf)  }
0xd2: {  	v37 =	vmul.f32 v44, v37;
	v22 =	vmul.f32 v41, v22;
	(v2sf) =	vpush v61, $0xF;
	s0 =	smul.f32 $1.562500000e-02, s14  }
0xd3: {  	v17 =	vsub.f32 v17, v36;
	v19 =	vmul.f32 v41, v19;
	v20 =	vmul.f32 v41, v20  }
0xd4: {  	v41 =	vmul.f32 v41, v21;
	v21 =	vmul.f32 v24, v0;
	s0 =	ssub.f32 s0, s15  }
0xd5: {  	v24 =	vadd.f32 v29, v3;
	v29 =	vmul.f32 v32, v17;
	v17 =	vmul.f32 v35, v1;
	v16, _, _ =	vpop (xrf2)  }
0xd6: {  	v38 =	vmul.f32 v44, v38;
	v39 =	vmul.f32 v44, v39;
	s28 =	spop (v2sf);
	(v2sf) =	vpush v16, $0xF;
	s0 =	sadd.f32 $9.999999960e-13, s0  }
0xd7: {  	v62 =	vmul.f32 v40, v2;
	v17 =	vadd.f32 v17, v5;
	v16 =	vadd.f32 v21, v4;
	v54, _, _ =	vpop (xrf2);
	s3 =	smul.f32 $1.562500000e-02, s28  }
0xd8: {  	s2 =	simm.s32 $0x200;
	[tilespmem:s30+$0x12C00] =	vst v24;
	v21 =	vmul.f32 v34, v6;
	(v2sf) =	vpush v54, $0xF;
	v24 =	vmov s0  }
0xd9: {  	v34 =	vld [tilespmem:s2+$0x64C0];
	[tilespmem:s30+$0x12C10] =	vst v16;
	s9 =	smul.f32 s3, s3;
	v16 =	vmov s3;
	s3 =	spop (v2sf);
	v55 =	vshrl.u32 v24, $0x1;
	v56 =	vmul.f32 $5.000000000e-01, v24  }
0xda: {  	v63 =	vmul.f32 v37, v0;
	v52 =	vmul.f32 v38, v1;
	s0 =	smul.f32 $1.562500000e-02, s3;
	v58 =	vsub.s32 $0x5F3759DF, v55  }
0xdb: {  	v53 =	vmul.f32 v39, v6;
	v21 =	vadd.f32 v21, v7;
	v36 =	vld [tilespmem:s2+$0x190C0];
	[tilespmem:s30+$0x12C20] =	vst v17;
	v17 =	vmul.f32 v58, v56  }
0xdc: {  	v57 =	vmul.f32 v22, v2;
	v22 =	vadd.f32 v62, v3;
	v59 =	vadd.f32 v63, v4;
	s0 =	ssub.f32 s0, s9  }
0xdd: {  	v61 =	vadd.f32 v53, v7;
	v37 =	vld [tilespmem:s2+$0x64D0];
	[tilespmem:s30+$0x12C30] =	vst v21;
	v21 =	vsub.f32 v31, v16;
	v31 =	vmul.f32 v58, v17  }
0xde: {  	v24 =	vsub.f32 v23, v16;
	v23 =	vsub.f32 v30, v16;
	v30 =	vmul.f32 v19, v0;
	s10 =	spop (v2sf);
	s0 =	sadd.f32 $9.999999960e-13, s0  }
0xdf: {  	v38 =	vld [tilespmem:s2+$0x190D0];
	[tilespmem:s30+$0x12C40] =	vst v22;
	v22 =	vsub.f32 v27, v16;
	s3 =	smul.f32 $1.562500000e-02, s10;
	v17 =	vmul.f32 v18, v2;
	v18 =	vsub.f32 $1.500000000e+00, v31  }
0xe0: {  	v16 =	vmul.f32 v29, v0;
	v27 =	vmov s0;
	v31 =	vadd.f32 v52, v5  }
0xe1: {  	v43 =	vld [tilespmem:s2+$0x64E0];
	[tilespmem:s30+$0x12C50] =	vst v59;
	s14 =	smul.f32 s3, s3;
	v60 =	vshrl.u32 v27, $0x1;
	v29 =	vmul.f32 $5.000000000e-01, v27;
	s15 =	spop (v2sf);
	v39 =	vmul.f32 v58, v18  }
0xe2: {  	v19 =	vmul.f32 v20, v1;
	v44 =	vld [tilespmem:s2+$0x190E0];
	v32 =	vsub.s32 $0x5F3759DF, v60;
	s9 =	smul.f32 $1.562500000e-02, s15;
	[tilespmem:s30+$0x12C60] =	vst v31;
	v31 =	vmov s3  }
0xe3: {  	v62 =	vmul.f32 v32, v29;
	v25 =	vsub.f32 v25, v31;
	v63 =	vmul.f32 v39, v56  }
0xe4: {  	v20 =	vmul.f32 v41, v6;
	v45 =	vld [tilespmem:s2+$0x64F0];
	v27 =	vsub.f32 v26, v31;
	[tilespmem:s30+$0x12C70] =	vst v61;
	v26 =	vsub.f32 v28, v31;
	s28 =	ssub.f32 s9, s14  }
0xe5: {  	v28 =	vsub.f32 v33, v31;
	v47 =	vld [tilespmem:s2+$0x190F0];
	v48 =	vmul.f32 v32, v62;
	s10 =	spop (v2sf);
	v31 =	vmul.f32 v63, v39  }
0xe6: {  	v30 =	vadd.f32 v30, v4;
	s0 =	simm.s32 $0xC00;
	v18 =	vmul.f32 v42, v1;
	v33 =	vadd.f32 v57, v3;
	v35 =	vld [tilespmem:s2+$0x6400];
	s9 =	sadd.f32 $9.999999960e-13, s28;
	s3 =	smul.f32 $1.562500000e-02, s10  }
.LBB2_5:
0xe7: {  	p0 =	sne.s32 s0, $0xC400;
	v46 =	vld [tilespmem:s2+$0x19000];
	v48 =	vsub.f32 $1.500000000e+00, v48;
	v31 =	vsub.f32 $1.500000000e+00, v31  }
0xe8: {  	v42 =	vadd.f32 v36, v34;
	v41 =	vmov s8;
	v49 =	vld [tilespmem:s2+$0x6410];
	v36 =	vmov s9;
	s9 =	smul.f32 s3, s3;
	s8 =	spop (v2sf);
	[tilespmem:s30+$0x12C80] =	vst v33  }
0xe9: {  	v40 =	vadd.f32 v38, v37;
	v33 =	vld [tilespmem:s2+$0x19010];
	s8 =	smul.f32 $1.562500000e-02, s8;
	v39 =	vmul.f32 v31, v39;
	v31 =	vsub.f32 v15, v41;
	[tilespmem:s30+$0x12C90] =	vst v30  }
0xea: {  	v43 =	vadd.f32 v44, v43;
	v44 =	vshrl.u32 v36, $0x1;
	v30 =	vld [tilespmem:s2+$0x6420];
	v15 =	vadd.f32 v47, v45  }
0xeb: {  	v37 =	vadd.f32 v40, v42;
	v45 =	vmul.f32 v42, v42;
	v38 =	vld [tilespmem:s2+$0x19020];
	s8 =	ssub.f32 s8, s9;
	v31 =	vmul.f32 v39, v31  }
0xec: {  	v51 =	vmul.f32 v40, v40;
	v52 =	vmul.f32 v43, v43;
	v47 =	vld [tilespmem:s2+$0x6430];
	v50 =	vadd.f32 v15, v43  }
0xed: {  	v34 =	vadd.f32 v46, v35;
	v46 =	vmul.f32 v15, v15;
	v35 =	vld [tilespmem:s2+$0x19030];
	s8 =	sadd.f32 $9.999999960e-13, s8;
	v31 =	vmul.f32 v31, v6  }
0xee: {  	v45 =	vadd.f32 v51, v45;
	v51 =	vmul.f32 $5.000000000e-01, v36;
	v53 =	vld [tilespmem:s2+$0x6440];
	v50 =	vadd.f32 v50, v37  }
0xef: {  	v54 =	vmul.f32 v34, v34;
	v46 =	vadd.f32 v46, v52;
	v55 =	vld [tilespmem:s2+$0x19040];
	v31 =	vadd.f32 v31, v7  }
0xf0: {  	v37 =	vadd.f32 v33, v49;
	v36 =	vadd.f32 v38, v30;
	v33 =	vld [tilespmem:s2+$0x6450];
	(xrf2) =	vadd.scan.msk.f32 $0xffff, v50;
	v30 =	vmov s8  }
0xf1: {  	v45 =	vadd.f32 v46, v45;
	v49 =	vld [tilespmem:s2+$0x19050];
	v46 =	vshrl.u32 v30, $0x1;
	v50 =	vmul.f32 $5.000000000e-01, v30;
	[tilespmem:s31+$0x12CF0] =	vst v31  }
0xf2: {  	v31 =	vadd.f32 v37, v34;
	v38 =	vadd.f32 v35, v47;
	v35 =	vmul.f32 v37, v37;
	v47 =	vld [tilespmem:s2+$0x6460]  }
0xf3: {  	v44 =	vsub.s32 $0x5F3759DF, v44;
	v52 =	vmul.f32 v36, v36;
	v56 =	vld [tilespmem:s2+$0x19060];
	(xrf2) =	vadd.scan.msk.f32 $0xffff, v45;
	v45 =	vsub.s32 $0x5F3759DF, v46  }
0xf4: {  	v46 =	vadd.f32 v38, v36;
	v57 =	vmul.f32 v38, v38;
	v30 =	vadd.f32 v55, v53;
	v53 =	vld [tilespmem:s2+$0x6470]  }
0xf5: {  	v35 =	vadd.f32 v35, v54;
	v55 =	vmul.f32 v44, v51;
	v58 =	vmul.f32 v45, v50;
	v54 =	vld [tilespmem:s2+$0x19070]  }
0xf6: {  	v46 =	vadd.f32 v46, v31;
	v31 =	vadd.f32 v49, v33;
	v49 =	vmul.f32 v30, v30;
	v59 =	vld [tilespmem:s2+$0x6480]  }
0xf7: {  	v52 =	vadd.f32 v57, v52;
	v61 =	vmul.f32 v44, v55;
	v58 =	vmul.f32 v45, v58;
	v57 =	vld [tilespmem:s2+$0x19080]  }
0xf8: {  	v33 =	vadd.f32 v56, v47;
	v47 =	vadd.f32 v31, v30;
	v56 =	vmul.f32 v31, v31;
	v60 =	vld [tilespmem:s2+$0x6490];
	(xrf2) =	vadd.scan.msk.f32 $0xffff, v46  }
0xf9: {  	v32 =	vmul.f32 v32, v48;
	v46 =	vadd.f32 v52, v35;
	v48 =	vsub.f32 $1.500000000e+00, v61;
	v52 =	vld [tilespmem:s2+$0x19090]  }
0xfa: {  	v35 =	vadd.f32 v54, v53;
	v49 =	vadd.f32 v56, v49;
	v53 =	vmul.f32 v33, v33;
	v54 =	vld [tilespmem:s2+$0x64A0];
	v55, _, _ =	vpop (xrf2)  }
0xfb: {  	v29 =	vmul.f32 v32, v29;
	v44 =	vmul.f32 v44, v48;
	v56 =	vld [tilespmem:s2+$0x190A0];
	(xrf2) =	vadd.scan.msk.f32 $0xffff, v46;
	v46 =	vsub.f32 $1.500000000e+00, v58  }
0xfc: {  	v48 =	vadd.f32 v35, v33;
	v58 =	vmul.f32 v35, v35;
	v57 =	vadd.f32 v57, v59;
	v59 =	vld [tilespmem:s2+$0x64B0]  }
0xfd: {  	v51 =	vmul.f32 v44, v51;
	v61 =	vld [tilespmem:s2+$0x190B0];
	(v2sf) =	vpush v55, $0xF;
	v55, _, _ =	vpop (xrf2);
	v45 =	vmul.f32 v45, v46  }
0xfe: {  	v46 =	vadd.f32 v52, v60;
	v52 =	vmul.f32 v57, v57;
	(v2sf) =	vpush v55, $0xF  }
0xff: {  	v47 =	vadd.f32 v48, v47;
	v48 =	vadd.f32 v58, v53;
	v50 =	vmul.f32 v45, v50  }
0x100: {  	v53 =	vadd.f32 v56, v54;
	v54 =	vadd.f32 v46, v57;
	v56 =	vmul.f32 v46, v46  }
0x101: {  	v29 =	vmul.f32 v29, v32;
	v48 =	vadd.f32 v48, v49;
	(xrf2) =	vadd.scan.msk.f32 $0xffff, v47;
	v47 =	vmul.f32 v51, v44  }
0x102: {  	v49 =	vadd.f32 v61, v59;
	v51 =	vadd.f32 v56, v52;
	v52 =	vmul.f32 v53, v53;
	v55, _, _ =	vpop (xrf2)  }
0x103: {  	v29 =	vsub.f32 $1.500000000e+00, v29;
	v50 =	vmul.f32 v50, v45;
	(v2sf) =	vpush v55, $0xF  }
0x104: {  	v47 =	vsub.f32 $1.500000000e+00, v47;
	v55 =	vadd.f32 v49, v53;
	v56 =	vmul.f32 v49, v49;
	(xrf2) =	vadd.scan.msk.f32 $0xffff, v48  }
0x105: {  	v29 =	vmul.f32 v29, v32;
	v32 =	vsub.f32 $1.500000000e+00, v50;
	v50 =	vmov s3;
	v48, _, _ =	vpop (xrf2)  }
0x106: {  	v44 =	vmul.f32 v47, v44;
	v54 =	vadd.f32 v55, v54;
	v52 =	vadd.f32 v56, v52  }
0x107: {  	v32 =	vmul.f32 v32, v45;
	v45 =	vsub.f32 v11, v50;
	v11 =	vmovc v57;
	(v2sf) =	vpush v48, $0xF  }
0x108: {  	v24 =	vmul.f32 v29, v24;
	v48 =	vsub.f32 v12, v50;
	v47 =	vadd.f32 v52, v51;
	(xrf2) =	vadd.scan.msk.f32 $0xffff, v54  }
0x109: {  	v23 =	vmul.f32 v29, v23;
	v14 =	vsub.f32 v14, v50;
	v12 =	vmovc v46;
	v51 =	vsub.f32 v13, v50  }
0x10a: {  	v21 =	vmul.f32 v29, v21;
	v46 =	vsub.f32 v8, v41;
	v8 =	vmovc v42;
	v50 =	vsub.f32 v10, v41  }
0x10b: {  	v22 =	vmul.f32 v29, v22;
	v29 =	vsub.f32 v9, v41;
	v25 =	vmul.f32 v44, v25;
	v10, _, _ =	vpop (xrf2);
	(xrf2) =	vadd.scan.msk.f32 $0xffff, v47  }
0x10c: {  	v9 =	vmovc v43;
	v27 =	vmul.f32 v44, v27;
	v26 =	vmul.f32 v44, v26;
	(v2sf) =	vpush v10, $0xF;
	s3 =	spop (v2sf);
	v10 =	vmovc v40  }
0x10d: {  	v19 =	vadd.f32 v19, v5;
	v28 =	vmul.f32 v44, v28;
	v13 =	vmovc v53;
	v40 =	vmul.f32 v32, v45;
	s8 =	smul.f32 $1.562500000e-02, s3;
	s3 =	spop (v2sf)  }
0x10e: {  	v20 =	vadd.f32 v20, v7;
	v42 =	vmul.f32 v32, v48;
	v43 =	vmul.f32 v32, v51;
	s3 =	smul.f32 $1.562500000e-02, s3;
	v41, _, _ =	vpop (xrf2)  }
0x10f: {  	v32 =	vmul.f32 v32, v14;
	v14 =	vmovc v49;
	s9 =	smul.f32 s8, s8;
	(v2sf) =	vpush v41, $0xF;
	v41 =	vmul.f32 v39, v46;
	[tilespmem:s30+$0x12CA0] =	vst v19  }
0x110: {  	v17 =	vadd.f32 v17, v3;
	v29 =	vmul.f32 v39, v29;
	v44 =	vmul.f32 v39, v50;
	[tilespmem:s30+$0x12CB0] =	vst v20  }
0x111: {  	v16 =	vadd.f32 v16, v4;
	v19 =	vmul.f32 v24, v2;
	v20 =	vmul.f32 v23, v0;
	s3 =	ssub.f32 s3, s9  }
0x112: {  	v45 =	vmul.f32 v22, v6;
	v39 =	vmul.f32 v21, v1;
	s9 =	spop (v2sf);
	v23, _, _ =	vpop (xrf2);
	[tilespmem:s30+$0x12CC0] =	vst v17;
	v17 =	vadd.f32 v18, v5  }
0x113: {  	v18 =	vmul.f32 v25, v2;
	v25 =	vmul.f32 v27, v0;
	s9 =	smul.f32 $1.562500000e-02, s9;
	s3 =	sadd.f32 $9.999999960e-13, s3;
	(v2sf) =	vpush v23, $0xF;
	[tilespmem:s30+$0x12CD0] =	vst v16  }
0x114: {  	v26 =	vmul.f32 v26, v1;
	v27 =	vmul.f32 v28, v6;
	v16 =	vadd.f32 v19, v3;
	[tilespmem:s30+$0x12CE0] =	vst v17;
	s30 =	smov.u32 s31;
	s31 =	smov.u32 s2  }
0x115: {  	v40 =	vmul.f32 v40, v2;
	s2 =	smul.f32 s9, s9;
	v17 =	vmov s9;
	v19 =	vmov s3;
	v21, _, _ =	vpop (xrf2)  }
0x116: {  	v22 =	vshrl.u32 v19, $0x1;
	v28 =	vmul.f32 $5.000000000e-01, v19;
	s3 =	spop (v2sf);
	(v2sf) =	vpush v21, $0xF;
	[tilespmem:s30+$0x12C00] =	vst v16  }
0x117: {  	v24 =	vsub.f32 v34, v17;
	v23 =	vsub.f32 v37, v17;
	s3 =	smul.f32 $1.562500000e-02, s3;
	v46 =	vsub.s32 $0x5F3759DF, v22  }
0x118: {  	v21 =	vsub.f32 v36, v17;
	v22 =	vsub.f32 v38, v17;
	v16 =	vmul.f32 v46, v28  }
0x119: {  	v42 =	vmul.f32 v42, v0;
	v19 =	vmul.f32 v43, v1;
	v17 =	vadd.f32 v20, v4;
	s3 =	ssub.f32 s3, s2  }
0x11a: {  	v38 =	vadd.f32 v39, v5;
	v20 =	vmul.f32 v32, v6;
	s2 =	sshra.s32 s0, $0x2;
	v37 =	vmul.f32 v46, v16  }
0x11b: {  	v32 =	vadd.f32 v45, v7;
	v16 =	vmul.f32 v44, v0;
	v34 =	vld [tilespmem:s2+$0x64C0];
	s3 =	sadd.f32 $9.999999960e-13, s3;
	s9 =	spop (v2sf);
	[tilespmem:s30+$0x12C10] =	vst v17;
	v17 =	vmul.f32 v41, v2  }
0x11c: {  	v41 =	vadd.f32 v18, v3;
	v18 =	vmul.f32 v29, v1;
	v36 =	vld [tilespmem:s2+$0x190C0];
	s9 =	smul.f32 $1.562500000e-02, s9;
	v39 =	vsub.f32 $1.500000000e+00, v37;
	[tilespmem:s30+$0x12C20] =	vst v38  }
0x11d: {  	v26 =	vadd.f32 v26, v5;
	v25 =	vadd.f32 v25, v4;
	v37 =	vld [tilespmem:s2+$0x64D0];
	v29 =	vmov s3;
	[tilespmem:s30+$0x12C30] =	vst v32  }
0x11e: {  	s3 =	smul.f32 s9, s9;
	s10 =	spop (v2sf)  }
0x11f: {  	v38 =	vld [tilespmem:s2+$0x190D0];
	v32 =	vshrl.u32 v29, $0x1;
	v29 =	vmul.f32 $5.000000000e-01, v29;
	v39 =	vmul.f32 v46, v39;
	[tilespmem:s30+$0x12C40] =	vst v41;
	s10 =	smul.f32 $1.562500000e-02, s10  }
.Ltmp3:
0x120: {  	v41 =	vmov s9;
	v46 =	vadd.f32 v27, v7;
	v43 =	vld [tilespmem:s2+$0x64E0];
	v32 =	vsub.s32 $0x5F3759DF, v32;
	[tilespmem:s30+$0x12C50] =	vst v25;
	(pc) =	sbr.rel @p0 .LBB2_5-.Ltmp3, $4  }
0x121: {  	v25 =	vsub.f32 v30, v41;
	v44 =	vld [tilespmem:s2+$0x190E0];
	v48 =	vmul.f32 v32, v29;
	v30 =	vmul.f32 v39, v28;
	[tilespmem:s30+$0x12C60] =	vst v26  }
0x122: {  	v27 =	vsub.f32 v31, v41;
	v26 =	vsub.f32 v33, v41;
	v45 =	vld [tilespmem:s2+$0x64F0];
	s3 =	ssub.f32 s10, s3;
	[tilespmem:s30+$0x12C70] =	vst v46  }
0x123: {  	v28 =	vsub.f32 v35, v41;
	v47 =	vld [tilespmem:s2+$0x190F0];
	v48 =	vmul.f32 v32, v48;
	v31 =	vmul.f32 v30, v39;
	s10 =	spop (v2sf)  }
0x124: {  	s0 =	sadd.s32 $0x400, s0;
	v33 =	vadd.f32 v40, v3;
	v30 =	vadd.f32 v42, v4;
	v35 =	vld [tilespmem:s2+$0x6400];
	s9 =	sadd.f32 $9.999999960e-13, s3;
	s3 =	smul.f32 $1.562500000e-02, s10  }
0x125: {  	v40 =	vld [tilespmem:s2+$0x19000];
	v31 =	vsub.f32 $1.500000000e+00, v31  }
0x126: {  	v41 =	vld [tilespmem:s2+$0x6410];
	v46 =	vmov s8;
	[tilespmem:s30+$0x12C80] =	vst v33  }
0x127: {  	v15 =	vsub.f32 v15, v46;
	v49 =	vld [tilespmem:s2+$0x19010];
	[tilespmem:s30+$0x12C90] =	vst v30;
	v42 =	vmul.f32 v31, v39  }
0x128: {  	v39 =	vld [tilespmem:s2+$0x6420]  }
0x129: {  	v50 =	vld [tilespmem:s2+$0x19020];
	v15 =	vmul.f32 v42, v15  }
0x12a: {  	v51 =	vld [tilespmem:s2+$0x6430]  }
0x12b: {  	v52 =	vld [tilespmem:s2+$0x19030];
	v15 =	vmul.f32 v15, v6  }
0x12c: {  	v53 =	vld [tilespmem:s2+$0x6440]  }
0x12d: {  	v54 =	vld [tilespmem:s2+$0x19040];
	v15 =	vadd.f32 v15, v7  }
0x12e: {  	s28 =	spop (v2sf);
	s0 =	smul.f32 s3, s3;
	v55 =	vld [tilespmem:s2+$0x6450]  }
0x12f: {  	s8 =	smul.f32 $1.562500000e-02, s28;
	v31 =	vadd.f32 v36, v34;
	v56 =	vld [tilespmem:s2+$0x19050];
	[tilespmem:s31+$0x12CF0] =	vst v15  }
0x130: {  	v30 =	vadd.f32 v38, v37;
	v36 =	vmov s9;
	v33 =	vadd.f32 v47, v45;
	v34 =	vld [tilespmem:s2+$0x6460]  }
0x131: {  	s0 =	ssub.f32 s8, s0;
	v60 =	vshrl.u32 v36, $0x1;
	v62 =	vmul.f32 $5.000000000e-01, v36;
	v15 =	vadd.f32 v44, v43;
	v38 =	vld [tilespmem:s2+$0x19060]  }
0x132: {  	v37 =	vadd.f32 v30, v31;
	v47 =	vmul.f32 v30, v30;
	v44 =	vmul.f32 v31, v31;
	v57 =	vld [tilespmem:s2+$0x6470]  }
0x133: {  	s0 =	sadd.f32 $9.999999960e-13, s0;
	v43 =	vadd.f32 v40, v35;
	v35 =	vmul.f32 v33, v33;
	v59 =	vld [tilespmem:s2+$0x19070];
	v45 =	vadd.f32 v33, v15  }
0x134: {  	v61 =	vld [tilespmem:s2+$0x6480];
	v58 =	vmul.f32 v15, v15;
	v40 =	vadd.f32 v47, v44;
	v47 =	vadd.f32 v50, v39  }
0x135: {  	v36 =	vld [tilespmem:s2+$0x19080];
	v44 =	vadd.f32 v52, v51;
	v39 =	vmov s0;
	v37 =	vadd.f32 v45, v37  }
0x136: {  	[tilespmem:$0x1FFE0] =	vst v30;
	v51 =	vld [tilespmem:s2+$0x19090];
	v30 =	vmul.f32 $5.000000000e-01, v39;
	v35 =	vadd.f32 v35, v58;
	v45 =	vadd.f32 v49, v41  }
0x137: {  	[tilespmem:$0x1FFF0] =	vst v15;
	v15 =	vld [tilespmem:s2+$0x64A0];
	v41 =	vmul.f32 v43, v43;
	v58 =	vmul.f32 v47, v47;
	v63 =	vadd.f32 v44, v47  }
0x138: {  	v49 =	vld [tilespmem:s2+$0x6490];
	v35 =	vadd.f32 v35, v40;
	v50 =	vmul.f32 v45, v45;
	v52 =	vadd.f32 v45, v43;
	(xrf2) =	vadd.scan.msk.f32 $0xffff, v37  }
0x139: {  	v40 =	vadd.f32 v54, v53;
	v53 =	vld [tilespmem:s2+$0x190A0];
	v54 =	vshrl.u32 v39, $0x1;
	v39 =	vadd.f32 v38, v34  }
0x13a: {  	v37 =	vmul.f32 v44, v44;
	v50 =	vadd.f32 v50, v41;
	v41 =	vadd.f32 v56, v55;
	v55 =	vld [tilespmem:s2+$0x64B0]  }
0x13b: {  	v38 =	vadd.f32 v59, v57;
	v36 =	vadd.f32 v36, v61;
	(xrf2) =	vadd.scan.msk.f32 $0xffff, v35;
	v56 =	vld [tilespmem:s2+$0x190B0]  }
0x13c: {  	v57 =	vsub.s32 $0x5F3759DF, v60;
	v35 =	vadd.f32 v63, v52;
	v37 =	vadd.f32 v37, v58  }
0x13d: {  	v52 =	vmul.f32 v40, v40;
	v59 =	vmul.f32 v39, v39;
	v60 =	vadd.f32 v38, v39  }
0x13e: {  	v61 =	vmul.f32 v38, v38;
	v58 =	vadd.f32 v41, v40;
	v50 =	vadd.f32 v37, v50;
	(xrf2) =	vadd.scan.msk.f32 $0xffff, v35  }
0x13f: {  	v63 =	vmul.f32 v41, v41;
	v35 =	vadd.f32 v51, v49;
	v37 =	vadd.f32 v53, v15  }
0x140: {  	v49 =	vsub.s32 $0x5F3759DF, v54;
	v51 =	vadd.f32 v60, v58;
	(xrf2) =	vadd.scan.msk.f32 $0xffff, v50;
	v34 =	vadd.f32 v56, v55  }
0x141: {  	v61 =	vadd.f32 v61, v59;
	v15 =	vmul.f32 v36, v36;
	v52 =	vadd.f32 v63, v52  }
0x142: {  	v63 =	vadd.f32 v35, v36;
	v54 =	vmul.f32 v35, v35;
	v55 =	vadd.f32 v34, v37;
	v60, _, _ =	vpop (xrf2);
	(xrf2) =	vadd.scan.msk.f32 $0xffff, v51  }
0x143: {  	v52 =	vadd.f32 v61, v52;
	v53 =	vmul.f32 v34, v34;
	v51 =	vmul.f32 v37, v37  }
0x144: {  	v61 =	vmul.f32 v57, v62;
	v15 =	vadd.f32 v54, v15;
	v50 =	vadd.f32 v55, v63  }
0x145: {  	(v2sf) =	vpush v60, $0xF;
	v60, _, _ =	vpop (xrf2);
	(xrf2) =	vadd.scan.msk.f32 $0xffff, v52;
	v51 =	vadd.f32 v53, v51  }
0x146: {  	v48 =	vsub.f32 $1.500000000e+00, v48;
	v61 =	vmul.f32 v57, v61;
	(v2sf) =	vpush v60, $0xF;
	(xrf2) =	vadd.scan.msk.f32 $0xffff, v50  }
0x147: {  	v19 =	vadd.f32 v19, v5;
	v15 =	vadd.f32 v51, v15  }
0x148: {  	v20 =	vadd.f32 v20, v7;
	v32 =	vmul.f32 v32, v48;
	v54 =	vsub.f32 $1.500000000e+00, v61;
	v56, _, _ =	vpop (xrf2)  }
0x149: {  	v17 =	vadd.f32 v17, v3;
	(v2sf) =	vpush v56, $0xF;
	(xrf2) =	vadd.scan.msk.f32 $0xffff, v15  }
0x14a: {  	v16 =	vadd.f32 v16, v4;
	v29 =	vmul.f32 v32, v29;
	v15 =	vmul.f32 v57, v54;
	v57, _, _ =	vpop (xrf2)  }
0x14b: {  	v8 =	vsub.f32 v8, v46;
	v63 =	vmul.f32 v49, v30;
	(v2sf) =	vpush v57, $0xF  }
0x14c: {  	v10 =	vsub.f32 v10, v46;
	v9 =	vsub.f32 v9, v46;
	v29 =	vmul.f32 v29, v32;
	v59, _, _ =	vpop (xrf2)  }
0x14d: {  	v8 =	vmul.f32 v42, v8;
	v63 =	vmul.f32 v49, v63;
	(v2sf) =	vpush v59, $0xF  }
0x14e: {  	v18 =	vadd.f32 v18, v5;
	v10 =	vmul.f32 v42, v10;
	v29 =	vsub.f32 $1.500000000e+00, v29  }
0x14f: {  	v9 =	vmul.f32 v42, v9;
	v8 =	vmul.f32 v8, v2;
	v55 =	vsub.f32 $1.500000000e+00, v63;
	v60, _, _ =	vpop (xrf2)  }
0x150: {  	v10 =	vmul.f32 v10, v0;
	v29 =	vmul.f32 v29, v32;
	(v2sf) =	vpush v60, $0xF;
	v61, _, _ =	vpop (xrf2)  }
0x151: {  	v48 =	vmul.f32 v49, v55;
	v58 =	vmul.f32 v15, v62;
	(v2sf) =	vpush v61, $0xF  }
0x152: {  	v9 =	vmul.f32 v9, v1;
	v8 =	vadd.f32 v8, v3;
	v24 =	vmul.f32 v29, v24  }
0x153: {  	v10 =	vadd.f32 v10, v4;
	v30 =	vmul.f32 v48, v30;
	v50 =	vmul.f32 v58, v15;
	v63, _, _ =	vpop (xrf2)  }
0x154: {  	v23 =	vmul.f32 v29, v23;
	v21 =	vmul.f32 v29, v21;
	s8 =	spop (v2sf);
	(v2sf) =	vpush v63, $0xF  }
0x155: {  	v22 =	vmul.f32 v29, v22;
	v30 =	vmul.f32 v30, v48;
	v50 =	vsub.f32 $1.500000000e+00, v50;
	s0 =	smul.f32 $1.562500000e-02, s8;
	s9 =	spop (v2sf)  }
0x156: {  	v24 =	vmul.f32 v24, v2;
	v23 =	vmul.f32 v23, v0;
	v62 =	vmov s3;
	s3 =	smul.f32 $1.562500000e-02, s9  }
0x157: {  	v21 =	vmul.f32 v21, v1;
	v30 =	vsub.f32 $1.500000000e+00, v30;
	v15 =	vmul.f32 v50, v15;
	s10 =	smul.f32 s0, s0  }
0x158: {  	v22 =	vmul.f32 v22, v6;
	v24 =	vadd.f32 v24, v3;
	v11 =	vsub.f32 v11, v62;
	s14 =	spop (v2sf)  }
0x159: {  	v12 =	vsub.f32 v12, v62;
	v30 =	vmul.f32 v30, v48;
	v25 =	vmul.f32 v15, v25;
	s3 =	ssub.f32 s3, s10;
	s8 =	smul.f32 $1.562500000e-02, s14  }
0x15a: {  	v13 =	vsub.f32 v13, v62;
	v27 =	vmul.f32 v15, v27;
	v26 =	vmul.f32 v15, v26;
	s10 =	spop (v2sf)  }
0x15b: {  	v14 =	vsub.f32 v14, v62;
	v15 =	vmul.f32 v15, v28;
	v11 =	vmul.f32 v30, v11;
	s3 =	sadd.f32 $9.999999960e-13, s3;
	s9 =	smul.f32 s8, s8  }
0x15c: {  	v23 =	vadd.f32 v23, v4;
	v12 =	vmul.f32 v30, v12;
	v13 =	vmul.f32 v30, v13;
	s10 =	smul.f32 $1.562500000e-02, s10;
	s14 =	spop (v2sf)  }
0x15d: {  	v14 =	vmul.f32 v30, v14;
	v25 =	vmul.f32 v25, v2;
	v28 =	vmov s3;
	s14 =	smul.f32 $1.562500000e-02, s14  }
0x15e: {  	v27 =	vmul.f32 v27, v0;
	s15 =	ssub.f32 s10, s9;
	v29 =	vshrl.u32 v28, $0x1;
	v28 =	vmul.f32 $5.000000000e-01, v28  }
0x15f: {  	v26 =	vmul.f32 v26, v1;
	v15 =	vmul.f32 v15, v6;
	v29 =	vsub.s32 $0x5F3759DF, v29;
	s9 =	spop (v2sf);
	s10 =	smul.f32 s14, s14  }
0x160: {  	v21 =	vadd.f32 v21, v5;
	v11 =	vmul.f32 v11, v2;
	v50 =	vmul.f32 v29, v28;
	s28 =	spop (v2sf);
	s9 =	smul.f32 $1.562500000e-02, s9  }
0x161: {  	v22 =	vadd.f32 v22, v7;
	[tilespmem:s30+$0x12CA0] =	vst v19;
	v12 =	vmul.f32 v12, v0;
	v13 =	vmul.f32 v13, v1;
	s15 =	sadd.f32 $9.999999960e-13, s15;
	s3 =	smul.f32 $1.562500000e-02, s28  }
0x162: {  	[tilespmem:s30+$0x12CB0] =	vst v20;
	v14 =	vmul.f32 v14, v6;
	v25 =	vadd.f32 v25, v3;
	v42 =	vmul.f32 v29, v50;
	s9 =	ssub.f32 s9, s10  }
0x163: {  	[tilespmem:s30+$0x12CC0] =	vst v17;
	v27 =	vadd.f32 v27, v4;
	v30 =	vmov s8;
	v51 =	vmov s15;
	s8 =	smul.f32 s3, s3;
	s15 =	spop (v2sf)  }
0x164: {  	[tilespmem:s30+$0x12CE0] =	vst v18;
	v18 =	vmov s0;
	v26 =	vadd.f32 v26, v5;
	v42 =	vsub.f32 $1.500000000e+00, v42;
	s28 =	smul.f32 $1.562500000e-02, s15  }
0x165: {  	[tilespmem:s30+$0x12CD0] =	vst v16;
	v15 =	vadd.f32 v15, v7;
	v52 =	vshrl.u32 v51, $0x1;
	v46 =	vmul.f32 $5.000000000e-01, v51;
	s9 =	sadd.f32 $9.999999960e-13, s9  }
0x166: {  	[tilespmem:s31+$0x12C00] =	vst v24;
	v24 =	vsub.f32 v33, v18;
	v29 =	vmul.f32 v29, v42;
	v42 =	vsub.s32 $0x5F3759DF, v52;
	s8 =	ssub.f32 s28, s8  }
0x167: {  	v32 =	vsub.f32 v43, v30;
	v43 =	vsub.f32 v45, v30;
	v57 =	vmul.f32 v42, v46  }
0x168: {  	v45 =	vsub.f32 v47, v30;
	v53 =	vmov s9;
	v28 =	vmul.f32 v29, v28;
	s8 =	sadd.f32 $9.999999960e-13, s8  }
0x169: {  	v54 =	vshrl.u32 v53, $0x1;
	v47 =	vmul.f32 $5.000000000e-01, v53;
	v60 =	vmul.f32 v42, v57  }
0x16a: {  	v48 =	vsub.s32 $0x5F3759DF, v54;
	v28 =	vmul.f32 v28, v29;
	v55 =	vmov s8  }
0x16b: {  	v17 =	vsub.f32 $1.500000000e+00, v60;
	v56 =	vshrl.u32 v55, $0x1;
	v49 =	vmul.f32 $5.000000000e-01, v55  }
0x16c: {  	v58 =	vmul.f32 v48, v47;
	v16 =	vsub.f32 $1.500000000e+00, v28;
	v50 =	vsub.s32 $0x5F3759DF, v56  }
0x16d: {  	v11 =	vadd.f32 v11, v3;
	v17 =	vmul.f32 v42, v17;
	v59 =	vmul.f32 v50, v49  }
0x16e: {  	[tilespmem:s31+$0x12C10] =	vst v23;
	v12 =	vadd.f32 v12, v4;
	v61 =	vmul.f32 v48, v58;
	v16 =	vmul.f32 v16, v29  }
0x16f: {  	[tilespmem:s31+$0x12C20] =	vst v21;
	v13 =	vadd.f32 v13, v5;
	v29 =	vmul.f32 v17, v46;
	v62 =	vmul.f32 v50, v59  }
0x170: {  	[tilespmem:s31+$0x12C30] =	vst v22;
	v30 =	vsub.f32 v44, v30;
	v44 =	vmov s14;
	v63 =	vsub.f32 $1.500000000e+00, v61  }
0x171: {  	[tilespmem:s31+$0x12C40] =	vst v25;
	v24 =	vmul.f32 v16, v24;
	v22 =	vmul.f32 v29, v17;
	v28 =	vsub.f32 $1.500000000e+00, v62  }
0x172: {  	v14 =	vadd.f32 v14, v7;
	[tilespmem:s31+$0x12C50] =	vst v27;
	v19 =	vsub.f32 v40, v44;
	v40 =	vmul.f32 v48, v63  }
0x173: {  	[tilespmem:s31+$0x12C60] =	vst v26;
	v24 =	vmul.f32 v24, v6;
	v22 =	vsub.f32 $1.500000000e+00, v22;
	v28 =	vmul.f32 v50, v28  }
0x174: {  	[tilespmem:s31+$0x12C70] =	vst v15;
	v20 =	vsub.f32 v41, v44;
	v23 =	vsub.f32 v39, v44;
	v46 =	vmul.f32 v40, v47  }
0x175: {  	[tilespmem:s31+$0x12C80] =	vst v11;
	v24 =	vadd.f32 v24, v7;
	v15 =	vmul.f32 v22, v17;
	v47 =	vmul.f32 v28, v49  }
0x176: {  	[tilespmem:s31+$0x12C90] =	vst v12;
	v21 =	vsub.f32 v38, v44;
	v26 =	vmov s3;
	v29 =	vmul.f32 v46, v40  }
0x177: {  	v22 =	vsub.f32 v36, v26;
	[tilespmem:s2+$0x12CF0] =	vst v24;
	v12 =	vmul.f32 v15, v32;
	v25 =	vmul.f32 v47, v28  }
0x178: {  	v27 =	vsub.f32 $1.500000000e+00, v29;
	v24 =	vmul.f32 v15, v43;
	v29 =	vmul.f32 v15, v45;
	[tilespmem:s31+$0x12CA0] =	vst v13  }
0x179: {  	v13 =	vmul.f32 v15, v30;
	[tilespmem:s31+$0x12CC0] =	vst v8;
	v8 =	vadd.f32 v9, v5;
	v25 =	vsub.f32 $1.500000000e+00, v25  }
0x17a: {  	v9 =	vld [tilespmem:$0x1FFF0];
	v17 =	vmul.f32 v27, v40;
	v27 =	vsub.f32 v37, v26;
	v12 =	vmul.f32 v12, v2  }
0x17b: {  	[tilespmem:s31+$0x12CB0] =	vst v14;
	v15 =	vmul.f32 v24, v0;
	v11 =	vmul.f32 v25, v28;
	v28 =	vsub.f32 v31, v18;
	v31 =	vld [tilespmem:$0x1FFE0]  }
0x17c: {  	[tilespmem:s31+$0x12CD0] =	vst v10;
	v13 =	vmul.f32 v13, v6;
	v14 =	vmul.f32 v17, v19;
	v10 =	vadd.f32 v12, v3  }
0x17d: {  	[tilespmem:s31+$0x12CE0] =	vst v8;
	v12 =	vmul.f32 v17, v20;
	v8 =	vadd.f32 v15, v4;
	v15 =	vmul.f32 v17, v23  }
0x17e: {  	v17 =	vmul.f32 v17, v21;
	v25 =	vsub.f32 v35, v26;
	v26 =	vsub.f32 v34, v26  }
0x17f: {  	v9 =	vsub.f32 v9, v18;
	v12 =	vmul.f32 v12, v0;
	[tilespmem:s2+$0x12C10] =	vst v8;
	v8 =	vadd.f32 v13, v7  }
0x180: {  	v14 =	vmul.f32 v14, v2;
	v31 =	vsub.f32 v31, v18;
	v18 =	vmul.f32 v29, v1  }
0x181: {  	v15 =	vmul.f32 v15, v1;
	v13 =	vmul.f32 v11, v22;
	[tilespmem:s2+$0x12C30] =	vst v8;
	v8 =	vadd.f32 v12, v4  }
0x182: {  	[tilespmem:s2+$0x12C00] =	vst v10;
	v17 =	vmul.f32 v17, v6;
	v12 =	vmul.f32 v11, v27;
	v10 =	vadd.f32 v18, v5  }
0x183: {  	v9 =	vmul.f32 v16, v9;
	v15 =	vadd.f32 v15, v5;
	v13 =	vmul.f32 v13, v2;
	[tilespmem:s2+$0x12C50] =	vst v8  }
0x184: {  	v12 =	vmul.f32 v12, v1;
	[tilespmem:s2+$0x12C20] =	vst v10;
	v10 =	vadd.f32 v14, v3;
	v14 =	vmul.f32 v11, v25  }
0x185: {  	v8 =	vadd.f32 v17, v7;
	[tilespmem:s2+$0x12C60] =	vst v15;
	v1 =	vmul.f32 v9, v1;
	v15 =	vmul.f32 v16, v31  }
0x186: {  	v13 =	vadd.f32 v13, v3;
	[tilespmem:s2+$0x12C40] =	vst v10;
	v10 =	vmul.f32 v11, v26;
	v11 =	vmul.f32 v14, v0  }
0x187: {  	[tilespmem:s2+$0x12C70] =	vst v8;
	v1 =	vadd.f32 v1, v5  }
0x188: {  	[tilespmem:s2+$0x12C80] =	vst v13;
	v14 =	vmul.f32 v16, v28;
	v0 =	vmul.f32 v15, v0;
	v8 =	vadd.f32 v11, v4  }
0x189: {  	[tilespmem:s2+$0x12CE0] =	vst v1;
	v6 =	vmul.f32 v10, v6;
	v10 =	vadd.f32 v12, v5  }
0x18a: {  	s30 =	smul.u32 $0x320, s29;
	v2 =	vmul.f32 v14, v2;
	v0 =	vadd.f32 v0, v4;
	[tilespmem:s2+$0x12C90] =	vst v8  }
0x18b: {  	v6 =	vadd.f32 v6, v7;
	[tilespmem:s2+$0x12CA0] =	vst v10  }
0x18c: {  	s15 =	sadd.s32 s6, s30;
	v2 =	vadd.f32 v2, v3;
	[tilespmem:s2+$0x12CD0] =	vst v0  }
0x18d: {  	s0 =	sshll.u32 s15, $0x3;
	[tilespmem:s2+$0x12CB0] =	vst v6  }
0x18e: {  	p0 =	seq.s32 s29, $0x1F;
	s0 =	sadd.s32 s4, s0;
	[tilespmem:s2+$0x12CC0] =	vst v2  }
0x18f: {  	[hbm4b:s0+s5] =	stream.linear.scatter [tilespmem:s18], [sflag:$0x5], $0x3200, $0x38;
	[tilespmem:$0x1C2C0] =	vst v63  }
0x190: {  	s3 =	simm.s32 @!p0 $0x6400;
	s2 =	simm.s32 @!p0 $0x68;
	s0 =	sadd.s32 @!p0 $0x320, s30  }
0x191: {  	[tilespmem:s3], [sflag:$0x1] =	stream.indirect.gather @!p0 [hbm4b:s7+s2], $0x40, s0, s2, $0xb8;
	[tilespmem:$0x1C2C0] =	vst v63  }
0x192: {  	s0 =	sadd.s32 @!p0 $0x388, s30;
	s2 =	simm.s32 @!p0 $0x60;
	s3 =	simm.s32 @!p0 $0x7E00  }
0x193: {  	[tilespmem:s3], [sflag:$0x1] =	stream.indirect.gather @!p0 [hbm4b:s7+s2], $0x40, s0, s2, $0xb8;
	[tilespmem:$0x1C2C0] =	vst v63  }
0x194: {  	_ =	swait.ge [sflag:s19], $0x1A00  }
0x195: {  	[sflag:s19] =	ssyncset.done $0x0  }
0x196: {  	[sflag:s19] =	ssyncadd.s32 $0xFFFFE600  }
0x197: {  	_ =	swait.ge [sflag:s19], $0x1800  }
0x198: {  	[sflag:s19] =	ssyncset.done $0x0  }
0x199: {  	s0 =	simm.s32 @!p1 $0x6;
	[sflag:s19] =	ssyncadd.s32 $0xFFFFE800  }
0x19a: {  	_ =	swait.ge @!p1 [sflag:s0], $0x3200  }
0x19b: {  	[sflag:s0] =	ssyncset.done @!p1 $0x0  }
0x19c: {  	s31 =	simm.s32 $0x0;
	[sflag:s0] =	ssyncadd.s32 @!p1 $0xFFFFCE00  }
0x19d: {  	v0 =	vld [tilespmem:s31+$0x96C0]  }
0x19e: {  	v1 =	vld [tilespmem:s31+$0x190C0]  }
0x19f: {  	v2 =	vld [tilespmem:s31+$0x96D0]  }
0x1a0: {  	v3 =	vld [tilespmem:s31+$0x190D0]  }
0x1a1: {  	v4 =	vld [tilespmem:s31+$0x96E0]  }
0x1a2: {  	v5 =	vld [tilespmem:s31+$0x190E0]  }
0x1a3: {  	v6 =	vld [tilespmem:s31+$0x96F0]  }
0x1a4: {  	v7 =	vld [tilespmem:s31+$0x190F0];
	_ =	sdelay $0x1  }
0x1a5: {  	v8 =	vld [tilespmem:s31+$0x9600]  }
0x1a6: {  	v10 =	vld [tilespmem:s31+$0x19000]  }
0x1a7: {  	v11 =	vld [tilespmem:s31+$0x9610];
	v18 =	vadd.f32 v1, v0;
	v17 =	vadd.f32 v3, v2  }
0x1a8: {  	v12 =	vld [tilespmem:s31+$0x9630];
	v16 =	vadd.f32 v5, v4;
	v9 =	vadd.f32 v7, v6  }
0x1a9: {  	v14 =	vld [tilespmem:s31+$0x19030];
	v2 =	vmul.f32 v18, v18;
	v3 =	vmul.f32 v17, v17  }
0x1aa: {  	v0 =	vld [tilespmem:s31+$0x19010];
	v5 =	vmul.f32 v16, v16;
	v6 =	vmul.f32 v9, v9  }
0x1ab: {  	v1 =	vld [tilespmem:s31+$0x9620];
	v7 =	vadd.f32 v17, v18;
	v13 =	vadd.f32 v9, v16  }
0x1ac: {  	v4 =	vld [tilespmem:s31+$0x19020];
	v2 =	vadd.f32 v3, v2;
	v3 =	vadd.f32 v6, v5  }
0x1ad: {  	v19 =	vld [tilespmem:s31+$0x19070];
	v6 =	vadd.f32 v13, v7  }
0x1ae: {  	v5 =	vld [tilespmem:s31+$0x9640];
	v2 =	vadd.f32 v3, v2  }
0x1af: {  	v7 =	vld [tilespmem:s31+$0x19040];
	(xrf2) =	vadd.scan.msk.f32 $0xffff, v6  }
0x1b0: {  	v8 =	vadd.f32 v10, v8;
	v10 =	vadd.f32 v0, v11;
	v0 =	vld [tilespmem:s31+$0x9660];
	(xrf2) =	vadd.scan.msk.f32 $0xffff, v2  }
0x1b1: {  	v12 =	vadd.f32 v14, v12;
	v11 =	vadd.f32 v4, v1;
	v1 =	vld [tilespmem:s31+$0x19060]  }
0x1b2: {  	v4 =	vld [tilespmem:s31+$0x9670]  }
0x1b3: {  	v3 =	vld [tilespmem:s31+$0x9650];
	v13 =	vadd.f32 v10, v8;
	v15 =	vadd.f32 v12, v11  }
0x1b4: {  	v21 =	vmul.f32 v12, v12;
	v6 =	vld [tilespmem:s31+$0x19050];
	v14 =	vmul.f32 v10, v10  }
0x1b5: {  	v22 =	vld [tilespmem:s31+$0x9680];
	v20 =	vmul.f32 v11, v11;
	v2 =	vmul.f32 v8, v8;
	v13 =	vadd.f32 v15, v13  }
0x1b6: {  	v15 =	vld [tilespmem:s31+$0x19080];
	v23 =	vadd.f32 v7, v5  }
0x1b7: {  	v5 =	vld [tilespmem:s31+$0x190A0];
	v2 =	vadd.f32 v14, v2;
	v14 =	vadd.f32 v21, v20;
	(xrf2) =	vadd.scan.msk.f32 $0xffff, v13  }
0x1b8: {  	v20 =	vld [tilespmem:s31+$0x9690];
	v26 =	vadd.f32 v1, v0;
	v27 =	vadd.f32 v19, v4  }
0x1b9: {  	v0 =	vld [tilespmem:s31+$0x190B0];
	v25 =	vadd.f32 v6, v3;
	v2 =	vadd.f32 v14, v2;
	v21, _, _ =	vpop (xrf2)  }
0x1ba: {  	v13 =	vld [tilespmem:s31+$0x19090];
	v6 =	vadd.f32 v27, v26;
	(v2sf) =	vpush v21, $0xF;
	v7, _, _ =	vpop (xrf2)  }
0x1bb: {  	v14 =	vld [tilespmem:s31+$0x96A0];
	v4 =	vadd.f32 v25, v23;
	(xrf2) =	vadd.scan.msk.f32 $0xffff, v2;
	(v2sf) =	vpush v7, $0xF  }
0x1bc: {  	v2 =	vld [tilespmem:s31+$0x96B0]  }
0x1bd: {  	v4 =	vadd.f32 v6, v4  }
0x1be: {  	v1 =	vmul.f32 v23, v23;
	v3 =	vmul.f32 v25, v25  }
0x1bf: {  	v22 =	vadd.f32 v15, v22;
	v19 =	vadd.f32 v13, v20  }
0x1c0: {  	v1 =	vadd.f32 v3, v1;
	v3 =	vmul.f32 v26, v26;
	v7 =	vmul.f32 v27, v27  }
0x1c1: {  	v20 =	vadd.f32 v5, v14;
	v5 =	vmul.f32 v19, v19;
	(xrf2) =	vadd.scan.msk.f32 $0xffff, v4;
	v4, _, _ =	vpop (xrf2);
	v21 =	vadd.f32 v0, v2  }
0x1c2: {  	(v2sf) =	vpush v4, $0xF;
	v2 =	vadd.f32 v7, v3  }
0x1c3: {  	v0 =	vmul.f32 v22, v22;
	v3 =	vadd.f32 v19, v22;
	v4 =	vadd.f32 v21, v20  }
0x1c4: {  	v1 =	vadd.f32 v2, v1;
	v2 =	vmul.f32 v20, v20;
	v6 =	vmul.f32 v21, v21  }
0x1c5: {  	v0 =	vadd.f32 v5, v0;
	v3 =	vadd.f32 v4, v3;
	v5, _, _ =	vpop (xrf2)  }
0x1c6: {  	(xrf2) =	vadd.scan.msk.f32 $0xffff, v1;
	v1 =	vadd.f32 v6, v2;
	(v2sf) =	vpush v5, $0xF  }
0x1c7: {  	(xrf2) =	vadd.scan.msk.f32 $0xffff, v3  }
0x1c8: {  	v0 =	vadd.f32 v1, v0  }
0x1c9: {  	s28 =	spop (v2sf)  }
0x1ca: {  	(xrf2) =	vadd.scan.msk.f32 $0xffff, v0;
	s3 =	smul.f32 $1.562500000e-02, s28;
	s2 =	spop (v2sf)  }
0x1cb: {  	s0 =	smul.f32 $1.562500000e-02, s2  }
0x1cc: {  	v0, _, _ =	vpop (xrf2);
	s8 =	smul.f32 s3, s3  }
0x1cd: {  	(v2sf) =	vpush v0, $0xF  }
0x1ce: {  	s0 =	ssub.f32 s0, s8;
	_ =	sdelay $0x1  }
0x1cf: {  	v2 =	vld [tilespmem:$0x1C200];
	v3, _, _ =	vpop (xrf2);
	s0 =	sadd.f32 $9.999999960e-13, s0  }
0x1d0: {  	v6 =	vld [tilespmem:$0x1C230];
	(v2sf) =	vpush v3, $0xF;
	v3, _, _ =	vpop (xrf2)  }
0x1d1: {  	v1 =	vld [tilespmem:$0x1C220];
	s9 =	spop (v2sf);
	(v2sf) =	vpush v3, $0xF;
	v4 =	vmov s0  }
0x1d2: {  	v0 =	vld [tilespmem:$0x1C210];
	s2 =	simm.s32 $0x100;
	s10 =	smul.f32 $1.562500000e-02, s9;
	v5 =	vshrl.u32 v4, $0x1;
	v13 =	vmul.f32 $5.000000000e-01, v4  }
0x1d3: {  	v28 =	vld [tilespmem:s2+$0x96C0];
	v7, _, _ =	vpop (xrf2);
	v14 =	vsub.s32 $0x5F3759DF, v5  }
0x1d4: {  	v30 =	vld [tilespmem:s2+$0x190C0];
	s14 =	smul.f32 s10, s10;
	s15 =	spop (v2sf);
	(v2sf) =	vpush v7, $0xF;
	v15 =	vmul.f32 v14, v13  }
0x1d5: {  	v31 =	vld [tilespmem:s2+$0x96D0];
	s28 =	smul.f32 $1.562500000e-02, s15  }
0x1d6: {  	v48 =	vld [tilespmem:s2+$0x190D0];
	v15 =	vmul.f32 v14, v15  }
0x1d7: {  	v50 =	vld [tilespmem:s2+$0x190E0];
	s8 =	ssub.f32 s28, s14  }
0x1d8: {  	v52 =	vld [tilespmem:s2+$0x9600];
	v15 =	vsub.f32 $1.500000000e+00, v15  }
0x1d9: {  	v33 =	vld [tilespmem:s2+$0x9610];
	v49 =	vmov s10;
	s8 =	sadd.f32 $9.999999960e-13, s8  }
0x1da: {  	v36 =	vmov s3;
	v54 =	vld [tilespmem:s2+$0x19030];
	v29 =	vsub.f32 v8, v49;
	v14 =	vmul.f32 v14, v15  }
0x1db: {  	v61 =	vld [tilespmem:s2+$0x9640];
	v24 =	vsub.f32 v10, v49;
	v34 =	vsub.f32 v12, v49;
	s10 =	spop (v2sf);
	v8 =	vmov s8  }
0x1dc: {  	v12 =	vld [tilespmem:s2+$0x190F0];
	s0 =	smul.f32 $1.562500000e-02, s10;
	v10 =	vshrl.u32 v8, $0x1;
	v42 =	vmul.f32 $5.000000000e-01, v8;
	v8 =	vmul.f32 v14, v13  }
0x1dd: {  	v18 =	vsub.f32 v18, v36;
	v35 =	vsub.f32 v11, v49;
	v15 =	vld [tilespmem:s2+$0x96E0]  }
0x1de: {  	v13 =	vld [tilespmem:s2+$0x96F0];
	v11 =	vsub.s32 $0x5F3759DF, v10;
	v10 =	vmov s0;
	v8 =	vmul.f32 v8, v14  }
0x1df: {  	v56 =	vld [tilespmem:s2+$0x19040];
	s14 =	smul.f32 s0, s0;
	s15 =	spop (v2sf);
	v51 =	vmul.f32 v11, v42;
	v40 =	vsub.f32 v23, v10;
	v37 =	vsub.f32 v25, v10  }
0x1e0: {  	v23 =	vld [tilespmem:s2+$0x19000];
	s28 =	smul.f32 $1.562500000e-02, s15;
	v38 =	vsub.f32 v26, v10;
	s10 =	spop (v2sf);
	v26 =	vsub.f32 $1.500000000e+00, v8  }
0x1e1: {  	v7 =	vld [tilespmem:$0x1C270];
	v39 =	vsub.f32 v27, v10;
	v10 =	vadd.f32 v48, v31;
	v25 =	vmul.f32 v11, v51;
	s0 =	smul.f32 $1.562500000e-02, s10  }
0x1e2: {  	v27 =	vld [tilespmem:s2+$0x19010];
	v8 =	vadd.f32 v30, v28;
	s14 =	ssub.f32 s28, s14;
	v32 =	vmul.f32 v26, v14;
	v14 =	vsub.f32 v9, v36  }
0x1e3: {  	v28 =	vld [tilespmem:s2+$0x9630];
	v53 =	vmul.f32 v10, v10;
	s15 =	smul.f32 s0, s0;
	v9 =	vadd.f32 v50, v15;
	v15 =	vadd.f32 v12, v13;
	s28 =	spop (v2sf)  }
0x1e4: {  	v26 =	vld [tilespmem:s2+$0x9620];
	s3 =	sadd.f32 $9.999999960e-13, s14;
	v13 =	vsub.f32 $1.500000000e+00, v25;
	v25 =	vadd.f32 v10, v8;
	s9 =	smul.f32 $1.562500000e-02, s28;
	v14 =	vmul.f32 v32, v14  }
0x1e5: {  	v12 =	vld [tilespmem:s2+$0x19020];
	v30 =	vmul.f32 v8, v8;
	v23 =	vadd.f32 v23, v52;
	v31 =	vadd.f32 v15, v9  }
0x1e6: {  	v60 =	vld [tilespmem:s2+$0x9650];
	v57 =	vmov s3;
	v58 =	vmul.f32 v9, v9;
	s8 =	ssub.f32 s9, s15;
	v14 =	vmul.f32 v14, v6  }
0x1e7: {  	v63 =	vld [tilespmem:s2+$0x19050];
	v55 =	vmul.f32 v15, v15;
	v41 =	vadd.f32 v53, v30;
	v30 =	vadd.f32 v27, v33  }
0x1e8: {  	v3 =	vld [tilespmem:$0x1C240];
	v59 =	vshrl.u32 v57, $0x1;
	v25 =	vadd.f32 v31, v25;
	s3 =	sadd.f32 $9.999999960e-13, s8;
	v14 =	vadd.f32 v14, v7  }
0x1e9: {  	v4 =	vld [tilespmem:$0x1C250];
	v45 =	vmul.f32 $5.000000000e-01, v57;
	v27 =	vadd.f32 v54, v28;
	v43 =	vadd.f32 v55, v58  }
0x1ea: {  	v5 =	vld [tilespmem:$0x1C260];
	v31 =	vadd.f32 v12, v26;
	(xrf2) =	vadd.scan.msk.f32 $0xffff, v25;
	v12 =	vmov s3;
	[tilespmem:s31+$0x15EF0] =	vst v14  }
0x1eb: {  	v14 =	vadd.f32 v43, v41;
	v26 =	vshrl.u32 v12, $0x1;
	v41 =	vmul.f32 $5.000000000e-01, v12;
	v12 =	vld [tilespmem:s2+$0x9660]  }
0x1ec: {  	v62 =	vmul.f32 v23, v23;
	v28 =	vadd.f32 v30, v23;
	v33 =	vmul.f32 v30, v30;
	v43 =	vld [tilespmem:s2+$0x19060]  }
0x1ed: {  	v58 =	vmul.f32 v27, v27;
	v25 =	vadd.f32 v56, v61;
	v57 =	vmul.f32 v31, v31;
	v52 =	vld [tilespmem:s2+$0x9670];
	(xrf2) =	vadd.scan.msk.f32 $0xffff, v14  }
0x1ee: {  	v33 =	vadd.f32 v33, v62;
	v47 =	vld [tilespmem:s2+$0x19070];
	v49 =	vsub.s32 $0x5F3759DF, v26;
	v26 =	vadd.f32 v27, v31  }
0x1ef: {  	v56 =	vmul.f32 v11, v13;
	v54 =	vld [tilespmem:s2+$0x9680];
	v44 =	vadd.f32 v58, v57;
	v14 =	vsub.s32 $0x5F3759DF, v59  }
0x1f0: {  	v53 =	vld [tilespmem:s2+$0x9690];
	v59 =	vmul.f32 v14, v45;
	v61 =	vmul.f32 v49, v41;
	v62 =	vadd.f32 v26, v28  }
0x1f1: {  	v42 =	vmul.f32 v56, v42;
	v13 =	vld [tilespmem:s2+$0x96A0];
	v26 =	vadd.f32 v63, v60;
	v63 =	vmul.f32 v25, v25  }
0x1f2: {  	v44 =	vadd.f32 v44, v33;
	v60 =	vld [tilespmem:s2+$0x19080];
	v48 =	vmul.f32 v14, v59;
	v51 =	vmul.f32 v49, v61;
	(xrf2) =	vadd.scan.msk.f32 $0xffff, v62  }
0x1f3: {  	v61 =	vld [tilespmem:s2+$0x19090];
	v28 =	vadd.f32 v43, v12;
	v43 =	vadd.f32 v26, v25;
	v12 =	vmul.f32 v26, v26  }
0x1f4: {  	v59 =	vld [tilespmem:s2+$0x190B0];
	v33 =	vadd.f32 v47, v52;
	v11 =	vsub.f32 $1.500000000e+00, v48;
	v62, _, _ =	vpop (xrf2)  }
0x1f5: {  	v42 =	vmul.f32 v42, v56;
	v48 =	vld [tilespmem:s2+$0x190A0];
	(xrf2) =	vadd.scan.msk.f32 $0xffff, v44;
	v46 =	vadd.f32 v12, v63;
	(v2sf) =	vpush v62, $0xF  }
0x1f6: {  	v47 =	vmul.f32 v28, v28;
	v52 =	vadd.f32 v33, v28;
	v44 =	vmul.f32 v14, v11;
	v14 =	vld [tilespmem:s2+$0x96B0]  }
0x1f7: {  	v12 =	vsub.f32 $1.500000000e+00, v51;
	v63 =	vmul.f32 v33, v33;
	v11 =	vadd.f32 v60, v54;
	v60, _, _ =	vpop (xrf2)  }
0x1f8: {  	v43 =	vadd.f32 v52, v43;
	(v2sf) =	vpush v60, $0xF  }
0x1f9: {  	v18 =	vmul.f32 v32, v18;
	v42 =	vsub.f32 $1.500000000e+00, v42;
	v47 =	vadd.f32 v63, v47  }
0x1fa: {  	v49 =	vmul.f32 v49, v12;
	v12 =	vadd.f32 v61, v53;
	v13 =	vadd.f32 v48, v13;
	(xrf2) =	vadd.scan.msk.f32 $0xffff, v43  }
0x1fb: {  	v61 =	vmul.f32 v11, v11;
	v54 =	vadd.f32 v47, v46;
	v14 =	vadd.f32 v59, v14  }
0x1fc: {  	v42 =	vmul.f32 v42, v56;
	v45 =	vmul.f32 v44, v45;
	v62 =	vadd.f32 v12, v11;
	v58, _, _ =	vpop (xrf2)  }
0x1fd: {  	v63 =	vmul.f32 v12, v12;
	(xrf2) =	vadd.scan.msk.f32 $0xffff, v54;
	v59 =	vadd.f32 v14, v13;
	(v2sf) =	vpush v58, $0xF  }
0x1fe: {  	v57 =	vmul.f32 v13, v13;
	v60 =	vmul.f32 v14, v14  }
0x1ff: {  	v41 =	vmul.f32 v49, v41;
	v55 =	vadd.f32 v63, v61;
	v61, _, _ =	vpop (xrf2);
	v48 =	vadd.f32 v59, v62  }
0x200: {  	v45 =	vmul.f32 v45, v44;
	v43 =	vadd.f32 v60, v57;
	(v2sf) =	vpush v61, $0xF  }
0x201: {  	v29 =	vmul.f32 v42, v29;
	v41 =	vmul.f32 v41, v49;
	(xrf2) =	vadd.scan.msk.f32 $0xffff, v48  }
0x202: {  	v24 =	vmul.f32 v42, v24;
	v45 =	vsub.f32 $1.500000000e+00, v45;
	v43 =	vadd.f32 v43, v55  }
0x203: {  	v35 =	vmul.f32 v42, v35;
	v34 =	vmul.f32 v42, v34;
	v41 =	vsub.f32 $1.500000000e+00, v41  }
0x204: {  	v16 =	vsub.f32 v16, v36;
	v29 =	vmul.f32 v29, v2;
	v44 =	vmul.f32 v45, v44;
	v63, _, _ =	vpop (xrf2);
	(xrf2) =	vadd.scan.msk.f32 $0xffff, v43;
	s9 =	spop (v2sf)  }
0x205: {  	v62 =	vmov s0;
	v41 =	vmul.f32 v41, v49;
	(v2sf) =	vpush v63, $0xF;
	s9 =	smul.f32 $1.562500000e-02, s9  }
0x206: {  	v49 =	vmul.f32 v32, v16;
	v22 =	vsub.f32 v22, v62;
	v19 =	vsub.f32 v19, v62  }
0x207: {  	v20 =	vsub.f32 v20, v62;
	v21 =	vsub.f32 v21, v62;
	v40 =	vmul.f32 v44, v40;
	v48, _, _ =	vpop (xrf2);
	s14 =	smul.f32 s9, s9;
	s10 =	spop (v2sf)  }
0x208: {  	v37 =	vmul.f32 v44, v37;
	v22 =	vmul.f32 v41, v22;
	(v2sf) =	vpush v48, $0xF;
	s0 =	smul.f32 $1.562500000e-02, s10  }
0x209: {  	v17 =	vsub.f32 v17, v36;
	v19 =	vmul.f32 v41, v19;
	v20 =	vmul.f32 v41, v20  }
0x20a: {  	v41 =	vmul.f32 v41, v21;
	v21 =	vmul.f32 v24, v0;
	s3 =	ssub.f32 s0, s14  }
0x20b: {  	v24 =	vadd.f32 v29, v3;
	v29 =	vmul.f32 v32, v17;
	v17 =	vmul.f32 v35, v1;
	v16, _, _ =	vpop (xrf2)  }
0x20c: {  	v38 =	vmul.f32 v44, v38;
	v39 =	vmul.f32 v44, v39;
	s15 =	spop (v2sf);
	(v2sf) =	vpush v16, $0xF;
	s3 =	sadd.f32 $9.999999960e-13, s3  }
0x20d: {  	v50 =	vmul.f32 v40, v2;
	v51 =	vmul.f32 v37, v0;
	v17 =	vadd.f32 v17, v5;
	s8 =	smul.f32 $1.562500000e-02, s15  }
0x20e: {  	[tilespmem:s31+$0x15E00] =	vst v24;
	v16 =	vadd.f32 v21, v4;
	v21 =	vmul.f32 v34, v6;
	v54, _, _ =	vpop (xrf2);
	v24 =	vmov s3  }
0x20f: {  	s0 =	simm.s32 $0x200;
	s14 =	spop (v2sf);
	(v2sf) =	vpush v54, $0xF;
	s28 =	smul.f32 s8, s8;
	v55 =	vshrl.u32 v24, $0x1;
	v56 =	vmul.f32 $5.000000000e-01, v24  }
0x210: {  	v52 =	vmul.f32 v38, v1;
	v53 =	vmul.f32 v39, v6;
	v34 =	vld [tilespmem:s0+$0x96C0];
	[tilespmem:s31+$0x15E10] =	vst v16;
	s3 =	smul.f32 $1.562500000e-02, s14;
	v58 =	vsub.s32 $0x5F3759DF, v55  }
0x211: {  	v57 =	vmul.f32 v22, v2;
	v21 =	vadd.f32 v21, v7;
	v36 =	vld [tilespmem:s0+$0x190C0];
	[tilespmem:s31+$0x15E20] =	vst v17;
	v17 =	vmul.f32 v58, v56  }
0x212: {  	v22 =	vadd.f32 v50, v3;
	v59 =	vadd.f32 v51, v4;
	v16 =	vmov s8;
	s3 =	ssub.f32 s3, s28  }
0x213: {  	v61 =	vadd.f32 v53, v7;
	v37 =	vld [tilespmem:s0+$0x96D0];
	[tilespmem:s31+$0x15E30] =	vst v21;
	v21 =	vsub.f32 v31, v16;
	v31 =	vmul.f32 v58, v17  }
0x214: {  	v24 =	vsub.f32 v23, v16;
	v23 =	vsub.f32 v30, v16;
	v30 =	vmul.f32 v19, v0;
	s15 =	spop (v2sf);
	s3 =	sadd.f32 $9.999999960e-13, s3  }
0x215: {  	v38 =	vld [tilespmem:s0+$0x190D0];
	[tilespmem:s31+$0x15E40] =	vst v22;
	v22 =	vsub.f32 v27, v16;
	s8 =	smul.f32 $1.562500000e-02, s15;
	v17 =	vmul.f32 v18, v2;
	v18 =	vsub.f32 $1.500000000e+00, v31  }
0x216: {  	v16 =	vmul.f32 v29, v0;
	v27 =	vmov s3;
	v31 =	vadd.f32 v52, v5  }
0x217: {  	v43 =	vld [tilespmem:s0+$0x96E0];
	[tilespmem:s31+$0x15E50] =	vst v59;
	s28 =	smul.f32 s8, s8;
	v60 =	vshrl.u32 v27, $0x1;
	v29 =	vmul.f32 $5.000000000e-01, v27;
	s14 =	spop (v2sf);
	v39 =	vmul.f32 v58, v18  }
0x218: {  	v19 =	vmul.f32 v20, v1;
	v44 =	vld [tilespmem:s0+$0x190E0];
	v32 =	vsub.s32 $0x5F3759DF, v60;
	s10 =	smul.f32 $1.562500000e-02, s14;
	[tilespmem:s31+$0x15E60] =	vst v31;
	v31 =	vmov s8  }
0x219: {  	v62 =	vmul.f32 v32, v29;
	v25 =	vsub.f32 v25, v31;
	v63 =	vmul.f32 v39, v56  }
0x21a: {  	v20 =	vmul.f32 v41, v6;
	v45 =	vld [tilespmem:s0+$0x96F0];
	v27 =	vsub.f32 v26, v31;
	[tilespmem:s31+$0x15E70] =	vst v61;
	v26 =	vsub.f32 v28, v31;
	s15 =	ssub.f32 s10, s28  }
0x21b: {  	v28 =	vsub.f32 v33, v31;
	v46 =	vld [tilespmem:s0+$0x190F0];
	v48 =	vmul.f32 v32, v62;
	s28 =	spop (v2sf);
	v31 =	vmul.f32 v63, v39  }
0x21c: {  	v30 =	vadd.f32 v30, v4;
	s3 =	simm.s32 $0xC00;
	v18 =	vmul.f32 v49, v1;
	v33 =	vadd.f32 v57, v3;
	v35 =	vld [tilespmem:s0+$0x9600];
	s10 =	sadd.f32 $9.999999960e-13, s15;
	s8 =	smul.f32 $1.562500000e-02, s28  }
.LBB2_7:
0x21d: {  	p1 =	sne.s32 s3, $0xC400;
	v47 =	vld [tilespmem:s0+$0x19000];
	v48 =	vsub.f32 $1.500000000e+00, v48;
	v31 =	vsub.f32 $1.500000000e+00, v31  }
0x21e: {  	v42 =	vadd.f32 v36, v34;
	v41 =	vmov s9;
	v49 =	vld [tilespmem:s0+$0x9610];
	v36 =	vmov s10;
	s10 =	smul.f32 s8, s8;
	s9 =	spop (v2sf);
	[tilespmem:s31+$0x15E80] =	vst v33  }
0x21f: {  	v40 =	vadd.f32 v38, v37;
	v33 =	vld [tilespmem:s0+$0x19010];
	s9 =	smul.f32 $1.562500000e-02, s9;
	v39 =	vmul.f32 v31, v39;
	v31 =	vsub.f32 v15, v41;
	[tilespmem:s31+$0x15E90] =	vst v30  }
0x220: {  	v43 =	vadd.f32 v44, v43;
	v44 =	vshrl.u32 v36, $0x1;
	v30 =	vld [tilespmem:s0+$0x9620];
	v15 =	vadd.f32 v46, v45  }
0x221: {  	v37 =	vadd.f32 v40, v42;
	v45 =	vmul.f32 v42, v42;
	v38 =	vld [tilespmem:s0+$0x19020];
	s9 =	ssub.f32 s9, s10;
	v31 =	vmul.f32 v39, v31  }
0x222: {  	v51 =	vmul.f32 v40, v40;
	v52 =	vmul.f32 v43, v43;
	v46 =	vld [tilespmem:s0+$0x9630];
	v50 =	vadd.f32 v15, v43  }
0x223: {  	v34 =	vadd.f32 v47, v35;
	v47 =	vmul.f32 v15, v15;
	v35 =	vld [tilespmem:s0+$0x19030];
	s9 =	sadd.f32 $9.999999960e-13, s9;
	v31 =	vmul.f32 v31, v6  }
0x224: {  	v45 =	vadd.f32 v51, v45;
	v51 =	vmul.f32 $5.000000000e-01, v36;
	v53 =	vld [tilespmem:s0+$0x9640];
	v50 =	vadd.f32 v50, v37  }
0x225: {  	v54 =	vmul.f32 v34, v34;
	v47 =	vadd.f32 v47, v52;
	v55 =	vld [tilespmem:s0+$0x19040];
	v31 =	vadd.f32 v31, v7  }
0x226: {  	v37 =	vadd.f32 v33, v49;
	v36 =	vadd.f32 v38, v30;
	v33 =	vld [tilespmem:s0+$0x9650];
	(xrf2) =	vadd.scan.msk.f32 $0xffff, v50;
	v30 =	vmov s9  }
0x227: {  	v45 =	vadd.f32 v47, v45;
	v49 =	vld [tilespmem:s0+$0x19050];
	v47 =	vshrl.u32 v30, $0x1;
	v50 =	vmul.f32 $5.000000000e-01, v30;
	[tilespmem:s2+$0x15EF0] =	vst v31  }
0x228: {  	v31 =	vadd.f32 v37, v34;
	v38 =	vadd.f32 v35, v46;
	v35 =	vmul.f32 v37, v37;
	v46 =	vld [tilespmem:s0+$0x9660]  }
0x229: {  	v44 =	vsub.s32 $0x5F3759DF, v44;
	v52 =	vmul.f32 v36, v36;
	v56 =	vld [tilespmem:s0+$0x19060];
	(xrf2) =	vadd.scan.msk.f32 $0xffff, v45;
	v45 =	vsub.s32 $0x5F3759DF, v47  }
0x22a: {  	v47 =	vadd.f32 v38, v36;
	v57 =	vmul.f32 v38, v38;
	v30 =	vadd.f32 v55, v53;
	v53 =	vld [tilespmem:s0+$0x9670]  }
0x22b: {  	v35 =	vadd.f32 v35, v54;
	v55 =	vmul.f32 v44, v51;
	v58 =	vmul.f32 v45, v50;
	v54 =	vld [tilespmem:s0+$0x19070]  }
0x22c: {  	v47 =	vadd.f32 v47, v31;
	v31 =	vadd.f32 v49, v33;
	v49 =	vmul.f32 v30, v30;
	v59 =	vld [tilespmem:s0+$0x9680]  }
0x22d: {  	v52 =	vadd.f32 v57, v52;
	v61 =	vmul.f32 v44, v55;
	v58 =	vmul.f32 v45, v58;
	v57 =	vld [tilespmem:s0+$0x19080]  }
0x22e: {  	v33 =	vadd.f32 v56, v46;
	v46 =	vadd.f32 v31, v30;
	v56 =	vmul.f32 v31, v31;
	v60 =	vld [tilespmem:s0+$0x9690];
	(xrf2) =	vadd.scan.msk.f32 $0xffff, v47  }
0x22f: {  	v32 =	vmul.f32 v32, v48;
	v47 =	vadd.f32 v52, v35;
	v48 =	vsub.f32 $1.500000000e+00, v61;
	v52 =	vld [tilespmem:s0+$0x19090]  }
0x230: {  	v35 =	vadd.f32 v54, v53;
	v49 =	vadd.f32 v56, v49;
	v53 =	vmul.f32 v33, v33;
	v54 =	vld [tilespmem:s0+$0x96A0];
	v55, _, _ =	vpop (xrf2)  }
0x231: {  	v29 =	vmul.f32 v32, v29;
	v44 =	vmul.f32 v44, v48;
	v56 =	vld [tilespmem:s0+$0x190A0];
	(xrf2) =	vadd.scan.msk.f32 $0xffff, v47;
	v47 =	vsub.f32 $1.500000000e+00, v58  }
0x232: {  	v48 =	vadd.f32 v35, v33;
	v58 =	vmul.f32 v35, v35;
	v57 =	vadd.f32 v57, v59;
	v59 =	vld [tilespmem:s0+$0x96B0]  }
0x233: {  	v51 =	vmul.f32 v44, v51;
	v61 =	vld [tilespmem:s0+$0x190B0];
	(v2sf) =	vpush v55, $0xF;
	v55, _, _ =	vpop (xrf2);
	v45 =	vmul.f32 v45, v47  }
0x234: {  	v47 =	vadd.f32 v52, v60;
	v52 =	vmul.f32 v57, v57;
	(v2sf) =	vpush v55, $0xF  }
0x235: {  	v46 =	vadd.f32 v48, v46;
	v48 =	vadd.f32 v58, v53;
	v50 =	vmul.f32 v45, v50  }
0x236: {  	v53 =	vadd.f32 v56, v54;
	v54 =	vadd.f32 v47, v57;
	v56 =	vmul.f32 v47, v47  }
0x237: {  	v29 =	vmul.f32 v29, v32;
	v48 =	vadd.f32 v48, v49;
	(xrf2) =	vadd.scan.msk.f32 $0xffff, v46;
	v46 =	vmul.f32 v51, v44  }
0x238: {  	v49 =	vadd.f32 v61, v59;
	v51 =	vadd.f32 v56, v52;
	v52 =	vmul.f32 v53, v53;
	v55, _, _ =	vpop (xrf2)  }
0x239: {  	v29 =	vsub.f32 $1.500000000e+00, v29;
	v50 =	vmul.f32 v50, v45;
	(v2sf) =	vpush v55, $0xF  }
0x23a: {  	v46 =	vsub.f32 $1.500000000e+00, v46;
	v55 =	vadd.f32 v49, v53;
	v56 =	vmul.f32 v49, v49;
	(xrf2) =	vadd.scan.msk.f32 $0xffff, v48  }
0x23b: {  	v29 =	vmul.f32 v29, v32;
	v32 =	vsub.f32 $1.500000000e+00, v50;
	v50 =	vmov s8;
	v48, _, _ =	vpop (xrf2)  }
0x23c: {  	v44 =	vmul.f32 v46, v44;
	v54 =	vadd.f32 v55, v54;
	v52 =	vadd.f32 v56, v52  }
0x23d: {  	v32 =	vmul.f32 v32, v45;
	v45 =	vsub.f32 v11, v50;
	v11 =	vmovc v57;
	(v2sf) =	vpush v48, $0xF  }
0x23e: {  	v24 =	vmul.f32 v29, v24;
	v48 =	vsub.f32 v12, v50;
	v46 =	vadd.f32 v52, v51;
	(xrf2) =	vadd.scan.msk.f32 $0xffff, v54  }
0x23f: {  	v23 =	vmul.f32 v29, v23;
	v14 =	vsub.f32 v14, v50;
	v12 =	vmovc v47;
	v51 =	vsub.f32 v13, v50  }
0x240: {  	v21 =	vmul.f32 v29, v21;
	v47 =	vsub.f32 v8, v41;
	v8 =	vmovc v42;
	v50 =	vsub.f32 v10, v41  }
0x241: {  	v22 =	vmul.f32 v29, v22;
	v29 =	vsub.f32 v9, v41;
	v25 =	vmul.f32 v44, v25;
	v10, _, _ =	vpop (xrf2);
	(xrf2) =	vadd.scan.msk.f32 $0xffff, v46  }
0x242: {  	v9 =	vmovc v43;
	v27 =	vmul.f32 v44, v27;
	v26 =	vmul.f32 v44, v26;
	(v2sf) =	vpush v10, $0xF;
	s8 =	spop (v2sf);
	v10 =	vmovc v40  }
0x243: {  	v19 =	vadd.f32 v19, v5;
	v28 =	vmul.f32 v44, v28;
	v13 =	vmovc v53;
	v40 =	vmul.f32 v32, v45;
	s9 =	smul.f32 $1.562500000e-02, s8;
	s8 =	spop (v2sf)  }
0x244: {  	v20 =	vadd.f32 v20, v7;
	v42 =	vmul.f32 v32, v48;
	v43 =	vmul.f32 v32, v51;
	s8 =	smul.f32 $1.562500000e-02, s8;
	v41, _, _ =	vpop (xrf2)  }
0x245: {  	v32 =	vmul.f32 v32, v14;
	v14 =	vmovc v49;
	s10 =	smul.f32 s9, s9;
	(v2sf) =	vpush v41, $0xF;
	v41 =	vmul.f32 v39, v47;
	[tilespmem:s31+$0x15EA0] =	vst v19  }
0x246: {  	v17 =	vadd.f32 v17, v3;
	v29 =	vmul.f32 v39, v29;
	v44 =	vmul.f32 v39, v50;
	[tilespmem:s31+$0x15EB0] =	vst v20  }
0x247: {  	v16 =	vadd.f32 v16, v4;
	v19 =	vmul.f32 v24, v2;
	v20 =	vmul.f32 v23, v0;
	s8 =	ssub.f32 s8, s10  }
0x248: {  	v45 =	vmul.f32 v22, v6;
	v39 =	vmul.f32 v21, v1;
	s10 =	spop (v2sf);
	v23, _, _ =	vpop (xrf2);
	[tilespmem:s31+$0x15EC0] =	vst v17;
	v17 =	vadd.f32 v18, v5  }
0x249: {  	v18 =	vmul.f32 v25, v2;
	v25 =	vmul.f32 v27, v0;
	s10 =	smul.f32 $1.562500000e-02, s10;
	s8 =	sadd.f32 $9.999999960e-13, s8;
	(v2sf) =	vpush v23, $0xF;
	[tilespmem:s31+$0x15ED0] =	vst v16  }
0x24a: {  	v26 =	vmul.f32 v26, v1;
	v27 =	vmul.f32 v28, v6;
	v16 =	vadd.f32 v19, v3;
	[tilespmem:s31+$0x15EE0] =	vst v17;
	s31 =	smov.u32 s2;
	s2 =	smov.u32 s0  }
0x24b: {  	v40 =	vmul.f32 v40, v2;
	s0 =	smul.f32 s10, s10;
	v17 =	vmov s10;
	v19 =	vmov s8;
	v21, _, _ =	vpop (xrf2)  }
0x24c: {  	v22 =	vshrl.u32 v19, $0x1;
	v28 =	vmul.f32 $5.000000000e-01, v19;
	s8 =	spop (v2sf);
	(v2sf) =	vpush v21, $0xF;
	[tilespmem:s31+$0x15E00] =	vst v16  }
0x24d: {  	v24 =	vsub.f32 v34, v17;
	v23 =	vsub.f32 v37, v17;
	s8 =	smul.f32 $1.562500000e-02, s8;
	v46 =	vsub.s32 $0x5F3759DF, v22  }
0x24e: {  	v21 =	vsub.f32 v36, v17;
	v22 =	vsub.f32 v38, v17;
	v16 =	vmul.f32 v46, v28  }
0x24f: {  	v42 =	vmul.f32 v42, v0;
	v19 =	vmul.f32 v43, v1;
	v17 =	vadd.f32 v20, v4;
	s8 =	ssub.f32 s8, s0  }
0x250: {  	v38 =	vadd.f32 v39, v5;
	v20 =	vmul.f32 v32, v6;
	s0 =	sshra.s32 s3, $0x2;
	v37 =	vmul.f32 v46, v16  }
0x251: {  	v32 =	vadd.f32 v45, v7;
	v16 =	vmul.f32 v44, v0;
	v34 =	vld [tilespmem:s0+$0x96C0];
	s8 =	sadd.f32 $9.999999960e-13, s8;
	s10 =	spop (v2sf);
	[tilespmem:s31+$0x15E10] =	vst v17;
	v17 =	vmul.f32 v41, v2  }
0x252: {  	v41 =	vadd.f32 v18, v3;
	v18 =	vmul.f32 v29, v1;
	v36 =	vld [tilespmem:s0+$0x190C0];
	s10 =	smul.f32 $1.562500000e-02, s10;
	v39 =	vsub.f32 $1.500000000e+00, v37;
	[tilespmem:s31+$0x15E20] =	vst v38  }
0x253: {  	v26 =	vadd.f32 v26, v5;
	v25 =	vadd.f32 v25, v4;
	v37 =	vld [tilespmem:s0+$0x96D0];
	v29 =	vmov s8;
	[tilespmem:s31+$0x15E30] =	vst v32  }
0x254: {  	s8 =	smul.f32 s10, s10;
	s14 =	spop (v2sf)  }
0x255: {  	v38 =	vld [tilespmem:s0+$0x190D0];
	v32 =	vshrl.u32 v29, $0x1;
	v29 =	vmul.f32 $5.000000000e-01, v29;
	v39 =	vmul.f32 v46, v39;
	[tilespmem:s31+$0x15E40] =	vst v41;
	s14 =	smul.f32 $1.562500000e-02, s14  }
.Ltmp4:
0x256: {  	v41 =	vmov s10;
	v46 =	vadd.f32 v27, v7;
	v43 =	vld [tilespmem:s0+$0x96E0];
	v32 =	vsub.s32 $0x5F3759DF, v32;
	[tilespmem:s31+$0x15E50] =	vst v25;
	(pc) =	sbr.rel @p1 .LBB2_7-.Ltmp4, $4  }
0x257: {  	v25 =	vsub.f32 v30, v41;
	v44 =	vld [tilespmem:s0+$0x190E0];
	v47 =	vmul.f32 v32, v29;
	v30 =	vmul.f32 v39, v28;
	[tilespmem:s31+$0x15E60] =	vst v26  }
0x258: {  	v27 =	vsub.f32 v31, v41;
	v26 =	vsub.f32 v33, v41;
	v45 =	vld [tilespmem:s0+$0x96F0];
	s8 =	ssub.f32 s14, s8;
	[tilespmem:s31+$0x15E70] =	vst v46  }
0x259: {  	v28 =	vsub.f32 v35, v41;
	v46 =	vld [tilespmem:s0+$0x190F0];
	v48 =	vmul.f32 v32, v47;
	v31 =	vmul.f32 v30, v39;
	s14 =	spop (v2sf)  }
0x25a: {  	s3 =	sadd.s32 $0x400, s3;
	v33 =	vadd.f32 v40, v3;
	v30 =	vadd.f32 v42, v4;
	v35 =	vld [tilespmem:s0+$0x9600];
	s10 =	sadd.f32 $9.999999960e-13, s8;
	s8 =	smul.f32 $1.562500000e-02, s14  }
0x25b: {  	v40 =	vld [tilespmem:s0+$0x19000];
	v31 =	vsub.f32 $1.500000000e+00, v31  }
0x25c: {  	v41 =	vld [tilespmem:s0+$0x9610];
	v47 =	vmov s9;
	[tilespmem:s31+$0x15E80] =	vst v33  }
0x25d: {  	v15 =	vsub.f32 v15, v47;
	v49 =	vld [tilespmem:s0+$0x19010];
	[tilespmem:s31+$0x15E90] =	vst v30;
	v42 =	vmul.f32 v31, v39  }
0x25e: {  	v39 =	vld [tilespmem:s0+$0x9620]  }
0x25f: {  	v50 =	vld [tilespmem:s0+$0x19020];
	v15 =	vmul.f32 v42, v15  }
0x260: {  	v51 =	vld [tilespmem:s0+$0x9630]  }
0x261: {  	v52 =	vld [tilespmem:s0+$0x19030];
	v15 =	vmul.f32 v15, v6  }
0x262: {  	v53 =	vld [tilespmem:s0+$0x9640]  }
0x263: {  	v54 =	vld [tilespmem:s0+$0x19040];
	v15 =	vadd.f32 v15, v7  }
0x264: {  	s28 =	spop (v2sf);
	s3 =	smul.f32 s8, s8;
	v55 =	vld [tilespmem:s0+$0x9650]  }
0x265: {  	s9 =	smul.f32 $1.562500000e-02, s28;
	v31 =	vadd.f32 v36, v34;
	v30 =	vadd.f32 v38, v37;
	v36 =	vmov s10;
	v56 =	vld [tilespmem:s0+$0x19050];
	[tilespmem:s2+$0x15EF0] =	vst v15  }
0x266: {  	v48 =	vsub.f32 $1.500000000e+00, v48;
	v33 =	vadd.f32 v46, v45;
	v60 =	vshrl.u32 v36, $0x1;
	v34 =	vld [tilespmem:s0+$0x9660]  }
0x267: {  	s3 =	ssub.f32 s9, s3;
	v62 =	vmul.f32 $5.000000000e-01, v36;
	v37 =	vadd.f32 v30, v31;
	v15 =	vadd.f32 v44, v43;
	v38 =	vld [tilespmem:s0+$0x19060]  }
0x268: {  	v46 =	vmul.f32 v30, v30;
	v44 =	vmul.f32 v31, v31;
	v43 =	vadd.f32 v40, v35;
	v57 =	vld [tilespmem:s0+$0x9670]  }
0x269: {  	s3 =	sadd.f32 $9.999999960e-13, s3;
	v35 =	vmul.f32 v33, v33;
	v59 =	vld [tilespmem:s0+$0x19070];
	v45 =	vadd.f32 v33, v15;
	v58 =	vmul.f32 v15, v15  }
0x26a: {  	v61 =	vld [tilespmem:s0+$0x9680];
	v40 =	vadd.f32 v46, v44;
	v46 =	vadd.f32 v49, v41;
	v41 =	vmul.f32 v43, v43  }
0x26b: {  	v36 =	vld [tilespmem:s0+$0x19080];
	v44 =	vadd.f32 v50, v39;
	v39 =	vmov s3;
	v35 =	vadd.f32 v35, v58  }
0x26c: {  	[tilespmem:$0x1FFC0] =	vst v30;
	v49 =	vld [tilespmem:s0+$0x9690];
	v30 =	vmul.f32 $5.000000000e-01, v39;
	v37 =	vadd.f32 v45, v37;
	v45 =	vadd.f32 v52, v51  }
0x26d: {  	[tilespmem:$0x1FFD0] =	vst v15;
	v15 =	vld [tilespmem:s0+$0x96A0];
	v50 =	vmul.f32 v46, v46;
	v52 =	vadd.f32 v46, v43;
	v35 =	vadd.f32 v35, v40  }
0x26e: {  	v51 =	vld [tilespmem:s0+$0x19090];
	v58 =	vmul.f32 v44, v44;
	v63 =	vadd.f32 v45, v44;
	(xrf2) =	vadd.scan.msk.f32 $0xffff, v37;
	v40 =	vadd.f32 v54, v53  }
0x26f: {  	v37 =	vmul.f32 v45, v45;
	v50 =	vadd.f32 v50, v41;
	v53 =	vld [tilespmem:s0+$0x190A0];
	v41 =	vadd.f32 v56, v55  }
0x270: {  	v54 =	vshrl.u32 v39, $0x1;
	v55 =	vld [tilespmem:s0+$0x96B0];
	v39 =	vadd.f32 v38, v34;
	v38 =	vadd.f32 v59, v57  }
0x271: {  	v56 =	vld [tilespmem:s0+$0x190B0];
	v36 =	vadd.f32 v36, v61;
	(xrf2) =	vadd.scan.msk.f32 $0xffff, v35;
	v35 =	vadd.f32 v63, v52  }
0x272: {  	v52 =	vmul.f32 v40, v40;
	v37 =	vadd.f32 v37, v58;
	v63 =	vmul.f32 v41, v41  }
0x273: {  	v57 =	vsub.s32 $0x5F3759DF, v60;
	v58 =	vadd.f32 v41, v40;
	v60 =	vadd.f32 v38, v39  }
0x274: {  	v59 =	vmul.f32 v39, v39;
	v50 =	vadd.f32 v37, v50;
	v52 =	vadd.f32 v63, v52;
	(xrf2) =	vadd.scan.msk.f32 $0xffff, v35  }
0x275: {  	v61 =	vmul.f32 v38, v38;
	v35 =	vadd.f32 v51, v49;
	v51 =	vadd.f32 v60, v58  }
0x276: {  	v37 =	vadd.f32 v53, v15;
	v34 =	vadd.f32 v56, v55;
	(xrf2) =	vadd.scan.msk.f32 $0xffff, v50  }
0x277: {  	v49 =	vsub.s32 $0x5F3759DF, v54;
	v61 =	vadd.f32 v61, v59;
	v15 =	vmul.f32 v36, v36  }
0x278: {  	v63 =	vadd.f32 v35, v36;
	v54 =	vmul.f32 v35, v35;
	v55 =	vadd.f32 v34, v37;
	v60, _, _ =	vpop (xrf2);
	(xrf2) =	vadd.scan.msk.f32 $0xffff, v51  }
0x279: {  	v52 =	vadd.f32 v61, v52;
	v53 =	vmul.f32 v34, v34;
	v51 =	vmul.f32 v37, v37  }
0x27a: {  	v61 =	vmul.f32 v57, v62;
	v15 =	vadd.f32 v54, v15;
	v50 =	vadd.f32 v55, v63  }
0x27b: {  	(v2sf) =	vpush v60, $0xF;
	v60, _, _ =	vpop (xrf2);
	(xrf2) =	vadd.scan.msk.f32 $0xffff, v52;
	v51 =	vadd.f32 v53, v51  }
0x27c: {  	v32 =	vmul.f32 v32, v48;
	v61 =	vmul.f32 v57, v61;
	(v2sf) =	vpush v60, $0xF;
	(xrf2) =	vadd.scan.msk.f32 $0xffff, v50  }
0x27d: {  	v15 =	vadd.f32 v51, v15  }
0x27e: {  	v29 =	vmul.f32 v32, v29;
	v54 =	vsub.f32 $1.500000000e+00, v61;
	v56, _, _ =	vpop (xrf2)  }
0x27f: {  	v19 =	vadd.f32 v19, v5;
	v63 =	vmul.f32 v49, v30;
	(v2sf) =	vpush v56, $0xF;
	(xrf2) =	vadd.scan.msk.f32 $0xffff, v15  }
0x280: {  	v8 =	vsub.f32 v8, v47;
	v29 =	vmul.f32 v29, v32;
	v15 =	vmul.f32 v57, v54;
	v57, _, _ =	vpop (xrf2)  }
0x281: {  	v10 =	vsub.f32 v10, v47;
	v63 =	vmul.f32 v49, v63;
	(v2sf) =	vpush v57, $0xF  }
0x282: {  	v9 =	vsub.f32 v9, v47;
	v8 =	vmul.f32 v42, v8;
	v29 =	vsub.f32 $1.500000000e+00, v29;
	v59, _, _ =	vpop (xrf2)  }
0x283: {  	v10 =	vmul.f32 v42, v10;
	v55 =	vsub.f32 $1.500000000e+00, v63;
	(v2sf) =	vpush v59, $0xF  }
0x284: {  	v20 =	vadd.f32 v20, v7;
	v9 =	vmul.f32 v42, v9;
	v8 =	vmul.f32 v8, v2  }
0x285: {  	v17 =	vadd.f32 v17, v3;
	v29 =	vmul.f32 v29, v32;
	v48 =	vmul.f32 v49, v55;
	v60, _, _ =	vpop (xrf2)  }
0x286: {  	v10 =	vmul.f32 v10, v0;
	v9 =	vmul.f32 v9, v1;
	(v2sf) =	vpush v60, $0xF;
	v61, _, _ =	vpop (xrf2)  }
0x287: {  	v24 =	vmul.f32 v29, v24;
	v30 =	vmul.f32 v48, v30;
	(v2sf) =	vpush v61, $0xF  }
0x288: {  	v16 =	vadd.f32 v16, v4;
	v23 =	vmul.f32 v29, v23;
	v21 =	vmul.f32 v29, v21  }
0x289: {  	v18 =	vadd.f32 v18, v5;
	v58 =	vmul.f32 v15, v62;
	v30 =	vmul.f32 v30, v48;
	v63, _, _ =	vpop (xrf2)  }
0x28a: {  	v22 =	vmul.f32 v29, v22;
	v62 =	vmov s8;
	s8 =	spop (v2sf);
	(v2sf) =	vpush v63, $0xF  }
0x28b: {  	v24 =	vmul.f32 v24, v2;
	v50 =	vmul.f32 v58, v15;
	v30 =	vsub.f32 $1.500000000e+00, v30;
	s3 =	smul.f32 $1.562500000e-02, s8;
	s9 =	spop (v2sf)  }
0x28c: {  	v8 =	vadd.f32 v8, v3;
	v23 =	vmul.f32 v23, v0;
	v21 =	vmul.f32 v21, v1;
	s8 =	smul.f32 $1.562500000e-02, s9  }
0x28d: {  	v11 =	vsub.f32 v11, v62;
	v50 =	vsub.f32 $1.500000000e+00, v50;
	v30 =	vmul.f32 v30, v48;
	s10 =	smul.f32 s3, s3  }
0x28e: {  	v22 =	vmul.f32 v22, v6;
	v12 =	vsub.f32 v12, v62;
	v13 =	vsub.f32 v13, v62;
	s14 =	spop (v2sf)  }
0x28f: {  	v14 =	vsub.f32 v14, v62;
	v15 =	vmul.f32 v50, v15;
	v11 =	vmul.f32 v30, v11;
	s8 =	ssub.f32 s8, s10;
	s9 =	smul.f32 $1.562500000e-02, s14  }
0x290: {  	v10 =	vadd.f32 v10, v4;
	v12 =	vmul.f32 v30, v12;
	v13 =	vmul.f32 v30, v13;
	s14 =	spop (v2sf)  }
0x291: {  	v24 =	vadd.f32 v24, v3;
	v14 =	vmul.f32 v30, v14;
	v25 =	vmul.f32 v15, v25;
	s8 =	sadd.f32 $9.999999960e-13, s8;
	s10 =	smul.f32 s9, s9  }
0x292: {  	v23 =	vadd.f32 v23, v4;
	v27 =	vmul.f32 v15, v27;
	v26 =	vmul.f32 v15, v26;
	s14 =	smul.f32 $1.562500000e-02, s14;
	s28 =	spop (v2sf)  }
0x293: {  	v15 =	vmul.f32 v15, v28;
	v11 =	vmul.f32 v11, v2;
	v28 =	vmov s8;
	s28 =	smul.f32 $1.562500000e-02, s28  }
0x294: {  	v12 =	vmul.f32 v12, v0;
	s15 =	ssub.f32 s14, s10;
	v30 =	vshrl.u32 v28, $0x1;
	v28 =	vmul.f32 $5.000000000e-01, v28  }
0x295: {  	v13 =	vmul.f32 v13, v1;
	v29 =	vmov s9;
	v30 =	vsub.s32 $0x5F3759DF, v30;
	s10 =	spop (v2sf);
	s9 =	smul.f32 s28, s28  }
0x296: {  	v21 =	vadd.f32 v21, v5;
	v25 =	vmul.f32 v25, v2;
	v50 =	vmul.f32 v30, v28;
	s14 =	spop (v2sf);
	s10 =	smul.f32 $1.562500000e-02, s10  }
0x297: {  	v22 =	vadd.f32 v22, v7;
	v27 =	vmul.f32 v27, v0;
	v26 =	vmul.f32 v26, v1;
	s15 =	sadd.f32 $9.999999960e-13, s15;
	s8 =	smul.f32 $1.562500000e-02, s14  }
0x298: {  	[tilespmem:s31+$0x15EE0] =	vst v18;
	v15 =	vmul.f32 v15, v6;
	v18 =	vmov s3;
	v42 =	vmul.f32 v30, v50;
	s9 =	ssub.f32 s10, s9  }
0x299: {  	v11 =	vadd.f32 v11, v3;
	v12 =	vadd.f32 v12, v4;
	v47 =	vmov s28;
	s14 =	smul.f32 s8, s8;
	s28 =	spop (v2sf)  }
0x29a: {  	v32 =	vsub.f32 v43, v29;
	v51 =	vmov s15;
	v42 =	vsub.f32 $1.500000000e+00, v42;
	s15 =	smul.f32 $1.562500000e-02, s28  }
0x29b: {  	v43 =	vsub.f32 v46, v29;
	v52 =	vshrl.u32 v51, $0x1;
	v46 =	vmul.f32 $5.000000000e-01, v51;
	s9 =	sadd.f32 $9.999999960e-13, s9  }
0x29c: {  	v13 =	vadd.f32 v13, v5;
	v30 =	vmul.f32 v30, v42;
	v42 =	vsub.s32 $0x5F3759DF, v52;
	s28 =	ssub.f32 s15, s14  }
0x29d: {  	v25 =	vadd.f32 v25, v3;
	v44 =	vsub.f32 v44, v29;
	v57 =	vmul.f32 v42, v46  }
0x29e: {  	v29 =	vsub.f32 v45, v29;
	v53 =	vmov s9;
	v28 =	vmul.f32 v30, v28;
	s10 =	sadd.f32 $9.999999960e-13, s28  }
0x29f: {  	[tilespmem:s31+$0x15EA0] =	vst v19;
	v54 =	vshrl.u32 v53, $0x1;
	v45 =	vmul.f32 $5.000000000e-01, v53;
	v60 =	vmul.f32 v42, v57  }
0x2a0: {  	[tilespmem:s31+$0x15EB0] =	vst v20;
	v48 =	vsub.s32 $0x5F3759DF, v54;
	v28 =	vmul.f32 v28, v30;
	v55 =	vmov s10  }
0x2a1: {  	[tilespmem:s31+$0x15EC0] =	vst v17;
	v17 =	vsub.f32 $1.500000000e+00, v60;
	v56 =	vshrl.u32 v55, $0x1;
	v49 =	vmul.f32 $5.000000000e-01, v55  }
0x2a2: {  	[tilespmem:s31+$0x15ED0] =	vst v16;
	v58 =	vmul.f32 v48, v45;
	v16 =	vsub.f32 $1.500000000e+00, v28;
	v50 =	vsub.s32 $0x5F3759DF, v56  }
0x2a3: {  	[tilespmem:s2+$0x15E00] =	vst v24;
	v27 =	vadd.f32 v27, v4;
	v17 =	vmul.f32 v42, v17;
	v59 =	vmul.f32 v50, v49  }
0x2a4: {  	[tilespmem:s2+$0x15E10] =	vst v23;
	v26 =	vadd.f32 v26, v5;
	v61 =	vmul.f32 v48, v58;
	v16 =	vmul.f32 v16, v30  }
0x2a5: {  	[tilespmem:s2+$0x15E20] =	vst v21;
	v24 =	vsub.f32 v33, v18;
	v30 =	vmul.f32 v17, v46;
	v62 =	vmul.f32 v50, v59  }
0x2a6: {  	[tilespmem:s2+$0x15E30] =	vst v22;
	v14 =	vmul.f32 v14, v6;
	v15 =	vadd.f32 v15, v7;
	v63 =	vsub.f32 $1.500000000e+00, v61  }
0x2a7: {  	[tilespmem:s2+$0x15E80] =	vst v11;
	v24 =	vmul.f32 v16, v24;
	v22 =	vmul.f32 v30, v17;
	v28 =	vsub.f32 $1.500000000e+00, v62  }
0x2a8: {  	[tilespmem:s2+$0x15E90] =	vst v12;
	v19 =	vsub.f32 v40, v47;
	v20 =	vsub.f32 v41, v47;
	v40 =	vmul.f32 v48, v63  }
0x2a9: {  	[tilespmem:s2+$0x15E40] =	vst v25;
	v24 =	vmul.f32 v24, v6;
	v22 =	vsub.f32 $1.500000000e+00, v22;
	v28 =	vmul.f32 v50, v28  }
0x2aa: {  	[tilespmem:s2+$0x15E50] =	vst v27;
	v23 =	vsub.f32 v39, v47;
	v21 =	vsub.f32 v38, v47;
	v46 =	vmul.f32 v40, v45  }
0x2ab: {  	[tilespmem:s2+$0x15E70] =	vst v15;
	v24 =	vadd.f32 v24, v7;
	v15 =	vmul.f32 v22, v17;
	v47 =	vmul.f32 v28, v49  }
0x2ac: {  	v14 =	vadd.f32 v14, v7;
	[tilespmem:s2+$0x15E60] =	vst v26;
	v26 =	vmov s8;
	v30 =	vmul.f32 v46, v40  }
0x2ad: {  	v22 =	vsub.f32 v36, v26;
	[tilespmem:s0+$0x15EF0] =	vst v24;
	v12 =	vmul.f32 v15, v32;
	v25 =	vmul.f32 v47, v28  }
0x2ae: {  	v27 =	vsub.f32 $1.500000000e+00, v30;
	v24 =	vmul.f32 v15, v43;
	v30 =	vmul.f32 v15, v44;
	[tilespmem:s2+$0x15EA0] =	vst v13  }
0x2af: {  	v13 =	vmul.f32 v15, v29;
	[tilespmem:s2+$0x15EC0] =	vst v8;
	v8 =	vadd.f32 v9, v5;
	v25 =	vsub.f32 $1.500000000e+00, v25  }
0x2b0: {  	v9 =	vld [tilespmem:$0x1FFD0];
	v17 =	vmul.f32 v27, v40;
	v27 =	vsub.f32 v37, v26;
	v12 =	vmul.f32 v12, v2  }
0x2b1: {  	[tilespmem:s2+$0x15EB0] =	vst v14;
	v15 =	vmul.f32 v24, v0;
	v11 =	vmul.f32 v25, v28;
	v28 =	vsub.f32 v31, v18;
	v31 =	vld [tilespmem:$0x1FFC0]  }
0x2b2: {  	[tilespmem:s2+$0x15ED0] =	vst v10;
	v13 =	vmul.f32 v13, v6;
	v14 =	vmul.f32 v17, v19;
	v10 =	vadd.f32 v12, v3  }
0x2b3: {  	[tilespmem:s2+$0x15EE0] =	vst v8;
	v12 =	vmul.f32 v17, v20;
	v8 =	vadd.f32 v15, v4;
	v15 =	vmul.f32 v17, v23  }
0x2b4: {  	v17 =	vmul.f32 v17, v21;
	v25 =	vsub.f32 v35, v26;
	v26 =	vsub.f32 v34, v26  }
0x2b5: {  	v9 =	vsub.f32 v9, v18;
	v12 =	vmul.f32 v12, v0;
	[tilespmem:s0+$0x15E10] =	vst v8;
	v8 =	vadd.f32 v13, v7  }
0x2b6: {  	v14 =	vmul.f32 v14, v2;
	v31 =	vsub.f32 v31, v18;
	v18 =	vmul.f32 v30, v1  }
0x2b7: {  	v15 =	vmul.f32 v15, v1;
	v13 =	vmul.f32 v11, v22;
	[tilespmem:s0+$0x15E30] =	vst v8;
	v8 =	vadd.f32 v12, v4  }
0x2b8: {  	[tilespmem:s0+$0x15E00] =	vst v10;
	v17 =	vmul.f32 v17, v6;
	v12 =	vmul.f32 v11, v27;
	v10 =	vadd.f32 v18, v5  }
0x2b9: {  	v9 =	vmul.f32 v16, v9;
	v15 =	vadd.f32 v15, v5;
	v13 =	vmul.f32 v13, v2;
	[tilespmem:s0+$0x15E50] =	vst v8  }
0x2ba: {  	v12 =	vmul.f32 v12, v1;
	[tilespmem:s0+$0x15E20] =	vst v10;
	v10 =	vadd.f32 v14, v3;
	v14 =	vmul.f32 v11, v25  }
0x2bb: {  	v8 =	vadd.f32 v17, v7;
	[tilespmem:s0+$0x15E60] =	vst v15;
	v1 =	vmul.f32 v9, v1;
	v15 =	vmul.f32 v16, v31  }
0x2bc: {  	v13 =	vadd.f32 v13, v3;
	[tilespmem:s0+$0x15E40] =	vst v10;
	v10 =	vmul.f32 v11, v26;
	v11 =	vmul.f32 v14, v0  }
0x2bd: {  	[tilespmem:s0+$0x15E70] =	vst v8;
	v1 =	vadd.f32 v1, v5  }
0x2be: {  	[tilespmem:s0+$0x15E80] =	vst v13;
	v14 =	vmul.f32 v16, v28;
	v0 =	vmul.f32 v15, v0;
	v8 =	vadd.f32 v11, v4  }
0x2bf: {  	[tilespmem:s0+$0x15EE0] =	vst v1;
	v6 =	vmul.f32 v10, v6;
	v10 =	vadd.f32 v12, v5  }
0x2c0: {  	v2 =	vmul.f32 v14, v2;
	v0 =	vadd.f32 v0, v4;
	[tilespmem:s0+$0x15E90] =	vst v8  }
0x2c1: {  	s14 =	sadd.s32 s30, s11;
	v6 =	vadd.f32 v6, v7;
	[tilespmem:s0+$0x15EA0] =	vst v10  }
0x2c2: {  	s2 =	sshll.u32 s14, $0x3;
	v2 =	vadd.f32 v2, v3;
	[tilespmem:s0+$0x15ED0] =	vst v0  }
0x2c3: {  	s2 =	sand.u32 $0x1FFFFF40, s2;
	[tilespmem:s0+$0x15EB0] =	vst v6  }
0x2c4: {  	s15 =	sadd.s32 s4, s2;
	[tilespmem:s0+$0x15EC0] =	vst v2  }
0x2c5: {  	[hbm4b:s15+s5] =	stream.linear.scatter [tilespmem:s21], [sflag:$0x6], $0x3200, $0x38;
	[tilespmem:$0x1C2C0] =	vst v63  }
0x2c6: {  	s3 =	simm.s32 @!p0 $0x9600;
	s2 =	simm.s32 @!p0 $0x68;
	s0 =	sadd.s32 @!p0 $0x3E8, s30  }
0x2c7: {  	[tilespmem:s3], [sflag:$0x2] =	stream.indirect.gather @!p0 [hbm4b:s7+s2], $0x40, s0, s2, $0xb8;
	[tilespmem:$0x1C2C0] =	vst v63  }
0x2c8: {  	s0 =	sadd.s32 @!p0 $0x450, s30;
	s2 =	simm.s32 @!p0 $0x60;
	s3 =	simm.s32 @!p0 $0xB000  }
0x2c9: {  	[tilespmem:s3], [sflag:$0x2] =	stream.indirect.gather @!p0 [hbm4b:s7+s2], $0x40, s0, s2, $0xb8;
	[tilespmem:$0x1C2C0] =	vst v63  }
0x2ca: {  	_ =	swait.ge [sflag:s23], $0x1A00  }
0x2cb: {  	[sflag:s23] =	ssyncset.done $0x0  }
0x2cc: {  	[sflag:s23] =	ssyncadd.s32 $0xFFFFE600  }
0x2cd: {  	_ =	swait.ge [sflag:s23], $0x1800  }
0x2ce: {  	[sflag:s23] =	ssyncset.done $0x0  }
0x2cf: {  	[sflag:s23] =	ssyncadd.s32 $0xFFFFE800  }
0x2d0: {  	_ =	swait.ge [sflag:s24], $0x3200  }
0x2d1: {  	[sflag:s24] =	ssyncset.done $0x0  }
0x2d2: {  	s31 =	simm.s32 $0x0;
	[sflag:s24] =	ssyncadd.s32 $0xFFFFCE00  }
0x2d3: {  	v0 =	vld [tilespmem:s31+$0xC8C0]  }
0x2d4: {  	v1 =	vld [tilespmem:s31+$0x190C0]  }
0x2d5: {  	v2 =	vld [tilespmem:s31+$0xC8D0]  }
0x2d6: {  	v3 =	vld [tilespmem:s31+$0x190D0]  }
0x2d7: {  	v4 =	vld [tilespmem:s31+$0xC8E0]  }
0x2d8: {  	v5 =	vld [tilespmem:s31+$0x190E0]  }
0x2d9: {  	v6 =	vld [tilespmem:s31+$0xC8F0]  }
0x2da: {  	v7 =	vld [tilespmem:s31+$0x190F0];
	_ =	sdelay $0x1  }
0x2db: {  	v8 =	vld [tilespmem:s31+$0xC800]  }
0x2dc: {  	v10 =	vld [tilespmem:s31+$0x19000]  }
0x2dd: {  	v11 =	vld [tilespmem:s31+$0xC810];
	v18 =	vadd.f32 v1, v0;
	v17 =	vadd.f32 v3, v2  }
0x2de: {  	v12 =	vld [tilespmem:s31+$0xC830];
	v16 =	vadd.f32 v5, v4;
	v9 =	vadd.f32 v7, v6  }
0x2df: {  	v14 =	vld [tilespmem:s31+$0x19030];
	v2 =	vmul.f32 v18, v18;
	v3 =	vmul.f32 v17, v17  }
0x2e0: {  	v0 =	vld [tilespmem:s31+$0x19010];
	v5 =	vmul.f32 v16, v16;
	v6 =	vmul.f32 v9, v9  }
0x2e1: {  	v1 =	vld [tilespmem:s31+$0xC820];
	v7 =	vadd.f32 v17, v18;
	v13 =	vadd.f32 v9, v16  }
0x2e2: {  	v4 =	vld [tilespmem:s31+$0x19020];
	v2 =	vadd.f32 v3, v2;
	v3 =	vadd.f32 v6, v5  }
0x2e3: {  	v19 =	vld [tilespmem:s31+$0x19070];
	v6 =	vadd.f32 v13, v7  }
0x2e4: {  	v5 =	vld [tilespmem:s31+$0xC840];
	v2 =	vadd.f32 v3, v2  }
0x2e5: {  	v7 =	vld [tilespmem:s31+$0x19040];
	(xrf2) =	vadd.scan.msk.f32 $0xffff, v6  }
0x2e6: {  	v8 =	vadd.f32 v10, v8;
	v10 =	vadd.f32 v0, v11;
	v0 =	vld [tilespmem:s31+$0xC860];
	(xrf2) =	vadd.scan.msk.f32 $0xffff, v2  }
0x2e7: {  	v12 =	vadd.f32 v14, v12;
	v11 =	vadd.f32 v4, v1;
	v1 =	vld [tilespmem:s31+$0x19060]  }
0x2e8: {  	v4 =	vld [tilespmem:s31+$0xC870]  }
0x2e9: {  	v3 =	vld [tilespmem:s31+$0xC850];
	v13 =	vadd.f32 v10, v8;
	v15 =	vadd.f32 v12, v11  }
0x2ea: {  	v21 =	vmul.f32 v12, v12;
	v6 =	vld [tilespmem:s31+$0x19050];
	v14 =	vmul.f32 v10, v10  }
0x2eb: {  	v22 =	vld [tilespmem:s31+$0xC880];
	v20 =	vmul.f32 v11, v11;
	v2 =	vmul.f32 v8, v8;
	v13 =	vadd.f32 v15, v13  }
0x2ec: {  	v15 =	vld [tilespmem:s31+$0x19080];
	v23 =	vadd.f32 v7, v5  }
0x2ed: {  	v5 =	vld [tilespmem:s31+$0x190A0];
	v2 =	vadd.f32 v14, v2;
	v14 =	vadd.f32 v21, v20;
	(xrf2) =	vadd.scan.msk.f32 $0xffff, v13  }
0x2ee: {  	v20 =	vld [tilespmem:s31+$0xC890];
	v26 =	vadd.f32 v1, v0;
	v27 =	vadd.f32 v19, v4  }
0x2ef: {  	v0 =	vld [tilespmem:s31+$0x190B0];
	v25 =	vadd.f32 v6, v3;
	v2 =	vadd.f32 v14, v2;
	v21, _, _ =	vpop (xrf2)  }
0x2f0: {  	v13 =	vld [tilespmem:s31+$0x19090];
	v6 =	vadd.f32 v27, v26;
	(v2sf) =	vpush v21, $0xF;
	v7, _, _ =	vpop (xrf2)  }
0x2f1: {  	v14 =	vld [tilespmem:s31+$0xC8A0];
	v4 =	vadd.f32 v25, v23;
	(xrf2) =	vadd.scan.msk.f32 $0xffff, v2;
	(v2sf) =	vpush v7, $0xF  }
0x2f2: {  	v2 =	vld [tilespmem:s31+$0xC8B0]  }
0x2f3: {  	v4 =	vadd.f32 v6, v4  }
0x2f4: {  	v1 =	vmul.f32 v23, v23;
	v3 =	vmul.f32 v25, v25  }
0x2f5: {  	v22 =	vadd.f32 v15, v22;
	v19 =	vadd.f32 v13, v20  }
0x2f6: {  	v1 =	vadd.f32 v3, v1;
	v3 =	vmul.f32 v26, v26;
	v7 =	vmul.f32 v27, v27  }
0x2f7: {  	v20 =	vadd.f32 v5, v14;
	v5 =	vmul.f32 v19, v19;
	(xrf2) =	vadd.scan.msk.f32 $0xffff, v4;
	v4, _, _ =	vpop (xrf2);
	v21 =	vadd.f32 v0, v2  }
0x2f8: {  	(v2sf) =	vpush v4, $0xF;
	v2 =	vadd.f32 v7, v3  }
0x2f9: {  	v0 =	vmul.f32 v22, v22;
	v3 =	vadd.f32 v19, v22;
	v4 =	vadd.f32 v21, v20  }
0x2fa: {  	v1 =	vadd.f32 v2, v1;
	v2 =	vmul.f32 v20, v20;
	v6 =	vmul.f32 v21, v21  }
0x2fb: {  	v0 =	vadd.f32 v5, v0;
	v3 =	vadd.f32 v4, v3;
	v5, _, _ =	vpop (xrf2)  }
0x2fc: {  	(xrf2) =	vadd.scan.msk.f32 $0xffff, v1;
	v1 =	vadd.f32 v6, v2;
	(v2sf) =	vpush v5, $0xF  }
0x2fd: {  	(xrf2) =	vadd.scan.msk.f32 $0xffff, v3  }
0x2fe: {  	v0 =	vadd.f32 v1, v0  }
0x2ff: {  	s28 =	spop (v2sf)  }
0x300: {  	(xrf2) =	vadd.scan.msk.f32 $0xffff, v0;
	s3 =	smul.f32 $1.562500000e-02, s28;
	s2 =	spop (v2sf)  }
0x301: {  	s0 =	smul.f32 $1.562500000e-02, s2  }
0x302: {  	v0, _, _ =	vpop (xrf2);
	s8 =	smul.f32 s3, s3  }
0x303: {  	(v2sf) =	vpush v0, $0xF  }
0x304: {  	s0 =	ssub.f32 s0, s8;
	_ =	sdelay $0x1  }
0x305: {  	v2 =	vld [tilespmem:$0x1C200];
	v3, _, _ =	vpop (xrf2);
	s0 =	sadd.f32 $9.999999960e-13, s0  }
0x306: {  	v6 =	vld [tilespmem:$0x1C230];
	(v2sf) =	vpush v3, $0xF;
	v3, _, _ =	vpop (xrf2)  }
0x307: {  	v1 =	vld [tilespmem:$0x1C220];
	s9 =	spop (v2sf);
	(v2sf) =	vpush v3, $0xF;
	v4 =	vmov s0  }
0x308: {  	v0 =	vld [tilespmem:$0x1C210];
	s2 =	simm.s32 $0x100;
	s10 =	smul.f32 $1.562500000e-02, s9;
	v5 =	vshrl.u32 v4, $0x1;
	v13 =	vmul.f32 $5.000000000e-01, v4  }
0x309: {  	v28 =	vld [tilespmem:s2+$0xC8C0];
	v7, _, _ =	vpop (xrf2);
	v14 =	vsub.s32 $0x5F3759DF, v5  }
0x30a: {  	v30 =	vld [tilespmem:s2+$0x190C0];
	s14 =	smul.f32 s10, s10;
	s15 =	spop (v2sf);
	(v2sf) =	vpush v7, $0xF;
	v15 =	vmul.f32 v14, v13  }
0x30b: {  	v31 =	vld [tilespmem:s2+$0xC8D0];
	s28 =	smul.f32 $1.562500000e-02, s15  }
0x30c: {  	v48 =	vld [tilespmem:s2+$0x190D0];
	v15 =	vmul.f32 v14, v15  }
0x30d: {  	v50 =	vld [tilespmem:s2+$0x190E0];
	s8 =	ssub.f32 s28, s14  }
0x30e: {  	v52 =	vld [tilespmem:s2+$0xC800];
	v15 =	vsub.f32 $1.500000000e+00, v15  }
0x30f: {  	v33 =	vld [tilespmem:s2+$0xC810];
	v49 =	vmov s10;
	s8 =	sadd.f32 $9.999999960e-13, s8  }
0x310: {  	v36 =	vmov s3;
	v54 =	vld [tilespmem:s2+$0x19030];
	v29 =	vsub.f32 v8, v49;
	v14 =	vmul.f32 v14, v15  }
0x311: {  	v61 =	vld [tilespmem:s2+$0xC840];
	v24 =	vsub.f32 v10, v49;
	v34 =	vsub.f32 v12, v49;
	s10 =	spop (v2sf);
	v8 =	vmov s8  }
0x312: {  	v12 =	vld [tilespmem:s2+$0x190F0];
	s0 =	smul.f32 $1.562500000e-02, s10;
	v10 =	vshrl.u32 v8, $0x1;
	v42 =	vmul.f32 $5.000000000e-01, v8;
	v8 =	vmul.f32 v14, v13  }
0x313: {  	v18 =	vsub.f32 v18, v36;
	v35 =	vsub.f32 v11, v49;
	v15 =	vld [tilespmem:s2+$0xC8E0]  }
0x314: {  	v13 =	vld [tilespmem:s2+$0xC8F0];
	v11 =	vsub.s32 $0x5F3759DF, v10;
	v10 =	vmov s0;
	v8 =	vmul.f32 v8, v14  }
0x315: {  	v56 =	vld [tilespmem:s2+$0x19040];
	s14 =	smul.f32 s0, s0;
	s15 =	spop (v2sf);
	v51 =	vmul.f32 v11, v42;
	v40 =	vsub.f32 v23, v10;
	v37 =	vsub.f32 v25, v10  }
0x316: {  	v23 =	vld [tilespmem:s2+$0x19000];
	s28 =	smul.f32 $1.562500000e-02, s15;
	v38 =	vsub.f32 v26, v10;
	s10 =	spop (v2sf);
	v26 =	vsub.f32 $1.500000000e+00, v8  }
0x317: {  	v7 =	vld [tilespmem:$0x1C270];
	v39 =	vsub.f32 v27, v10;
	v10 =	vadd.f32 v48, v31;
	v25 =	vmul.f32 v11, v51;
	s0 =	smul.f32 $1.562500000e-02, s10  }
0x318: {  	v27 =	vld [tilespmem:s2+$0x19010];
	v8 =	vadd.f32 v30, v28;
	s14 =	ssub.f32 s28, s14;
	v32 =	vmul.f32 v26, v14;
	v14 =	vsub.f32 v9, v36  }
0x319: {  	v28 =	vld [tilespmem:s2+$0xC830];
	v53 =	vmul.f32 v10, v10;
	s15 =	smul.f32 s0, s0;
	v9 =	vadd.f32 v50, v15;
	v15 =	vadd.f32 v12, v13;
	s28 =	spop (v2sf)  }
0x31a: {  	v26 =	vld [tilespmem:s2+$0xC820];
	s3 =	sadd.f32 $9.999999960e-13, s14;
	v13 =	vsub.f32 $1.500000000e+00, v25;
	v25 =	vadd.f32 v10, v8;
	s9 =	smul.f32 $1.562500000e-02, s28;
	v14 =	vmul.f32 v32, v14  }
0x31b: {  	v12 =	vld [tilespmem:s2+$0x19020];
	v30 =	vmul.f32 v8, v8;
	v23 =	vadd.f32 v23, v52;
	v31 =	vadd.f32 v15, v9  }
0x31c: {  	v60 =	vld [tilespmem:s2+$0xC850];
	v57 =	vmov s3;
	v58 =	vmul.f32 v9, v9;
	s8 =	ssub.f32 s9, s15;
	v14 =	vmul.f32 v14, v6  }
0x31d: {  	v63 =	vld [tilespmem:s2+$0x19050];
	v55 =	vmul.f32 v15, v15;
	v41 =	vadd.f32 v53, v30;
	v30 =	vadd.f32 v27, v33  }
0x31e: {  	v3 =	vld [tilespmem:$0x1C240];
	v59 =	vshrl.u32 v57, $0x1;
	v25 =	vadd.f32 v31, v25;
	s3 =	sadd.f32 $9.999999960e-13, s8;
	v14 =	vadd.f32 v14, v7  }
0x31f: {  	v4 =	vld [tilespmem:$0x1C250];
	v45 =	vmul.f32 $5.000000000e-01, v57;
	v27 =	vadd.f32 v54, v28;
	v43 =	vadd.f32 v55, v58  }
0x320: {  	v5 =	vld [tilespmem:$0x1C260];
	v31 =	vadd.f32 v12, v26;
	(xrf2) =	vadd.scan.msk.f32 $0xffff, v25;
	v12 =	vmov s3;
	[tilespmem:s31+$0x12CF0] =	vst v14  }
0x321: {  	v14 =	vadd.f32 v43, v41;
	v26 =	vshrl.u32 v12, $0x1;
	v41 =	vmul.f32 $5.000000000e-01, v12;
	v12 =	vld [tilespmem:s2+$0xC860]  }
0x322: {  	v62 =	vmul.f32 v23, v23;
	v28 =	vadd.f32 v30, v23;
	v33 =	vmul.f32 v30, v30;
	v43 =	vld [tilespmem:s2+$0x19060]  }
0x323: {  	v58 =	vmul.f32 v27, v27;
	v25 =	vadd.f32 v56, v61;
	v57 =	vmul.f32 v31, v31;
	v52 =	vld [tilespmem:s2+$0xC870];
	(xrf2) =	vadd.scan.msk.f32 $0xffff, v14  }
0x324: {  	v33 =	vadd.f32 v33, v62;
	v47 =	vld [tilespmem:s2+$0x19070];
	v49 =	vsub.s32 $0x5F3759DF, v26;
	v26 =	vadd.f32 v27, v31  }
0x325: {  	v56 =	vmul.f32 v11, v13;
	v54 =	vld [tilespmem:s2+$0xC880];
	v44 =	vadd.f32 v58, v57;
	v14 =	vsub.s32 $0x5F3759DF, v59  }
0x326: {  	v53 =	vld [tilespmem:s2+$0xC890];
	v59 =	vmul.f32 v14, v45;
	v61 =	vmul.f32 v49, v41;
	v62 =	vadd.f32 v26, v28  }
0x327: {  	v42 =	vmul.f32 v56, v42;
	v13 =	vld [tilespmem:s2+$0xC8A0];
	v26 =	vadd.f32 v63, v60;
	v63 =	vmul.f32 v25, v25  }
0x328: {  	v44 =	vadd.f32 v44, v33;
	v60 =	vld [tilespmem:s2+$0x19080];
	v48 =	vmul.f32 v14, v59;
	v51 =	vmul.f32 v49, v61;
	(xrf2) =	vadd.scan.msk.f32 $0xffff, v62  }
0x329: {  	v61 =	vld [tilespmem:s2+$0x19090];
	v28 =	vadd.f32 v43, v12;
	v43 =	vadd.f32 v26, v25;
	v12 =	vmul.f32 v26, v26  }
0x32a: {  	v59 =	vld [tilespmem:s2+$0x190B0];
	v33 =	vadd.f32 v47, v52;
	v11 =	vsub.f32 $1.500000000e+00, v48;
	v62, _, _ =	vpop (xrf2)  }
0x32b: {  	v42 =	vmul.f32 v42, v56;
	v48 =	vld [tilespmem:s2+$0x190A0];
	(xrf2) =	vadd.scan.msk.f32 $0xffff, v44;
	v46 =	vadd.f32 v12, v63;
	(v2sf) =	vpush v62, $0xF  }
0x32c: {  	v47 =	vmul.f32 v28, v28;
	v52 =	vadd.f32 v33, v28;
	v44 =	vmul.f32 v14, v11;
	v14 =	vld [tilespmem:s2+$0xC8B0]  }
0x32d: {  	v12 =	vsub.f32 $1.500000000e+00, v51;
	v63 =	vmul.f32 v33, v33;
	v11 =	vadd.f32 v60, v54;
	v60, _, _ =	vpop (xrf2)  }
0x32e: {  	v43 =	vadd.f32 v52, v43;
	(v2sf) =	vpush v60, $0xF  }
0x32f: {  	v18 =	vmul.f32 v32, v18;
	v42 =	vsub.f32 $1.500000000e+00, v42;
	v47 =	vadd.f32 v63, v47  }
0x330: {  	v49 =	vmul.f32 v49, v12;
	v12 =	vadd.f32 v61, v53;
	v13 =	vadd.f32 v48, v13;
	(xrf2) =	vadd.scan.msk.f32 $0xffff, v43  }
0x331: {  	v61 =	vmul.f32 v11, v11;
	v54 =	vadd.f32 v47, v46;
	v14 =	vadd.f32 v59, v14  }
0x332: {  	v42 =	vmul.f32 v42, v56;
	v45 =	vmul.f32 v44, v45;
	v62 =	vadd.f32 v12, v11;
	v58, _, _ =	vpop (xrf2)  }
0x333: {  	v63 =	vmul.f32 v12, v12;
	(xrf2) =	vadd.scan.msk.f32 $0xffff, v54;
	v59 =	vadd.f32 v14, v13;
	(v2sf) =	vpush v58, $0xF  }
0x334: {  	v57 =	vmul.f32 v13, v13;
	v60 =	vmul.f32 v14, v14  }
0x335: {  	v41 =	vmul.f32 v49, v41;
	v55 =	vadd.f32 v63, v61;
	v61, _, _ =	vpop (xrf2);
	v48 =	vadd.f32 v59, v62  }
0x336: {  	v45 =	vmul.f32 v45, v44;
	v43 =	vadd.f32 v60, v57;
	(v2sf) =	vpush v61, $0xF  }
0x337: {  	v29 =	vmul.f32 v42, v29;
	v41 =	vmul.f32 v41, v49;
	(xrf2) =	vadd.scan.msk.f32 $0xffff, v48  }
0x338: {  	v24 =	vmul.f32 v42, v24;
	v45 =	vsub.f32 $1.500000000e+00, v45;
	v43 =	vadd.f32 v43, v55  }
0x339: {  	v35 =	vmul.f32 v42, v35;
	v34 =	vmul.f32 v42, v34;
	v41 =	vsub.f32 $1.500000000e+00, v41  }
0x33a: {  	v16 =	vsub.f32 v16, v36;
	v29 =	vmul.f32 v29, v2;
	v44 =	vmul.f32 v45, v44;
	v63, _, _ =	vpop (xrf2);
	(xrf2) =	vadd.scan.msk.f32 $0xffff, v43;
	s9 =	spop (v2sf)  }
0x33b: {  	v62 =	vmov s0;
	v41 =	vmul.f32 v41, v49;
	(v2sf) =	vpush v63, $0xF;
	s9 =	smul.f32 $1.562500000e-02, s9  }
0x33c: {  	v49 =	vmul.f32 v32, v16;
	v22 =	vsub.f32 v22, v62;
	v19 =	vsub.f32 v19, v62  }
0x33d: {  	v20 =	vsub.f32 v20, v62;
	v21 =	vsub.f32 v21, v62;
	v40 =	vmul.f32 v44, v40;
	v48, _, _ =	vpop (xrf2);
	s14 =	smul.f32 s9, s9;
	s10 =	spop (v2sf)  }
0x33e: {  	v37 =	vmul.f32 v44, v37;
	v22 =	vmul.f32 v41, v22;
	(v2sf) =	vpush v48, $0xF;
	s0 =	smul.f32 $1.562500000e-02, s10  }
0x33f: {  	v17 =	vsub.f32 v17, v36;
	v19 =	vmul.f32 v41, v19;
	v20 =	vmul.f32 v41, v20  }
0x340: {  	v41 =	vmul.f32 v41, v21;
	v21 =	vmul.f32 v24, v0;
	s3 =	ssub.f32 s0, s14  }
0x341: {  	v24 =	vadd.f32 v29, v3;
	v29 =	vmul.f32 v32, v17;
	v17 =	vmul.f32 v35, v1;
	v16, _, _ =	vpop (xrf2)  }
0x342: {  	v38 =	vmul.f32 v44, v38;
	v39 =	vmul.f32 v44, v39;
	s15 =	spop (v2sf);
	(v2sf) =	vpush v16, $0xF;
	s3 =	sadd.f32 $9.999999960e-13, s3  }
0x343: {  	v50 =	vmul.f32 v40, v2;
	v51 =	vmul.f32 v37, v0;
	v17 =	vadd.f32 v17, v5;
	s8 =	smul.f32 $1.562500000e-02, s15  }
0x344: {  	[tilespmem:s31+$0x12C00] =	vst v24;
	v16 =	vadd.f32 v21, v4;
	v21 =	vmul.f32 v34, v6;
	v54, _, _ =	vpop (xrf2);
	v24 =	vmov s3  }
0x345: {  	s0 =	simm.s32 $0x200;
	s14 =	spop (v2sf);
	(v2sf) =	vpush v54, $0xF;
	s28 =	smul.f32 s8, s8;
	v55 =	vshrl.u32 v24, $0x1;
	v56 =	vmul.f32 $5.000000000e-01, v24  }
0x346: {  	v52 =	vmul.f32 v38, v1;
	v53 =	vmul.f32 v39, v6;
	v34 =	vld [tilespmem:s0+$0xC8C0];
	[tilespmem:s31+$0x12C10] =	vst v16;
	s3 =	smul.f32 $1.562500000e-02, s14;
	v58 =	vsub.s32 $0x5F3759DF, v55  }
0x347: {  	v57 =	vmul.f32 v22, v2;
	v21 =	vadd.f32 v21, v7;
	v36 =	vld [tilespmem:s0+$0x190C0];
	[tilespmem:s31+$0x12C20] =	vst v17;
	v17 =	vmul.f32 v58, v56  }
0x348: {  	v22 =	vadd.f32 v50, v3;
	v59 =	vadd.f32 v51, v4;
	v16 =	vmov s8;
	s3 =	ssub.f32 s3, s28  }
0x349: {  	v61 =	vadd.f32 v53, v7;
	v37 =	vld [tilespmem:s0+$0xC8D0];
	[tilespmem:s31+$0x12C30] =	vst v21;
	v21 =	vsub.f32 v31, v16;
	v31 =	vmul.f32 v58, v17  }
0x34a: {  	v24 =	vsub.f32 v23, v16;
	v23 =	vsub.f32 v30, v16;
	v30 =	vmul.f32 v19, v0;
	s15 =	spop (v2sf);
	s3 =	sadd.f32 $9.999999960e-13, s3  }
0x34b: {  	v38 =	vld [tilespmem:s0+$0x190D0];
	[tilespmem:s31+$0x12C40] =	vst v22;
	v22 =	vsub.f32 v27, v16;
	s8 =	smul.f32 $1.562500000e-02, s15;
	v17 =	vmul.f32 v18, v2;
	v18 =	vsub.f32 $1.500000000e+00, v31  }
0x34c: {  	v16 =	vmul.f32 v29, v0;
	v27 =	vmov s3;
	v31 =	vadd.f32 v52, v5  }
0x34d: {  	v43 =	vld [tilespmem:s0+$0xC8E0];
	[tilespmem:s31+$0x12C50] =	vst v59;
	s28 =	smul.f32 s8, s8;
	v60 =	vshrl.u32 v27, $0x1;
	v29 =	vmul.f32 $5.000000000e-01, v27;
	s14 =	spop (v2sf);
	v39 =	vmul.f32 v58, v18  }
0x34e: {  	v19 =	vmul.f32 v20, v1;
	v44 =	vld [tilespmem:s0+$0x190E0];
	v32 =	vsub.s32 $0x5F3759DF, v60;
	s10 =	smul.f32 $1.562500000e-02, s14;
	[tilespmem:s31+$0x12C60] =	vst v31;
	v31 =	vmov s8  }
0x34f: {  	v62 =	vmul.f32 v32, v29;
	v25 =	vsub.f32 v25, v31;
	v63 =	vmul.f32 v39, v56  }
0x350: {  	v20 =	vmul.f32 v41, v6;
	v45 =	vld [tilespmem:s0+$0xC8F0];
	v27 =	vsub.f32 v26, v31;
	[tilespmem:s31+$0x12C70] =	vst v61;
	v26 =	vsub.f32 v28, v31;
	s15 =	ssub.f32 s10, s28  }
0x351: {  	v28 =	vsub.f32 v33, v31;
	v46 =	vld [tilespmem:s0+$0x190F0];
	v48 =	vmul.f32 v32, v62;
	s28 =	spop (v2sf);
	v31 =	vmul.f32 v63, v39  }
0x352: {  	v30 =	vadd.f32 v30, v4;
	s3 =	simm.s32 $0xC00;
	v18 =	vmul.f32 v49, v1;
	v33 =	vadd.f32 v57, v3;
	v35 =	vld [tilespmem:s0+$0xC800];
	s10 =	sadd.f32 $9.999999960e-13, s15;
	s8 =	smul.f32 $1.562500000e-02, s28  }
.LBB2_9:
0x353: {  	p1 =	sne.s32 s3, $0xC400;
	v47 =	vld [tilespmem:s0+$0x19000];
	v48 =	vsub.f32 $1.500000000e+00, v48;
	v31 =	vsub.f32 $1.500000000e+00, v31  }
0x354: {  	v42 =	vadd.f32 v36, v34;
	v41 =	vmov s9;
	v49 =	vld [tilespmem:s0+$0xC810];
	v36 =	vmov s10;
	s10 =	smul.f32 s8, s8;
	s9 =	spop (v2sf);
	[tilespmem:s31+$0x12C80] =	vst v33  }
0x355: {  	v40 =	vadd.f32 v38, v37;
	v33 =	vld [tilespmem:s0+$0x19010];
	s9 =	smul.f32 $1.562500000e-02, s9;
	v39 =	vmul.f32 v31, v39;
	v31 =	vsub.f32 v15, v41;
	[tilespmem:s31+$0x12C90] =	vst v30  }
0x356: {  	v43 =	vadd.f32 v44, v43;
	v44 =	vshrl.u32 v36, $0x1;
	v30 =	vld [tilespmem:s0+$0xC820];
	v15 =	vadd.f32 v46, v45  }
0x357: {  	v37 =	vadd.f32 v40, v42;
	v45 =	vmul.f32 v42, v42;
	v38 =	vld [tilespmem:s0+$0x19020];
	s9 =	ssub.f32 s9, s10;
	v31 =	vmul.f32 v39, v31  }
0x358: {  	v51 =	vmul.f32 v40, v40;
	v52 =	vmul.f32 v43, v43;
	v46 =	vld [tilespmem:s0+$0xC830];
	v50 =	vadd.f32 v15, v43  }
0x359: {  	v34 =	vadd.f32 v47, v35;
	v47 =	vmul.f32 v15, v15;
	v35 =	vld [tilespmem:s0+$0x19030];
	s9 =	sadd.f32 $9.999999960e-13, s9;
	v31 =	vmul.f32 v31, v6  }
0x35a: {  	v45 =	vadd.f32 v51, v45;
	v51 =	vmul.f32 $5.000000000e-01, v36;
	v53 =	vld [tilespmem:s0+$0xC840];
	v50 =	vadd.f32 v50, v37  }
0x35b: {  	v54 =	vmul.f32 v34, v34;
	v47 =	vadd.f32 v47, v52;
	v55 =	vld [tilespmem:s0+$0x19040];
	v31 =	vadd.f32 v31, v7  }
0x35c: {  	v37 =	vadd.f32 v33, v49;
	v36 =	vadd.f32 v38, v30;
	v33 =	vld [tilespmem:s0+$0xC850];
	(xrf2) =	vadd.scan.msk.f32 $0xffff, v50;
	v30 =	vmov s9  }
0x35d: {  	v45 =	vadd.f32 v47, v45;
	v49 =	vld [tilespmem:s0+$0x19050];
	v47 =	vshrl.u32 v30, $0x1;
	v50 =	vmul.f32 $5.000000000e-01, v30;
	[tilespmem:s2+$0x12CF0] =	vst v31  }
0x35e: {  	v31 =	vadd.f32 v37, v34;
	v38 =	vadd.f32 v35, v46;
	v35 =	vmul.f32 v37, v37;
	v46 =	vld [tilespmem:s0+$0xC860]  }
0x35f: {  	v44 =	vsub.s32 $0x5F3759DF, v44;
	v52 =	vmul.f32 v36, v36;
	v56 =	vld [tilespmem:s0+$0x19060];
	(xrf2) =	vadd.scan.msk.f32 $0xffff, v45;
	v45 =	vsub.s32 $0x5F3759DF, v47  }
0x360: {  	v47 =	vadd.f32 v38, v36;
	v57 =	vmul.f32 v38, v38;
	v30 =	vadd.f32 v55, v53;
	v53 =	vld [tilespmem:s0+$0xC870]  }
0x361: {  	v35 =	vadd.f32 v35, v54;
	v55 =	vmul.f32 v44, v51;
	v58 =	vmul.f32 v45, v50;
	v54 =	vld [tilespmem:s0+$0x19070]  }
0x362: {  	v47 =	vadd.f32 v47, v31;
	v31 =	vadd.f32 v49, v33;
	v49 =	vmul.f32 v30, v30;
	v59 =	vld [tilespmem:s0+$0xC880]  }
0x363: {  	v52 =	vadd.f32 v57, v52;
	v61 =	vmul.f32 v44, v55;
	v58 =	vmul.f32 v45, v58;
	v57 =	vld [tilespmem:s0+$0x19080]  }
0x364: {  	v33 =	vadd.f32 v56, v46;
	v46 =	vadd.f32 v31, v30;
	v56 =	vmul.f32 v31, v31;
	v60 =	vld [tilespmem:s0+$0xC890];
	(xrf2) =	vadd.scan.msk.f32 $0xffff, v47  }
0x365: {  	v32 =	vmul.f32 v32, v48;
	v47 =	vadd.f32 v52, v35;
	v48 =	vsub.f32 $1.500000000e+00, v61;
	v52 =	vld [tilespmem:s0+$0x19090]  }
0x366: {  	v35 =	vadd.f32 v54, v53;
	v49 =	vadd.f32 v56, v49;
	v53 =	vmul.f32 v33, v33;
	v54 =	vld [tilespmem:s0+$0xC8A0];
	v55, _, _ =	vpop (xrf2)  }
0x367: {  	v29 =	vmul.f32 v32, v29;
	v44 =	vmul.f32 v44, v48;
	v56 =	vld [tilespmem:s0+$0x190A0];
	(xrf2) =	vadd.scan.msk.f32 $0xffff, v47;
	v47 =	vsub.f32 $1.500000000e+00, v58  }
0x368: {  	v48 =	vadd.f32 v35, v33;
	v58 =	vmul.f32 v35, v35;
	v57 =	vadd.f32 v57, v59;
	v59 =	vld [tilespmem:s0+$0xC8B0]  }
0x369: {  	v51 =	vmul.f32 v44, v51;
	v61 =	vld [tilespmem:s0+$0x190B0];
	(v2sf) =	vpush v55, $0xF;
	v55, _, _ =	vpop (xrf2);
	v45 =	vmul.f32 v45, v47  }
0x36a: {  	v47 =	vadd.f32 v52, v60;
	v52 =	vmul.f32 v57, v57;
	(v2sf) =	vpush v55, $0xF  }
0x36b: {  	v46 =	vadd.f32 v48, v46;
	v48 =	vadd.f32 v58, v53;
	v50 =	vmul.f32 v45, v50  }
0x36c: {  	v53 =	vadd.f32 v56, v54;
	v54 =	vadd.f32 v47, v57;
	v56 =	vmul.f32 v47, v47  }
0x36d: {  	v29 =	vmul.f32 v29, v32;
	v48 =	vadd.f32 v48, v49;
	(xrf2) =	vadd.scan.msk.f32 $0xffff, v46;
	v46 =	vmul.f32 v51, v44  }
0x36e: {  	v49 =	vadd.f32 v61, v59;
	v51 =	vadd.f32 v56, v52;
	v52 =	vmul.f32 v53, v53;
	v55, _, _ =	vpop (xrf2)  }
0x36f: {  	v29 =	vsub.f32 $1.500000000e+00, v29;
	v50 =	vmul.f32 v50, v45;
	(v2sf) =	vpush v55, $0xF  }
0x370: {  	v46 =	vsub.f32 $1.500000000e+00, v46;
	v55 =	vadd.f32 v49, v53;
	v56 =	vmul.f32 v49, v49;
	(xrf2) =	vadd.scan.msk.f32 $0xffff, v48  }
0x371: {  	v29 =	vmul.f32 v29, v32;
	v32 =	vsub.f32 $1.500000000e+00, v50;
	v50 =	vmov s8;
	v48, _, _ =	vpop (xrf2)  }
0x372: {  	v44 =	vmul.f32 v46, v44;
	v54 =	vadd.f32 v55, v54;
	v52 =	vadd.f32 v56, v52  }
0x373: {  	v32 =	vmul.f32 v32, v45;
	v45 =	vsub.f32 v11, v50;
	v11 =	vmovc v57;
	(v2sf) =	vpush v48, $0xF  }
0x374: {  	v24 =	vmul.f32 v29, v24;
	v48 =	vsub.f32 v12, v50;
	v46 =	vadd.f32 v52, v51;
	(xrf2) =	vadd.scan.msk.f32 $0xffff, v54  }
0x375: {  	v23 =	vmul.f32 v29, v23;
	v14 =	vsub.f32 v14, v50;
	v12 =	vmovc v47;
	v51 =	vsub.f32 v13, v50  }
0x376: {  	v21 =	vmul.f32 v29, v21;
	v47 =	vsub.f32 v8, v41;
	v8 =	vmovc v42;
	v50 =	vsub.f32 v10, v41  }
0x377: {  	v22 =	vmul.f32 v29, v22;
	v29 =	vsub.f32 v9, v41;
	v25 =	vmul.f32 v44, v25;
	v10, _, _ =	vpop (xrf2);
	(xrf2) =	vadd.scan.msk.f32 $0xffff, v46  }
0x378: {  	v9 =	vmovc v43;
	v27 =	vmul.f32 v44, v27;
	v26 =	vmul.f32 v44, v26;
	(v2sf) =	vpush v10, $0xF;
	s8 =	spop (v2sf);
	v10 =	vmovc v40  }
0x379: {  	v19 =	vadd.f32 v19, v5;
	v28 =	vmul.f32 v44, v28;
	v13 =	vmovc v53;
	v40 =	vmul.f32 v32, v45;
	s9 =	smul.f32 $1.562500000e-02, s8;
	s8 =	spop (v2sf)  }
0x37a: {  	v20 =	vadd.f32 v20, v7;
	v42 =	vmul.f32 v32, v48;
	v43 =	vmul.f32 v32, v51;
	s8 =	smul.f32 $1.562500000e-02, s8;
	v41, _, _ =	vpop (xrf2)  }
0x37b: {  	v32 =	vmul.f32 v32, v14;
	v14 =	vmovc v49;
	s10 =	smul.f32 s9, s9;
	(v2sf) =	vpush v41, $0xF;
	v41 =	vmul.f32 v39, v47;
	[tilespmem:s31+$0x12CA0] =	vst v19  }
0x37c: {  	v17 =	vadd.f32 v17, v3;
	v29 =	vmul.f32 v39, v29;
	v44 =	vmul.f32 v39, v50;
	[tilespmem:s31+$0x12CB0] =	vst v20  }
0x37d: {  	v16 =	vadd.f32 v16, v4;
	v19 =	vmul.f32 v24, v2;
	v20 =	vmul.f32 v23, v0;
	s8 =	ssub.f32 s8, s10  }
0x37e: {  	v45 =	vmul.f32 v22, v6;
	v39 =	vmul.f32 v21, v1;
	s10 =	spop (v2sf);
	v23, _, _ =	vpop (xrf2);
	[tilespmem:s31+$0x12CC0] =	vst v17;
	v17 =	vadd.f32 v18, v5  }
0x37f: {  	v18 =	vmul.f32 v25, v2;
	v25 =	vmul.f32 v27, v0;
	s10 =	smul.f32 $1.562500000e-02, s10;
	s8 =	sadd.f32 $9.999999960e-13, s8;
	(v2sf) =	vpush v23, $0xF;
	[tilespmem:s31+$0x12CD0] =	vst v16  }
0x380: {  	v26 =	vmul.f32 v26, v1;
	v27 =	vmul.f32 v28, v6;
	v16 =	vadd.f32 v19, v3;
	[tilespmem:s31+$0x12CE0] =	vst v17;
	s31 =	smov.u32 s2;
	s2 =	smov.u32 s0  }
0x381: {  	v40 =	vmul.f32 v40, v2;
	s0 =	smul.f32 s10, s10;
	v17 =	vmov s10;
	v19 =	vmov s8;
	v21, _, _ =	vpop (xrf2)  }
0x382: {  	v22 =	vshrl.u32 v19, $0x1;
	v28 =	vmul.f32 $5.000000000e-01, v19;
	s8 =	spop (v2sf);
	(v2sf) =	vpush v21, $0xF;
	[tilespmem:s31+$0x12C00] =	vst v16  }
0x383: {  	v24 =	vsub.f32 v34, v17;
	v23 =	vsub.f32 v37, v17;
	s8 =	smul.f32 $1.562500000e-02, s8;
	v46 =	vsub.s32 $0x5F3759DF, v22  }
0x384: {  	v21 =	vsub.f32 v36, v17;
	v22 =	vsub.f32 v38, v17;
	v16 =	vmul.f32 v46, v28  }
0x385: {  	v42 =	vmul.f32 v42, v0;
	v19 =	vmul.f32 v43, v1;
	v17 =	vadd.f32 v20, v4;
	s8 =	ssub.f32 s8, s0  }
0x386: {  	v38 =	vadd.f32 v39, v5;
	v20 =	vmul.f32 v32, v6;
	s0 =	sshra.s32 s3, $0x2;
	v37 =	vmul.f32 v46, v16  }
0x387: {  	v32 =	vadd.f32 v45, v7;
	v16 =	vmul.f32 v44, v0;
	v34 =	vld [tilespmem:s0+$0xC8C0];
	s8 =	sadd.f32 $9.999999960e-13, s8;
	s10 =	spop (v2sf);
	[tilespmem:s31+$0x12C10] =	vst v17;
	v17 =	vmul.f32 v41, v2  }
0x388: {  	v41 =	vadd.f32 v18, v3;
	v18 =	vmul.f32 v29, v1;
	v36 =	vld [tilespmem:s0+$0x190C0];
	s10 =	smul.f32 $1.562500000e-02, s10;
	v39 =	vsub.f32 $1.500000000e+00, v37;
	[tilespmem:s31+$0x12C20] =	vst v38  }
0x389: {  	v26 =	vadd.f32 v26, v5;
	v25 =	vadd.f32 v25, v4;
	v37 =	vld [tilespmem:s0+$0xC8D0];
	v29 =	vmov s8;
	[tilespmem:s31+$0x12C30] =	vst v32  }
0x38a: {  	s8 =	smul.f32 s10, s10;
	s14 =	spop (v2sf)  }
0x38b: {  	v38 =	vld [tilespmem:s0+$0x190D0];
	v32 =	vshrl.u32 v29, $0x1;
	v29 =	vmul.f32 $5.000000000e-01, v29;
	v39 =	vmul.f32 v46, v39;
	[tilespmem:s31+$0x12C40] =	vst v41;
	s14 =	smul.f32 $1.562500000e-02, s14  }
.Ltmp5:
0x38c: {  	v41 =	vmov s10;
	v46 =	vadd.f32 v27, v7;
	v43 =	vld [tilespmem:s0+$0xC8E0];
	v32 =	vsub.s32 $0x5F3759DF, v32;
	[tilespmem:s31+$0x12C50] =	vst v25;
	(pc) =	sbr.rel @p1 .LBB2_9-.Ltmp5, $4  }
0x38d: {  	v25 =	vsub.f32 v30, v41;
	v44 =	vld [tilespmem:s0+$0x190E0];
	v47 =	vmul.f32 v32, v29;
	v30 =	vmul.f32 v39, v28;
	[tilespmem:s31+$0x12C60] =	vst v26  }
0x38e: {  	v27 =	vsub.f32 v31, v41;
	v26 =	vsub.f32 v33, v41;
	v45 =	vld [tilespmem:s0+$0xC8F0];
	s8 =	ssub.f32 s14, s8;
	[tilespmem:s31+$0x12C70] =	vst v46  }
0x38f: {  	v28 =	vsub.f32 v35, v41;
	v46 =	vld [tilespmem:s0+$0x190F0];
	v48 =	vmul.f32 v32, v47;
	v31 =	vmul.f32 v30, v39;
	s14 =	spop (v2sf)  }
0x390: {  	s3 =	sadd.s32 $0x400, s3;
	v33 =	vadd.f32 v40, v3;
	v30 =	vadd.f32 v42, v4;
	v35 =	vld [tilespmem:s0+$0xC800];
	s10 =	sadd.f32 $9.999999960e-13, s8;
	s8 =	smul.f32 $1.562500000e-02, s14  }
0x391: {  	v40 =	vld [tilespmem:s0+$0x19000];
	v31 =	vsub.f32 $1.500000000e+00, v31  }
0x392: {  	v41 =	vld [tilespmem:s0+$0xC810];
	v47 =	vmov s9;
	[tilespmem:s31+$0x12C80] =	vst v33  }
0x393: {  	v15 =	vsub.f32 v15, v47;
	v49 =	vld [tilespmem:s0+$0x19010];
	[tilespmem:s31+$0x12C90] =	vst v30;
	v42 =	vmul.f32 v31, v39  }
0x394: {  	v39 =	vld [tilespmem:s0+$0xC820]  }
0x395: {  	v50 =	vld [tilespmem:s0+$0x19020];
	v15 =	vmul.f32 v42, v15  }
0x396: {  	v51 =	vld [tilespmem:s0+$0xC830]  }
0x397: {  	v52 =	vld [tilespmem:s0+$0x19030];
	v15 =	vmul.f32 v15, v6  }
0x398: {  	v53 =	vld [tilespmem:s0+$0xC840]  }
0x399: {  	v54 =	vld [tilespmem:s0+$0x19040];
	v15 =	vadd.f32 v15, v7  }
0x39a: {  	s28 =	spop (v2sf);
	s3 =	smul.f32 s8, s8;
	v55 =	vld [tilespmem:s0+$0xC850]  }
0x39b: {  	s9 =	smul.f32 $1.562500000e-02, s28;
	v31 =	vadd.f32 v36, v34;
	v30 =	vadd.f32 v38, v37;
	v36 =	vmov s10;
	v56 =	vld [tilespmem:s0+$0x19050];
	[tilespmem:s2+$0x12CF0] =	vst v15  }
0x39c: {  	v33 =	vadd.f32 v46, v45;
	v60 =	vshrl.u32 v36, $0x1;
	v34 =	vld [tilespmem:s0+$0xC860]  }
0x39d: {  	s3 =	ssub.f32 s9, s3;
	v62 =	vmul.f32 $5.000000000e-01, v36;
	v37 =	vadd.f32 v30, v31;
	v15 =	vadd.f32 v44, v43;
	v38 =	vld [tilespmem:s0+$0x19060]  }
0x39e: {  	v46 =	vmul.f32 v30, v30;
	v44 =	vmul.f32 v31, v31;
	v43 =	vadd.f32 v40, v35;
	v57 =	vld [tilespmem:s0+$0xC870]  }
0x39f: {  	s3 =	sadd.f32 $9.999999960e-13, s3;
	v35 =	vmul.f32 v33, v33;
	v59 =	vld [tilespmem:s0+$0x19070];
	v45 =	vadd.f32 v33, v15;
	v58 =	vmul.f32 v15, v15  }
0x3a0: {  	v61 =	vld [tilespmem:s0+$0xC880];
	v40 =	vadd.f32 v46, v44;
	v46 =	vadd.f32 v49, v41;
	v41 =	vmul.f32 v43, v43  }
0x3a1: {  	v36 =	vld [tilespmem:s0+$0x19080];
	v44 =	vadd.f32 v50, v39;
	v39 =	vmov s3;
	v35 =	vadd.f32 v35, v58  }
0x3a2: {  	[tilespmem:$0x1FFA0] =	vst v30;
	v49 =	vld [tilespmem:s0+$0xC890];
	v30 =	vmul.f32 $5.000000000e-01, v39;
	v37 =	vadd.f32 v45, v37;
	v45 =	vadd.f32 v52, v51  }
0x3a3: {  	[tilespmem:$0x1FFB0] =	vst v15;
	v15 =	vld [tilespmem:s0+$0xC8A0];
	v50 =	vmul.f32 v46, v46;
	v52 =	vadd.f32 v46, v43;
	v35 =	vadd.f32 v35, v40  }
0x3a4: {  	v51 =	vld [tilespmem:s0+$0x19090];
	v58 =	vmul.f32 v44, v44;
	v63 =	vadd.f32 v45, v44;
	(xrf2) =	vadd.scan.msk.f32 $0xffff, v37;
	v40 =	vadd.f32 v54, v53  }
0x3a5: {  	v37 =	vmul.f32 v45, v45;
	v50 =	vadd.f32 v50, v41;
	v53 =	vld [tilespmem:s0+$0x190A0];
	v41 =	vadd.f32 v56, v55  }
0x3a6: {  	v54 =	vshrl.u32 v39, $0x1;
	v55 =	vld [tilespmem:s0+$0xC8B0];
	v39 =	vadd.f32 v38, v34;
	v38 =	vadd.f32 v59, v57  }
0x3a7: {  	v56 =	vld [tilespmem:s0+$0x190B0];
	v36 =	vadd.f32 v36, v61;
	(xrf2) =	vadd.scan.msk.f32 $0xffff, v35;
	v35 =	vadd.f32 v63, v52  }
0x3a8: {  	v52 =	vmul.f32 v40, v40;
	v37 =	vadd.f32 v37, v58;
	v63 =	vmul.f32 v41, v41  }
0x3a9: {  	v57 =	vsub.s32 $0x5F3759DF, v60;
	v58 =	vadd.f32 v41, v40;
	v60 =	vadd.f32 v38, v39  }
0x3aa: {  	v59 =	vmul.f32 v39, v39;
	v50 =	vadd.f32 v37, v50;
	v52 =	vadd.f32 v63, v52;
	(xrf2) =	vadd.scan.msk.f32 $0xffff, v35  }
0x3ab: {  	v61 =	vmul.f32 v38, v38;
	v35 =	vadd.f32 v51, v49;
	v51 =	vadd.f32 v60, v58  }
0x3ac: {  	v37 =	vadd.f32 v53, v15;
	v34 =	vadd.f32 v56, v55;
	(xrf2) =	vadd.scan.msk.f32 $0xffff, v50  }
0x3ad: {  	v49 =	vsub.s32 $0x5F3759DF, v54;
	v61 =	vadd.f32 v61, v59;
	v15 =	vmul.f32 v36, v36  }
0x3ae: {  	v63 =	vadd.f32 v35, v36;
	v54 =	vmul.f32 v35, v35;
	v55 =	vadd.f32 v34, v37;
	v60, _, _ =	vpop (xrf2);
	(xrf2) =	vadd.scan.msk.f32 $0xffff, v51  }
0x3af: {  	v52 =	vadd.f32 v61, v52;
	v53 =	vmul.f32 v34, v34;
	v51 =	vmul.f32 v37, v37  }
0x3b0: {  	v61 =	vmul.f32 v57, v62;
	v15 =	vadd.f32 v54, v15;
	v50 =	vadd.f32 v55, v63  }
0x3b1: {  	(v2sf) =	vpush v60, $0xF;
	v60, _, _ =	vpop (xrf2);
	(xrf2) =	vadd.scan.msk.f32 $0xffff, v52;
	v51 =	vadd.f32 v53, v51  }
0x3b2: {  	v48 =	vsub.f32 $1.500000000e+00, v48;
	v61 =	vmul.f32 v57, v61;
	(v2sf) =	vpush v60, $0xF;
	(xrf2) =	vadd.scan.msk.f32 $0xffff, v50  }
0x3b3: {  	v15 =	vadd.f32 v51, v15  }
0x3b4: {  	v19 =	vadd.f32 v19, v5;
	v32 =	vmul.f32 v32, v48;
	v54 =	vsub.f32 $1.500000000e+00, v61;
	v56, _, _ =	vpop (xrf2)  }
0x3b5: {  	v20 =	vadd.f32 v20, v7;
	v63 =	vmul.f32 v49, v30;
	(v2sf) =	vpush v56, $0xF;
	(xrf2) =	vadd.scan.msk.f32 $0xffff, v15  }
0x3b6: {  	v17 =	vadd.f32 v17, v3;
	v29 =	vmul.f32 v32, v29;
	v15 =	vmul.f32 v57, v54;
	v57, _, _ =	vpop (xrf2)  }
0x3b7: {  	v8 =	vsub.f32 v8, v47;
	v63 =	vmul.f32 v49, v63;
	(v2sf) =	vpush v57, $0xF  }
0x3b8: {  	v10 =	vsub.f32 v10, v47;
	v9 =	vsub.f32 v9, v47;
	v29 =	vmul.f32 v29, v32;
	v59, _, _ =	vpop (xrf2)  }
0x3b9: {  	v8 =	vmul.f32 v42, v8;
	v55 =	vsub.f32 $1.500000000e+00, v63;
	(v2sf) =	vpush v59, $0xF  }
0x3ba: {  	v10 =	vmul.f32 v42, v10;
	v9 =	vmul.f32 v42, v9;
	v29 =	vsub.f32 $1.500000000e+00, v29  }
0x3bb: {  	v16 =	vadd.f32 v16, v4;
	v8 =	vmul.f32 v8, v2;
	v48 =	vmul.f32 v49, v55;
	v60, _, _ =	vpop (xrf2)  }
0x3bc: {  	v10 =	vmul.f32 v10, v0;
	v29 =	vmul.f32 v29, v32;
	(v2sf) =	vpush v60, $0xF;
	v61, _, _ =	vpop (xrf2)  }
0x3bd: {  	v9 =	vmul.f32 v9, v1;
	v30 =	vmul.f32 v48, v30;
	(v2sf) =	vpush v61, $0xF  }
0x3be: {  	v18 =	vadd.f32 v18, v5;
	v24 =	vmul.f32 v29, v24;
	v23 =	vmul.f32 v29, v23  }
0x3bf: {  	v8 =	vadd.f32 v8, v3;
	v58 =	vmul.f32 v15, v62;
	v30 =	vmul.f32 v30, v48;
	v63, _, _ =	vpop (xrf2)  }
0x3c0: {  	v21 =	vmul.f32 v29, v21;
	v22 =	vmul.f32 v29, v22;
	s9 =	spop (v2sf);
	(v2sf) =	vpush v63, $0xF  }
0x3c1: {  	v24 =	vmul.f32 v24, v2;
	v50 =	vmul.f32 v58, v15;
	v30 =	vsub.f32 $1.500000000e+00, v30;
	s3 =	smul.f32 $1.562500000e-02, s9;
	s10 =	spop (v2sf)  }
0x3c2: {  	v23 =	vmul.f32 v23, v0;
	v21 =	vmul.f32 v21, v1;
	v62 =	vmov s8;
	s8 =	smul.f32 $1.562500000e-02, s10  }
0x3c3: {  	v11 =	vsub.f32 v11, v62;
	v50 =	vsub.f32 $1.500000000e+00, v50;
	v30 =	vmul.f32 v30, v48;
	s14 =	smul.f32 s3, s3  }
0x3c4: {  	v22 =	vmul.f32 v22, v6;
	v12 =	vsub.f32 v12, v62;
	v13 =	vsub.f32 v13, v62;
	s15 =	spop (v2sf)  }
0x3c5: {  	v14 =	vsub.f32 v14, v62;
	v15 =	vmul.f32 v50, v15;
	v11 =	vmul.f32 v30, v11;
	s8 =	ssub.f32 s8, s14;
	s9 =	smul.f32 $1.562500000e-02, s15  }
0x3c6: {  	v10 =	vadd.f32 v10, v4;
	v12 =	vmul.f32 v30, v12;
	v13 =	vmul.f32 v30, v13;
	s14 =	spop (v2sf)  }
0x3c7: {  	v24 =	vadd.f32 v24, v3;
	v14 =	vmul.f32 v30, v14;
	v25 =	vmul.f32 v15, v25;
	s8 =	sadd.f32 $9.999999960e-13, s8;
	s10 =	smul.f32 s9, s9  }
0x3c8: {  	v23 =	vadd.f32 v23, v4;
	v27 =	vmul.f32 v15, v27;
	v26 =	vmul.f32 v15, v26;
	s14 =	smul.f32 $1.562500000e-02, s14;
	s15 =	spop (v2sf)  }
0x3c9: {  	v15 =	vmul.f32 v15, v28;
	v11 =	vmul.f32 v11, v2;
	v28 =	vmov s8;
	s15 =	smul.f32 $1.562500000e-02, s15  }
0x3ca: {  	v12 =	vmul.f32 v12, v0;
	s28 =	ssub.f32 s14, s10;
	v30 =	vshrl.u32 v28, $0x1;
	v28 =	vmul.f32 $5.000000000e-01, v28  }
0x3cb: {  	v13 =	vmul.f32 v13, v1;
	v29 =	vmov s9;
	v30 =	vsub.s32 $0x5F3759DF, v30;
	s10 =	spop (v2sf);
	s9 =	smul.f32 s15, s15  }
0x3cc: {  	v21 =	vadd.f32 v21, v5;
	v14 =	vmul.f32 v14, v6;
	v50 =	vmul.f32 v30, v28;
	s14 =	spop (v2sf);
	s10 =	smul.f32 $1.562500000e-02, s10  }
0x3cd: {  	v22 =	vadd.f32 v22, v7;
	v25 =	vmul.f32 v25, v2;
	v27 =	vmul.f32 v27, v0;
	s28 =	sadd.f32 $9.999999960e-13, s28;
	s8 =	smul.f32 $1.562500000e-02, s14  }
0x3ce: {  	[tilespmem:s31+$0x12CE0] =	vst v18;
	v26 =	vmul.f32 v26, v1;
	v18 =	vmov s3;
	v42 =	vmul.f32 v30, v50;
	s9 =	ssub.f32 s10, s9  }
0x3cf: {  	v11 =	vadd.f32 v11, v3;
	v12 =	vadd.f32 v12, v4;
	v51 =	vmov s28;
	s14 =	smul.f32 s8, s8;
	s28 =	spop (v2sf)  }
0x3d0: {  	v32 =	vsub.f32 v43, v29;
	v47 =	vmov s15;
	v42 =	vsub.f32 $1.500000000e+00, v42;
	s15 =	smul.f32 $1.562500000e-02, s28  }
0x3d1: {  	v43 =	vsub.f32 v46, v29;
	v52 =	vshrl.u32 v51, $0x1;
	v46 =	vmul.f32 $5.000000000e-01, v51;
	s9 =	sadd.f32 $9.999999960e-13, s9  }
0x3d2: {  	v13 =	vadd.f32 v13, v5;
	v30 =	vmul.f32 v30, v42;
	v42 =	vsub.s32 $0x5F3759DF, v52;
	s28 =	ssub.f32 s15, s14  }
0x3d3: {  	v14 =	vadd.f32 v14, v7;
	v44 =	vsub.f32 v44, v29;
	v57 =	vmul.f32 v42, v46  }
0x3d4: {  	v29 =	vsub.f32 v45, v29;
	v53 =	vmov s9;
	v28 =	vmul.f32 v30, v28;
	s10 =	sadd.f32 $9.999999960e-13, s28  }
0x3d5: {  	[tilespmem:s31+$0x12CA0] =	vst v19;
	v54 =	vshrl.u32 v53, $0x1;
	v45 =	vmul.f32 $5.000000000e-01, v53;
	v60 =	vmul.f32 v42, v57  }
0x3d6: {  	[tilespmem:s31+$0x12CB0] =	vst v20;
	v48 =	vsub.s32 $0x5F3759DF, v54;
	v28 =	vmul.f32 v28, v30;
	v55 =	vmov s10  }
0x3d7: {  	[tilespmem:s31+$0x12CC0] =	vst v17;
	v17 =	vsub.f32 $1.500000000e+00, v60;
	v56 =	vshrl.u32 v55, $0x1;
	v49 =	vmul.f32 $5.000000000e-01, v55  }
0x3d8: {  	[tilespmem:s31+$0x12CD0] =	vst v16;
	v58 =	vmul.f32 v48, v45;
	v16 =	vsub.f32 $1.500000000e+00, v28;
	v50 =	vsub.s32 $0x5F3759DF, v56  }
0x3d9: {  	[tilespmem:s2+$0x12C00] =	vst v24;
	v25 =	vadd.f32 v25, v3;
	v17 =	vmul.f32 v42, v17;
	v59 =	vmul.f32 v50, v49  }
0x3da: {  	[tilespmem:s2+$0x12C10] =	vst v23;
	v27 =	vadd.f32 v27, v4;
	v61 =	vmul.f32 v48, v58;
	v16 =	vmul.f32 v16, v30  }
0x3db: {  	[tilespmem:s2+$0x12C20] =	vst v21;
	v24 =	vsub.f32 v33, v18;
	v30 =	vmul.f32 v17, v46;
	v62 =	vmul.f32 v50, v59  }
0x3dc: {  	[tilespmem:s2+$0x12C30] =	vst v22;
	v15 =	vmul.f32 v15, v6;
	v26 =	vadd.f32 v26, v5;
	v63 =	vsub.f32 $1.500000000e+00, v61  }
0x3dd: {  	[tilespmem:s2+$0x12C80] =	vst v11;
	v24 =	vmul.f32 v16, v24;
	v22 =	vmul.f32 v30, v17;
	v28 =	vsub.f32 $1.500000000e+00, v62  }
0x3de: {  	v15 =	vadd.f32 v15, v7;
	[tilespmem:s2+$0x12C90] =	vst v12;
	v19 =	vsub.f32 v40, v47;
	v40 =	vmul.f32 v48, v63  }
0x3df: {  	[tilespmem:s2+$0x12C40] =	vst v25;
	v24 =	vmul.f32 v24, v6;
	v22 =	vsub.f32 $1.500000000e+00, v22;
	v28 =	vmul.f32 v50, v28  }
0x3e0: {  	[tilespmem:s2+$0x12C50] =	vst v27;
	v20 =	vsub.f32 v41, v47;
	v23 =	vsub.f32 v39, v47;
	v46 =	vmul.f32 v40, v45  }
0x3e1: {  	[tilespmem:s2+$0x12C70] =	vst v15;
	v24 =	vadd.f32 v24, v7;
	v15 =	vmul.f32 v22, v17;
	v48 =	vmul.f32 v28, v49  }
0x3e2: {  	[tilespmem:s2+$0x12C60] =	vst v26;
	v21 =	vsub.f32 v38, v47;
	v26 =	vmov s8;
	v30 =	vmul.f32 v46, v40  }
0x3e3: {  	v22 =	vsub.f32 v36, v26;
	[tilespmem:s0+$0x12CF0] =	vst v24;
	v12 =	vmul.f32 v15, v32;
	v25 =	vmul.f32 v48, v28  }
0x3e4: {  	v27 =	vsub.f32 $1.500000000e+00, v30;
	v24 =	vmul.f32 v15, v43;
	v30 =	vmul.f32 v15, v44;
	[tilespmem:s2+$0x12CA0] =	vst v13  }
0x3e5: {  	v13 =	vmul.f32 v15, v29;
	[tilespmem:s2+$0x12CC0] =	vst v8;
	v8 =	vadd.f32 v9, v5;
	v25 =	vsub.f32 $1.500000000e+00, v25  }
0x3e6: {  	v9 =	vld [tilespmem:$0x1FFB0];
	v17 =	vmul.f32 v27, v40;
	v27 =	vsub.f32 v37, v26;
	v12 =	vmul.f32 v12, v2  }
0x3e7: {  	[tilespmem:s2+$0x12CB0] =	vst v14;
	v15 =	vmul.f32 v24, v0;
	v11 =	vmul.f32 v25, v28;
	v28 =	vsub.f32 v31, v18;
	v31 =	vld [tilespmem:$0x1FFA0]  }
0x3e8: {  	[tilespmem:s2+$0x12CD0] =	vst v10;
	v13 =	vmul.f32 v13, v6;
	v14 =	vmul.f32 v17, v19;
	v10 =	vadd.f32 v12, v3  }
0x3e9: {  	[tilespmem:s2+$0x12CE0] =	vst v8;
	v12 =	vmul.f32 v17, v20;
	v8 =	vadd.f32 v15, v4;
	v15 =	vmul.f32 v17, v23  }
0x3ea: {  	v17 =	vmul.f32 v17, v21;
	v25 =	vsub.f32 v35, v26;
	v26 =	vsub.f32 v34, v26  }
0x3eb: {  	v9 =	vsub.f32 v9, v18;
	v12 =	vmul.f32 v12, v0;
	[tilespmem:s0+$0x12C10] =	vst v8;
	v8 =	vadd.f32 v13, v7  }
0x3ec: {  	v14 =	vmul.f32 v14, v2;
	v31 =	vsub.f32 v31, v18;
	v18 =	vmul.f32 v30, v1  }
0x3ed: {  	v15 =	vmul.f32 v15, v1;
	v13 =	vmul.f32 v11, v22;
	[tilespmem:s0+$0x12C30] =	vst v8;
	v8 =	vadd.f32 v12, v4  }
0x3ee: {  	[tilespmem:s0+$0x12C00] =	vst v10;
	v17 =	vmul.f32 v17, v6;
	v12 =	vmul.f32 v11, v27;
	v10 =	vadd.f32 v18, v5  }
0x3ef: {  	v9 =	vmul.f32 v16, v9;
	v15 =	vadd.f32 v15, v5;
	v13 =	vmul.f32 v13, v2;
	[tilespmem:s0+$0x12C50] =	vst v8  }
0x3f0: {  	v12 =	vmul.f32 v12, v1;
	[tilespmem:s0+$0x12C20] =	vst v10;
	v10 =	vadd.f32 v14, v3;
	v14 =	vmul.f32 v11, v25  }
0x3f1: {  	v8 =	vadd.f32 v17, v7;
	[tilespmem:s0+$0x12C60] =	vst v15;
	v1 =	vmul.f32 v9, v1;
	v15 =	vmul.f32 v16, v31  }
0x3f2: {  	v13 =	vadd.f32 v13, v3;
	[tilespmem:s0+$0x12C40] =	vst v10;
	v10 =	vmul.f32 v11, v26;
	v11 =	vmul.f32 v14, v0  }
0x3f3: {  	[tilespmem:s0+$0x12C70] =	vst v8;
	v1 =	vadd.f32 v1, v5  }
0x3f4: {  	[tilespmem:s0+$0x12C80] =	vst v13;
	v14 =	vmul.f32 v16, v28;
	v0 =	vmul.f32 v15, v0;
	v8 =	vadd.f32 v11, v4  }
0x3f5: {  	[tilespmem:s0+$0x12CE0] =	vst v1;
	v6 =	vmul.f32 v10, v6;
	v10 =	vadd.f32 v12, v5  }
0x3f6: {  	v2 =	vmul.f32 v14, v2;
	v0 =	vadd.f32 v0, v4;
	[tilespmem:s0+$0x12C90] =	vst v8  }
0x3f7: {  	s14 =	sadd.s32 s30, s12;
	v6 =	vadd.f32 v6, v7;
	[tilespmem:s0+$0x12CA0] =	vst v10  }
0x3f8: {  	s2 =	sshll.u32 s14, $0x3;
	v2 =	vadd.f32 v2, v3;
	[tilespmem:s0+$0x12CD0] =	vst v0  }
0x3f9: {  	s2 =	sand.u32 $0x1FFFFF80, s2;
	[tilespmem:s0+$0x12CB0] =	vst v6  }
0x3fa: {  	s15 =	sadd.s32 s4, s2;
	[tilespmem:s0+$0x12CC0] =	vst v2  }
0x3fb: {  	[hbm4b:s15+s5] =	stream.linear.scatter [tilespmem:s18], [sflag:$0x5], $0x3200, $0x38;
	[tilespmem:$0x1C2C0] =	vst v63  }
0x3fc: {  	s3 =	simm.s32 @!p0 $0xC800;
	s2 =	simm.s32 @!p0 $0x68;
	s0 =	sadd.s32 @!p0 $0x4B0, s30  }
0x3fd: {  	[tilespmem:s3], [sflag:$0x3] =	stream.indirect.gather @!p0 [hbm4b:s7+s2], $0x40, s0, s2, $0xb8;
	[tilespmem:$0x1C2C0] =	vst v63  }
0x3fe: {  	s0 =	sadd.s32 @!p0 $0x518, s30;
	s2 =	simm.s32 @!p0 $0x60;
	s3 =	simm.s32 @!p0 $0xE200  }
0x3ff: {  	[tilespmem:s3], [sflag:$0x3] =	stream.indirect.gather @!p0 [hbm4b:s7+s2], $0x40, s0, s2, $0xb8;
	[tilespmem:$0x1C2C0] =	vst v63  }
0x400: {  	_ =	swait.ge [sflag:s25], $0x1A00  }
0x401: {  	[sflag:s25] =	ssyncset.done $0x0  }
0x402: {  	[sflag:s25] =	ssyncadd.s32 $0xFFFFE600  }
0x403: {  	_ =	swait.ge [sflag:s25], $0x1800  }
0x404: {  	[sflag:s25] =	ssyncset.done $0x0  }
0x405: {  	[sflag:s25] =	ssyncadd.s32 $0xFFFFE800  }
0x406: {  	_ =	swait.ge [sflag:s26], $0x3200  }
0x407: {  	[sflag:s26] =	ssyncset.done $0x0  }
0x408: {  	s31 =	simm.s32 $0x0;
	[sflag:s26] =	ssyncadd.s32 $0xFFFFCE00  }
0x409: {  	v0 =	vld [tilespmem:s31+$0xFAC0]  }
0x40a: {  	v1 =	vld [tilespmem:s31+$0x190C0]  }
0x40b: {  	v2 =	vld [tilespmem:s31+$0xFAD0]  }
0x40c: {  	v3 =	vld [tilespmem:s31+$0x190D0]  }
0x40d: {  	v4 =	vld [tilespmem:s31+$0xFAE0]  }
0x40e: {  	v5 =	vld [tilespmem:s31+$0x190E0]  }
0x40f: {  	v6 =	vld [tilespmem:s31+$0xFAF0]  }
0x410: {  	v7 =	vld [tilespmem:s31+$0x190F0];
	_ =	sdelay $0x1  }
0x411: {  	v8 =	vld [tilespmem:s31+$0xFA00]  }
0x412: {  	v10 =	vld [tilespmem:s31+$0x19000]  }
0x413: {  	v11 =	vld [tilespmem:s31+$0xFA10];
	v18 =	vadd.f32 v1, v0;
	v17 =	vadd.f32 v3, v2  }
0x414: {  	v12 =	vld [tilespmem:s31+$0xFA30];
	v16 =	vadd.f32 v5, v4;
	v9 =	vadd.f32 v7, v6  }
0x415: {  	v14 =	vld [tilespmem:s31+$0x19030];
	v2 =	vmul.f32 v18, v18;
	v3 =	vmul.f32 v17, v17  }
0x416: {  	v0 =	vld [tilespmem:s31+$0x19010];
	v5 =	vmul.f32 v16, v16;
	v6 =	vmul.f32 v9, v9  }
0x417: {  	v1 =	vld [tilespmem:s31+$0xFA20];
	v7 =	vadd.f32 v17, v18;
	v13 =	vadd.f32 v9, v16  }
0x418: {  	v4 =	vld [tilespmem:s31+$0x19020];
	v2 =	vadd.f32 v3, v2;
	v3 =	vadd.f32 v6, v5  }
0x419: {  	v19 =	vld [tilespmem:s31+$0x19070];
	v6 =	vadd.f32 v13, v7  }
0x41a: {  	v5 =	vld [tilespmem:s31+$0xFA40];
	v2 =	vadd.f32 v3, v2  }
0x41b: {  	v7 =	vld [tilespmem:s31+$0x19040];
	(xrf2) =	vadd.scan.msk.f32 $0xffff, v6  }
0x41c: {  	v8 =	vadd.f32 v10, v8;
	v10 =	vadd.f32 v0, v11;
	v0 =	vld [tilespmem:s31+$0xFA60];
	(xrf2) =	vadd.scan.msk.f32 $0xffff, v2  }
0x41d: {  	v12 =	vadd.f32 v14, v12;
	v11 =	vadd.f32 v4, v1;
	v1 =	vld [tilespmem:s31+$0x19060]  }
0x41e: {  	v4 =	vld [tilespmem:s31+$0xFA70]  }
0x41f: {  	v3 =	vld [tilespmem:s31+$0xFA50];
	v13 =	vadd.f32 v10, v8;
	v15 =	vadd.f32 v12, v11  }
0x420: {  	v21 =	vmul.f32 v12, v12;
	v6 =	vld [tilespmem:s31+$0x19050];
	v14 =	vmul.f32 v10, v10  }
0x421: {  	v22 =	vld [tilespmem:s31+$0xFA80];
	v20 =	vmul.f32 v11, v11;
	v2 =	vmul.f32 v8, v8;
	v13 =	vadd.f32 v15, v13  }
0x422: {  	v15 =	vld [tilespmem:s31+$0x19080];
	v23 =	vadd.f32 v7, v5  }
0x423: {  	v5 =	vld [tilespmem:s31+$0x190A0];
	v2 =	vadd.f32 v14, v2;
	v14 =	vadd.f32 v21, v20;
	(xrf2) =	vadd.scan.msk.f32 $0xffff, v13  }
0x424: {  	v20 =	vld [tilespmem:s31+$0xFA90];
	v26 =	vadd.f32 v1, v0;
	v27 =	vadd.f32 v19, v4  }
0x425: {  	v0 =	vld [tilespmem:s31+$0x190B0];
	v25 =	vadd.f32 v6, v3;
	v2 =	vadd.f32 v14, v2;
	v21, _, _ =	vpop (xrf2)  }
0x426: {  	v13 =	vld [tilespmem:s31+$0x19090];
	v6 =	vadd.f32 v27, v26;
	(v2sf) =	vpush v21, $0xF;
	v7, _, _ =	vpop (xrf2)  }
0x427: {  	v14 =	vld [tilespmem:s31+$0xFAA0];
	v4 =	vadd.f32 v25, v23;
	(xrf2) =	vadd.scan.msk.f32 $0xffff, v2;
	(v2sf) =	vpush v7, $0xF  }
0x428: {  	v2 =	vld [tilespmem:s31+$0xFAB0]  }
0x429: {  	v4 =	vadd.f32 v6, v4  }
0x42a: {  	v1 =	vmul.f32 v23, v23;
	v3 =	vmul.f32 v25, v25  }
0x42b: {  	v22 =	vadd.f32 v15, v22;
	v19 =	vadd.f32 v13, v20  }
0x42c: {  	v1 =	vadd.f32 v3, v1;
	v3 =	vmul.f32 v26, v26;
	v7 =	vmul.f32 v27, v27  }
0x42d: {  	v20 =	vadd.f32 v5, v14;
	v5 =	vmul.f32 v19, v19;
	(xrf2) =	vadd.scan.msk.f32 $0xffff, v4;
	v4, _, _ =	vpop (xrf2);
	v21 =	vadd.f32 v0, v2  }
0x42e: {  	(v2sf) =	vpush v4, $0xF;
	v2 =	vadd.f32 v7, v3  }
0x42f: {  	v0 =	vmul.f32 v22, v22;
	v3 =	vadd.f32 v19, v22;
	v4 =	vadd.f32 v21, v20  }
0x430: {  	v1 =	vadd.f32 v2, v1;
	v2 =	vmul.f32 v20, v20;
	v6 =	vmul.f32 v21, v21  }
0x431: {  	v0 =	vadd.f32 v5, v0;
	v3 =	vadd.f32 v4, v3;
	v5, _, _ =	vpop (xrf2)  }
0x432: {  	(xrf2) =	vadd.scan.msk.f32 $0xffff, v1;
	v1 =	vadd.f32 v6, v2;
	(v2sf) =	vpush v5, $0xF  }
0x433: {  	(xrf2) =	vadd.scan.msk.f32 $0xffff, v3  }
0x434: {  	v0 =	vadd.f32 v1, v0  }
0x435: {  	s28 =	spop (v2sf)  }
0x436: {  	(xrf2) =	vadd.scan.msk.f32 $0xffff, v0;
	s3 =	smul.f32 $1.562500000e-02, s28;
	s2 =	spop (v2sf)  }
0x437: {  	s0 =	smul.f32 $1.562500000e-02, s2  }
0x438: {  	v0, _, _ =	vpop (xrf2);
	s8 =	smul.f32 s3, s3  }
0x439: {  	(v2sf) =	vpush v0, $0xF  }
0x43a: {  	s0 =	ssub.f32 s0, s8;
	_ =	sdelay $0x1  }
0x43b: {  	v2 =	vld [tilespmem:$0x1C200];
	v3, _, _ =	vpop (xrf2);
	s0 =	sadd.f32 $9.999999960e-13, s0  }
0x43c: {  	v6 =	vld [tilespmem:$0x1C230];
	(v2sf) =	vpush v3, $0xF;
	v3, _, _ =	vpop (xrf2)  }
0x43d: {  	v1 =	vld [tilespmem:$0x1C220];
	s9 =	spop (v2sf);
	(v2sf) =	vpush v3, $0xF;
	v4 =	vmov s0  }
0x43e: {  	v0 =	vld [tilespmem:$0x1C210];
	s2 =	simm.s32 $0x100;
	s10 =	smul.f32 $1.562500000e-02, s9;
	v5 =	vshrl.u32 v4, $0x1;
	v13 =	vmul.f32 $5.000000000e-01, v4  }
0x43f: {  	v28 =	vld [tilespmem:s2+$0xFAC0];
	v7, _, _ =	vpop (xrf2);
	v14 =	vsub.s32 $0x5F3759DF, v5  }
0x440: {  	v30 =	vld [tilespmem:s2+$0x190C0];
	s14 =	smul.f32 s10, s10;
	s15 =	spop (v2sf);
	(v2sf) =	vpush v7, $0xF;
	v15 =	vmul.f32 v14, v13  }
0x441: {  	v31 =	vld [tilespmem:s2+$0xFAD0];
	s28 =	smul.f32 $1.562500000e-02, s15  }
0x442: {  	v49 =	vld [tilespmem:s2+$0x190D0];
	v15 =	vmul.f32 v14, v15  }
0x443: {  	v51 =	vld [tilespmem:s2+$0x190E0];
	s8 =	ssub.f32 s28, s14  }
0x444: {  	v53 =	vld [tilespmem:s2+$0xFA00];
	v15 =	vsub.f32 $1.500000000e+00, v15  }
0x445: {  	v36 =	vmov s3;
	v33 =	vld [tilespmem:s2+$0xFA10];
	s8 =	sadd.f32 $9.999999960e-13, s8  }
0x446: {  	v58 =	vld [tilespmem:s2+$0x19030];
	v18 =	vsub.f32 v18, v36;
	v50 =	vmov s10;
	v14 =	vmul.f32 v14, v15  }
0x447: {  	v56 =	vld [tilespmem:s2+$0xFA40];
	v29 =	vsub.f32 v8, v50;
	v24 =	vsub.f32 v10, v50;
	s10 =	spop (v2sf);
	v8 =	vmov s8  }
0x448: {  	v60 =	vld [tilespmem:s2+$0x19040];
	s0 =	smul.f32 $1.562500000e-02, s10;
	v10 =	vshrl.u32 v8, $0x1;
	v42 =	vmul.f32 $5.000000000e-01, v8;
	v8 =	vmul.f32 v14, v13  }
0x449: {  	v35 =	vsub.f32 v11, v50;
	v34 =	vsub.f32 v12, v50;
	v12 =	vld [tilespmem:s2+$0x190F0]  }
0x44a: {  	v15 =	vld [tilespmem:s2+$0xFAE0];
	v11 =	vsub.s32 $0x5F3759DF, v10;
	v10 =	vmov s0;
	v8 =	vmul.f32 v8, v14  }
0x44b: {  	v13 =	vld [tilespmem:s2+$0xFAF0];
	s14 =	smul.f32 s0, s0;
	s15 =	spop (v2sf);
	v40 =	vsub.f32 v23, v10;
	v37 =	vsub.f32 v25, v10  }
0x44c: {  	v52 =	vmul.f32 v11, v42;
	v23 =	vld [tilespmem:s2+$0x19000];
	s28 =	smul.f32 $1.562500000e-02, s15;
	v38 =	vsub.f32 v26, v10;
	s10 =	spop (v2sf);
	v26 =	vsub.f32 $1.500000000e+00, v8  }
0x44d: {  	v7 =	vld [tilespmem:$0x1C270];
	v39 =	vsub.f32 v27, v10;
	v10 =	vadd.f32 v49, v31;
	s0 =	smul.f32 $1.562500000e-02, s10  }
0x44e: {  	v27 =	vld [tilespmem:s2+$0x19010];
	v25 =	vmul.f32 v11, v52;
	s14 =	ssub.f32 s28, s14;
	v32 =	vmul.f32 v26, v14;
	v14 =	vsub.f32 v9, v36  }
0x44f: {  	v8 =	vadd.f32 v30, v28;
	v28 =	vld [tilespmem:s2+$0xFA30];
	v57 =	vmul.f32 v10, v10;
	s15 =	smul.f32 s0, s0;
	v9 =	vadd.f32 v51, v15;
	s28 =	spop (v2sf)  }
0x450: {  	v26 =	vld [tilespmem:s2+$0xFA20];
	v15 =	vadd.f32 v12, v13;
	v13 =	vsub.f32 $1.500000000e+00, v25;
	s9 =	smul.f32 $1.562500000e-02, s28;
	v14 =	vmul.f32 v32, v14  }
0x451: {  	v12 =	vld [tilespmem:s2+$0x19020];
	s3 =	sadd.f32 $9.999999960e-13, s14;
	v25 =	vadd.f32 v10, v8;
	v30 =	vmul.f32 v8, v8;
	v23 =	vadd.f32 v23, v53  }
0x452: {  	v63 =	vld [tilespmem:s2+$0x19050];
	v31 =	vadd.f32 v15, v9;
	v55 =	vmul.f32 v9, v9;
	s8 =	ssub.f32 s9, s15;
	v14 =	vmul.f32 v14, v6  }
0x453: {  	v3 =	vld [tilespmem:$0x1C240];
	v59 =	vmul.f32 v15, v15;
	v41 =	vadd.f32 v57, v30;
	v30 =	vadd.f32 v27, v33  }
0x454: {  	v50 =	vld [tilespmem:s2+$0xFA50];
	v54 =	vmov s3;
	v25 =	vadd.f32 v31, v25;
	s3 =	sadd.f32 $9.999999960e-13, s8;
	v14 =	vadd.f32 v14, v7  }
0x455: {  	v4 =	vld [tilespmem:$0x1C250];
	v45 =	vmul.f32 $5.000000000e-01, v54;
	v27 =	vadd.f32 v58, v28;
	v43 =	vadd.f32 v59, v55  }
0x456: {  	v5 =	vld [tilespmem:$0x1C260];
	v31 =	vadd.f32 v12, v26;
	(xrf2) =	vadd.scan.msk.f32 $0xffff, v25;
	v12 =	vmov s3;
	[tilespmem:s31+$0x15EF0] =	vst v14  }
0x457: {  	v14 =	vadd.f32 v43, v41;
	v26 =	vshrl.u32 v12, $0x1;
	v41 =	vmul.f32 $5.000000000e-01, v12;
	v12 =	vld [tilespmem:s2+$0xFA60]  }
0x458: {  	v61 =	vshrl.u32 v54, $0x1;
	v62 =	vmul.f32 v23, v23;
	v33 =	vmul.f32 v30, v30;
	v43 =	vld [tilespmem:s2+$0x19060]  }
0x459: {  	v28 =	vadd.f32 v30, v23;
	v58 =	vmul.f32 v27, v27;
	v57 =	vmul.f32 v31, v31;
	v52 =	vld [tilespmem:s2+$0xFA70];
	(xrf2) =	vadd.scan.msk.f32 $0xffff, v14  }
0x45a: {  	v47 =	vld [tilespmem:s2+$0x19070];
	v14 =	vsub.s32 $0x5F3759DF, v61;
	v49 =	vsub.s32 $0x5F3759DF, v26;
	v26 =	vadd.f32 v27, v31  }
0x45b: {  	v25 =	vadd.f32 v60, v56;
	v33 =	vadd.f32 v33, v62;
	v54 =	vld [tilespmem:s2+$0xFA80];
	v59 =	vmul.f32 v14, v45  }
0x45c: {  	v56 =	vmul.f32 v11, v13;
	v44 =	vadd.f32 v58, v57;
	v53 =	vld [tilespmem:s2+$0xFA90];
	v61 =	vadd.f32 v26, v28  }
0x45d: {  	v62 =	vmul.f32 v25, v25;
	v26 =	vadd.f32 v63, v50;
	v63 =	vld [tilespmem:s2+$0x19080];
	v48 =	vmul.f32 v14, v59  }
0x45e: {  	v42 =	vmul.f32 v56, v42;
	v55 =	vld [tilespmem:s2+$0x19090];
	v60 =	vmul.f32 v49, v41;
	v44 =	vadd.f32 v44, v33;
	(xrf2) =	vadd.scan.msk.f32 $0xffff, v61  }
0x45f: {  	v13 =	vld [tilespmem:s2+$0xFAA0];
	v28 =	vadd.f32 v43, v12;
	v12 =	vmul.f32 v26, v26;
	v11 =	vsub.f32 $1.500000000e+00, v48  }
0x460: {  	v51 =	vmul.f32 v49, v60;
	v60 =	vld [tilespmem:s2+$0x190A0];
	v43 =	vadd.f32 v26, v25;
	v33 =	vadd.f32 v47, v52;
	v61, _, _ =	vpop (xrf2)  }
0x461: {  	(xrf2) =	vadd.scan.msk.f32 $0xffff, v44;
	v46 =	vadd.f32 v12, v62;
	v44 =	vmul.f32 v14, v11;
	v14 =	vld [tilespmem:s2+$0xFAB0];
	(v2sf) =	vpush v61, $0xF  }
0x462: {  	v42 =	vmul.f32 v42, v56;
	v52 =	vadd.f32 v33, v28;
	v11 =	vadd.f32 v63, v54;
	v63 =	vld [tilespmem:s2+$0x190B0]  }
0x463: {  	v47 =	vmul.f32 v28, v28;
	v12 =	vsub.f32 $1.500000000e+00, v51;
	v62 =	vmul.f32 v33, v33;
	v54, _, _ =	vpop (xrf2)  }
0x464: {  	v43 =	vadd.f32 v52, v43;
	(v2sf) =	vpush v54, $0xF  }
0x465: {  	v42 =	vsub.f32 $1.500000000e+00, v42;
	v47 =	vadd.f32 v62, v47  }
0x466: {  	v49 =	vmul.f32 v49, v12;
	v12 =	vadd.f32 v55, v53;
	v13 =	vadd.f32 v60, v13;
	(xrf2) =	vadd.scan.msk.f32 $0xffff, v43  }
0x467: {  	v58 =	vmul.f32 v11, v11;
	v61 =	vadd.f32 v47, v46;
	v14 =	vadd.f32 v63, v14  }
0x468: {  	v18 =	vmul.f32 v32, v18;
	v42 =	vmul.f32 v42, v56;
	v59 =	vadd.f32 v12, v11;
	v54, _, _ =	vpop (xrf2)  }
0x469: {  	v60 =	vmul.f32 v12, v12;
	(xrf2) =	vadd.scan.msk.f32 $0xffff, v61;
	v55 =	vadd.f32 v14, v13;
	(v2sf) =	vpush v54, $0xF  }
0x46a: {  	v63 =	vmul.f32 v13, v13;
	v57 =	vmul.f32 v14, v14  }
0x46b: {  	v45 =	vmul.f32 v44, v45;
	v62 =	vadd.f32 v60, v58;
	v58, _, _ =	vpop (xrf2);
	v48 =	vadd.f32 v55, v59  }
0x46c: {  	v41 =	vmul.f32 v49, v41;
	v43 =	vadd.f32 v57, v63;
	(v2sf) =	vpush v58, $0xF  }
0x46d: {  	v16 =	vsub.f32 v16, v36;
	v29 =	vmul.f32 v42, v29;
	v45 =	vmul.f32 v45, v44;
	(xrf2) =	vadd.scan.msk.f32 $0xffff, v48  }
0x46e: {  	v24 =	vmul.f32 v42, v24;
	v41 =	vmul.f32 v41, v49;
	v43 =	vadd.f32 v43, v62  }
0x46f: {  	v35 =	vmul.f32 v42, v35;
	v34 =	vmul.f32 v42, v34;
	v45 =	vsub.f32 $1.500000000e+00, v45  }
0x470: {  	v29 =	vmul.f32 v29, v2;
	v41 =	vsub.f32 $1.500000000e+00, v41;
	v59 =	vmov s0;
	v60, _, _ =	vpop (xrf2);
	(xrf2) =	vadd.scan.msk.f32 $0xffff, v43;
	s9 =	spop (v2sf)  }
0x471: {  	v44 =	vmul.f32 v45, v44;
	v22 =	vsub.f32 v22, v59;
	(v2sf) =	vpush v60, $0xF;
	s9 =	smul.f32 $1.562500000e-02, s9  }
0x472: {  	v41 =	vmul.f32 v41, v49;
	v19 =	vsub.f32 v19, v59;
	v20 =	vsub.f32 v20, v59  }
0x473: {  	v21 =	vsub.f32 v21, v59;
	v40 =	vmul.f32 v44, v40;
	v37 =	vmul.f32 v44, v37;
	v61, _, _ =	vpop (xrf2);
	s14 =	smul.f32 s9, s9;
	s10 =	spop (v2sf)  }
0x474: {  	v62 =	vmul.f32 v32, v16;
	v22 =	vmul.f32 v41, v22;
	(v2sf) =	vpush v61, $0xF;
	s0 =	smul.f32 $1.562500000e-02, s10  }
0x475: {  	v17 =	vsub.f32 v17, v36;
	v19 =	vmul.f32 v41, v19;
	v20 =	vmul.f32 v41, v20  }
0x476: {  	v41 =	vmul.f32 v41, v21;
	v21 =	vmul.f32 v24, v0;
	s3 =	ssub.f32 s0, s14  }
0x477: {  	v24 =	vadd.f32 v29, v3;
	v29 =	vmul.f32 v32, v17;
	v17 =	vmul.f32 v35, v1;
	v16, _, _ =	vpop (xrf2)  }
0x478: {  	v38 =	vmul.f32 v44, v38;
	v39 =	vmul.f32 v44, v39;
	s15 =	spop (v2sf);
	(v2sf) =	vpush v16, $0xF;
	s3 =	sadd.f32 $9.999999960e-13, s3  }
0x479: {  	v63 =	vmul.f32 v40, v2;
	v52 =	vmul.f32 v37, v0;
	v17 =	vadd.f32 v17, v5;
	s8 =	smul.f32 $1.562500000e-02, s15  }
0x47a: {  	[tilespmem:s31+$0x15E00] =	vst v24;
	v16 =	vadd.f32 v21, v4;
	v21 =	vmul.f32 v34, v6;
	v54, _, _ =	vpop (xrf2);
	v24 =	vmov s3  }
0x47b: {  	s0 =	simm.s32 $0x200;
	s14 =	spop (v2sf);
	(v2sf) =	vpush v54, $0xF;
	s28 =	smul.f32 s8, s8;
	v55 =	vshrl.u32 v24, $0x1;
	v56 =	vmul.f32 $5.000000000e-01, v24  }
0x47c: {  	v53 =	vmul.f32 v38, v1;
	v44 =	vmul.f32 v39, v6;
	v34 =	vld [tilespmem:s0+$0xFAC0];
	[tilespmem:s31+$0x15E10] =	vst v16;
	s3 =	smul.f32 $1.562500000e-02, s14;
	v58 =	vsub.s32 $0x5F3759DF, v55  }
0x47d: {  	v57 =	vmul.f32 v22, v2;
	v21 =	vadd.f32 v21, v7;
	v36 =	vld [tilespmem:s0+$0x190C0];
	[tilespmem:s31+$0x15E20] =	vst v17;
	v17 =	vmul.f32 v58, v56  }
0x47e: {  	v22 =	vadd.f32 v63, v3;
	v59 =	vadd.f32 v52, v4;
	v16 =	vmov s8;
	s3 =	ssub.f32 s3, s28  }
0x47f: {  	v61 =	vadd.f32 v44, v7;
	v37 =	vld [tilespmem:s0+$0xFAD0];
	[tilespmem:s31+$0x15E30] =	vst v21;
	v21 =	vsub.f32 v31, v16;
	v31 =	vmul.f32 v58, v17  }
0x480: {  	v20 =	vmul.f32 v20, v1;
	v24 =	vsub.f32 v23, v16;
	v23 =	vsub.f32 v30, v16;
	s15 =	spop (v2sf);
	s3 =	sadd.f32 $9.999999960e-13, s3  }
0x481: {  	v38 =	vld [tilespmem:s0+$0x190D0];
	[tilespmem:s31+$0x15E40] =	vst v22;
	v22 =	vsub.f32 v27, v16;
	s8 =	smul.f32 $1.562500000e-02, s15;
	v17 =	vmul.f32 v18, v2;
	v18 =	vsub.f32 $1.500000000e+00, v31  }
0x482: {  	v16 =	vmul.f32 v29, v0;
	v27 =	vmov s3;
	v31 =	vadd.f32 v53, v5  }
0x483: {  	v43 =	vld [tilespmem:s0+$0xFAE0];
	[tilespmem:s31+$0x15E50] =	vst v59;
	s28 =	smul.f32 s8, s8;
	v60 =	vshrl.u32 v27, $0x1;
	v29 =	vmul.f32 $5.000000000e-01, v27;
	s14 =	spop (v2sf);
	v39 =	vmul.f32 v58, v18  }
0x484: {  	v45 =	vld [tilespmem:s0+$0x190E0];
	v32 =	vsub.s32 $0x5F3759DF, v60;
	s10 =	smul.f32 $1.562500000e-02, s14;
	[tilespmem:s31+$0x15E60] =	vst v31;
	v18 =	vmul.f32 v62, v1;
	v31 =	vmov s8  }
0x485: {  	v62 =	vmul.f32 v32, v29;
	v25 =	vsub.f32 v25, v31;
	v63 =	vmul.f32 v39, v56  }
0x486: {  	v30 =	vmul.f32 v19, v0;
	v46 =	vld [tilespmem:s0+$0xFAF0];
	v27 =	vsub.f32 v26, v31;
	[tilespmem:s31+$0x15E70] =	vst v61;
	v26 =	vsub.f32 v28, v31;
	s15 =	ssub.f32 s10, s28  }
0x487: {  	v28 =	vsub.f32 v33, v31;
	v49 =	vld [tilespmem:s0+$0x190F0];
	v48 =	vmul.f32 v32, v62;
	s28 =	spop (v2sf);
	v31 =	vmul.f32 v63, v39  }
0x488: {  	v19 =	vmul.f32 v41, v6;
	v30 =	vadd.f32 v30, v4;
	s3 =	simm.s32 $0xC00;
	v33 =	vadd.f32 v57, v3;
	v35 =	vld [tilespmem:s0+$0xFA00];
	s10 =	sadd.f32 $9.999999960e-13, s15;
	s8 =	smul.f32 $1.562500000e-02, s28  }
.LBB2_11:
0x489: {  	p1 =	sne.s32 s3, $0xC400;
	v44 =	vld [tilespmem:s0+$0x19000];
	v47 =	vsub.f32 $1.500000000e+00, v48;
	v31 =	vsub.f32 $1.500000000e+00, v31  }
0x48a: {  	v42 =	vadd.f32 v36, v34;
	v41 =	vmov s9;
	v48 =	vld [tilespmem:s0+$0xFA10];
	v36 =	vmov s10;
	s10 =	smul.f32 s8, s8;
	s9 =	spop (v2sf);
	[tilespmem:s31+$0x15E80] =	vst v33  }
0x48b: {  	v40 =	vadd.f32 v38, v37;
	v33 =	vld [tilespmem:s0+$0x19010];
	s9 =	smul.f32 $1.562500000e-02, s9;
	v39 =	vmul.f32 v31, v39;
	v31 =	vsub.f32 v15, v41;
	[tilespmem:s31+$0x15E90] =	vst v30  }
0x48c: {  	v43 =	vadd.f32 v45, v43;
	v45 =	vshrl.u32 v36, $0x1;
	v30 =	vld [tilespmem:s0+$0xFA20];
	v15 =	vadd.f32 v49, v46  }
0x48d: {  	v37 =	vadd.f32 v40, v42;
	v46 =	vmul.f32 v42, v42;
	v38 =	vld [tilespmem:s0+$0x19020];
	s9 =	ssub.f32 s9, s10;
	v31 =	vmul.f32 v39, v31  }
0x48e: {  	v51 =	vmul.f32 v40, v40;
	v52 =	vmul.f32 v43, v43;
	v49 =	vld [tilespmem:s0+$0xFA30];
	v50 =	vadd.f32 v15, v43  }
0x48f: {  	v34 =	vadd.f32 v44, v35;
	v44 =	vmul.f32 v15, v15;
	v35 =	vld [tilespmem:s0+$0x19030];
	s9 =	sadd.f32 $9.999999960e-13, s9;
	v31 =	vmul.f32 v31, v6  }
0x490: {  	v46 =	vadd.f32 v51, v46;
	v51 =	vmul.f32 $5.000000000e-01, v36;
	v53 =	vld [tilespmem:s0+$0xFA40];
	v50 =	vadd.f32 v50, v37  }
0x491: {  	v54 =	vmul.f32 v34, v34;
	v44 =	vadd.f32 v44, v52;
	v55 =	vld [tilespmem:s0+$0x19040];
	v31 =	vadd.f32 v31, v7  }
0x492: {  	v37 =	vadd.f32 v33, v48;
	v36 =	vadd.f32 v38, v30;
	v33 =	vld [tilespmem:s0+$0xFA50];
	(xrf2) =	vadd.scan.msk.f32 $0xffff, v50;
	v30 =	vmov s9  }
0x493: {  	v44 =	vadd.f32 v44, v46;
	v48 =	vld [tilespmem:s0+$0x19050];
	v46 =	vshrl.u32 v30, $0x1;
	v50 =	vmul.f32 $5.000000000e-01, v30;
	[tilespmem:s2+$0x15EF0] =	vst v31  }
0x494: {  	v31 =	vadd.f32 v37, v34;
	v38 =	vadd.f32 v35, v49;
	v35 =	vmul.f32 v37, v37;
	v49 =	vld [tilespmem:s0+$0xFA60]  }
0x495: {  	v52 =	vmul.f32 v36, v36;
	v56 =	vld [tilespmem:s0+$0x19060];
	(xrf2) =	vadd.scan.msk.f32 $0xffff, v44;
	v44 =	vsub.s32 $0x5F3759DF, v45;
	v45 =	vsub.s32 $0x5F3759DF, v46  }
0x496: {  	v46 =	vadd.f32 v38, v36;
	v57 =	vmul.f32 v38, v38;
	v30 =	vadd.f32 v55, v53;
	v53 =	vld [tilespmem:s0+$0xFA70]  }
0x497: {  	v35 =	vadd.f32 v35, v54;
	v55 =	vmul.f32 v44, v51;
	v58 =	vmul.f32 v45, v50;
	v54 =	vld [tilespmem:s0+$0x19070]  }
0x498: {  	v46 =	vadd.f32 v46, v31;
	v31 =	vadd.f32 v48, v33;
	v48 =	vmul.f32 v30, v30;
	v59 =	vld [tilespmem:s0+$0xFA80]  }
0x499: {  	v52 =	vadd.f32 v57, v52;
	v61 =	vmul.f32 v44, v55;
	v58 =	vmul.f32 v45, v58;
	v57 =	vld [tilespmem:s0+$0x19080]  }
0x49a: {  	v33 =	vadd.f32 v56, v49;
	v49 =	vadd.f32 v31, v30;
	v56 =	vmul.f32 v31, v31;
	v60 =	vld [tilespmem:s0+$0xFA90];
	(xrf2) =	vadd.scan.msk.f32 $0xffff, v46  }
0x49b: {  	v32 =	vmul.f32 v32, v47;
	v46 =	vadd.f32 v52, v35;
	v47 =	vsub.f32 $1.500000000e+00, v61;
	v52 =	vld [tilespmem:s0+$0x19090]  }
0x49c: {  	v35 =	vadd.f32 v54, v53;
	v48 =	vadd.f32 v56, v48;
	v53 =	vmul.f32 v33, v33;
	v54 =	vld [tilespmem:s0+$0xFAA0];
	v55, _, _ =	vpop (xrf2)  }
0x49d: {  	v29 =	vmul.f32 v32, v29;
	v44 =	vmul.f32 v44, v47;
	v56 =	vld [tilespmem:s0+$0x190A0];
	(xrf2) =	vadd.scan.msk.f32 $0xffff, v46;
	v46 =	vsub.f32 $1.500000000e+00, v58  }
0x49e: {  	v47 =	vadd.f32 v35, v33;
	v58 =	vmul.f32 v35, v35;
	v57 =	vadd.f32 v57, v59;
	v59 =	vld [tilespmem:s0+$0xFAB0]  }
0x49f: {  	v51 =	vmul.f32 v44, v51;
	v61 =	vld [tilespmem:s0+$0x190B0];
	(v2sf) =	vpush v55, $0xF;
	v55, _, _ =	vpop (xrf2);
	v45 =	vmul.f32 v45, v46  }
0x4a0: {  	v46 =	vadd.f32 v52, v60;
	v52 =	vmul.f32 v57, v57;
	(v2sf) =	vpush v55, $0xF  }
0x4a1: {  	v47 =	vadd.f32 v47, v49;
	v49 =	vadd.f32 v58, v53;
	v50 =	vmul.f32 v45, v50  }
0x4a2: {  	v53 =	vadd.f32 v56, v54;
	v54 =	vadd.f32 v46, v57;
	v56 =	vmul.f32 v46, v46  }
0x4a3: {  	v29 =	vmul.f32 v29, v32;
	v48 =	vadd.f32 v49, v48;
	(xrf2) =	vadd.scan.msk.f32 $0xffff, v47;
	v47 =	vmul.f32 v51, v44  }
0x4a4: {  	v49 =	vadd.f32 v61, v59;
	v51 =	vadd.f32 v56, v52;
	v52 =	vmul.f32 v53, v53;
	v55, _, _ =	vpop (xrf2)  }
0x4a5: {  	v29 =	vsub.f32 $1.500000000e+00, v29;
	v50 =	vmul.f32 v50, v45;
	(v2sf) =	vpush v55, $0xF  }
0x4a6: {  	v47 =	vsub.f32 $1.500000000e+00, v47;
	v55 =	vadd.f32 v49, v53;
	v56 =	vmul.f32 v49, v49;
	(xrf2) =	vadd.scan.msk.f32 $0xffff, v48  }
0x4a7: {  	v29 =	vmul.f32 v29, v32;
	v32 =	vsub.f32 $1.500000000e+00, v50;
	v50 =	vmov s8;
	v48, _, _ =	vpop (xrf2)  }
0x4a8: {  	v44 =	vmul.f32 v47, v44;
	v54 =	vadd.f32 v55, v54;
	v52 =	vadd.f32 v56, v52  }
0x4a9: {  	v32 =	vmul.f32 v32, v45;
	v45 =	vsub.f32 v11, v50;
	v11 =	vmovc v57;
	(v2sf) =	vpush v48, $0xF  }
0x4aa: {  	v24 =	vmul.f32 v29, v24;
	v48 =	vsub.f32 v12, v50;
	v47 =	vadd.f32 v52, v51;
	(xrf2) =	vadd.scan.msk.f32 $0xffff, v54  }
0x4ab: {  	v23 =	vmul.f32 v29, v23;
	v14 =	vsub.f32 v14, v50;
	v12 =	vmovc v46;
	v51 =	vsub.f32 v13, v50  }
0x4ac: {  	v21 =	vmul.f32 v29, v21;
	v46 =	vsub.f32 v8, v41;
	v8 =	vmovc v42;
	v50 =	vsub.f32 v10, v41  }
0x4ad: {  	v22 =	vmul.f32 v29, v22;
	v29 =	vsub.f32 v9, v41;
	v25 =	vmul.f32 v44, v25;
	v10, _, _ =	vpop (xrf2);
	(xrf2) =	vadd.scan.msk.f32 $0xffff, v47  }
0x4ae: {  	v9 =	vmovc v43;
	v27 =	vmul.f32 v44, v27;
	v26 =	vmul.f32 v44, v26;
	(v2sf) =	vpush v10, $0xF;
	s8 =	spop (v2sf);
	v10 =	vmovc v40  }
0x4af: {  	v20 =	vadd.f32 v20, v5;
	v28 =	vmul.f32 v44, v28;
	v13 =	vmovc v53;
	v40 =	vmul.f32 v32, v45;
	s9 =	smul.f32 $1.562500000e-02, s8;
	s8 =	spop (v2sf)  }
0x4b0: {  	v19 =	vadd.f32 v19, v7;
	v42 =	vmul.f32 v32, v48;
	v43 =	vmul.f32 v32, v51;
	s8 =	smul.f32 $1.562500000e-02, s8;
	v41, _, _ =	vpop (xrf2)  }
0x4b1: {  	v32 =	vmul.f32 v32, v14;
	v14 =	vmovc v49;
	s10 =	smul.f32 s9, s9;
	(v2sf) =	vpush v41, $0xF;
	v41 =	vmul.f32 v39, v46;
	[tilespmem:s31+$0x15EA0] =	vst v20  }
0x4b2: {  	v17 =	vadd.f32 v17, v3;
	v29 =	vmul.f32 v39, v29;
	v44 =	vmul.f32 v39, v50;
	[tilespmem:s31+$0x15EB0] =	vst v19  }
0x4b3: {  	v16 =	vadd.f32 v16, v4;
	v20 =	vmul.f32 v23, v0;
	v19 =	vmul.f32 v24, v2;
	s8 =	ssub.f32 s8, s10  }
0x4b4: {  	v45 =	vmul.f32 v22, v6;
	v39 =	vmul.f32 v21, v1;
	s10 =	spop (v2sf);
	v23, _, _ =	vpop (xrf2);
	[tilespmem:s31+$0x15EC0] =	vst v17;
	v17 =	vadd.f32 v18, v5  }
0x4b5: {  	v18 =	vmul.f32 v25, v2;
	v25 =	vmul.f32 v27, v0;
	s10 =	smul.f32 $1.562500000e-02, s10;
	s8 =	sadd.f32 $9.999999960e-13, s8;
	(v2sf) =	vpush v23, $0xF;
	[tilespmem:s31+$0x15ED0] =	vst v16  }
0x4b6: {  	v26 =	vmul.f32 v26, v1;
	v27 =	vmul.f32 v28, v6;
	v16 =	vadd.f32 v19, v3;
	[tilespmem:s31+$0x15EE0] =	vst v17;
	s31 =	smov.u32 s2;
	s2 =	smov.u32 s0  }
0x4b7: {  	v40 =	vmul.f32 v40, v2;
	s0 =	smul.f32 s10, s10;
	v17 =	vmov s10;
	v19 =	vmov s8;
	v21, _, _ =	vpop (xrf2)  }
0x4b8: {  	v22 =	vshrl.u32 v19, $0x1;
	v28 =	vmul.f32 $5.000000000e-01, v19;
	s8 =	spop (v2sf);
	(v2sf) =	vpush v21, $0xF;
	[tilespmem:s31+$0x15E00] =	vst v16  }
0x4b9: {  	v24 =	vsub.f32 v34, v17;
	v23 =	vsub.f32 v37, v17;
	s8 =	smul.f32 $1.562500000e-02, s8;
	v46 =	vsub.s32 $0x5F3759DF, v22  }
0x4ba: {  	v21 =	vsub.f32 v36, v17;
	v22 =	vsub.f32 v38, v17;
	v16 =	vmul.f32 v46, v28  }
0x4bb: {  	v42 =	vmul.f32 v42, v0;
	v17 =	vadd.f32 v20, v4;
	v20 =	vmul.f32 v43, v1;
	s8 =	ssub.f32 s8, s0  }
0x4bc: {  	v19 =	vmul.f32 v32, v6;
	v38 =	vadd.f32 v39, v5;
	s0 =	sshra.s32 s3, $0x2;
	v37 =	vmul.f32 v46, v16  }
0x4bd: {  	v32 =	vadd.f32 v45, v7;
	v16 =	vmul.f32 v44, v0;
	v34 =	vld [tilespmem:s0+$0xFAC0];
	s8 =	sadd.f32 $9.999999960e-13, s8;
	s10 =	spop (v2sf);
	[tilespmem:s31+$0x15E10] =	vst v17;
	v17 =	vmul.f32 v41, v2  }
0x4be: {  	v41 =	vadd.f32 v18, v3;
	v18 =	vmul.f32 v29, v1;
	v36 =	vld [tilespmem:s0+$0x190C0];
	s10 =	smul.f32 $1.562500000e-02, s10;
	v39 =	vsub.f32 $1.500000000e+00, v37;
	[tilespmem:s31+$0x15E20] =	vst v38  }
0x4bf: {  	v26 =	vadd.f32 v26, v5;
	v25 =	vadd.f32 v25, v4;
	v37 =	vld [tilespmem:s0+$0xFAD0];
	v29 =	vmov s8;
	[tilespmem:s31+$0x15E30] =	vst v32  }
0x4c0: {  	s8 =	smul.f32 s10, s10;
	s14 =	spop (v2sf)  }
0x4c1: {  	v38 =	vld [tilespmem:s0+$0x190D0];
	v32 =	vshrl.u32 v29, $0x1;
	v29 =	vmul.f32 $5.000000000e-01, v29;
	v39 =	vmul.f32 v46, v39;
	[tilespmem:s31+$0x15E40] =	vst v41;
	s14 =	smul.f32 $1.562500000e-02, s14  }
.Ltmp6:
0x4c2: {  	v44 =	vadd.f32 v27, v7;
	v41 =	vmov s10;
	v43 =	vld [tilespmem:s0+$0xFAE0];
	v32 =	vsub.s32 $0x5F3759DF, v32;
	[tilespmem:s31+$0x15E50] =	vst v25;
	(pc) =	sbr.rel @p1 .LBB2_11-.Ltmp6, $4  }
0x4c3: {  	v25 =	vsub.f32 v30, v41;
	v45 =	vld [tilespmem:s0+$0x190E0];
	v47 =	vmul.f32 v32, v29;
	v30 =	vmul.f32 v39, v28;
	[tilespmem:s31+$0x15E60] =	vst v26  }
0x4c4: {  	v27 =	vsub.f32 v31, v41;
	v26 =	vsub.f32 v33, v41;
	v46 =	vld [tilespmem:s0+$0xFAF0];
	s8 =	ssub.f32 s14, s8;
	[tilespmem:s31+$0x15E70] =	vst v44  }
0x4c5: {  	v28 =	vsub.f32 v35, v41;
	v49 =	vld [tilespmem:s0+$0x190F0];
	v48 =	vmul.f32 v32, v47;
	v31 =	vmul.f32 v30, v39;
	s14 =	spop (v2sf)  }
0x4c6: {  	s3 =	sadd.s32 $0x400, s3;
	v33 =	vadd.f32 v40, v3;
	v30 =	vadd.f32 v42, v4;
	v35 =	vld [tilespmem:s0+$0xFA00];
	s10 =	sadd.f32 $9.999999960e-13, s8;
	s8 =	smul.f32 $1.562500000e-02, s14  }
0x4c7: {  	v40 =	vld [tilespmem:s0+$0x19000];
	v31 =	vsub.f32 $1.500000000e+00, v31  }
0x4c8: {  	v41 =	vld [tilespmem:s0+$0xFA10];
	v47 =	vmov s9;
	[tilespmem:s31+$0x15E80] =	vst v33  }
0x4c9: {  	v15 =	vsub.f32 v15, v47;
	v42 =	vld [tilespmem:s0+$0x19010];
	[tilespmem:s31+$0x15E90] =	vst v30;
	v44 =	vmul.f32 v31, v39  }
0x4ca: {  	v39 =	vld [tilespmem:s0+$0xFA20]  }
0x4cb: {  	v50 =	vld [tilespmem:s0+$0x19020];
	v15 =	vmul.f32 v44, v15  }
0x4cc: {  	v51 =	vld [tilespmem:s0+$0xFA30]  }
0x4cd: {  	v52 =	vld [tilespmem:s0+$0x19030];
	v15 =	vmul.f32 v15, v6  }
0x4ce: {  	v31 =	vadd.f32 v36, v34;
	v53 =	vld [tilespmem:s0+$0xFA40]  }
0x4cf: {  	v30 =	vadd.f32 v38, v37;
	v54 =	vld [tilespmem:s0+$0x19040];
	v55 =	vadd.f32 v15, v7  }
0x4d0: {  	v56 =	vld [tilespmem:s0+$0xFA50];
	v33 =	vadd.f32 v49, v46  }
0x4d1: {  	v34 =	vld [tilespmem:s0+$0x19050];
	v62 =	vmul.f32 v31, v31;
	v38 =	vmul.f32 v30, v30;
	v15 =	vadd.f32 v45, v43;
	[tilespmem:s2+$0x15EF0] =	vst v55  }
0x4d2: {  	v36 =	vadd.f32 v30, v31;
	v49 =	vld [tilespmem:s0+$0xFA60]  }
0x4d3: {  	v46 =	vmul.f32 v33, v33;
	v60 =	vadd.f32 v38, v62;
	v43 =	vmul.f32 v15, v15;
	v57 =	vld [tilespmem:s0+$0x19060]  }
0x4d4: {  	v45 =	vadd.f32 v40, v35;
	v63 =	vadd.f32 v33, v15;
	v37 =	vld [tilespmem:s0+$0xFA70]  }
0x4d5: {  	v58 =	vld [tilespmem:s0+$0x19070];
	v61 =	vadd.f32 v46, v43;
	v46 =	vadd.f32 v42, v41  }
0x4d6: {  	v38 =	vld [tilespmem:s0+$0x19080];
	v42 =	vadd.f32 v50, v39;
	v43 =	vadd.f32 v52, v51  }
0x4d7: {  	s28 =	spop (v2sf);
	s3 =	smul.f32 s8, s8;
	v40 =	vadd.f32 v54, v53;
	v55 =	vld [tilespmem:s0+$0xFA90];
	v36 =	vadd.f32 v63, v36  }
0x4d8: {  	s9 =	smul.f32 $1.562500000e-02, s28;
	v53 =	vld [tilespmem:s0+$0x19090];
	v52 =	vmul.f32 v45, v45;
	v39 =	vadd.f32 v46, v45;
	v41 =	vadd.f32 v43, v42  }
0x4d9: {  	v50 =	vld [tilespmem:s0+$0xFA80];
	v35 =	vadd.f32 v61, v60;
	v59 =	vmul.f32 v46, v46;
	v60 =	vmul.f32 v42, v42  }
0x4da: {  	s3 =	ssub.f32 s9, s3;
	(xrf2) =	vadd.scan.msk.f32 $0xffff, v36;
	v36 =	vmul.f32 v43, v43;
	v54 =	vadd.f32 v41, v39;
	v41 =	vadd.f32 v34, v56;
	v56 =	vld [tilespmem:s0+$0xFAA0]  }
0x4db: {  	v39 =	vadd.f32 v57, v49;
	v37 =	vadd.f32 v58, v37;
	v49 =	vld [tilespmem:s0+$0x190A0]  }
0x4dc: {  	s3 =	sadd.f32 $9.999999960e-13, s3;
	v51 =	vmov s10;
	(xrf2) =	vadd.scan.msk.f32 $0xffff, v35;
	v62 =	vadd.f32 v59, v52;
	v36 =	vadd.f32 v36, v60;
	v52 =	vld [tilespmem:s0+$0xFAB0]  }
0x4dd: {  	v35 =	vmul.f32 v40, v40;
	v59 =	vld [tilespmem:s0+$0x190B0];
	v57 =	vadd.f32 v41, v40;
	v58 =	vmul.f32 v41, v41  }
0x4de: {  	v63 =	vmov s3;
	(xrf2) =	vadd.scan.msk.f32 $0xffff, v54;
	v54 =	vadd.f32 v37, v39;
	v34 =	vadd.f32 v36, v62  }
0x4df: {  	v36 =	vmul.f32 v39, v39;
	v60 =	vmul.f32 v37, v37;
	v58 =	vadd.f32 v58, v35  }
0x4e0: {  	v61 =	vshrl.u32 v51, $0x1;
	v54 =	vadd.f32 v54, v57;
	(xrf2) =	vadd.scan.msk.f32 $0xffff, v34;
	v34 =	vadd.f32 v38, v50  }
0x4e1: {  	v62 =	vshrl.u32 v63, $0x1;
	v60 =	vadd.f32 v60, v36;
	v35 =	vadd.f32 v53, v55  }
0x4e2: {  	v36 =	vadd.f32 v49, v56;
	v49 =	vmul.f32 $5.000000000e-01, v63;
	v38 =	vadd.f32 v59, v52;
	(xrf2) =	vadd.scan.msk.f32 $0xffff, v54  }
0x4e3: {  	v63 =	vadd.f32 v60, v58;
	v54 =	vmul.f32 v34, v34;
	v57 =	vmul.f32 v35, v35  }
0x4e4: {  	v50 =	vsub.s32 $0x5F3759DF, v62;
	v56 =	vadd.f32 v35, v34;
	v58 =	vadd.f32 v38, v36  }
0x4e5: {  	v55 =	vmul.f32 v36, v36;
	v59 =	vmul.f32 v38, v38;
	v60, _, _ =	vpop (xrf2);
	(xrf2) =	vadd.scan.msk.f32 $0xffff, v63;
	v54 =	vadd.f32 v57, v54  }
0x4e6: {  	v52 =	vsub.s32 $0x5F3759DF, v61;
	(v2sf) =	vpush v60, $0xF;
	v61 =	vadd.f32 v58, v56;
	v53, _, _ =	vpop (xrf2)  }
0x4e7: {  	v62 =	vmul.f32 v50, v49;
	v55 =	vadd.f32 v59, v55;
	(v2sf) =	vpush v53, $0xF  }
0x4e8: {  	v48 =	vsub.f32 $1.500000000e+00, v48;
	(xrf2) =	vadd.scan.msk.f32 $0xffff, v61;
	v63, _, _ =	vpop (xrf2)  }
0x4e9: {  	v54 =	vadd.f32 v55, v54;
	(v2sf) =	vpush v63, $0xF  }
0x4ea: {  	v20 =	vadd.f32 v20, v5;
	v19 =	vadd.f32 v19, v7;
	v51 =	vmul.f32 $5.000000000e-01, v51  }
0x4eb: {  	v17 =	vadd.f32 v17, v3;
	v32 =	vmul.f32 v32, v48;
	v61 =	vmul.f32 v50, v62;
	(xrf2) =	vadd.scan.msk.f32 $0xffff, v54;
	v62, _, _ =	vpop (xrf2)  }
0x4ec: {  	v8 =	vsub.f32 v8, v47;
	v60 =	vmul.f32 v52, v51;
	(v2sf) =	vpush v62, $0xF;
	v57, _, _ =	vpop (xrf2)  }
0x4ed: {  	v10 =	vsub.f32 v10, v47;
	v29 =	vmul.f32 v32, v29;
	(v2sf) =	vpush v57, $0xF  }
0x4ee: {  	v9 =	vsub.f32 v9, v47;
	v8 =	vmul.f32 v44, v8;
	v60 =	vmul.f32 v52, v60  }
0x4ef: {  	v16 =	vadd.f32 v16, v4;
	v10 =	vmul.f32 v44, v10;
	v29 =	vmul.f32 v29, v32;
	v59, _, _ =	vpop (xrf2)  }
0x4f0: {  	v9 =	vmul.f32 v44, v9;
	v63 =	vsub.f32 $1.500000000e+00, v60;
	(v2sf) =	vpush v59, $0xF  }
0x4f1: {  	v8 =	vmul.f32 v8, v2;
	v29 =	vsub.f32 $1.500000000e+00, v29;
	v53 =	vsub.f32 $1.500000000e+00, v61  }
0x4f2: {  	v18 =	vadd.f32 v18, v5;
	v10 =	vmul.f32 v10, v0;
	v58 =	vmul.f32 v52, v63;
	v60, _, _ =	vpop (xrf2)  }
0x4f3: {  	v29 =	vmul.f32 v29, v32;
	v50 =	vmul.f32 v50, v53;
	(v2sf) =	vpush v60, $0xF  }
0x4f4: {  	v9 =	vmul.f32 v9, v1;
	v8 =	vadd.f32 v8, v3;
	v51 =	vmul.f32 v58, v51  }
0x4f5: {  	v10 =	vadd.f32 v10, v4;
	v24 =	vmul.f32 v29, v24;
	v49 =	vmul.f32 v50, v49;
	v62, _, _ =	vpop (xrf2);
	s9 =	spop (v2sf)  }
0x4f6: {  	v23 =	vmul.f32 v29, v23;
	v51 =	vmul.f32 v51, v58;
	(v2sf) =	vpush v62, $0xF;
	s3 =	smul.f32 $1.562500000e-02, s9;
	s10 =	spop (v2sf)  }
0x4f7: {  	v21 =	vmul.f32 v29, v21;
	v61 =	vmov s8;
	v49 =	vmul.f32 v49, v50;
	s8 =	smul.f32 $1.562500000e-02, s10  }
0x4f8: {  	v22 =	vmul.f32 v29, v22;
	v24 =	vmul.f32 v24, v2;
	v51 =	vsub.f32 $1.500000000e+00, v51;
	s15 =	smul.f32 s3, s3;
	s14 =	spop (v2sf)  }
0x4f9: {  	v23 =	vmul.f32 v23, v0;
	v21 =	vmul.f32 v21, v1;
	v49 =	vsub.f32 $1.500000000e+00, v49;
	s9 =	smul.f32 $1.562500000e-02, s14  }
0x4fa: {  	v22 =	vmul.f32 v22, v6;
	v24 =	vadd.f32 v24, v3;
	v48 =	vmul.f32 v51, v58;
	s8 =	ssub.f32 s8, s15  }
0x4fb: {  	v11 =	vsub.f32 v11, v61;
	v12 =	vsub.f32 v12, v61;
	v49 =	vmul.f32 v49, v50;
	s14 =	spop (v2sf);
	s28 =	smul.f32 s9, s9  }
0x4fc: {  	v13 =	vsub.f32 v13, v61;
	v25 =	vmul.f32 v48, v25;
	v27 =	vmul.f32 v48, v27;
	s14 =	smul.f32 $1.562500000e-02, s14;
	s15 =	spop (v2sf)  }
0x4fd: {  	v14 =	vsub.f32 v14, v61;
	v26 =	vmul.f32 v48, v26;
	v28 =	vmul.f32 v48, v28;
	s15 =	smul.f32 $1.562500000e-02, s15  }
0x4fe: {  	v23 =	vadd.f32 v23, v4;
	v11 =	vmul.f32 v49, v11;
	v12 =	vmul.f32 v49, v12;
	s10 =	ssub.f32 s14, s28  }
0x4ff: {  	v21 =	vadd.f32 v21, v5;
	v13 =	vmul.f32 v49, v13;
	v14 =	vmul.f32 v49, v14;
	s14 =	spop (v2sf);
	s28 =	smul.f32 s15, s15  }
0x500: {  	v25 =	vmul.f32 v25, v2;
	v27 =	vmul.f32 v27, v0;
	s8 =	sadd.f32 $9.999999960e-13, s8;
	v63 =	vmov s9;
	s9 =	smul.f32 $1.562500000e-02, s14  }
0x501: {  	v22 =	vadd.f32 v22, v7;
	v26 =	vmul.f32 v26, v1;
	v28 =	vmul.f32 v28, v6  }
0x502: {  	v11 =	vmul.f32 v11, v2;
	v12 =	vmul.f32 v12, v0;
	v51 =	vmov s8;
	s8 =	ssub.f32 s9, s28;
	s28 =	spop (v2sf)  }
0x503: {  	[tilespmem:s31+$0x15EE0] =	vst v18;
	v18 =	vmov s3;
	v53 =	vshrl.u32 v51, $0x1;
	v32 =	vmul.f32 $5.000000000e-01, v51;
	s14 =	smul.f32 $1.562500000e-02, s28  }
0x504: {  	v13 =	vmul.f32 v13, v1;
	v31 =	vsub.f32 v31, v18;
	s10 =	sadd.f32 $9.999999960e-13, s10;
	v47 =	vsub.s32 $0x5F3759DF, v53  }
0x505: {  	v30 =	vsub.f32 v30, v18;
	v49 =	vmov s15;
	v54 =	vmul.f32 v47, v32;
	s15 =	spop (v2sf);
	s9 =	smul.f32 s14, s14  }
0x506: {  	v25 =	vadd.f32 v25, v3;
	v27 =	vadd.f32 v27, v4;
	v52 =	vmov s10;
	s10 =	smul.f32 $1.562500000e-02, s15  }
0x507: {  	v26 =	vadd.f32 v26, v5;
	v28 =	vadd.f32 v28, v7;
	v56 =	vmul.f32 v47, v54;
	s8 =	sadd.f32 $9.999999960e-13, s8  }
0x508: {  	v14 =	vmul.f32 v14, v6;
	v45 =	vsub.f32 v45, v63;
	v46 =	vsub.f32 v46, v63;
	s9 =	ssub.f32 s10, s9  }
0x509: {  	v29 =	vsub.f32 v43, v63;
	v43 =	vsub.f32 $1.500000000e+00, v56;
	v55 =	vmov s8  }
0x50a: {  	v57 =	vshrl.u32 v52, $0x1;
	v58 =	vshrl.u32 v55, $0x1;
	v50 =	vmul.f32 $5.000000000e-01, v55;
	s9 =	sadd.f32 $9.999999960e-13, s9  }
0x50b: {  	v44 =	vmul.f32 $5.000000000e-01, v52;
	v43 =	vmul.f32 v47, v43;
	v48 =	vsub.s32 $0x5F3759DF, v58  }
0x50c: {  	v47 =	vsub.s32 $0x5F3759DF, v57;
	v62 =	vmul.f32 v48, v50;
	v59 =	vmov s9  }
0x50d: {  	v61 =	vmul.f32 v47, v44;
	v60 =	vshrl.u32 v59, $0x1;
	v51 =	vmul.f32 $5.000000000e-01, v59  }
0x50e: {  	[tilespmem:s31+$0x15EA0] =	vst v20;
	v32 =	vmul.f32 v43, v32;
	v58 =	vmul.f32 v48, v62;
	v52 =	vsub.s32 $0x5F3759DF, v60  }
0x50f: {  	[tilespmem:s31+$0x15EB0] =	vst v19;
	v42 =	vsub.f32 v42, v63;
	v57 =	vmul.f32 v47, v61;
	v63 =	vmul.f32 v52, v51  }
0x510: {  	[tilespmem:s31+$0x15EC0] =	vst v17;
	v11 =	vadd.f32 v11, v3;
	v32 =	vmul.f32 v32, v43;
	v61 =	vsub.f32 $1.500000000e+00, v58  }
0x511: {  	[tilespmem:s31+$0x15ED0] =	vst v16;
	v12 =	vadd.f32 v12, v4;
	v60 =	vsub.f32 $1.500000000e+00, v57;
	v59 =	vmul.f32 v52, v63  }
0x512: {  	[tilespmem:s2+$0x15E00] =	vst v24;
	v20 =	vsub.f32 v40, v49;
	v62 =	vsub.f32 $1.500000000e+00, v32;
	v40 =	vmul.f32 v48, v61  }
0x513: {  	[tilespmem:s2+$0x15E10] =	vst v23;
	v13 =	vadd.f32 v13, v5;
	v17 =	vmul.f32 v47, v60;
	v63 =	vsub.f32 $1.500000000e+00, v59  }
0x514: {  	[tilespmem:s2+$0x15E20] =	vst v21;
	v16 =	vmul.f32 v62, v43;
	v43 =	vsub.f32 v33, v18;
	v48 =	vmul.f32 v40, v50  }
0x515: {  	[tilespmem:s2+$0x15E30] =	vst v22;
	v14 =	vadd.f32 v14, v7;
	v47 =	vmul.f32 v17, v44;
	v32 =	vmul.f32 v52, v63  }
0x516: {  	[tilespmem:s2+$0x15E40] =	vst v25;
	v19 =	vsub.f32 v41, v49;
	v24 =	vmul.f32 v16, v43;
	v52 =	vmul.f32 v48, v40  }
0x517: {  	[tilespmem:s2+$0x15E50] =	vst v27;
	v23 =	vsub.f32 v39, v49;
	v50 =	vmul.f32 v32, v51;
	v51 =	vmul.f32 v47, v17  }
0x518: {  	[tilespmem:s2+$0x15E60] =	vst v26;
	v49 =	vsub.f32 v37, v49;
	v24 =	vmul.f32 v24, v6;
	v54 =	vsub.f32 $1.500000000e+00, v52  }
0x519: {  	[tilespmem:s2+$0x15E70] =	vst v28;
	v39 =	vsub.f32 v15, v18;
	v55 =	vmov s14;
	v22 =	vsub.f32 $1.500000000e+00, v51  }
0x51a: {  	[tilespmem:s2+$0x15E80] =	vst v11;
	v26 =	vsub.f32 v38, v55;
	v24 =	vadd.f32 v24, v7;
	v56 =	vmul.f32 v54, v40  }
0x51b: {  	[tilespmem:s2+$0x15E90] =	vst v12;
	v38 =	vadd.f32 v9, v5;
	v53 =	vmul.f32 v50, v32;
	v17 =	vmul.f32 v22, v17  }
0x51c: {  	v60 =	vsub.f32 v36, v55;
	[tilespmem:s0+$0x15EF0] =	vst v24;
	v36 =	vmul.f32 v56, v20;
	v44 =	vmul.f32 v56, v23  }
0x51d: {  	v57 =	vsub.f32 v34, v55;
	[tilespmem:s2+$0x15EA0] =	vst v13;
	v61 =	vmul.f32 v17, v45;
	v62 =	vmul.f32 v17, v46  }
0x51e: {  	v59 =	vsub.f32 v35, v55;
	[tilespmem:s2+$0x15EB0] =	vst v14;
	v63 =	vmul.f32 v17, v42;
	v14 =	vmul.f32 v36, v2  }
0x51f: {  	[tilespmem:s2+$0x15EC0] =	vst v8;
	v25 =	vsub.f32 $1.500000000e+00, v53;
	v35 =	vmul.f32 v17, v29;
	v17 =	vmul.f32 v44, v1  }
0x520: {  	[tilespmem:s2+$0x15ED0] =	vst v10;
	v46 =	vmul.f32 v56, v49;
	v12 =	vmul.f32 v61, v2;
	v49 =	vadd.f32 v14, v3  }
0x521: {  	[tilespmem:s2+$0x15EE0] =	vst v38;
	v58 =	vmul.f32 v25, v32;
	v37 =	vmul.f32 v62, v0;
	v17 =	vadd.f32 v17, v5  }
0x522: {  	v42 =	vmul.f32 v56, v19;
	v40 =	vmul.f32 v63, v1;
	v41 =	vadd.f32 v12, v3;
	[tilespmem:s0+$0x15E40] =	vst v49  }
0x523: {  	v56 =	vmul.f32 v16, v31;
	v13 =	vmul.f32 v35, v6;
	v43 =	vadd.f32 v37, v4;
	[tilespmem:s0+$0x15E60] =	vst v17  }
0x524: {  	v48 =	vmul.f32 v58, v57;
	v15 =	vmul.f32 v46, v6;
	v45 =	vadd.f32 v40, v5;
	[tilespmem:s0+$0x15E00] =	vst v41  }
0x525: {  	v52 =	vmul.f32 v58, v60;
	v60 =	vmul.f32 v56, v2;
	v47 =	vadd.f32 v13, v7;
	[tilespmem:s0+$0x15E10] =	vst v43  }
0x526: {  	v50 =	vmul.f32 v58, v59;
	v12 =	vmul.f32 v42, v0;
	v55 =	vadd.f32 v15, v7;
	[tilespmem:s0+$0x15E20] =	vst v45  }
0x527: {  	v53 =	vmul.f32 v58, v26;
	v13 =	vmul.f32 v48, v2;
	v2 =	vadd.f32 v60, v3;
	[tilespmem:s0+$0x15E30] =	vst v47  }
0x528: {  	v57 =	vmul.f32 v16, v30;
	v54 =	vmul.f32 v50, v0;
	v51 =	vadd.f32 v12, v4;
	[tilespmem:s0+$0x15E70] =	vst v55  }
0x529: {  	v9 =	vmul.f32 v16, v39;
	v58 =	vmul.f32 v53, v6;
	v13 =	vadd.f32 v13, v3;
	[tilespmem:s0+$0x15EC0] =	vst v2  }
0x52a: {  	v62 =	vmul.f32 v57, v0;
	v59 =	vadd.f32 v54, v4;
	[tilespmem:s0+$0x15E50] =	vst v51  }
0x52b: {  	v63 =	vmul.f32 v9, v1;
	v6 =	vadd.f32 v58, v7;
	[tilespmem:s0+$0x15E80] =	vst v13  }
0x52c: {  	v12 =	vmul.f32 v52, v1;
	v0 =	vadd.f32 v62, v4;
	[tilespmem:s0+$0x15E90] =	vst v59  }
.Ltmp7:
0x52d: {  	s28 =	sadd.s32 s30, s13;
	v1 =	vadd.f32 v63, v5;
	[tilespmem:s0+$0x15EB0] =	vst v6;
	(pc) =	sbr.rel @p0 .LBB2_14-.Ltmp7, $4  }
0x52e: {  	s2 =	sshll.u32 s28, $0x3;
	v61 =	vadd.f32 v12, v5;
	[tilespmem:s0+$0x15ED0] =	vst v0  }
0x52f: {  	s2 =	sand.u32 $0x1FFFFFC0, s2;
	[tilespmem:s0+$0x15EE0] =	vst v1  }
0x530: {  	s31 =	sadd.s32 s4, s2;
	[tilespmem:s0+$0x15EA0] =	vst v61  }
0x531: {  	[hbm4b:s31+s5] =	stream.linear.scatter [tilespmem:s21], [sflag:$0x6], $0x3200, $0x38;
	[tilespmem:$0x1C2C0] =	vst v63  }
.Ltmp8:
0x532: {  	(pc) =	sbr.rel .LBB2_4-.Ltmp8, $4  }
0x533: {  	s0 =	sadd.s32 $0x578, s30  }
0x534: {  	[tilespmem:s1], [sflag:$0x4] =	stream.indirect.gather [hbm4b:s7+s20], $0x40, s0, s20, $0xb8;
	[tilespmem:$0x1C2C0] =	vst v63  }
0x535: {  	s31 =	sadd.s32 $0x5E0, s30;
	s29 =	sadd.s32 $0x1, s29  }
0x536: {  	[tilespmem:s16], [sflag:$0x4] =	stream.indirect.gather [hbm4b:s7+s22], $0x40, s31, s22, $0xb8;
	[tilespmem:$0x1C2C0] =	vst v63  }
.LBB2_15:
0x537: {  	_ =	sfence.sel $0x180000  }
0x538: {  	[bflag:$0x0] =	sbarrier.arrive $0xFFFF  }
0x539: {  	_ =	strace $0x90000047  }
0x53a: {  	s0 =	stileid.u32;
	[bflag:$0x2] =	sbarrier.arrive $0xFFFF  }
0x53b: {  	p0 =	sne.s32 s0, $0x0;
	s0 =	rddreg [dreg:$0x4]  }
0x53c: {  	s0 =	sadd.s32 @!p0 $0x100000, s0  }
0x53d: {  	[sflag:s0] =	ssyncadd.tile.s32 @!p0 $0x1;
	_ =	shalt  }
.Lfunc_end2:
_tile_overlayer_lowered:
.L_overlay_start_2:
0x53e: {  	(tag) =	ssettag $0x2  }
0x53f: {  	s0 =	rddreg [dreg:$0x0];
	s2 =	stileid.u32  }
0x540: {  	s1 =	rddreg [dreg:$0x1];
	p0 =	sne.s32 s2, $0x0  }
0x541: {  	s3 =	rddreg [dreg:$0x2];
	[bflag:$0x3] =	sbarrier.arrive $0xFFFF;
	s2 =	simm.s32 @!p0 $0x1C07  }
0x542: {  	[timem:s3], [sflag:s2] =	dma.local @!p0 [hbm:s0], s1  }
0x543: {  	s0 =	simm.s32 @!p0 $0x7  }
0x544: {  	_ =	swait.ge @!p0 [sflag:s0], s1  }
0x545: {  	s1 =	ssub.s32 @!p0 $0x0, s1;
	[sflag:s0] =	ssyncset.done @!p0 $0x0  }
0x546: {  	[sflag:s0] =	ssyncadd.s32 @!p0 s1  }
0x547: {  	[bflag:$0x3] =	sbarrier.arrive $0xFFFF  }
0x548: {  	_ =	shalt  }

// kernel: sparse-core-data-format-call.cloned.1.call-start
scs
called_computation_lowered:
.L_overlay_start_0:
0x0: {  	s2 =	sld [smem:$0x3FD9]  }
0x1: {  	s3 =	sld [smem:$0x3FFE];
	_ =	sdelay $0x1  }
0x2: {  	s1 =	srdreg.scid  }
0x3: {  	s0 =	sand.u32 $0x1, s1  }
0x4: {  	s18 =	sshll.u32 s0, $0xA;
	s2 =	sadd.s32 s3, s2  }
0x5: {  	s2 =	sadd.s32 s2, s18  }
0x6: {  	[smem:$0x3FC2] =	sst s2  }
0x7: {  	_ = 	snop  }
0x8: {  	s2 =	sld [smem:$0x3FD0];
	(tm) =	ssettm $0x1  }
0x9: {  	s19 =	sld [smem:$0x3FFB];
	_ =	sdelay $0x3  }
0xa: {  	_ =	strace s19  }
0xb: {  	s3 =	sld [smem:$0x3FFC];
	_ =	sdelay $0x3  }
0xc: {  	_ =	strace s3  }
0xd: {  	s3 =	sld [smem:$0x3FFD];
	_ =	sdelay $0x3  }
0xe: {  	_ =	strace s3  }
0xf: {  	_ =	strace $0x8FFFFFFF  }
0x10: {  	s20 =	sld [smem:$0x3FDB];
	_ =	sdelay $0x1  }
0x11: {  	s4 =	simm.s32 $_scs_section_size  }
0x12: {  	s5 =	simm.s32 $_size__tile_overlayer_lowered;
	s6 =	simm.s32 $_tile_overlayer_lowered  }
0x13: {  	s23 =	simm.s32 $0x1BFF;
	s22 =	sshll.u32 s6, $0x1;
	s3 =	sadd.s32 s4, s20  }
0x14: {  	s7 =	simm.s32 $0x0;
	s21 =	sshll.u32 s5, $0x1;
	s5 =	sadd.s32 s22, s3  }
0x15: {  	[timem:s7], [sflag:s23] =	dma.local [hbm:s5], s21  }
0x16: {  	_ =	swait.ge [sflag:s23], s21  }
0x17: {  	s4 =	ssub.s32 $0x0, s21;
	[sflag:s23] =	ssyncset.done $0x0  }
0x18: {  	[sflag:s23] =	ssyncadd.s32 s4;
	_ =	sdelay $0x1  }
0x19: {  	s24 =	simm.s32 $0x1B8B  }
0x1a: {  	_ =	swait.ge [sflag:s24], $0x1  }
0x1b: {  	[sflag:s24] =	ssyncset.done $0x0  }
0x1c: {  	s26 =	simm.s32 $0x1B8E;
	s25 =	sld [smem:$0x3FFE];
	[sflag:s24] =	ssyncadd.s32 $0xFFFFFFFF  }
0x1d: {  	s27 =	simm.s32 $execute0_lowered;
	[smem:$0x3FD2] =	sst s26  }
0x1e: {  	s5 =	sshll.u32 s27, $0x1;
	_ =	strace $0x80000049;
	[dreg:$0x1] =	wrdreg $0xFFFFFFFF  }
0x1f: {  	s28 =	simm.s32 $_size_execute0_lowered;
	s3 =	sadd.s32 s3, s5;
	[dreg:$0x0] =	wrdreg $0x0  }
0x20: {  	s5 =	sshll.u32 s28, $0x1;
	[dreg:$0x2] =	wrdreg s3  }
0x21: {  	[dreg:$0x3] =	wrdreg s5  }
0x22: {  	[dreg:$0x4] =	wrdreg $0xC0  }
0x23: {  	_ =	task [dreg:s7], $0x5FFFF  }
0x24: {  	[dreg:$0x1] =	wrdreg $0xFFFFFFFF  }
0x25: {  	[dreg:$0x0] =	wrdreg $0x60  }
0x26: {  	[dreg:$0x2] =	wrdreg s25  }
0x27: {  	[dreg:$0x3] =	wrdreg s2  }
0x28: {  	[dreg:$0x4] =	wrdreg $0x9  }
0x29: {  	_ =	task.clear_ibuf [dreg:s7], $0x5FFFF;
	_ =	strace $0x90000049  }
0x2a: {  	s29 =	simm.s32 $0x9;
	_ =	strace $0x8000004B  }
0x2b: {  	_ =	swait.ge [sflag:s29], $0x1  }
0x2c: {  	[sflag:s29] =	ssyncadd.s32 $0xFFFFFFFF  }
0x2d: {  	_ =	strace $0x9000004B  }
0x2e: {  	_ =	sfence  }
0x2f: {  	s30 =	sld [smem:$0x0];
	_ =	sdelay $0x2  }
0x30: {  	s31 =	sshll.u32 s1, $0xD;
	s1 =	sshrl.u32 s1, $0x2  }
0x31: {  	s3 =	sand.u32 $0x4000, s31;
	s1 =	sadd.s32 s1, s30  }
0x32: {  	s0 =	sor.u32 s3, s0;
	s1 =	sshll.u32 s1, $0x11  }
0x33: {  	s0 =	sor.u32 s1, s0  }
0x34: {  	s0 =	sadd.s32 $0x8F2B, s0  }
0x35: {  	[sflag:s0] =	ssyncadd.remote.s32 $0x1  }
0x36: {  	_ =	sfence.sel $0xFFFF  }
0x37: {  	[dreg:$0x0] =	wrdreg $0xFFFFFFFF;
	(pc) =	sbr.abs _section_cstart, $3  }
0x38: {  	[dreg:$0x1] =	wrdreg $0xFFFFFFFF  }
0x39: {  	_ =	task.clear_ibuf [dreg:s7], $0x2FFFF;
	_ =	strace $0x9FFFFFFF  }
0x3a: {  	(tm) =	ssettm $0x7FFFFFFF  }
0x3b: {  	_ =	shalt  }
tec
execute0_lowered:
.L_overlay_start_1:
0x0: {  	(tag) =	ssettag $0x1  }
0x1: {  	s0 =	srdreg.scid  }
0x2: {  	s1 =	sshll.u32 s0, $0x4  }
0x3: {  	s0 =	stileid.u32;
	s1 =	sand.u32 $0x10, s1  }
0x4: {  	s1 =	sor.u32 s0, s1  }
0x5: {  	s6 =	rddreg [dreg:$0x0];
	s4 =	simm.s32 $0x1;
	s2 =	sshll.u32 s1, $0x7  }
0x6: {  	s7 =	simm.s32 $0x2;
	s12 =	simm.s32 $0x0;
	s1 =	ssub.s32 $0x1000, s2  }
0x7: {  	s8 =	simm.s32 $0x8000;
	s13 =	simm.s32 $0x0;
	s3 =	sand.u32 $0xF80, s1  }
0x8: {  	s9 =	simm.s32 $0x0;
	s5 =	sshrl.u32 s1, $0xC;
	p0 =	sne.s32 s3, $0x0  }
.Ltmp0:
0x9: {  	s1 =	rddreg [dreg:$0x2];
	s4 =	simm.s32 @!p0 $0x0;
	(pc) =	sbr.rel .LBB1_1-.Ltmp0, $4  }
0xa: {  	s11 =	simm.s32 $0x0;
	s3 =	rddreg [dreg:$0x1];
	s5 =	sadd.s32 s4, s5  }
0xb: {  	_ =	strace $0x8000004A;
	s4 =	simm.s32 $0x1;
	s5 =	smul.u32 $0xC8, s5  }
0xc: {  	s6 =	sadd.s32 $0xE00, s6;
	s10 =	smov.u32 s2;
	[sflag:s4] =	ssyncpa.u1 $0x0  }
0xd: {  	p0 =	por $0x0, $0x0;
	[sflag:s7] =	ssyncpa.u1 $0x0;
	s7 =	sor.u32 $0x1, s5  }
.LBB1_4:
0xe: {  	s16 =	sshll.u32 s13, $0x3;
	s17 =	sand.u32 $0x78, s13  }
0xf: {  	s30 =	sand.u32 $0x7E00, s13;
	s12 =	sshll.u32 s12, $0xF;
	s16 =	sand.u32 $0xC00, s16  }
0x10: {  	[tilespmem:s15+$0x810 ss:$0x81] =	vst.msk $0xffff, v2;
	s31 =	sand.u32 $0x7, s13;
	s16 =	sor.u32 s17, s16;
	s17 =	sadd.s32 s3, s30  }
0x11: {  	[tilespmem:s15+$0x1020 ss:$0x81] =	vst.msk $0xffff, v0;
	s13 =	sshll.u32 s31, $0x12;
	s12 =	sadd.s32 s12, s17;
	s16 =	sshrl.u32 s16, $0x3  }
0x12: {  	[tilespmem:s15+$0x0 ss:$0x81] =	vst.msk $0xffff, v1;
	s13 =	sor.u32 $0x400, s13;
	s12 =	sadd.s32 s16, s12  }
0x13: {  	[hbm4b:s12+s13] =	stream.strided.scatter [tilespmem:s14], [sflag:$0x2], $0x2000, s8, s13, $0x20;
	[tilespmem:$0x8080] =	vst v63  }
.LBB1_5:
0x14: {  	s14 =	sadd.s32 $0x1, s9  }
0x15: {  	s12 =	sadd.s32 $0x1000, s10;
	s16 =	smov.u32 s10;
	p2 =	sgt.s32 s14, $0xC7  }
0x16: {  	s16 =	smov.u32 @p2 s12  }
0x17: {  	s14 =	simm.s32 @p2 $0x0;
	p2 =	sgt.s32 s16, $0xFFF  }
0x18: {  	s16 =	smov.u32 @p2 s2;
	p2 =	sne.s32 s11, s7  }
.Ltmp1:
0x19: {  	p1 =	slt.u32 s11, $0x2;
	(pc) =	sbr.rel @!p2 .LBB1_6-.Ltmp1, $4  }
0x1a: {  	s15 =	simm.s32 @!p1 $0x2  }
0x1b: {  	s13 =	smov.u32 s10;
	p0 =	por !p0, !p0;
	_ =	swait.ge @!p1 [sflag:s15], $0x2000  }
0x1c: {  	s12 =	smov.u32 s9;
	[sflag:s15] =	ssyncset.done @!p1 $0x0;
	s9 =	smov.u32 s14  }
0x1d: {  	s11 =	sadd.s32 $0x1, s11;
	[sflag:s15] =	ssyncadd.s32 @!p1 $0xFFFFE000;
	s10 =	smov.u32 s16  }
.LBB1_1:
0x1e: {  	p1 =	sge.u32 s11, s5  }
0x1f: {  	s14 =	sand.u32 @!p1 $0x1FFFFFF, s9  }
0x20: {  	s15 =	smulhi.u32 @!p1 $0x147AE15, s14;
	_ =	sdelay $0x1  }
0x21: {  	s15 =	smul.u32 @!p1 $0xC8, s15  }
0x22: {  	s16 =	sxor.u32 @!p1 $0xFFFFFFFF, s11;
	s17 =	smul.u32 @!p1 $0xC80, s10  }
0x23: {  	s31 =	sadd.s32 $0xFFFFFFFF, s11;
	s16 =	sshll.u32 @!p1 s16, $0xD;
	s14 =	ssub.s32 @!p1 s14, s15  }
0x24: {  	s15 =	sand.u32 @!p1 $0x2000, s16;
	s16 =	sadd.s32 @!p1 s6, s17;
	s14 =	sshll.u32 @!p1 s14, $0x4  }
0x25: {  	s17 =	simm.s32 @!p1 $0x6400;
	s14 =	sadd.s32 @!p1 s14, s16;
	s16 =	simm.s32 @!p1 $0x40  }
0x26: {  	[tilespmem:s15], [sflag:$0x1] =	stream.strided.gather @!p1 [hbm4b:s14+s16], $0x2000, s17, s16, $0x38;
	[tilespmem:$0x8080] =	vst v63  }
0x27: {  	p1 =	sge.u32 s31, s5  }
.Ltmp2:
0x28: {  	_ = 	snop;
	(pc) =	sbr.rel @p1 .LBB1_5-.Ltmp2, $1  }
0x29: {  	_ =	sdelay $0x3  }
0x2a: {  	s14 =	simm.s32 $0x1  }
0x2b: {  	_ =	swait.ge [sflag:s4], $0x2000;
	s14 =	simm.s32 @!p0 $0x0  }
0x2c: {  	[sflag:s4] =	ssyncset.done $0x0;
	s15 =	sshll.u32 s14, $0xD  }
0x2d: {  	[sflag:s4] =	ssyncadd.s32 $0xFFFFE000;
	s18 =	sor.u32 $0x20, s15  }
0x2e: {  	s14 =	smul.u32 $0x8100, s14;
	v3 =	vld [tilespmem:s18+$0x10]  }
0x2f: {  	s30 =	sand.u32 $0x1, s11;
	v2 =	vld [tilespmem:s18+$0xFFFFFFF0]  }
0x30: {  	s15 =	smul.u32 $0x8100, s30;
	s14 =	sshrl.u32 s14, $0x2;
	v0 =	vld [tilespmem:s18+$0x0]  }
0x31: {  	v1 =	vld [tilespmem:s18+$0xFFFFFFE0];
	s16 =	sor.u32 $0x4000, s14  }
0x32: {  	s31 =	sshrl.u32 s15, $0x2;
	s15 =	sadd.s32 $0x0, s16  }
0x33: {  	s17 =	simm.s32 $0x4;
	s18 =	sadd.s32 $0x40, s18;
	s14 =	sor.u32 $0x4000, s31;
	[tilespmem:s15+$0x1830 ss:$0x81] =	vst.msk $0xffff, v3  }
.LBB1_3:
0x34: {  	v3 =	vld [tilespmem:s18+$0x10];
	p1 =	sne.s32 s17, $0x1FC;
	[tilespmem:s15+$0x810 ss:$0x81] =	vst.msk $0xffff, v2;
	s19 =	smov.u32 s17;
	s17 =	sadd.s32 $0x4, s17  }
.Ltmp3:
0x35: {  	v2 =	vld [tilespmem:s18+$0xFFFFFFF0];
	[tilespmem:s15+$0x1020 ss:$0x81] =	vst.msk $0xffff, v0;
	(pc) =	sbr.rel @p1 .LBB1_3-.Ltmp3, $4  }
0x36: {  	v0 =	vld [tilespmem:s18+$0x0];
	[tilespmem:s15+$0x0 ss:$0x81] =	vst.msk $0xffff, v1  }
0x37: {  	s15 =	sshra.s32 s19, $0x2;
	v1 =	vld [tilespmem:s18+$0xFFFFFFE0]  }
0x38: {  	s15 =	sadd.s32 s15, s16  }
0x39: {  	s18 =	sadd.s32 $0x40, s18;
	[tilespmem:s15+$0x1830 ss:$0x81] =	vst.msk $0xffff, v3  }
.Ltmp4:
0x3a: {  	_ = 	snop;
	(pc) =	sbr.rel .LBB1_4-.Ltmp4, $1  }
0x3b: {  	_ =	sdelay $0x3  }
.LBB1_6:
0x3c: {  	_ =	sfence.sel $0x180000  }
0x3d: {  	s2 =	simm.s32 $0x1;
	[bflag:$0x0] =	sbarrier.arrive $0xFFFF  }
0x3e: {  	s31 =	simm.s32 $0x2;
	[sflag:s2] =	ssyncpa.u1 $0x1  }
0x3f: {  	[sflag:s31] =	ssyncpa.u1 $0x1  }
0x40: {  	p0 =	sne.s32 s0, $0x0;
	_ =	strace $0x9000004A  }
0x41: {  	s0 =	sadd.s32 @!p0 $0x100000, s1;
	[bflag:$0x2] =	sbarrier.arrive $0xFFFF  }
0x42: {  	[sflag:s0] =	ssyncadd.tile.s32 @!p0 $0x1;
	_ =	shalt  }
.Lfunc_end1:
_tile_overlayer_lowered:
.L_overlay_start_2:
0x43: {  	(tag) =	ssettag $0x2  }
0x44: {  	s0 =	rddreg [dreg:$0x0];
	s2 =	stileid.u32  }
0x45: {  	s1 =	rddreg [dreg:$0x1];
	p0 =	sne.s32 s2, $0x0  }
0x46: {  	s3 =	rddreg [dreg:$0x2];
	[bflag:$0x3] =	sbarrier.arrive $0xFFFF;
	s2 =	simm.s32 @!p0 $0x1C01  }
0x47: {  	[timem:s3], [sflag:s2] =	dma.local @!p0 [hbm:s0], s1  }
0x48: {  	s0 =	simm.s32 @!p0 $0x1  }
0x49: {  	_ =	swait.ge @!p0 [sflag:s0], s1  }
0x4a: {  	s1 =	ssub.s32 @!p0 $0x0, s1;
	[sflag:s0] =	ssyncset.done @!p0 $0x0  }
0x4b: {  	[sflag:s0] =	ssyncadd.s32 @!p0 s1  }
0x4c: {  	[bflag:$0x3] =	sbarrier.arrive $0xFFFF  }
0x4d: {  	_ =	shalt  }

</sc_bundles>
